<compile_context>
chip_gen: v7x
topology: tpu7x:2x2x1
jax: 0.10.2.dev20260603
libtpu: 0.0.44.dev20260713+nightly
codegen_flags: <defaults>
</compile_context>

<pallas_src>
import jax
import jax.numpy as jnp
from jax import lax
from jax.experimental import pallas as pl
from jax.experimental.pallas import tpu as pltpu
from jax.experimental.pallas import tpu_sc as plsc

N = 10000
EDGES = 320000
D = 128
NP = 10240
NC = 2
NS = 16
NW = NC * NS
CHUNK = 96
NCHUNK = 108
EPT = NCHUNK * CHUNK
EPAD = EPT * NW
SEG = 36
NSEG = NCHUNK // SEG
NBUF = 3
RPT = NP // NS
BLK = 1024
DUMMY = N

_mesh = plsc.VectorSubcoreMesh(
    core_axis_name="c", subcore_axis_name="s", num_cores=NC, num_subcores=NS
)


def _tile_ids():
    cid = lax.axis_index("c")
    sid = lax.axis_index("s")
    return cid, sid, cid * NS + sid


def _deg_body(dst_hbm, out0_hbm, out1_hbm, dstv, ones_v, zbuf, accd,
              ssem0, ssem1):
    cid, sid, wid = _tile_ids()
    for i in range(RPT // 16):
        zbuf[pl.ds(i * 16, 16)] = jnp.zeros((16,), jnp.float32)
    for i in range(CHUNK // 16):
        ones_v[pl.ds(i * 16, 16)] = jnp.ones((16,), jnp.float32)
    row0 = pl.multiple_of(sid * RPT, 8)
    pltpu.sync_copy(zbuf, accd.at[pl.ds(row0, RPT)])
    plsc.subcore_barrier()

    sems = (ssem0, ssem1)

    def fire(j, b):
        pltpu.async_copy(ones_v, accd.at[dstv.at[j]], sems[b], add=True)

    def drain(j, b):
        pltpu.make_async_copy(ones_v, accd.at[dstv.at[j]], sems[b]).wait()

    for seg in range(NSEG):
        if seg > 0:
            drain(0, 0)
            drain(1, 1)
        pltpu.sync_copy(dst_hbm.at[wid, seg], dstv)
        fire(0, 0)
        fire(1, 1)

        def body(i, carry):
            j0 = 2 + 2 * i
            drain(j0, 0)
            fire(j0, 0)
            drain(j0 + 1, 1)
            fire(j0 + 1, 1)
            return carry

        lax.fori_loop(0, (SEG - 2) // 2, body, 0)
    drain(0, 0)
    drain(1, 1)
    plsc.subcore_barrier()

    @pl.when(cid == 0)
    def _():
        pltpu.sync_copy(accd.at[pl.ds(row0, RPT)], out0_hbm.at[pl.ds(row0, RPT)])

    @pl.when(cid == 1)
    def _():
        pltpu.sync_copy(accd.at[pl.ds(row0, RPT)], out1_hbm.at[pl.ds(row0, RPT)])


_deg_call = pl.kernel(
    _deg_body,
    out_type=(
        jax.ShapeDtypeStruct((NP,), jnp.float32),
        jax.ShapeDtypeStruct((NP,), jnp.float32),
    ),
    mesh=_mesh,
    scratch_types=[
        pltpu.VMEM((SEG, CHUNK), jnp.int32),
        pltpu.VMEM((CHUNK,), jnp.float32),
        pltpu.VMEM((RPT,), jnp.float32),
        pltpu.VMEM_SHARED((NP,), jnp.float32),
        pltpu.SemaphoreType.DMA,
        pltpu.SemaphoreType.DMA,
    ],
)


def _scat_body(g_hbm, src_hbm, dst_hbm, out0_hbm, out1_hbm, srcv, dstv,
               rows, acc, gsem0, gsem1, gsem2, ssem0, ssem1, ssem2):
    cid, sid, wid = _tile_ids()
    row0 = pl.multiple_of(sid * RPT, 8)
    pltpu.sync_copy(g_hbm.at[pl.ds(row0, RPT)], acc.at[pl.ds(row0, RPT)])
    plsc.subcore_barrier()

    gsems = (gsem0, gsem1, gsem2)
    sems = (ssem0, ssem1, ssem2)

    def fire_gather(j, b):
        pltpu.async_copy(g_hbm.at[srcv.at[j]], rows.at[b], gsems[b])

    def wait_gather(j, b):
        pltpu.make_async_copy(g_hbm.at[srcv.at[j]], rows.at[b], gsems[b]).wait()

    def fire_scatter(j, b):
        pltpu.async_copy(rows.at[b], acc.at[dstv.at[j]], sems[b], add=True)

    def drain_scatter(j, b):
        pltpu.make_async_copy(rows.at[b], acc.at[dstv.at[j]], sems[b]).wait()

    for seg in range(NSEG):
        pltpu.sync_copy(src_hbm.at[wid, seg], srcv)
        pltpu.sync_copy(dst_hbm.at[wid, seg], dstv)
        fire_gather(0, 0)
        fire_gather(1, 1)
        wait_gather(0, 0)
        fire_scatter(0, 0)
        fire_gather(2, 2)
        wait_gather(1, 1)
        fire_scatter(1, 1)

        def body(m, carry):
            j0 = 3 + 3 * m
            for t in range(NBUF):
                j = j0 + t
                drain_scatter(j - 3, t)
                fire_gather(j, t)
                wait_gather(j - 1, (t + 2) % NBUF)
                fire_scatter(j - 1, (t + 2) % NBUF)
            return carry

        lax.fori_loop(0, (SEG - 3) // 3, body, 0)
        wait_gather(SEG - 1, 2)
        fire_scatter(SEG - 1, 2)
        drain_scatter(SEG - 3, 0)
        drain_scatter(SEG - 2, 1)
        drain_scatter(SEG - 1, 2)
    plsc.subcore_barrier()

    @pl.when(cid == 0)
    def _():
        pltpu.sync_copy(acc.at[pl.ds(row0, RPT)], out0_hbm.at[pl.ds(row0, RPT)])

    @pl.when(cid == 1)
    def _():
        pltpu.sync_copy(acc.at[pl.ds(row0, RPT)], out1_hbm.at[pl.ds(row0, RPT)])


_scat_call = pl.kernel(
    _scat_body,
    out_type=(
        jax.ShapeDtypeStruct((NP, D), jnp.float32),
        jax.ShapeDtypeStruct((NP, D), jnp.float32),
    ),
    mesh=_mesh,
    scratch_types=[
        pltpu.VMEM((SEG, CHUNK), jnp.int32),
        pltpu.VMEM((SEG, CHUNK), jnp.int32),
        pltpu.VMEM((NBUF, CHUNK, D), jnp.float32),
        pltpu.VMEM_SHARED((NP, D), jnp.float32),
        pltpu.SemaphoreType.DMA,
        pltpu.SemaphoreType.DMA,
        pltpu.SemaphoreType.DMA,
        pltpu.SemaphoreType.DMA,
        pltpu.SemaphoreType.DMA,
        pltpu.SemaphoreType.DMA,
    ],
)


def _dcol(k0_ref, k1_ref):
    return lax.rsqrt(k0_ref[...] + k1_ref[...] + 1.0)


def _tc1_body(x_ref, w_ref, k0_ref, k1_ref, o_ref):
    o_ref[...] = (
        jnp.dot(x_ref[...], w_ref[...], preferred_element_type=jnp.float32)
        * _dcol(k0_ref, k1_ref)
    )


def _tc1(x, W1, k0, k1):
    return pl.pallas_call(
        _tc1_body,
        grid=(NP // BLK,),
        in_specs=[
            pl.BlockSpec((BLK, D), lambda i: (i, 0)),
            pl.BlockSpec((D, D), lambda i: (0, 0)),
            pl.BlockSpec((BLK, 1), lambda i: (i, 0)),
            pl.BlockSpec((BLK, 1), lambda i: (i, 0)),
        ],
        out_specs=pl.BlockSpec((BLK, D), lambda i: (i, 0)),
        out_shape=jax.ShapeDtypeStruct((NP, D), jnp.float32),
    )(x, W1, k0, k1)


def _tc2_body(p0_ref, p1_ref, g1_ref, k0_ref, k1_ref, b1_ref, w2_ref, o_ref):
    d = _dcol(k0_ref, k1_ref)
    acc = p0_ref[...] + p1_ref[...] - g1_ref[...]
    h1 = jnp.maximum(d * acc + b1_ref[...], 0.0)
    o_ref[...] = (
        jnp.dot(h1, w2_ref[...], preferred_element_type=jnp.float32) * d
    )


def _tc2(p0, p1, g1, k0, k1, b1, W2):
    return pl.pallas_call(
        _tc2_body,
        grid=(NP // BLK,),
        in_specs=[
            pl.BlockSpec((BLK, D), lambda i: (i, 0)),
            pl.BlockSpec((BLK, D), lambda i: (i, 0)),
            pl.BlockSpec((BLK, D), lambda i: (i, 0)),
            pl.BlockSpec((BLK, 1), lambda i: (i, 0)),
            pl.BlockSpec((BLK, 1), lambda i: (i, 0)),
            pl.BlockSpec((1, D), lambda i: (0, 0)),
            pl.BlockSpec((D, D), lambda i: (0, 0)),
        ],
        out_specs=pl.BlockSpec((BLK, D), lambda i: (i, 0)),
        out_shape=jax.ShapeDtypeStruct((NP, D), jnp.float32),
    )(p0, p1, g1, k0, k1, b1, W2)


def _tc3_body(q0_ref, q1_ref, g2_ref, k0_ref, k1_ref, b2_ref, wm1_ref,
              bm1_ref, wm2_ref, bm2_ref, o_ref):
    d = _dcol(k0_ref, k1_ref)
    h2 = d * (q0_ref[...] + q1_ref[...] - g2_ref[...]) + b2_ref[...]
    h3 = jnp.maximum(
        jnp.dot(h2, wm1_ref[...], preferred_element_type=jnp.float32)
        + bm1_ref[...],
        0.0,
    )
    o_ref[...] = (
        jnp.dot(h3, wm2_ref[...], preferred_element_type=jnp.float32)
        + bm2_ref[...]
    )


def _tc3(q0, q1, g2, k0, k1, b2, Wm1, bm1, Wm2, bm2):
    return pl.pallas_call(
        _tc3_body,
        grid=(NP // BLK,),
        in_specs=[
            pl.BlockSpec((BLK, D), lambda i: (i, 0)),
            pl.BlockSpec((BLK, D), lambda i: (i, 0)),
            pl.BlockSpec((BLK, D), lambda i: (i, 0)),
            pl.BlockSpec((BLK, 1), lambda i: (i, 0)),
            pl.BlockSpec((BLK, 1), lambda i: (i, 0)),
            pl.BlockSpec((1, D), lambda i: (0, 0)),
            pl.BlockSpec((D, D), lambda i: (0, 0)),
            pl.BlockSpec((1, D), lambda i: (0, 0)),
            pl.BlockSpec((D, D), lambda i: (0, 0)),
            pl.BlockSpec((1, D), lambda i: (0, 0)),
        ],
        out_specs=pl.BlockSpec((BLK, D), lambda i: (i, 0)),
        out_shape=jax.ShapeDtypeStruct((N, D), jnp.float32),
    )(q0, q1, g2, k0, k1, b2, Wm1, bm1, Wm2, bm2)


def kernel(x, edge_index, W1, b1, W2, b2, Wm1, bm1, Wm2, bm2):
    src = edge_index[0]
    dst = edge_index[1]
    pad = EPAD - EDGES
    pad_i = jnp.arange(pad, dtype=jnp.int32)
    src_p = jnp.concatenate([src, pad_i & 8191])
    dst_p = jnp.concatenate([dst, DUMMY + (pad_i & 127)])
    src_p = src_p.reshape(NW, NSEG, SEG, CHUNK)
    dst_p = dst_p.reshape(NW, NSEG, SEG, CHUNK)

    deg0, deg1 = _deg_call(dst_p)
    k0 = deg0.reshape(NP, 1)
    k1 = deg1.reshape(NP, 1)
    g1 = _tc1(x, W1, k0, k1)
    p0, p1 = _scat_call(g1, src_p, dst_p)
    g2 = _tc2(p0, p1, g1, k0, k1, b1.reshape(1, D), W2)
    q0, q1 = _scat_call(g2, src_p, dst_p)
    return _tc3(q0, q1, g2, k0, k1, b2.reshape(1, D), Wm1,
                bm1.reshape(1, D), Wm2, bm2.reshape(1, D))

# --- scband reference (transcript-rebuilt; emitter-appended) ---
"""Pipeline reference for scband-nar-26749056319699 (READ-ONLY COPY).

The authoritative reference and input builder live on the scoring server;
editing this copy changes nothing except your own understanding.
"""

import jax, jax.numpy as jnp
import numpy as np

N = 10000
E = 320000
D = 128
H = 128
OUT = 128


def gcn_conv(x, edge_index, W, b, num_nodes):
    # PyG-style GCNConv: add self-loops, symmetric normalization, linear, scatter-add, bias
    src = edge_index[0]
    dst = edge_index[1]
    loop = jnp.arange(num_nodes, dtype=src.dtype)
    src = jnp.concatenate([src, loop])
    dst = jnp.concatenate([dst, loop])
    deg = jnp.zeros((num_nodes,), dtype=x.dtype).at[dst].add(1.0)
    deg_inv_sqrt = jnp.where(deg > 0, 1.0 / jnp.sqrt(deg), 0.0)
    norm = deg_inv_sqrt[src] * deg_inv_sqrt[dst]
    h = x @ W
    msg = h[src] * norm[:, None]
    out = jax.ops.segment_sum(msg, dst, num_segments=num_nodes)
    return out + b


def setup_inputs(seed: int = 0):
    key = jax.random.key(seed)
    ks = jax.random.split(key, 12)
    x = jax.random.normal(ks[0], (N, D), dtype=jnp.float32)
    edge_index = jax.random.randint(ks[1], (2, E), 0, N, dtype=jnp.int32)
    s = 0.05
    W1 = jax.random.normal(ks[2], (D, H), dtype=jnp.float32) * s
    b1 = jnp.zeros((H,), dtype=jnp.float32)
    W2 = jax.random.normal(ks[3], (H, OUT), dtype=jnp.float32) * s
    b2 = jnp.zeros((OUT,), dtype=jnp.float32)
    Wm1 = jax.random.normal(ks[4], (OUT, H), dtype=jnp.float32) * s
    bm1 = jnp.zeros((H,), dtype=jnp.float32)
    Wm2 = jax.random.normal(ks[5], (H, D), dtype=jnp.float32) * s
    bm2 = jnp.zeros((D,), dtype=jnp.float32)
    return {"x": x, "edge_index": edge_index, "W1": W1, "b1": b1, "W2": W2, "b2": b2,
            "Wm1": Wm1, "bm1": bm1, "Wm2": Wm2, "bm2": bm2}


def reference(x, edge_index, W1, b1, W2, b2, Wm1, bm1, Wm2, bm2):
    h = jax.nn.relu(gcn_conv(x, edge_index, W1, b1, N))
    h = gcn_conv(h, edge_index, W2, b2, N)
    h = jax.nn.relu(h @ Wm1 + bm1)
    out = h @ Wm2 + bm2
    return out

if __name__ == "__main__":
    import jax
    _d = setup_inputs()
    print(jax.jit(kernel)(*tuple(_d.values())))

</pallas_src>

<mosaic_0001>
#map = affine_map<(d0, d1) -> (0, 0, 0, 0)>
#map1 = affine_map<(d0, d1) -> (0)>
module attributes {stable_mosaic.version = 14 : i64} {
  func.func @_deg_body(%arg0: i32, %arg1: i32, %arg2: memref<32x3x36x96xi32, #tpu.memory_space<hbm>>, %arg3: memref<10240xf32, #tpu.memory_space<hbm>>, %arg4: memref<10240xf32, #tpu.memory_space<hbm>>, %arg5: memref<36x96xi32, #tpu.memory_space<vmem>>, %arg6: memref<96xf32, #tpu.memory_space<vmem>>, %arg7: memref<640xf32, #tpu.memory_space<vmem>>, %arg8: memref<10240xf32, #tpu.memory_space<vmem_shared>>, %arg9: memref<!tpu.dma_semaphore, #tpu.memory_space<semaphore_mem>>, %arg10: memref<!tpu.dma_semaphore, #tpu.memory_space<semaphore_mem>>) attributes {dimension_semantics = [#tpu.dimension_semantics<core_parallel>, #tpu.dimension_semantics<subcore_parallel>], iteration_bounds = array<i64: 2, 16>, scalar_prefetch = 0 : i64, scratch_operands = 6 : i64, tpu.core_type = #tpu.core_type<sc_vector_subcore>, window_params = [{transform_indices = #map}, {transform_indices = #map1}, {transform_indices = #map1}]} {
    %mul3A = arith.constant 16 : i32
    %mul3A_0 = arith.muli %arg0, %mul3A : i32
    %add3A = arith.addi %mul3A_0, %arg1 : i32
    %broadcast_in_dim3A = arith.constant 0.000000e+00 : f32
    %broadcast_in_dim3A_1 = vector.broadcast %broadcast_in_dim3A : f32 to vector<16xf32>
    %swap3A = arith.constant 0 : index
    %swap3A_2 = tpu.vector_load %arg7[%swap3A] {strides = array<i32>} : memref<640xf32, #tpu.memory_space<vmem>>, vector<16xf32>,
    %swap3A_3 = vector.shape_cast %swap3A_2 : vector<16xf32> to vector<16xf32>
    %swap3A_4 = vector.shape_cast %broadcast_in_dim3A_1 : vector<16xf32> to vector<16xf32>
    tpu.vector_store %arg7[%swap3A], %swap3A_4 {strides = array<i32>} : memref<640xf32, #tpu.memory_space<vmem>>, vector<16xf32>,
    %broadcast_in_dim3A_5 = arith.constant 0.000000e+00 : f32
    %broadcast_in_dim3A_6 = vector.broadcast %broadcast_in_dim3A_5 : f32 to vector<16xf32>
    %swap3A_7 = arith.constant 16 : index
    %swap3A_8 = tpu.vector_load %arg7[%swap3A_7] {strides = array<i32>} : memref<640xf32, #tpu.memory_space<vmem>>, vector<16xf32>,
    %swap3A_9 = vector.shape_cast %swap3A_8 : vector<16xf32> to vector<16xf32>
    %swap3A_10 = vector.shape_cast %broadcast_in_dim3A_6 : vector<16xf32> to vector<16xf32>
    tpu.vector_store %arg7[%swap3A_7], %swap3A_10 {strides = array<i32>} : memref<640xf32, #tpu.memory_space<vmem>>, vector<16xf32>,
    %broadcast_in_dim3A_11 = arith.constant 0.000000e+00 : f32
    %broadcast_in_dim3A_12 = vector.broadcast %broadcast_in_dim3A_11 : f32 to vector<16xf32>
    %swap3A_13 = arith.constant 32 : index
    %swap3A_14 = tpu.vector_load %arg7[%swap3A_13] {strides = array<i32>} : memref<640xf32, #tpu.memory_space<vmem>>, vector<16xf32>,
    %swap3A_15 = vector.shape_cast %swap3A_14 : vector<16xf32> to vector<16xf32>
    %swap3A_16 = vector.shape_cast %broadcast_in_dim3A_12 : vector<16xf32> to vector<16xf32>
    tpu.vector_store %arg7[%swap3A_13], %swap3A_16 {strides = array<i32>} : memref<640xf32, #tpu.memory_space<vmem>>, vector<16xf32>,
    %broadcast_in_dim3A_17 = arith.constant 0.000000e+00 : f32
    %broadcast_in_dim3A_18 = vector.broadcast %broadcast_in_dim3A_17 : f32 to vector<16xf32>
    %swap3A_19 = arith.constant 48 : index
    %swap3A_20 = tpu.vector_load %arg7[%swap3A_19] {strides = array<i32>} : memref<640xf32, #tpu.memory_space<vmem>>, vector<16xf32>,
    %swap3A_21 = vector.shape_cast %swap3A_20 : vector<16xf32> to vector<16xf32>
    %swap3A_22 = vector.shape_cast %broadcast_in_dim3A_18 : vector<16xf32> to vector<16xf32>
    tpu.vector_store %arg7[%swap3A_19], %swap3A_22 {strides = array<i32>} : memref<640xf32, #tpu.memory_space<vmem>>, vector<16xf32>,
    %broadcast_in_dim3A_23 = arith.constant 0.000000e+00 : f32
    %broadcast_in_dim3A_24 = vector.broadcast %broadcast_in_dim3A_23 : f32 to vector<16xf32>
    %swap3A_25 = arith.constant 64 : index
    %swap3A_26 = tpu.vector_load %arg7[%swap3A_25] {strides = array<i32>} : memref<640xf32, #tpu.memory_space<vmem>>, vector<16xf32>,
    %swap3A_27 = vector.shape_cast %swap3A_26 : vector<16xf32> to vector<16xf32>
    %swap3A_28 = vector.shape_cast %broadcast_in_dim3A_24 : vector<16xf32> to vector<16xf32>
    tpu.vector_store %arg7[%swap3A_25], %swap3A_28 {strides = array<i32>} : memref<640xf32, #tpu.memory_space<vmem>>, vector<16xf32>,
    %broadcast_in_dim3A_29 = arith.constant 0.000000e+00 : f32
    %broadcast_in_dim3A_30 = vector.broadcast %broadcast_in_dim3A_29 : f32 to vector<16xf32>
    %swap3A_31 = arith.constant 80 : index
    %swap3A_32 = tpu.vector_load %arg7[%swap3A_31] {strides = array<i32>} : memref<640xf32, #tpu.memory_space<vmem>>, vector<16xf32>,
    %swap3A_33 = vector.shape_cast %swap3A_32 : vector<16xf32> to vector<16xf32>
    %swap3A_34 = vector.shape_cast %broadcast_in_dim3A_30 : vector<16xf32> to vector<16xf32>
    tpu.vector_store %arg7[%swap3A_31], %swap3A_34 {strides = array<i32>} : memref<640xf32, #tpu.memory_space<vmem>>, vector<16xf32>,
    %broadcast_in_dim3A_35 = arith.constant 0.000000e+00 : f32
    %broadcast_in_dim3A_36 = vector.broadcast %broadcast_in_dim3A_35 : f32 to vector<16xf32>
    %swap3A_37 = arith.constant 96 : index
    %swap3A_38 = tpu.vector_load %arg7[%swap3A_37] {strides = array<i32>} : memref<640xf32, #tpu.memory_space<vmem>>, vector<16xf32>,
    %swap3A_39 = vector.shape_cast %swap3A_38 : vector<16xf32> to vector<16xf32>
    %swap3A_40 = vector.shape_cast %broadcast_in_dim3A_36 : vector<16xf32> to vector<16xf32>
    tpu.vector_store %arg7[%swap3A_37], %swap3A_40 {strides = array<i32>} : memref<640xf32, #tpu.memory_space<vmem>>, vector<16xf32>,
    %broadcast_in_dim3A_41 = arith.constant 0.000000e+00 : f32
    %broadcast_in_dim3A_42 = vector.broadcast %broadcast_in_dim3A_41 : f32 to vector<16xf32>
    %swap3A_43 = arith.constant 112 : index
    %swap3A_44 = tpu.vector_load %arg7[%swap3A_43] {strides = array<i32>} : memref<640xf32, #tpu.memory_space<vmem>>, vector<16xf32>,
    %swap3A_45 = vector.shape_cast %swap3A_44 : vector<16xf32> to vector<16xf32>
    %swap3A_46 = vector.shape_cast %broadcast_in_dim3A_42 : vector<16xf32> to vector<16xf32>
    tpu.vector_store %arg7[%swap3A_43], %swap3A_46 {strides = array<i32>} : memref<640xf32, #tpu.memory_space<vmem>>, vector<16xf32>,
    %broadcast_in_dim3A_47 = arith.constant 0.000000e+00 : f32
    %broadcast_in_dim3A_48 = vector.broadcast %broadcast_in_dim3A_47 : f32 to vector<16xf32>
    %swap3A_49 = arith.constant 128 : index
    %swap3A_50 = tpu.vector_load %arg7[%swap3A_49] {strides = array<i32>} : memref<640xf32, #tpu.memory_space<vmem>>, vector<16xf32>,
    %swap3A_51 = vector.shape_cast %swap3A_50 : vector<16xf32> to vector<16xf32>
    %swap3A_52 = vector.shape_cast %broadcast_in_dim3A_48 : vector<16xf32> to vector<16xf32>
    tpu.vector_store %arg7[%swap3A_49], %swap3A_52 {strides = array<i32>} : memref<640xf32, #tpu.memory_space<vmem>>, vector<16xf32>,
    %broadcast_in_dim3A_53 = arith.constant 0.000000e+00 : f32
    %broadcast_in_dim3A_54 = vector.broadcast %broadcast_in_dim3A_53 : f32 to vector<16xf32>
    %swap3A_55 = arith.constant 144 : index
    %swap3A_56 = tpu.vector_load %arg7[%swap3A_55] {strides = array<i32>} : memref<640xf32, #tpu.memory_space<vmem>>, vector<16xf32>,
    %swap3A_57 = vector.shape_cast %swap3A_56 : vector<16xf32> to vector<16xf32>
    %swap3A_58 = vector.shape_cast %broadcast_in_dim3A_54 : vector<16xf32> to vector<16xf32>
    tpu.vector_store %arg7[%swap3A_55], %swap3A_58 {strides = array<i32>} : memref<640xf32, #tpu.memory_space<vmem>>, vector<16xf32>,
    %broadcast_in_dim3A_59 = arith.constant 0.000000e+00 : f32
    %broadcast_in_dim3A_60 = vector.broadcast %broadcast_in_dim3A_59 : f32 to vector<16xf32>
    %swap3A_61 = arith.constant 160 : index
    %swap3A_62 = tpu.vector_load %arg7[%swap3A_61] {strides = array<i32>} : memref<640xf32, #tpu.memory_space<vmem>>, vector<16xf32>,
    %swap3A_63 = vector.shape_cast %swap3A_62 : vector<16xf32> to vector<16xf32>
    %swap3A_64 = vector.shape_cast %broadcast_in_dim3A_60 : vector<16xf32> to vector<16xf32>
    tpu.vector_store %arg7[%swap3A_61], %swap3A_64 {strides = array<i32>} : memref<640xf32, #tpu.memory_space<vmem>>, vector<16xf32>,
    %broadcast_in_dim3A_65 = arith.constant 0.000000e+00 : f32
    %broadcast_in_dim3A_66 = vector.broadcast %broadcast_in_dim3A_65 : f32 to vector<16xf32>
    %swap3A_67 = arith.constant 176 : index
    %swap3A_68 = tpu.vector_load %arg7[%swap3A_67] {strides = array<i32>} : memref<640xf32, #tpu.memory_space<vmem>>, vector<16xf32>,
    %swap3A_69 = vector.shape_cast %swap3A_68 : vector<16xf32> to vector<16xf32>
    %swap3A_70 = vector.shape_cast %broadcast_in_dim3A_66 : vector<16xf32> to vector<16xf32>
    tpu.vector_store %arg7[%swap3A_67], %swap3A_70 {strides = array<i32>} : memref<640xf32, #tpu.memory_space<vmem>>, vector<16xf32>,
    %broadcast_in_dim3A_71 = arith.constant 0.000000e+00 : f32
    %broadcast_in_dim3A_72 = vector.broadcast %broadcast_in_dim3A_71 : f32 to vector<16xf32>
    %swap3A_73 = arith.constant 192 : index
    %swap3A_74 = tpu.vector_load %arg7[%swap3A_73] {strides = array<i32>} : memref<640xf32, #tpu.memory_space<vmem>>, vector<16xf32>,
    %swap3A_75 = vector.shape_cast %swap3A_74 : vector<16xf32> to vector<16xf32>
    %swap3A_76 = vector.shape_cast %broadcast_in_dim3A_72 : vector<16xf32> to vector<16xf32>
    tpu.vector_store %arg7[%swap3A_73], %swap3A_76 {strides = array<i32>} : memref<640xf32, #tpu.memory_space<vmem>>, vector<16xf32>,
    %broadcast_in_dim3A_77 = arith.constant 0.000000e+00 : f32
    %broadcast_in_dim3A_78 = vector.broadcast %broadcast_in_dim3A_77 : f32 to vector<16xf32>
    %swap3A_79 = arith.constant 208 : index
    %swap3A_80 = tpu.vector_load %arg7[%swap3A_79] {strides = array<i32>} : memref<640xf32, #tpu.memory_space<vmem>>, vector<16xf32>,
    %swap3A_81 = vector.shape_cast %swap3A_80 : vector<16xf32> to vector<16xf32>
    %swap3A_82 = vector.shape_cast %broadcast_in_dim3A_78 : vector<16xf32> to vector<16xf32>
    tpu.vector_store %arg7[%swap3A_79], %swap3A_82 {strides = array<i32>} : memref<640xf32, #tpu.memory_space<vmem>>, vector<16xf32>,
    %broadcast_in_dim3A_83 = arith.constant 0.000000e+00 : f32
    %broadcast_in_dim3A_84 = vector.broadcast %broadcast_in_dim3A_83 : f32 to vector<16xf32>
    %swap3A_85 = arith.constant 224 : index
    %swap3A_86 = tpu.vector_load %arg7[%swap3A_85] {strides = array<i32>} : memref<640xf32, #tpu.memory_space<vmem>>, vector<16xf32>,
    %swap3A_87 = vector.shape_cast %swap3A_86 : vector<16xf32> to vector<16xf32>
    %swap3A_88 = vector.shape_cast %broadcast_in_dim3A_84 : vector<16xf32> to vector<16xf32>
    tpu.vector_store %arg7[%swap3A_85], %swap3A_88 {strides = array<i32>} : memref<640xf32, #tpu.memory_space<vmem>>, vector<16xf32>,
    %broadcast_in_dim3A_89 = arith.constant 0.000000e+00 : f32
    %broadcast_in_dim3A_90 = vector.broadcast %broadcast_in_dim3A_89 : f32 to vector<16xf32>
    %swap3A_91 = arith.constant 240 : index
    %swap3A_92 = tpu.vector_load %arg7[%swap3A_91] {strides = array<i32>} : memref<640xf32, #tpu.memory_space<vmem>>, vector<16xf32>,
    %swap3A_93 = vector.shape_cast %swap3A_92 : vector<16xf32> to vector<16xf32>
    %swap3A_94 = vector.shape_cast %broadcast_in_dim3A_90 : vector<16xf32> to vector<16xf32>
    tpu.vector_store %arg7[%swap3A_91], %swap3A_94 {strides = array<i32>} : memref<640xf32, #tpu.memory_space<vmem>>, vector<16xf32>,
    %broadcast_in_dim3A_95 = arith.constant 0.000000e+00 : f32
    %broadcast_in_dim3A_96 = vector.broadcast %broadcast_in_dim3A_95 : f32 to vector<16xf32>
    %swap3A_97 = arith.constant 256 : index
    %swap3A_98 = tpu.vector_load %arg7[%swap3A_97] {strides = array<i32>} : memref<640xf32, #tpu.memory_space<vmem>>, vector<16xf32>,
    %swap3A_99 = vector.shape_cast %swap3A_98 : vector<16xf32> to vector<16xf32>
    %swap3A_100 = vector.shape_cast %broadcast_in_dim3A_96 : vector<16xf32> to vector<16xf32>
    tpu.vector_store %arg7[%swap3A_97], %swap3A_100 {strides = array<i32>} : memref<640xf32, #tpu.memory_space<vmem>>, vector<16xf32>,
    %broadcast_in_dim3A_101 = arith.constant 0.000000e+00 : f32
    %broadcast_in_dim3A_102 = vector.broadcast %broadcast_in_dim3A_101 : f32 to vector<16xf32>
    %swap3A_103 = arith.constant 272 : index
    %swap3A_104 = tpu.vector_load %arg7[%swap3A_103] {strides = array<i32>} : memref<640xf32, #tpu.memory_space<vmem>>, vector<16xf32>,
    %swap3A_105 = vector.shape_cast %swap3A_104 : vector<16xf32> to vector<16xf32>
    %swap3A_106 = vector.shape_cast %broadcast_in_dim3A_102 : vector<16xf32> to vector<16xf32>
    tpu.vector_store %arg7[%swap3A_103], %swap3A_106 {strides = array<i32>} : memref<640xf32, #tpu.memory_space<vmem>>, vector<16xf32>,
    %broadcast_in_dim3A_107 = arith.constant 0.000000e+00 : f32
    %broadcast_in_dim3A_108 = vector.broadcast %broadcast_in_dim3A_107 : f32 to vector<16xf32>
    %swap3A_109 = arith.constant 288 : index
    %swap3A_110 = tpu.vector_load %arg7[%swap3A_109] {strides = array<i32>} : memref<640xf32, #tpu.memory_space<vmem>>, vector<16xf32>,
    %swap3A_111 = vector.shape_cast %swap3A_110 : vector<16xf32> to vector<16xf32>
    %swap3A_112 = vector.shape_cast %broadcast_in_dim3A_108 : vector<16xf32> to vector<16xf32>
    tpu.vector_store %arg7[%swap3A_109], %swap3A_112 {strides = array<i32>} : memref<640xf32, #tpu.memory_space<vmem>>, vector<16xf32>,
    %broadcast_in_dim3A_113 = arith.constant 0.000000e+00 : f32
    %broadcast_in_dim3A_114 = vector.broadcast %broadcast_in_dim3A_113 : f32 to vector<16xf32>
    %swap3A_115 = arith.constant 304 : index
    %swap3A_116 = tpu.vector_load %arg7[%swap3A_115] {strides = array<i32>} : memref<640xf32, #tpu.memory_space<vmem>>, vector<16xf32>,
    %swap3A_117 = vector.shape_cast %swap3A_116 : vector<16xf32> to vector<16xf32>
    %swap3A_118 = vector.shape_cast %broadcast_in_dim3A_114 : vector<16xf32> to vector<16xf32>
    tpu.vector_store %arg7[%swap3A_115], %swap3A_118 {strides = array<i32>} : memref<640xf32, #tpu.memory_space<vmem>>, vector<16xf32>,
    %broadcast_in_dim3A_119 = arith.constant 0.000000e+00 : f32
    %broadcast_in_dim3A_120 = vector.broadcast %broadcast_in_dim3A_119 : f32 to vector<16xf32>
    %swap3A_121 = arith.constant 320 : index
    %swap3A_122 = tpu.vector_load %arg7[%swap3A_121] {strides = array<i32>} : memref<640xf32, #tpu.memory_space<vmem>>, vector<16xf32>,
    %swap3A_123 = vector.shape_cast %swap3A_122 : vector<16xf32> to vector<16xf32>
    %swap3A_124 = vector.shape_cast %broadcast_in_dim3A_120 : vector<16xf32> to vector<16xf32>
    tpu.vector_store %arg7[%swap3A_121], %swap3A_124 {strides = array<i32>} : memref<640xf32, #tpu.memory_space<vmem>>, vector<16xf32>,
    %broadcast_in_dim3A_125 = arith.constant 0.000000e+00 : f32
    %broadcast_in_dim3A_126 = vector.broadcast %broadcast_in_dim3A_125 : f32 to vector<16xf32>
    %swap3A_127 = arith.constant 336 : index
    %swap3A_128 = tpu.vector_load %arg7[%swap3A_127] {strides = array<i32>} : memref<640xf32, #tpu.memory_space<vmem>>, vector<16xf32>,
    %swap3A_129 = vector.shape_cast %swap3A_128 : vector<16xf32> to vector<16xf32>
    %swap3A_130 = vector.shape_cast %broadcast_in_dim3A_126 : vector<16xf32> to vector<16xf32>
    tpu.vector_store %arg7[%swap3A_127], %swap3A_130 {strides = array<i32>} : memref<640xf32, #tpu.memory_space<vmem>>, vector<16xf32>,
    %broadcast_in_dim3A_131 = arith.constant 0.000000e+00 : f32
    %broadcast_in_dim3A_132 = vector.broadcast %broadcast_in_dim3A_131 : f32 to vector<16xf32>
    %swap3A_133 = arith.constant 352 : index
    %swap3A_134 = tpu.vector_load %arg7[%swap3A_133] {strides = array<i32>} : memref<640xf32, #tpu.memory_space<vmem>>, vector<16xf32>,
    %swap3A_135 = vector.shape_cast %swap3A_134 : vector<16xf32> to vector<16xf32>
    %swap3A_136 = vector.shape_cast %broadcast_in_dim3A_132 : vector<16xf32> to vector<16xf32>
    tpu.vector_store %arg7[%swap3A_133], %swap3A_136 {strides = array<i32>} : memref<640xf32, #tpu.memory_space<vmem>>, vector<16xf32>,
    %broadcast_in_dim3A_137 = arith.constant 0.000000e+00 : f32
    %broadcast_in_dim3A_138 = vector.broadcast %broadcast_in_dim3A_137 : f32 to vector<16xf32>
    %swap3A_139 = arith.constant 368 : index
    %swap3A_140 = tpu.vector_load %arg7[%swap3A_139] {strides = array<i32>} : memref<640xf32, #tpu.memory_space<vmem>>, vector<16xf32>,
    %swap3A_141 = vector.shape_cast %swap3A_140 : vector<16xf32> to vector<16xf32>
    %swap3A_142 = vector.shape_cast %broadcast_in_dim3A_138 : vector<16xf32> to vector<16xf32>
    tpu.vector_store %arg7[%swap3A_139], %swap3A_142 {strides = array<i32>} : memref<640xf32, #tpu.memory_space<vmem>>, vector<16xf32>,
    %broadcast_in_dim3A_143 = arith.constant 0.000000e+00 : f32
    %broadcast_in_dim3A_144 = vector.broadcast %broadcast_in_dim3A_143 : f32 to vector<16xf32>
    %swap3A_145 = arith.constant 384 : index
    %swap3A_146 = tpu.vector_load %arg7[%swap3A_145] {strides = array<i32>} : memref<640xf32, #tpu.memory_space<vmem>>, vector<16xf32>,
    %swap3A_147 = vector.shape_cast %swap3A_146 : vector<16xf32> to vector<16xf32>
    %swap3A_148 = vector.shape_cast %broadcast_in_dim3A_144 : vector<16xf32> to vector<16xf32>
    tpu.vector_store %arg7[%swap3A_145], %swap3A_148 {strides = array<i32>} : memref<640xf32, #tpu.memory_space<vmem>>, vector<16xf32>,
    %broadcast_in_dim3A_149 = arith.constant 0.000000e+00 : f32
    %broadcast_in_dim3A_150 = vector.broadcast %broadcast_in_dim3A_149 : f32 to vector<16xf32>
    %swap3A_151 = arith.constant 400 : index
    %swap3A_152 = tpu.vector_load %arg7[%swap3A_151] {strides = array<i32>} : memref<640xf32, #tpu.memory_space<vmem>>, vector<16xf32>,
    %swap3A_153 = vector.shape_cast %swap3A_152 : vector<16xf32> to vector<16xf32>
    %swap3A_154 = vector.shape_cast %broadcast_in_dim3A_150 : vector<16xf32> to vector<16xf32>
    tpu.vector_store %arg7[%swap3A_151], %swap3A_154 {strides = array<i32>} : memref<640xf32, #tpu.memory_space<vmem>>, vector<16xf32>,
    %broadcast_in_dim3A_155 = arith.constant 0.000000e+00 : f32
    %broadcast_in_dim3A_156 = vector.broadcast %broadcast_in_dim3A_155 : f32 to vector<16xf32>
    %swap3A_157 = arith.constant 416 : index
    %swap3A_158 = tpu.vector_load %arg7[%swap3A_157] {strides = array<i32>} : memref<640xf32, #tpu.memory_space<vmem>>, vector<16xf32>,
    %swap3A_159 = vector.shape_cast %swap3A_158 : vector<16xf32> to vector<16xf32>
    %swap3A_160 = vector.shape_cast %broadcast_in_dim3A_156 : vector<16xf32> to vector<16xf32>
    tpu.vector_store %arg7[%swap3A_157], %swap3A_160 {strides = array<i32>} : memref<640xf32, #tpu.memory_space<vmem>>, vector<16xf32>,
    %broadcast_in_dim3A_161 = arith.constant 0.000000e+00 : f32
    %broadcast_in_dim3A_162 = vector.broadcast %broadcast_in_dim3A_161 : f32 to vector<16xf32>
    %swap3A_163 = arith.constant 432 : index
    %swap3A_164 = tpu.vector_load %arg7[%swap3A_163] {strides = array<i32>} : memref<640xf32, #tpu.memory_space<vmem>>, vector<16xf32>,
    %swap3A_165 = vector.shape_cast %swap3A_164 : vector<16xf32> to vector<16xf32>
    %swap3A_166 = vector.shape_cast %broadcast_in_dim3A_162 : vector<16xf32> to vector<16xf32>
    tpu.vector_store %arg7[%swap3A_163], %swap3A_166 {strides = array<i32>} : memref<640xf32, #tpu.memory_space<vmem>>, vector<16xf32>,
    %broadcast_in_dim3A_167 = arith.constant 0.000000e+00 : f32
    %broadcast_in_dim3A_168 = vector.broadcast %broadcast_in_dim3A_167 : f32 to vector<16xf32>
    %swap3A_169 = arith.constant 448 : index
    %swap3A_170 = tpu.vector_load %arg7[%swap3A_169] {strides = array<i32>} : memref<640xf32, #tpu.memory_space<vmem>>, vector<16xf32>,
    %swap3A_171 = vector.shape_cast %swap3A_170 : vector<16xf32> to vector<16xf32>
    %swap3A_172 = vector.shape_cast %broadcast_in_dim3A_168 : vector<16xf32> to vector<16xf32>
    tpu.vector_store %arg7[%swap3A_169], %swap3A_172 {strides = array<i32>} : memref<640xf32, #tpu.memory_space<vmem>>, vector<16xf32>,
    %broadcast_in_dim3A_173 = arith.constant 0.000000e+00 : f32
    %broadcast_in_dim3A_174 = vector.broadcast %broadcast_in_dim3A_173 : f32 to vector<16xf32>
    %swap3A_175 = arith.constant 464 : index
    %swap3A_176 = tpu.vector_load %arg7[%swap3A_175] {strides = array<i32>} : memref<640xf32, #tpu.memory_space<vmem>>, vector<16xf32>,
    %swap3A_177 = vector.shape_cast %swap3A_176 : vector<16xf32> to vector<16xf32>
    %swap3A_178 = vector.shape_cast %broadcast_in_dim3A_174 : vector<16xf32> to vector<16xf32>
    tpu.vector_store %arg7[%swap3A_175], %swap3A_178 {strides = array<i32>} : memref<640xf32, #tpu.memory_space<vmem>>, vector<16xf32>,
    %broadcast_in_dim3A_179 = arith.constant 0.000000e+00 : f32
    %broadcast_in_dim3A_180 = vector.broadcast %broadcast_in_dim3A_179 : f32 to vector<16xf32>
    %swap3A_181 = arith.constant 480 : index
    %swap3A_182 = tpu.vector_load %arg7[%swap3A_181] {strides = array<i32>} : memref<640xf32, #tpu.memory_space<vmem>>, vector<16xf32>,
    %swap3A_183 = vector.shape_cast %swap3A_182 : vector<16xf32> to vector<16xf32>
    %swap3A_184 = vector.shape_cast %broadcast_in_dim3A_180 : vector<16xf32> to vector<16xf32>
    tpu.vector_store %arg7[%swap3A_181], %swap3A_184 {strides = array<i32>} : memref<640xf32, #tpu.memory_space<vmem>>, vector<16xf32>,
    %broadcast_in_dim3A_185 = arith.constant 0.000000e+00 : f32
    %broadcast_in_dim3A_186 = vector.broadcast %broadcast_in_dim3A_185 : f32 to vector<16xf32>
    %swap3A_187 = arith.constant 496 : index
    %swap3A_188 = tpu.vector_load %arg7[%swap3A_187] {strides = array<i32>} : memref<640xf32, #tpu.memory_space<vmem>>, vector<16xf32>,
    %swap3A_189 = vector.shape_cast %swap3A_188 : vector<16xf32> to vector<16xf32>
    %swap3A_190 = vector.shape_cast %broadcast_in_dim3A_186 : vector<16xf32> to vector<16xf32>
    tpu.vector_store %arg7[%swap3A_187], %swap3A_190 {strides = array<i32>} : memref<640xf32, #tpu.memory_space<vmem>>, vector<16xf32>,
    %broadcast_in_dim3A_191 = arith.constant 0.000000e+00 : f32
    %broadcast_in_dim3A_192 = vector.broadcast %broadcast_in_dim3A_191 : f32 to vector<16xf32>
    %swap3A_193 = arith.constant 512 : index
    %swap3A_194 = tpu.vector_load %arg7[%swap3A_193] {strides = array<i32>} : memref<640xf32, #tpu.memory_space<vmem>>, vector<16xf32>,
    %swap3A_195 = vector.shape_cast %swap3A_194 : vector<16xf32> to vector<16xf32>
    %swap3A_196 = vector.shape_cast %broadcast_in_dim3A_192 : vector<16xf32> to vector<16xf32>
    tpu.vector_store %arg7[%swap3A_193], %swap3A_196 {strides = array<i32>} : memref<640xf32, #tpu.memory_space<vmem>>, vector<16xf32>,
    %broadcast_in_dim3A_197 = arith.constant 0.000000e+00 : f32
    %broadcast_in_dim3A_198 = vector.broadcast %broadcast_in_dim3A_197 : f32 to vector<16xf32>
    %swap3A_199 = arith.constant 528 : index
    %swap3A_200 = tpu.vector_load %arg7[%swap3A_199] {strides = array<i32>} : memref<640xf32, #tpu.memory_space<vmem>>, vector<16xf32>,
    %swap3A_201 = vector.shape_cast %swap3A_200 : vector<16xf32> to vector<16xf32>
    %swap3A_202 = vector.shape_cast %broadcast_in_dim3A_198 : vector<16xf32> to vector<16xf32>
    tpu.vector_store %arg7[%swap3A_199], %swap3A_202 {strides = array<i32>} : memref<640xf32, #tpu.memory_space<vmem>>, vector<16xf32>,
    %broadcast_in_dim3A_203 = arith.constant 0.000000e+00 : f32
    %broadcast_in_dim3A_204 = vector.broadcast %broadcast_in_dim3A_203 : f32 to vector<16xf32>
    %swap3A_205 = arith.constant 544 : index
    %swap3A_206 = tpu.vector_load %arg7[%swap3A_205] {strides = array<i32>} : memref<640xf32, #tpu.memory_space<vmem>>, vector<16xf32>,
    %swap3A_207 = vector.shape_cast %swap3A_206 : vector<16xf32> to vector<16xf32>
    %swap3A_208 = vector.shape_cast %broadcast_in_dim3A_204 : vector<16xf32> to vector<16xf32>
    tpu.vector_store %arg7[%swap3A_205], %swap3A_208 {strides = array<i32>} : memref<640xf32, #tpu.memory_space<vmem>>, vector<16xf32>,
    %broadcast_in_dim3A_209 = arith.constant 0.000000e+00 : f32
    %broadcast_in_dim3A_210 = vector.broadcast %broadcast_in_dim3A_209 : f32 to vector<16xf32>
    %swap3A_211 = arith.constant 560 : index
    %swap3A_212 = tpu.vector_load %arg7[%swap3A_211] {strides = array<i32>} : memref<640xf32, #tpu.memory_space<vmem>>, vector<16xf32>,
    %swap3A_213 = vector.shape_cast %swap3A_212 : vector<16xf32> to vector<16xf32>
    %swap3A_214 = vector.shape_cast %broadcast_in_dim3A_210 : vector<16xf32> to vector<16xf32>
    tpu.vector_store %arg7[%swap3A_211], %swap3A_214 {strides = array<i32>} : memref<640xf32, #tpu.memory_space<vmem>>, vector<16xf32>,
    %broadcast_in_dim3A_215 = arith.constant 0.000000e+00 : f32
    %broadcast_in_dim3A_216 = vector.broadcast %broadcast_in_dim3A_215 : f32 to vector<16xf32>
    %swap3A_217 = arith.constant 576 : index
    %swap3A_218 = tpu.vector_load %arg7[%swap3A_217] {strides = array<i32>} : memref<640xf32, #tpu.memory_space<vmem>>, vector<16xf32>,
    %swap3A_219 = vector.shape_cast %swap3A_218 : vector<16xf32> to vector<16xf32>
    %swap3A_220 = vector.shape_cast %broadcast_in_dim3A_216 : vector<16xf32> to vector<16xf32>
    tpu.vector_store %arg7[%swap3A_217], %swap3A_220 {strides = array<i32>} : memref<640xf32, #tpu.memory_space<vmem>>, vector<16xf32>,
    %broadcast_in_dim3A_221 = arith.constant 0.000000e+00 : f32
    %broadcast_in_dim3A_222 = vector.broadcast %broadcast_in_dim3A_221 : f32 to vector<16xf32>
    %swap3A_223 = arith.constant 592 : index
    %swap3A_224 = tpu.vector_load %arg7[%swap3A_223] {strides = array<i32>} : memref<640xf32, #tpu.memory_space<vmem>>, vector<16xf32>,
    %swap3A_225 = vector.shape_cast %swap3A_224 : vector<16xf32> to vector<16xf32>
    %swap3A_226 = vector.shape_cast %broadcast_in_dim3A_222 : vector<16xf32> to vector<16xf32>
    tpu.vector_store %arg7[%swap3A_223], %swap3A_226 {strides = array<i32>} : memref<640xf32, #tpu.memory_space<vmem>>, vector<16xf32>,
    %broadcast_in_dim3A_227 = arith.constant 0.000000e+00 : f32
    %broadcast_in_dim3A_228 = vector.broadcast %broadcast_in_dim3A_227 : f32 to vector<16xf32>
    %swap3A_229 = arith.constant 608 : index
    %swap3A_230 = tpu.vector_load %arg7[%swap3A_229] {strides = array<i32>} : memref<640xf32, #tpu.memory_space<vmem>>, vector<16xf32>,
    %swap3A_231 = vector.shape_cast %swap3A_230 : vector<16xf32> to vector<16xf32>
    %swap3A_232 = vector.shape_cast %broadcast_in_dim3A_228 : vector<16xf32> to vector<16xf32>
    tpu.vector_store %arg7[%swap3A_229], %swap3A_232 {strides = array<i32>} : memref<640xf32, #tpu.memory_space<vmem>>, vector<16xf32>,
    %broadcast_in_dim3A_233 = arith.constant 0.000000e+00 : f32
    %broadcast_in_dim3A_234 = vector.broadcast %broadcast_in_dim3A_233 : f32 to vector<16xf32>
    %swap3A_235 = arith.constant 624 : index
    %swap3A_236 = tpu.vector_load %arg7[%swap3A_235] {strides = array<i32>} : memref<640xf32, #tpu.memory_space<vmem>>, vector<16xf32>,
    %swap3A_237 = vector.shape_cast %swap3A_236 : vector<16xf32> to vector<16xf32>
    %swap3A_238 = vector.shape_cast %broadcast_in_dim3A_234 : vector<16xf32> to vector<16xf32>
    tpu.vector_store %arg7[%swap3A_235], %swap3A_238 {strides = array<i32>} : memref<640xf32, #tpu.memory_space<vmem>>, vector<16xf32>,
    %broadcast_in_dim3A_239 = arith.constant 1.000000e+00 : f32
    %broadcast_in_dim3A_240 = vector.broadcast %broadcast_in_dim3A_239 : f32 to vector<16xf32>
    %swap3A_241 = arith.constant 0 : index
    %swap3A_242 = tpu.vector_load %arg6[%swap3A_241] {strides = array<i32>} : memref<96xf32, #tpu.memory_space<vmem>>, vector<16xf32>,
    %swap3A_243 = vector.shape_cast %swap3A_242 : vector<16xf32> to vector<16xf32>
    %swap3A_244 = vector.shape_cast %broadcast_in_dim3A_240 : vector<16xf32> to vector<16xf32>
    tpu.vector_store %arg6[%swap3A_241], %swap3A_244 {strides = array<i32>} : memref<96xf32, #tpu.memory_space<vmem>>, vector<16xf32>,
    %broadcast_in_dim3A_245 = arith.constant 1.000000e+00 : f32
    %broadcast_in_dim3A_246 = vector.broadcast %broadcast_in_dim3A_245 : f32 to vector<16xf32>
    %swap3A_247 = arith.constant 16 : index
    %swap3A_248 = tpu.vector_load %arg6[%swap3A_247] {strides = array<i32>} : memref<96xf32, #tpu.memory_space<vmem>>, vector<16xf32>,
    %swap3A_249 = vector.shape_cast %swap3A_248 : vector<16xf32> to vector<16xf32>
    %swap3A_250 = vector.shape_cast %broadcast_in_dim3A_246 : vector<16xf32> to vector<16xf32>
    tpu.vector_store %arg6[%swap3A_247], %swap3A_250 {strides = array<i32>} : memref<96xf32, #tpu.memory_space<vmem>>, vector<16xf32>,
    %broadcast_in_dim3A_251 = arith.constant 1.000000e+00 : f32
    %broadcast_in_dim3A_252 = vector.broadcast %broadcast_in_dim3A_251 : f32 to vector<16xf32>
    %swap3A_253 = arith.constant 32 : index
    %swap3A_254 = tpu.vector_load %arg6[%swap3A_253] {strides = array<i32>} : memref<96xf32, #tpu.memory_space<vmem>>, vector<16xf32>,
    %swap3A_255 = vector.shape_cast %swap3A_254 : vector<16xf32> to vector<16xf32>
    %swap3A_256 = vector.shape_cast %broadcast_in_dim3A_252 : vector<16xf32> to vector<16xf32>
    tpu.vector_store %arg6[%swap3A_253], %swap3A_256 {strides = array<i32>} : memref<96xf32, #tpu.memory_space<vmem>>, vector<16xf32>,
    %broadcast_in_dim3A_257 = arith.constant 1.000000e+00 : f32
    %broadcast_in_dim3A_258 = vector.broadcast %broadcast_in_dim3A_257 : f32 to vector<16xf32>
    %swap3A_259 = arith.constant 48 : index
    %swap3A_260 = tpu.vector_load %arg6[%swap3A_259] {strides = array<i32>} : memref<96xf32, #tpu.memory_space<vmem>>, vector<16xf32>,
    %swap3A_261 = vector.shape_cast %swap3A_260 : vector<16xf32> to vector<16xf32>
    %swap3A_262 = vector.shape_cast %broadcast_in_dim3A_258 : vector<16xf32> to vector<16xf32>
    tpu.vector_store %arg6[%swap3A_259], %swap3A_262 {strides = array<i32>} : memref<96xf32, #tpu.memory_space<vmem>>, vector<16xf32>,
    %broadcast_in_dim3A_263 = arith.constant 1.000000e+00 : f32
    %broadcast_in_dim3A_264 = vector.broadcast %broadcast_in_dim3A_263 : f32 to vector<16xf32>
    %swap3A_265 = arith.constant 64 : index
    %swap3A_266 = tpu.vector_load %arg6[%swap3A_265] {strides = array<i32>} : memref<96xf32, #tpu.memory_space<vmem>>, vector<16xf32>,
    %swap3A_267 = vector.shape_cast %swap3A_266 : vector<16xf32> to vector<16xf32>
    %swap3A_268 = vector.shape_cast %broadcast_in_dim3A_264 : vector<16xf32> to vector<16xf32>
    tpu.vector_store %arg6[%swap3A_265], %swap3A_268 {strides = array<i32>} : memref<96xf32, #tpu.memory_space<vmem>>, vector<16xf32>,
    %broadcast_in_dim3A_269 = arith.constant 1.000000e+00 : f32
    %broadcast_in_dim3A_270 = vector.broadcast %broadcast_in_dim3A_269 : f32 to vector<16xf32>
    %swap3A_271 = arith.constant 80 : index
    %swap3A_272 = tpu.vector_load %arg6[%swap3A_271] {strides = array<i32>} : memref<96xf32, #tpu.memory_space<vmem>>, vector<16xf32>,
    %swap3A_273 = vector.shape_cast %swap3A_272 : vector<16xf32> to vector<16xf32>
    %swap3A_274 = vector.shape_cast %broadcast_in_dim3A_270 : vector<16xf32> to vector<16xf32>
    tpu.vector_store %arg6[%swap3A_271], %swap3A_274 {strides = array<i32>} : memref<96xf32, #tpu.memory_space<vmem>>, vector<16xf32>,
    %mul3A_275 = arith.constant 640 : i32
    %mul3A_276 = arith.muli %arg1, %mul3A_275 : i32
    %multiple_of3A = tpu.assume_multiple %mul3A_276, 8 : i32
    "tpu.region"() ({
      %run_scoped3A_374 = tpu.sem_alloc : memref<!tpu.dma_semaphore, #tpu.memory_space<semaphore_mem>>
      %dma_start3A_375 = tpu.memref_slice %arg8[%multiple_of3A] : memref<10240xf32, #tpu.memory_space<vmem_shared>> -> memref<640xf32, #tpu.memory_space<vmem_shared>>
      %dma_start3A_376 = tpu.memref_slice %arg8[%multiple_of3A] : memref<10240xf32, #tpu.memory_space<vmem_shared>> -> memref<640xf32, #tpu.memory_space<vmem_shared>>
      tpu.enqueue_dma source(%arg7 : memref<640xf32, #tpu.memory_space<vmem>>) target(%dma_start3A_376 : memref<640xf32, #tpu.memory_space<vmem_shared>>) target_semaphore(%run_scoped3A_374 : memref<!tpu.dma_semaphore, #tpu.memory_space<semaphore_mem>>)
      %dma_wait3A_377 = tpu.memref_slice %arg8[%multiple_of3A] : memref<10240xf32, #tpu.memory_space<vmem_shared>> -> memref<640xf32, #tpu.memory_space<vmem_shared>>
      %dma_wait3A_378 = tpu.memref_slice %arg8[%multiple_of3A] : memref<10240xf32, #tpu.memory_space<vmem_shared>> -> memref<640xf32, #tpu.memory_space<vmem_shared>>
      tpu.wait_dma2 semaphore(%run_scoped3A_374 : memref<!tpu.dma_semaphore, #tpu.memory_space<semaphore_mem>>) src(%arg7 : memref<640xf32, #tpu.memory_space<vmem>>) dst(%dma_wait3A_378 : memref<640xf32, #tpu.memory_space<vmem_shared>>)
      tpu.yield
    }) : () -> ()
    %barrier3A = arith.constant 0 : index
    tpu.barrier barrier_id(%barrier3A)
    %run_scoped3A = arith.constant 0 : i32
    "tpu.region"() ({
      %run_scoped3A_374 = tpu.sem_alloc : memref<!tpu.dma_semaphore, #tpu.memory_space<semaphore_mem>>
      %dma_start3A_375 = arith.constant 0 : i32
      %dma_start3A_376 = arith.constant 0 : i32
      %dma_start3A_377 = tpu.memref_slice %arg2[%add3A, %run_scoped3A, %dma_start3A_375, %dma_start3A_376] : memref<32x3x36x96xi32, #tpu.memory_space<hbm>> -> memref<1x1x36x96xi32, #tpu.memory_space<hbm>>
      %dma_start3A_378 = tpu.memref_squeeze %dma_start3A_377 : memref<1x1x36x96xi32, #tpu.memory_space<hbm>> -> memref<36x96xi32, #tpu.memory_space<hbm>>
      %dma_start3A_379 = arith.constant 0 : i32
      %dma_start3A_380 = arith.constant 0 : i32
      %dma_start3A_381 = tpu.memref_slice %arg2[%add3A, %run_scoped3A, %dma_start3A_379, %dma_start3A_380] : memref<32x3x36x96xi32, #tpu.memory_space<hbm>> -> memref<1x1x36x96xi32, #tpu.memory_space<hbm>>
      %dma_start3A_382 = tpu.memref_squeeze %dma_start3A_381 : memref<1x1x36x96xi32, #tpu.memory_space<hbm>> -> memref<36x96xi32, #tpu.memory_space<hbm>>
      tpu.enqueue_dma source(%dma_start3A_382 : memref<36x96xi32, #tpu.memory_space<hbm>>) target(%arg5 : memref<36x96xi32, #tpu.memory_space<vmem>>) target_semaphore(%run_scoped3A_374 : memref<!tpu.dma_semaphore, #tpu.memory_space<semaphore_mem>>)
      %dma_wait3A_383 = arith.constant 0 : i32
      %dma_wait3A_384 = arith.constant 0 : i32
      %dma_wait3A_385 = tpu.memref_slice %arg2[%add3A, %run_scoped3A, %dma_wait3A_383, %dma_wait3A_384] : memref<32x3x36x96xi32, #tpu.memory_space<hbm>> -> memref<1x1x36x96xi32, #tpu.memory_space<hbm>>
      %dma_wait3A_386 = tpu.memref_squeeze %dma_wait3A_385 : memref<1x1x36x96xi32, #tpu.memory_space<hbm>> -> memref<36x96xi32, #tpu.memory_space<hbm>>
      %dma_wait3A_387 = arith.constant 0 : i32
      %dma_wait3A_388 = arith.constant 0 : i32
      %dma_wait3A_389 = tpu.memref_slice %arg2[%add3A, %run_scoped3A, %dma_wait3A_387, %dma_wait3A_388] : memref<32x3x36x96xi32, #tpu.memory_space<hbm>> -> memref<1x1x36x96xi32, #tpu.memory_space<hbm>>
      %dma_wait3A_390 = tpu.memref_squeeze %dma_wait3A_389 : memref<1x1x36x96xi32, #tpu.memory_space<hbm>> -> memref<36x96xi32, #tpu.memory_space<hbm>>
      tpu.wait_dma2 semaphore(%run_scoped3A_374 : memref<!tpu.dma_semaphore, #tpu.memory_space<semaphore_mem>>) src(%dma_wait3A_390 : memref<36x96xi32, #tpu.memory_space<hbm>>) dst(%arg5 : memref<36x96xi32, #tpu.memory_space<vmem>>)
      tpu.yield
    }) : () -> ()
    %dma_start3A = arith.constant 0 : i32
    %dma_start3A_277 = arith.constant 0 : i32
    %dma_start3A_278 = tpu.memref_slice %arg5[%dma_start3A, %dma_start3A_277] : memref<36x96xi32, #tpu.memory_space<vmem>> -> memref<1x96xi32, #tpu.memory_space<vmem>>
    %dma_start3A_279 = tpu.memref_squeeze %dma_start3A_278 : memref<1x96xi32, #tpu.memory_space<vmem>> -> memref<96xi32, #tpu.memory_space<vmem>>
    %dma_start3A_280 = arith.constant 0 : i32
    %dma_start3A_281 = tpu.memref_slice %arg8[%dma_start3A_280] : memref<10240xf32, #tpu.memory_space<vmem_shared>> -> memref<10240xf32, #tpu.memory_space<vmem_shared>>
    tpu.enqueue_indirect_dma source(%arg6 : memref<96xf32, #tpu.memory_space<vmem>>) target(%dma_start3A_281 : memref<10240xf32, #tpu.memory_space<vmem_shared>>) offsets(%dma_start3A_279 : memref<96xi32, #tpu.memory_space<vmem>>) semaphore(%arg9 : memref<!tpu.dma_semaphore, #tpu.memory_space<semaphore_mem>>) {add = true}
    %dma_start3A_282 = arith.constant 1 : i32
    %dma_start3A_283 = arith.constant 0 : i32
    %dma_start3A_284 = tpu.memref_slice %arg5[%dma_start3A_282, %dma_start3A_283] : memref<36x96xi32, #tpu.memory_space<vmem>> -> memref<1x96xi32, #tpu.memory_space<vmem>>
    %dma_start3A_285 = tpu.memref_squeeze %dma_start3A_284 : memref<1x96xi32, #tpu.memory_space<vmem>> -> memref<96xi32, #tpu.memory_space<vmem>>
    %dma_start3A_286 = arith.constant 0 : i32
    %dma_start3A_287 = tpu.memref_slice %arg8[%dma_start3A_286] : memref<10240xf32, #tpu.memory_space<vmem_shared>> -> memref<10240xf32, #tpu.memory_space<vmem_shared>>
    tpu.enqueue_indirect_dma source(%arg6 : memref<96xf32, #tpu.memory_space<vmem>>) target(%dma_start3A_287 : memref<10240xf32, #tpu.memory_space<vmem_shared>>) offsets(%dma_start3A_285 : memref<96xi32, #tpu.memory_space<vmem>>) semaphore(%arg10 : memref<!tpu.dma_semaphore, #tpu.memory_space<semaphore_mem>>) {add = true}
    %scan3A = arith.constant 0 : i32
    %scan3A_288 = arith.constant 0 : i32
    %scan3A_289 = arith.constant 17 : i32
    %scan3A_290 = arith.addi %scan3A_288, %scan3A_289 : i32
    %scan3A_291 = arith.constant 1 : i32
    scf.for %scan3A_374 = %scan3A_288 to %scan3A_290 step %scan3A_291  : i32 {
      %mul3A_375 = arith.constant 2 : i32
      %mul3A_376 = arith.muli %mul3A_375, %scan3A_374 : i32
      %add3A_377 = arith.constant 2 : i32
      %add3A_378 = arith.addi %add3A_377, %mul3A_376 : i32
      %dma_wait3A_379 = arith.constant 0 : i32
      %dma_wait3A_380 = tpu.memref_slice %arg5[%add3A_378, %dma_wait3A_379] : memref<36x96xi32, #tpu.memory_space<vmem>> -> memref<1x96xi32, #tpu.memory_space<vmem>>
      %dma_wait3A_381 = tpu.memref_squeeze %dma_wait3A_380 : memref<1x96xi32, #tpu.memory_space<vmem>> -> memref<96xi32, #tpu.memory_space<vmem>>
      %dma_wait3A_382 = arith.constant 0 : i32
      %dma_wait3A_383 = tpu.memref_slice %arg8[%dma_wait3A_382] : memref<10240xf32, #tpu.memory_space<vmem_shared>> -> memref<10240xf32, #tpu.memory_space<vmem_shared>>
      tpu.wait_indirect_dma semaphore(%arg9 : memref<!tpu.dma_semaphore, #tpu.memory_space<semaphore_mem>>) src(%arg6 : memref<96xf32, #tpu.memory_space<vmem>>) dst(%dma_wait3A_383 : memref<10240xf32, #tpu.memory_space<vmem_shared>>)
      %dma_start3A_384 = arith.constant 0 : i32
      %dma_start3A_385 = tpu.memref_slice %arg5[%add3A_378, %dma_start3A_384] : memref<36x96xi32, #tpu.memory_space<vmem>> -> memref<1x96xi32, #tpu.memory_space<vmem>>
      %dma_start3A_386 = tpu.memref_squeeze %dma_start3A_385 : memref<1x96xi32, #tpu.memory_space<vmem>> -> memref<96xi32, #tpu.memory_space<vmem>>
      %dma_start3A_387 = arith.constant 0 : i32
      %dma_start3A_388 = tpu.memref_slice %arg8[%dma_start3A_387] : memref<10240xf32, #tpu.memory_space<vmem_shared>> -> memref<10240xf32, #tpu.memory_space<vmem_shared>>
      tpu.enqueue_indirect_dma source(%arg6 : memref<96xf32, #tpu.memory_space<vmem>>) target(%dma_start3A_388 : memref<10240xf32, #tpu.memory_space<vmem_shared>>) offsets(%dma_start3A_386 : memref<96xi32, #tpu.memory_space<vmem>>) semaphore(%arg9 : memref<!tpu.dma_semaphore, #tpu.memory_space<semaphore_mem>>) {add = true}
      %add3A_389 = arith.constant 1 : i32
      %add3A_390 = arith.addi %add3A_378, %add3A_389 : i32
      %dma_wait3A_391 = arith.constant 0 : i32
      %dma_wait3A_392 = tpu.memref_slice %arg5[%add3A_390, %dma_wait3A_391] : memref<36x96xi32, #tpu.memory_space<vmem>> -> memref<1x96xi32, #tpu.memory_space<vmem>>
      %dma_wait3A_393 = tpu.memref_squeeze %dma_wait3A_392 : memref<1x96xi32, #tpu.memory_space<vmem>> -> memref<96xi32, #tpu.memory_space<vmem>>
      %dma_wait3A_394 = arith.constant 0 : i32
      %dma_wait3A_395 = tpu.memref_slice %arg8[%dma_wait3A_394] : memref<10240xf32, #tpu.memory_space<vmem_shared>> -> memref<10240xf32, #tpu.memory_space<vmem_shared>>
      tpu.wait_indirect_dma semaphore(%arg10 : memref<!tpu.dma_semaphore, #tpu.memory_space<semaphore_mem>>) src(%arg6 : memref<96xf32, #tpu.memory_space<vmem>>) dst(%dma_wait3A_395 : memref<10240xf32, #tpu.memory_space<vmem_shared>>)
      %add3A_396 = arith.constant 1 : i32
      %add3A_397 = arith.addi %add3A_378, %add3A_396 : i32
      %dma_start3A_398 = arith.constant 0 : i32
      %dma_start3A_399 = tpu.memref_slice %arg5[%add3A_397, %dma_start3A_398] : memref<36x96xi32, #tpu.memory_space<vmem>> -> memref<1x96xi32, #tpu.memory_space<vmem>>
      %dma_start3A_400 = tpu.memref_squeeze %dma_start3A_399 : memref<1x96xi32, #tpu.memory_space<vmem>> -> memref<96xi32, #tpu.memory_space<vmem>>
      %dma_start3A_401 = arith.constant 0 : i32
      %dma_start3A_402 = tpu.memref_slice %arg8[%dma_start3A_401] : memref<10240xf32, #tpu.memory_space<vmem_shared>> -> memref<10240xf32, #tpu.memory_space<vmem_shared>>
      tpu.enqueue_indirect_dma source(%arg6 : memref<96xf32, #tpu.memory_space<vmem>>) target(%dma_start3A_402 : memref<10240xf32, #tpu.memory_space<vmem_shared>>) offsets(%dma_start3A_400 : memref<96xi32, #tpu.memory_space<vmem>>) semaphore(%arg10 : memref<!tpu.dma_semaphore, #tpu.memory_space<semaphore_mem>>) {add = true}
    }
    %scan3A_292 = arith.constant 17 : i32
    %dma_wait3A = arith.constant 0 : i32
    %dma_wait3A_293 = arith.constant 0 : i32
    %dma_wait3A_294 = tpu.memref_slice %arg5[%dma_wait3A, %dma_wait3A_293] : memref<36x96xi32, #tpu.memory_space<vmem>> -> memref<1x96xi32, #tpu.memory_space<vmem>>
    %dma_wait3A_295 = tpu.memref_squeeze %dma_wait3A_294 : memref<1x96xi32, #tpu.memory_space<vmem>> -> memref<96xi32, #tpu.memory_space<vmem>>
    %dma_wait3A_296 = arith.constant 0 : i32
    %dma_wait3A_297 = tpu.memref_slice %arg8[%dma_wait3A_296] : memref<10240xf32, #tpu.memory_space<vmem_shared>> -> memref<10240xf32, #tpu.memory_space<vmem_shared>>
    tpu.wait_indirect_dma semaphore(%arg9 : memref<!tpu.dma_semaphore, #tpu.memory_space<semaphore_mem>>) src(%arg6 : memref<96xf32, #tpu.memory_space<vmem>>) dst(%dma_wait3A_297 : memref<10240xf32, #tpu.memory_space<vmem_shared>>)
    %dma_wait3A_298 = arith.constant 1 : i32
    %dma_wait3A_299 = arith.constant 0 : i32
    %dma_wait3A_300 = tpu.memref_slice %arg5[%dma_wait3A_298, %dma_wait3A_299] : memref<36x96xi32, #tpu.memory_space<vmem>> -> memref<1x96xi32, #tpu.memory_space<vmem>>
    %dma_wait3A_301 = tpu.memref_squeeze %dma_wait3A_300 : memref<1x96xi32, #tpu.memory_space<vmem>> -> memref<96xi32, #tpu.memory_space<vmem>>
    %dma_wait3A_302 = arith.constant 0 : i32
    %dma_wait3A_303 = tpu.memref_slice %arg8[%dma_wait3A_302] : memref<10240xf32, #tpu.memory_space<vmem_shared>> -> memref<10240xf32, #tpu.memory_space<vmem_shared>>
    tpu.wait_indirect_dma semaphore(%arg10 : memref<!tpu.dma_semaphore, #tpu.memory_space<semaphore_mem>>) src(%arg6 : memref<96xf32, #tpu.memory_space<vmem>>) dst(%dma_wait3A_303 : memref<10240xf32, #tpu.memory_space<vmem_shared>>)
    %run_scoped3A_304 = arith.constant 1 : i32
    "tpu.region"() ({
      %run_scoped3A_374 = tpu.sem_alloc : memref<!tpu.dma_semaphore, #tpu.memory_space<semaphore_mem>>
      %dma_start3A_375 = arith.constant 0 : i32
      %dma_start3A_376 = arith.constant 0 : i32
      %dma_start3A_377 = tpu.memref_slice %arg2[%add3A, %run_scoped3A_304, %dma_start3A_375, %dma_start3A_376] : memref<32x3x36x96xi32, #tpu.memory_space<hbm>> -> memref<1x1x36x96xi32, #tpu.memory_space<hbm>>
      %dma_start3A_378 = tpu.memref_squeeze %dma_start3A_377 : memref<1x1x36x96xi32, #tpu.memory_space<hbm>> -> memref<36x96xi32, #tpu.memory_space<hbm>>
      %dma_start3A_379 = arith.constant 0 : i32
      %dma_start3A_380 = arith.constant 0 : i32
      %dma_start3A_381 = tpu.memref_slice %arg2[%add3A, %run_scoped3A_304, %dma_start3A_379, %dma_start3A_380] : memref<32x3x36x96xi32, #tpu.memory_space<hbm>> -> memref<1x1x36x96xi32, #tpu.memory_space<hbm>>
      %dma_start3A_382 = tpu.memref_squeeze %dma_start3A_381 : memref<1x1x36x96xi32, #tpu.memory_space<hbm>> -> memref<36x96xi32, #tpu.memory_space<hbm>>
      tpu.enqueue_dma source(%dma_start3A_382 : memref<36x96xi32, #tpu.memory_space<hbm>>) target(%arg5 : memref<36x96xi32, #tpu.memory_space<vmem>>) target_semaphore(%run_scoped3A_374 : memref<!tpu.dma_semaphore, #tpu.memory_space<semaphore_mem>>)
      %dma_wait3A_383 = arith.constant 0 : i32
      %dma_wait3A_384 = arith.constant 0 : i32
      %dma_wait3A_385 = tpu.memref_slice %arg2[%add3A, %run_scoped3A_304, %dma_wait3A_383, %dma_wait3A_384] : memref<32x3x36x96xi32, #tpu.memory_space<hbm>> -> memref<1x1x36x96xi32, #tpu.memory_space<hbm>>
      %dma_wait3A_386 = tpu.memref_squeeze %dma_wait3A_385 : memref<1x1x36x96xi32, #tpu.memory_space<hbm>> -> memref<36x96xi32, #tpu.memory_space<hbm>>
      %dma_wait3A_387 = arith.constant 0 : i32
      %dma_wait3A_388 = arith.constant 0 : i32
      %dma_wait3A_389 = tpu.memref_slice %arg2[%add3A, %run_scoped3A_304, %dma_wait3A_387, %dma_wait3A_388] : memref<32x3x36x96xi32, #tpu.memory_space<hbm>> -> memref<1x1x36x96xi32, #tpu.memory_space<hbm>>
      %dma_wait3A_390 = tpu.memref_squeeze %dma_wait3A_389 : memref<1x1x36x96xi32, #tpu.memory_space<hbm>> -> memref<36x96xi32, #tpu.memory_space<hbm>>
      tpu.wait_dma2 semaphore(%run_scoped3A_374 : memref<!tpu.dma_semaphore, #tpu.memory_space<semaphore_mem>>) src(%dma_wait3A_390 : memref<36x96xi32, #tpu.memory_space<hbm>>) dst(%arg5 : memref<36x96xi32, #tpu.memory_space<vmem>>)
      tpu.yield
    }) : () -> ()
    %dma_start3A_305 = arith.constant 0 : i32
    %dma_start3A_306 = arith.constant 0 : i32
    %dma_start3A_307 = tpu.memref_slice %arg5[%dma_start3A_305, %dma_start3A_306] : memref<36x96xi32, #tpu.memory_space<vmem>> -> memref<1x96xi32, #tpu.memory_space<vmem>>
    %dma_start3A_308 = tpu.memref_squeeze %dma_start3A_307 : memref<1x96xi32, #tpu.memory_space<vmem>> -> memref<96xi32, #tpu.memory_space<vmem>>
    %dma_start3A_309 = arith.constant 0 : i32
    %dma_start3A_310 = tpu.memref_slice %arg8[%dma_start3A_309] : memref<10240xf32, #tpu.memory_space<vmem_shared>> -> memref<10240xf32, #tpu.memory_space<vmem_shared>>
    tpu.enqueue_indirect_dma source(%arg6 : memref<96xf32, #tpu.memory_space<vmem>>) target(%dma_start3A_310 : memref<10240xf32, #tpu.memory_space<vmem_shared>>) offsets(%dma_start3A_308 : memref<96xi32, #tpu.memory_space<vmem>>) semaphore(%arg9 : memref<!tpu.dma_semaphore, #tpu.memory_space<semaphore_mem>>) {add = true}
    %dma_start3A_311 = arith.constant 1 : i32
    %dma_start3A_312 = arith.constant 0 : i32
    %dma_start3A_313 = tpu.memref_slice %arg5[%dma_start3A_311, %dma_start3A_312] : memref<36x96xi32, #tpu.memory_space<vmem>> -> memref<1x96xi32, #tpu.memory_space<vmem>>
    %dma_start3A_314 = tpu.memref_squeeze %dma_start3A_313 : memref<1x96xi32, #tpu.memory_space<vmem>> -> memref<96xi32, #tpu.memory_space<vmem>>
    %dma_start3A_315 = arith.constant 0 : i32
    %dma_start3A_316 = tpu.memref_slice %arg8[%dma_start3A_315] : memref<10240xf32, #tpu.memory_space<vmem_shared>> -> memref<10240xf32, #tpu.memory_space<vmem_shared>>
    tpu.enqueue_indirect_dma source(%arg6 : memref<96xf32, #tpu.memory_space<vmem>>) target(%dma_start3A_316 : memref<10240xf32, #tpu.memory_space<vmem_shared>>) offsets(%dma_start3A_314 : memref<96xi32, #tpu.memory_space<vmem>>) semaphore(%arg10 : memref<!tpu.dma_semaphore, #tpu.memory_space<semaphore_mem>>) {add = true}
    %scan3A_317 = arith.constant 0 : i32
    %scan3A_318 = arith.constant 0 : i32
    %scan3A_319 = arith.constant 17 : i32
    %scan3A_320 = arith.addi %scan3A_318, %scan3A_319 : i32
    %scan3A_321 = arith.constant 1 : i32
    scf.for %scan3A_374 = %scan3A_318 to %scan3A_320 step %scan3A_321  : i32 {
      %mul3A_375 = arith.constant 2 : i32
      %mul3A_376 = arith.muli %mul3A_375, %scan3A_374 : i32
      %add3A_377 = arith.constant 2 : i32
      %add3A_378 = arith.addi %add3A_377, %mul3A_376 : i32
      %dma_wait3A_379 = arith.constant 0 : i32
      %dma_wait3A_380 = tpu.memref_slice %arg5[%add3A_378, %dma_wait3A_379] : memref<36x96xi32, #tpu.memory_space<vmem>> -> memref<1x96xi32, #tpu.memory_space<vmem>>
      %dma_wait3A_381 = tpu.memref_squeeze %dma_wait3A_380 : memref<1x96xi32, #tpu.memory_space<vmem>> -> memref<96xi32, #tpu.memory_space<vmem>>
      %dma_wait3A_382 = arith.constant 0 : i32
      %dma_wait3A_383 = tpu.memref_slice %arg8[%dma_wait3A_382] : memref<10240xf32, #tpu.memory_space<vmem_shared>> -> memref<10240xf32, #tpu.memory_space<vmem_shared>>
      tpu.wait_indirect_dma semaphore(%arg9 : memref<!tpu.dma_semaphore, #tpu.memory_space<semaphore_mem>>) src(%arg6 : memref<96xf32, #tpu.memory_space<vmem>>) dst(%dma_wait3A_383 : memref<10240xf32, #tpu.memory_space<vmem_shared>>)
      %dma_start3A_384 = arith.constant 0 : i32
      %dma_start3A_385 = tpu.memref_slice %arg5[%add3A_378, %dma_start3A_384] : memref<36x96xi32, #tpu.memory_space<vmem>> -> memref<1x96xi32, #tpu.memory_space<vmem>>
      %dma_start3A_386 = tpu.memref_squeeze %dma_start3A_385 : memref<1x96xi32, #tpu.memory_space<vmem>> -> memref<96xi32, #tpu.memory_space<vmem>>
      %dma_start3A_387 = arith.constant 0 : i32
      %dma_start3A_388 = tpu.memref_slice %arg8[%dma_start3A_387] : memref<10240xf32, #tpu.memory_space<vmem_shared>> -> memref<10240xf32, #tpu.memory_space<vmem_shared>>
      tpu.enqueue_indirect_dma source(%arg6 : memref<96xf32, #tpu.memory_space<vmem>>) target(%dma_start3A_388 : memref<10240xf32, #tpu.memory_space<vmem_shared>>) offsets(%dma_start3A_386 : memref<96xi32, #tpu.memory_space<vmem>>) semaphore(%arg9 : memref<!tpu.dma_semaphore, #tpu.memory_space<semaphore_mem>>) {add = true}
      %add3A_389 = arith.constant 1 : i32
      %add3A_390 = arith.addi %add3A_378, %add3A_389 : i32
      %dma_wait3A_391 = arith.constant 0 : i32
      %dma_wait3A_392 = tpu.memref_slice %arg5[%add3A_390, %dma_wait3A_391] : memref<36x96xi32, #tpu.memory_space<vmem>> -> memref<1x96xi32, #tpu.memory_space<vmem>>
      %dma_wait3A_393 = tpu.memref_squeeze %dma_wait3A_392 : memref<1x96xi32, #tpu.memory_space<vmem>> -> memref<96xi32, #tpu.memory_space<vmem>>
      %dma_wait3A_394 = arith.constant 0 : i32
      %dma_wait3A_395 = tpu.memref_slice %arg8[%dma_wait3A_394] : memref<10240xf32, #tpu.memory_space<vmem_shared>> -> memref<10240xf32, #tpu.memory_space<vmem_shared>>
      tpu.wait_indirect_dma semaphore(%arg10 : memref<!tpu.dma_semaphore, #tpu.memory_space<semaphore_mem>>) src(%arg6 : memref<96xf32, #tpu.memory_space<vmem>>) dst(%dma_wait3A_395 : memref<10240xf32, #tpu.memory_space<vmem_shared>>)
      %add3A_396 = arith.constant 1 : i32
      %add3A_397 = arith.addi %add3A_378, %add3A_396 : i32
      %dma_start3A_398 = arith.constant 0 : i32
      %dma_start3A_399 = tpu.memref_slice %arg5[%add3A_397, %dma_start3A_398] : memref<36x96xi32, #tpu.memory_space<vmem>> -> memref<1x96xi32, #tpu.memory_space<vmem>>
      %dma_start3A_400 = tpu.memref_squeeze %dma_start3A_399 : memref<1x96xi32, #tpu.memory_space<vmem>> -> memref<96xi32, #tpu.memory_space<vmem>>
      %dma_start3A_401 = arith.constant 0 : i32
      %dma_start3A_402 = tpu.memref_slice %arg8[%dma_start3A_401] : memref<10240xf32, #tpu.memory_space<vmem_shared>> -> memref<10240xf32, #tpu.memory_space<vmem_shared>>
      tpu.enqueue_indirect_dma source(%arg6 : memref<96xf32, #tpu.memory_space<vmem>>) target(%dma_start3A_402 : memref<10240xf32, #tpu.memory_space<vmem_shared>>) offsets(%dma_start3A_400 : memref<96xi32, #tpu.memory_space<vmem>>) semaphore(%arg10 : memref<!tpu.dma_semaphore, #tpu.memory_space<semaphore_mem>>) {add = true}
    }
    %scan3A_322 = arith.constant 17 : i32
    %dma_wait3A_323 = arith.constant 0 : i32
    %dma_wait3A_324 = arith.constant 0 : i32
    %dma_wait3A_325 = tpu.memref_slice %arg5[%dma_wait3A_323, %dma_wait3A_324] : memref<36x96xi32, #tpu.memory_space<vmem>> -> memref<1x96xi32, #tpu.memory_space<vmem>>
    %dma_wait3A_326 = tpu.memref_squeeze %dma_wait3A_325 : memref<1x96xi32, #tpu.memory_space<vmem>> -> memref<96xi32, #tpu.memory_space<vmem>>
    %dma_wait3A_327 = arith.constant 0 : i32
    %dma_wait3A_328 = tpu.memref_slice %arg8[%dma_wait3A_327] : memref<10240xf32, #tpu.memory_space<vmem_shared>> -> memref<10240xf32, #tpu.memory_space<vmem_shared>>
    tpu.wait_indirect_dma semaphore(%arg9 : memref<!tpu.dma_semaphore, #tpu.memory_space<semaphore_mem>>) src(%arg6 : memref<96xf32, #tpu.memory_space<vmem>>) dst(%dma_wait3A_328 : memref<10240xf32, #tpu.memory_space<vmem_shared>>)
    %dma_wait3A_329 = arith.constant 1 : i32
    %dma_wait3A_330 = arith.constant 0 : i32
    %dma_wait3A_331 = tpu.memref_slice %arg5[%dma_wait3A_329, %dma_wait3A_330] : memref<36x96xi32, #tpu.memory_space<vmem>> -> memref<1x96xi32, #tpu.memory_space<vmem>>
    %dma_wait3A_332 = tpu.memref_squeeze %dma_wait3A_331 : memref<1x96xi32, #tpu.memory_space<vmem>> -> memref<96xi32, #tpu.memory_space<vmem>>
    %dma_wait3A_333 = arith.constant 0 : i32
    %dma_wait3A_334 = tpu.memref_slice %arg8[%dma_wait3A_333] : memref<10240xf32, #tpu.memory_space<vmem_shared>> -> memref<10240xf32, #tpu.memory_space<vmem_shared>>
    tpu.wait_indirect_dma semaphore(%arg10 : memref<!tpu.dma_semaphore, #tpu.memory_space<semaphore_mem>>) src(%arg6 : memref<96xf32, #tpu.memory_space<vmem>>) dst(%dma_wait3A_334 : memref<10240xf32, #tpu.memory_space<vmem_shared>>)
    %run_scoped3A_335 = arith.constant 2 : i32
    "tpu.region"() ({
      %run_scoped3A_374 = tpu.sem_alloc : memref<!tpu.dma_semaphore, #tpu.memory_space<semaphore_mem>>
      %dma_start3A_375 = arith.constant 0 : i32
      %dma_start3A_376 = arith.constant 0 : i32
      %dma_start3A_377 = tpu.memref_slice %arg2[%add3A, %run_scoped3A_335, %dma_start3A_375, %dma_start3A_376] : memref<32x3x36x96xi32, #tpu.memory_space<hbm>> -> memref<1x1x36x96xi32, #tpu.memory_space<hbm>>
      %dma_start3A_378 = tpu.memref_squeeze %dma_start3A_377 : memref<1x1x36x96xi32, #tpu.memory_space<hbm>> -> memref<36x96xi32, #tpu.memory_space<hbm>>
      %dma_start3A_379 = arith.constant 0 : i32
      %dma_start3A_380 = arith.constant 0 : i32
      %dma_start3A_381 = tpu.memref_slice %arg2[%add3A, %run_scoped3A_335, %dma_start3A_379, %dma_start3A_380] : memref<32x3x36x96xi32, #tpu.memory_space<hbm>> -> memref<1x1x36x96xi32, #tpu.memory_space<hbm>>
      %dma_start3A_382 = tpu.memref_squeeze %dma_start3A_381 : memref<1x1x36x96xi32, #tpu.memory_space<hbm>> -> memref<36x96xi32, #tpu.memory_space<hbm>>
      tpu.enqueue_dma source(%dma_start3A_382 : memref<36x96xi32, #tpu.memory_space<hbm>>) target(%arg5 : memref<36x96xi32, #tpu.memory_space<vmem>>) target_semaphore(%run_scoped3A_374 : memref<!tpu.dma_semaphore, #tpu.memory_space<semaphore_mem>>)
      %dma_wait3A_383 = arith.constant 0 : i32
      %dma_wait3A_384 = arith.constant 0 : i32
      %dma_wait3A_385 = tpu.memref_slice %arg2[%add3A, %run_scoped3A_335, %dma_wait3A_383, %dma_wait3A_384] : memref<32x3x36x96xi32, #tpu.memory_space<hbm>> -> memref<1x1x36x96xi32, #tpu.memory_space<hbm>>
      %dma_wait3A_386 = tpu.memref_squeeze %dma_wait3A_385 : memref<1x1x36x96xi32, #tpu.memory_space<hbm>> -> memref<36x96xi32, #tpu.memory_space<hbm>>
      %dma_wait3A_387 = arith.constant 0 : i32
      %dma_wait3A_388 = arith.constant 0 : i32
      %dma_wait3A_389 = tpu.memref_slice %arg2[%add3A, %run_scoped3A_335, %dma_wait3A_387, %dma_wait3A_388] : memref<32x3x36x96xi32, #tpu.memory_space<hbm>> -> memref<1x1x36x96xi32, #tpu.memory_space<hbm>>
      %dma_wait3A_390 = tpu.memref_squeeze %dma_wait3A_389 : memref<1x1x36x96xi32, #tpu.memory_space<hbm>> -> memref<36x96xi32, #tpu.memory_space<hbm>>
      tpu.wait_dma2 semaphore(%run_scoped3A_374 : memref<!tpu.dma_semaphore, #tpu.memory_space<semaphore_mem>>) src(%dma_wait3A_390 : memref<36x96xi32, #tpu.memory_space<hbm>>) dst(%arg5 : memref<36x96xi32, #tpu.memory_space<vmem>>)
      tpu.yield
    }) : () -> ()
    %dma_start3A_336 = arith.constant 0 : i32
    %dma_start3A_337 = arith.constant 0 : i32
    %dma_start3A_338 = tpu.memref_slice %arg5[%dma_start3A_336, %dma_start3A_337] : memref<36x96xi32, #tpu.memory_space<vmem>> -> memref<1x96xi32, #tpu.memory_space<vmem>>
    %dma_start3A_339 = tpu.memref_squeeze %dma_start3A_338 : memref<1x96xi32, #tpu.memory_space<vmem>> -> memref<96xi32, #tpu.memory_space<vmem>>
    %dma_start3A_340 = arith.constant 0 : i32
    %dma_start3A_341 = tpu.memref_slice %arg8[%dma_start3A_340] : memref<10240xf32, #tpu.memory_space<vmem_shared>> -> memref<10240xf32, #tpu.memory_space<vmem_shared>>
    tpu.enqueue_indirect_dma source(%arg6 : memref<96xf32, #tpu.memory_space<vmem>>) target(%dma_start3A_341 : memref<10240xf32, #tpu.memory_space<vmem_shared>>) offsets(%dma_start3A_339 : memref<96xi32, #tpu.memory_space<vmem>>) semaphore(%arg9 : memref<!tpu.dma_semaphore, #tpu.memory_space<semaphore_mem>>) {add = true}
    %dma_start3A_342 = arith.constant 1 : i32
    %dma_start3A_343 = arith.constant 0 : i32
    %dma_start3A_344 = tpu.memref_slice %arg5[%dma_start3A_342, %dma_start3A_343] : memref<36x96xi32, #tpu.memory_space<vmem>> -> memref<1x96xi32, #tpu.memory_space<vmem>>
    %dma_start3A_345 = tpu.memref_squeeze %dma_start3A_344 : memref<1x96xi32, #tpu.memory_space<vmem>> -> memref<96xi32, #tpu.memory_space<vmem>>
    %dma_start3A_346 = arith.constant 0 : i32
    %dma_start3A_347 = tpu.memref_slice %arg8[%dma_start3A_346] : memref<10240xf32, #tpu.memory_space<vmem_shared>> -> memref<10240xf32, #tpu.memory_space<vmem_shared>>
    tpu.enqueue_indirect_dma source(%arg6 : memref<96xf32, #tpu.memory_space<vmem>>) target(%dma_start3A_347 : memref<10240xf32, #tpu.memory_space<vmem_shared>>) offsets(%dma_start3A_345 : memref<96xi32, #tpu.memory_space<vmem>>) semaphore(%arg10 : memref<!tpu.dma_semaphore, #tpu.memory_space<semaphore_mem>>) {add = true}
    %scan3A_348 = arith.constant 0 : i32
    %scan3A_349 = arith.constant 0 : i32
    %scan3A_350 = arith.constant 17 : i32
    %scan3A_351 = arith.addi %scan3A_349, %scan3A_350 : i32
    %scan3A_352 = arith.constant 1 : i32
    scf.for %scan3A_374 = %scan3A_349 to %scan3A_351 step %scan3A_352  : i32 {
      %mul3A_375 = arith.constant 2 : i32
      %mul3A_376 = arith.muli %mul3A_375, %scan3A_374 : i32
      %add3A_377 = arith.constant 2 : i32
      %add3A_378 = arith.addi %add3A_377, %mul3A_376 : i32
      %dma_wait3A_379 = arith.constant 0 : i32
      %dma_wait3A_380 = tpu.memref_slice %arg5[%add3A_378, %dma_wait3A_379] : memref<36x96xi32, #tpu.memory_space<vmem>> -> memref<1x96xi32, #tpu.memory_space<vmem>>
      %dma_wait3A_381 = tpu.memref_squeeze %dma_wait3A_380 : memref<1x96xi32, #tpu.memory_space<vmem>> -> memref<96xi32, #tpu.memory_space<vmem>>
      %dma_wait3A_382 = arith.constant 0 : i32
      %dma_wait3A_383 = tpu.memref_slice %arg8[%dma_wait3A_382] : memref<10240xf32, #tpu.memory_space<vmem_shared>> -> memref<10240xf32, #tpu.memory_space<vmem_shared>>
      tpu.wait_indirect_dma semaphore(%arg9 : memref<!tpu.dma_semaphore, #tpu.memory_space<semaphore_mem>>) src(%arg6 : memref<96xf32, #tpu.memory_space<vmem>>) dst(%dma_wait3A_383 : memref<10240xf32, #tpu.memory_space<vmem_shared>>)
      %dma_start3A_384 = arith.constant 0 : i32
      %dma_start3A_385 = tpu.memref_slice %arg5[%add3A_378, %dma_start3A_384] : memref<36x96xi32, #tpu.memory_space<vmem>> -> memref<1x96xi32, #tpu.memory_space<vmem>>
      %dma_start3A_386 = tpu.memref_squeeze %dma_start3A_385 : memref<1x96xi32, #tpu.memory_space<vmem>> -> memref<96xi32, #tpu.memory_space<vmem>>
      %dma_start3A_387 = arith.constant 0 : i32
      %dma_start3A_388 = tpu.memref_slice %arg8[%dma_start3A_387] : memref<10240xf32, #tpu.memory_space<vmem_shared>> -> memref<10240xf32, #tpu.memory_space<vmem_shared>>
      tpu.enqueue_indirect_dma source(%arg6 : memref<96xf32, #tpu.memory_space<vmem>>) target(%dma_start3A_388 : memref<10240xf32, #tpu.memory_space<vmem_shared>>) offsets(%dma_start3A_386 : memref<96xi32, #tpu.memory_space<vmem>>) semaphore(%arg9 : memref<!tpu.dma_semaphore, #tpu.memory_space<semaphore_mem>>) {add = true}
      %add3A_389 = arith.constant 1 : i32
      %add3A_390 = arith.addi %add3A_378, %add3A_389 : i32
      %dma_wait3A_391 = arith.constant 0 : i32
      %dma_wait3A_392 = tpu.memref_slice %arg5[%add3A_390, %dma_wait3A_391] : memref<36x96xi32, #tpu.memory_space<vmem>> -> memref<1x96xi32, #tpu.memory_space<vmem>>
      %dma_wait3A_393 = tpu.memref_squeeze %dma_wait3A_392 : memref<1x96xi32, #tpu.memory_space<vmem>> -> memref<96xi32, #tpu.memory_space<vmem>>
      %dma_wait3A_394 = arith.constant 0 : i32
      %dma_wait3A_395 = tpu.memref_slice %arg8[%dma_wait3A_394] : memref<10240xf32, #tpu.memory_space<vmem_shared>> -> memref<10240xf32, #tpu.memory_space<vmem_shared>>
      tpu.wait_indirect_dma semaphore(%arg10 : memref<!tpu.dma_semaphore, #tpu.memory_space<semaphore_mem>>) src(%arg6 : memref<96xf32, #tpu.memory_space<vmem>>) dst(%dma_wait3A_395 : memref<10240xf32, #tpu.memory_space<vmem_shared>>)
      %add3A_396 = arith.constant 1 : i32
      %add3A_397 = arith.addi %add3A_378, %add3A_396 : i32
      %dma_start3A_398 = arith.constant 0 : i32
      %dma_start3A_399 = tpu.memref_slice %arg5[%add3A_397, %dma_start3A_398] : memref<36x96xi32, #tpu.memory_space<vmem>> -> memref<1x96xi32, #tpu.memory_space<vmem>>
      %dma_start3A_400 = tpu.memref_squeeze %dma_start3A_399 : memref<1x96xi32, #tpu.memory_space<vmem>> -> memref<96xi32, #tpu.memory_space<vmem>>
      %dma_start3A_401 = arith.constant 0 : i32
      %dma_start3A_402 = tpu.memref_slice %arg8[%dma_start3A_401] : memref<10240xf32, #tpu.memory_space<vmem_shared>> -> memref<10240xf32, #tpu.memory_space<vmem_shared>>
      tpu.enqueue_indirect_dma source(%arg6 : memref<96xf32, #tpu.memory_space<vmem>>) target(%dma_start3A_402 : memref<10240xf32, #tpu.memory_space<vmem_shared>>) offsets(%dma_start3A_400 : memref<96xi32, #tpu.memory_space<vmem>>) semaphore(%arg10 : memref<!tpu.dma_semaphore, #tpu.memory_space<semaphore_mem>>) {add = true}
    }
    %scan3A_353 = arith.constant 17 : i32
    %dma_wait3A_354 = arith.constant 0 : i32
    %dma_wait3A_355 = arith.constant 0 : i32
    %dma_wait3A_356 = tpu.memref_slice %arg5[%dma_wait3A_354, %dma_wait3A_355] : memref<36x96xi32, #tpu.memory_space<vmem>> -> memref<1x96xi32, #tpu.memory_space<vmem>>
    %dma_wait3A_357 = tpu.memref_squeeze %dma_wait3A_356 : memref<1x96xi32, #tpu.memory_space<vmem>> -> memref<96xi32, #tpu.memory_space<vmem>>
    %dma_wait3A_358 = arith.constant 0 : i32
    %dma_wait3A_359 = tpu.memref_slice %arg8[%dma_wait3A_358] : memref<10240xf32, #tpu.memory_space<vmem_shared>> -> memref<10240xf32, #tpu.memory_space<vmem_shared>>
    tpu.wait_indirect_dma semaphore(%arg9 : memref<!tpu.dma_semaphore, #tpu.memory_space<semaphore_mem>>) src(%arg6 : memref<96xf32, #tpu.memory_space<vmem>>) dst(%dma_wait3A_359 : memref<10240xf32, #tpu.memory_space<vmem_shared>>)
    %dma_wait3A_360 = arith.constant 1 : i32
    %dma_wait3A_361 = arith.constant 0 : i32
    %dma_wait3A_362 = tpu.memref_slice %arg5[%dma_wait3A_360, %dma_wait3A_361] : memref<36x96xi32, #tpu.memory_space<vmem>> -> memref<1x96xi32, #tpu.memory_space<vmem>>
    %dma_wait3A_363 = tpu.memref_squeeze %dma_wait3A_362 : memref<1x96xi32, #tpu.memory_space<vmem>> -> memref<96xi32, #tpu.memory_space<vmem>>
    %dma_wait3A_364 = arith.constant 0 : i32
    %dma_wait3A_365 = tpu.memref_slice %arg8[%dma_wait3A_364] : memref<10240xf32, #tpu.memory_space<vmem_shared>> -> memref<10240xf32, #tpu.memory_space<vmem_shared>>
    tpu.wait_indirect_dma semaphore(%arg10 : memref<!tpu.dma_semaphore, #tpu.memory_space<semaphore_mem>>) src(%arg6 : memref<96xf32, #tpu.memory_space<vmem>>) dst(%dma_wait3A_365 : memref<10240xf32, #tpu.memory_space<vmem_shared>>)
    %barrier3A_366 = arith.constant 0 : index
    tpu.barrier barrier_id(%barrier3A_366)
    %eq3A = arith.constant 0 : i32
    %eq3A_367 = arith.cmpi eq, %arg0, %eq3A : i32
    %convert_element_type3A = arith.extui %eq3A_367 : i1 to i32
    %cond3A = arith.constant 0 : i32
    %cond3A_368 = arith.cmpi ne, %convert_element_type3A, %cond3A : i32
    scf.if %cond3A_368 {
      "tpu.region"() ({
        %run_scoped3A_374 = tpu.sem_alloc : memref<!tpu.dma_semaphore, #tpu.memory_space<semaphore_mem>>
        %dma_start3A_375 = tpu.memref_slice %arg3[%multiple_of3A] : memref<10240xf32, #tpu.memory_space<hbm>> -> memref<640xf32, #tpu.memory_space<hbm>>
        %dma_start3A_376 = tpu.memref_slice %arg8[%multiple_of3A] : memref<10240xf32, #tpu.memory_space<vmem_shared>> -> memref<640xf32, #tpu.memory_space<vmem_shared>>
        tpu.enqueue_dma source(%dma_start3A_376 : memref<640xf32, #tpu.memory_space<vmem_shared>>) target(%dma_start3A_375 : memref<640xf32, #tpu.memory_space<hbm>>) target_semaphore(%run_scoped3A_374 : memref<!tpu.dma_semaphore, #tpu.memory_space<semaphore_mem>>)
        %dma_wait3A_377 = tpu.memref_slice %arg3[%multiple_of3A] : memref<10240xf32, #tpu.memory_space<hbm>> -> memref<640xf32, #tpu.memory_space<hbm>>
        %dma_wait3A_378 = tpu.memref_slice %arg8[%multiple_of3A] : memref<10240xf32, #tpu.memory_space<vmem_shared>> -> memref<640xf32, #tpu.memory_space<vmem_shared>>
        tpu.wait_dma2 semaphore(%run_scoped3A_374 : memref<!tpu.dma_semaphore, #tpu.memory_space<semaphore_mem>>) src(%dma_wait3A_378 : memref<640xf32, #tpu.memory_space<vmem_shared>>) dst(%dma_wait3A_377 : memref<640xf32, #tpu.memory_space<hbm>>)
        tpu.yield
      }) : () -> ()
    } else {
    }
    %eq3A_369 = arith.constant 1 : i32
    %eq3A_370 = arith.cmpi eq, %arg0, %eq3A_369 : i32
    %convert_element_type3A_371 = arith.extui %eq3A_370 : i1 to i32
    %cond3A_372 = arith.constant 0 : i32
    %cond3A_373 = arith.cmpi ne, %convert_element_type3A_371, %cond3A_372 : i32
    scf.if %cond3A_373 {
      "tpu.region"() ({
        %run_scoped3A_374 = tpu.sem_alloc : memref<!tpu.dma_semaphore, #tpu.memory_space<semaphore_mem>>
        %dma_start3A_375 = tpu.memref_slice %arg4[%multiple_of3A] : memref<10240xf32, #tpu.memory_space<hbm>> -> memref<640xf32, #tpu.memory_space<hbm>>
        %dma_start3A_376 = tpu.memref_slice %arg8[%multiple_of3A] : memref<10240xf32, #tpu.memory_space<vmem_shared>> -> memref<640xf32, #tpu.memory_space<vmem_shared>>
        tpu.enqueue_dma source(%dma_start3A_376 : memref<640xf32, #tpu.memory_space<vmem_shared>>) target(%dma_start3A_375 : memref<640xf32, #tpu.memory_space<hbm>>) target_semaphore(%run_scoped3A_374 : memref<!tpu.dma_semaphore, #tpu.memory_space<semaphore_mem>>)
        %dma_wait3A_377 = tpu.memref_slice %arg4[%multiple_of3A] : memref<10240xf32, #tpu.memory_space<hbm>> -> memref<640xf32, #tpu.memory_space<hbm>>
        %dma_wait3A_378 = tpu.memref_slice %arg8[%multiple_of3A] : memref<10240xf32, #tpu.memory_space<vmem_shared>> -> memref<640xf32, #tpu.memory_space<vmem_shared>>
        tpu.wait_dma2 semaphore(%run_scoped3A_374 : memref<!tpu.dma_semaphore, #tpu.memory_space<semaphore_mem>>) src(%dma_wait3A_378 : memref<640xf32, #tpu.memory_space<vmem_shared>>) dst(%dma_wait3A_377 : memref<640xf32, #tpu.memory_space<hbm>>)
        tpu.yield
      }) : () -> ()
    } else {
    }
    return
  }
}

#map = affine_map<(d0, d1) -> (0, 0)>
#map1 = affine_map<(d0, d1) -> (0, 0, 0, 0)>
module attributes {stable_mosaic.version = 14 : i64} {
  func.func @_scat_body(%arg0: i32, %arg1: i32, %arg2: memref<10240x128xf32, #tpu.memory_space<hbm>>, %arg3: memref<32x3x36x96xi32, #tpu.memory_space<hbm>>, %arg4: memref<32x3x36x96xi32, #tpu.memory_space<hbm>>, %arg5: memref<10240x128xf32, #tpu.memory_space<hbm>>, %arg6: memref<10240x128xf32, #tpu.memory_space<hbm>>, %arg7: memref<36x96xi32, #tpu.memory_space<vmem>>, %arg8: memref<36x96xi32, #tpu.memory_space<vmem>>, %arg9: memref<3x96x128xf32, #tpu.memory_space<vmem>>, %arg10: memref<10240x128xf32, #tpu.memory_space<vmem_shared>>, %arg11: memref<!tpu.dma_semaphore, #tpu.memory_space<semaphore_mem>>, %arg12: memref<!tpu.dma_semaphore, #tpu.memory_space<semaphore_mem>>, %arg13: memref<!tpu.dma_semaphore, #tpu.memory_space<semaphore_mem>>, %arg14: memref<!tpu.dma_semaphore, #tpu.memory_space<semaphore_mem>>, %arg15: memref<!tpu.dma_semaphore, #tpu.memory_space<semaphore_mem>>, %arg16: memref<!tpu.dma_semaphore, #tpu.memory_space<semaphore_mem>>) attributes {dimension_semantics = [#tpu.dimension_semantics<core_parallel>, #tpu.dimension_semantics<subcore_parallel>], iteration_bounds = array<i64: 2, 16>, scalar_prefetch = 0 : i64, scratch_operands = 10 : i64, tpu.core_type = #tpu.core_type<sc_vector_subcore>, window_params = [{transform_indices = #map}, {transform_indices = #map1}, {transform_indices = #map1}, {transform_indices = #map}, {transform_indices = #map}]} {
    %mul3A = arith.constant 16 : i32
    %mul3A_0 = arith.muli %arg0, %mul3A : i32
    %add3A = arith.addi %mul3A_0, %arg1 : i32
    %mul3A_1 = arith.constant 640 : i32
    %mul3A_2 = arith.muli %arg1, %mul3A_1 : i32
    %multiple_of3A = tpu.assume_multiple %mul3A_2, 8 : i32
    "tpu.region"() ({
      %run_scoped3A_463 = tpu.sem_alloc : memref<!tpu.dma_semaphore, #tpu.memory_space<semaphore_mem>>
      %dma_start3A_464 = arith.constant 0 : i32
      %dma_start3A_465 = tpu.memref_slice %arg10[%multiple_of3A, %dma_start3A_464] : memref<10240x128xf32, #tpu.memory_space<vmem_shared>> -> memref<640x128xf32, #tpu.memory_space<vmem_shared>>
      %dma_start3A_466 = arith.constant 0 : i32
      %dma_start3A_467 = tpu.memref_slice %arg2[%multiple_of3A, %dma_start3A_466] : memref<10240x128xf32, #tpu.memory_space<hbm>> -> memref<640x128xf32, #tpu.memory_space<hbm>>
      tpu.enqueue_dma source(%dma_start3A_467 : memref<640x128xf32, #tpu.memory_space<hbm>>) target(%dma_start3A_465 : memref<640x128xf32, #tpu.memory_space<vmem_shared>>) target_semaphore(%run_scoped3A_463 : memref<!tpu.dma_semaphore, #tpu.memory_space<semaphore_mem>>)
      %dma_wait3A_468 = arith.constant 0 : i32
      %dma_wait3A_469 = tpu.memref_slice %arg10[%multiple_of3A, %dma_wait3A_468] : memref<10240x128xf32, #tpu.memory_space<vmem_shared>> -> memref<640x128xf32, #tpu.memory_space<vmem_shared>>
      %dma_wait3A_470 = arith.constant 0 : i32
      %dma_wait3A_471 = tpu.memref_slice %arg2[%multiple_of3A, %dma_wait3A_470] : memref<10240x128xf32, #tpu.memory_space<hbm>> -> memref<640x128xf32, #tpu.memory_space<hbm>>
      tpu.wait_dma2 semaphore(%run_scoped3A_463 : memref<!tpu.dma_semaphore, #tpu.memory_space<semaphore_mem>>) src(%dma_wait3A_471 : memref<640x128xf32, #tpu.memory_space<hbm>>) dst(%dma_wait3A_469 : memref<640x128xf32, #tpu.memory_space<vmem_shared>>)
      tpu.yield
    }) : () -> ()
    %barrier3A = arith.constant 0 : index
    tpu.barrier barrier_id(%barrier3A)
    %run_scoped3A = arith.constant 0 : i32
    "tpu.region"() ({
      %run_scoped3A_463 = tpu.sem_alloc : memref<!tpu.dma_semaphore, #tpu.memory_space<semaphore_mem>>
      %dma_start3A_464 = arith.constant 0 : i32
      %dma_start3A_465 = arith.constant 0 : i32
      %dma_start3A_466 = tpu.memref_slice %arg3[%add3A, %run_scoped3A, %dma_start3A_464, %dma_start3A_465] : memref<32x3x36x96xi32, #tpu.memory_space<hbm>> -> memref<1x1x36x96xi32, #tpu.memory_space<hbm>>
      %dma_start3A_467 = tpu.memref_squeeze %dma_start3A_466 : memref<1x1x36x96xi32, #tpu.memory_space<hbm>> -> memref<36x96xi32, #tpu.memory_space<hbm>>
      %dma_start3A_468 = arith.constant 0 : i32
      %dma_start3A_469 = arith.constant 0 : i32
      %dma_start3A_470 = tpu.memref_slice %arg3[%add3A, %run_scoped3A, %dma_start3A_468, %dma_start3A_469] : memref<32x3x36x96xi32, #tpu.memory_space<hbm>> -> memref<1x1x36x96xi32, #tpu.memory_space<hbm>>
      %dma_start3A_471 = tpu.memref_squeeze %dma_start3A_470 : memref<1x1x36x96xi32, #tpu.memory_space<hbm>> -> memref<36x96xi32, #tpu.memory_space<hbm>>
      tpu.enqueue_dma source(%dma_start3A_471 : memref<36x96xi32, #tpu.memory_space<hbm>>) target(%arg7 : memref<36x96xi32, #tpu.memory_space<vmem>>) target_semaphore(%run_scoped3A_463 : memref<!tpu.dma_semaphore, #tpu.memory_space<semaphore_mem>>)
      %dma_wait3A_472 = arith.constant 0 : i32
      %dma_wait3A_473 = arith.constant 0 : i32
      %dma_wait3A_474 = tpu.memref_slice %arg3[%add3A, %run_scoped3A, %dma_wait3A_472, %dma_wait3A_473] : memref<32x3x36x96xi32, #tpu.memory_space<hbm>> -> memref<1x1x36x96xi32, #tpu.memory_space<hbm>>
      %dma_wait3A_475 = tpu.memref_squeeze %dma_wait3A_474 : memref<1x1x36x96xi32, #tpu.memory_space<hbm>> -> memref<36x96xi32, #tpu.memory_space<hbm>>
      %dma_wait3A_476 = arith.constant 0 : i32
      %dma_wait3A_477 = arith.constant 0 : i32
      %dma_wait3A_478 = tpu.memref_slice %arg3[%add3A, %run_scoped3A, %dma_wait3A_476, %dma_wait3A_477] : memref<32x3x36x96xi32, #tpu.memory_space<hbm>> -> memref<1x1x36x96xi32, #tpu.memory_space<hbm>>
      %dma_wait3A_479 = tpu.memref_squeeze %dma_wait3A_478 : memref<1x1x36x96xi32, #tpu.memory_space<hbm>> -> memref<36x96xi32, #tpu.memory_space<hbm>>
      tpu.wait_dma2 semaphore(%run_scoped3A_463 : memref<!tpu.dma_semaphore, #tpu.memory_space<semaphore_mem>>) src(%dma_wait3A_479 : memref<36x96xi32, #tpu.memory_space<hbm>>) dst(%arg7 : memref<36x96xi32, #tpu.memory_space<vmem>>)
      tpu.yield
    }) : () -> ()
    %run_scoped3A_3 = arith.constant 0 : i32
    "tpu.region"() ({
      %run_scoped3A_463 = tpu.sem_alloc : memref<!tpu.dma_semaphore, #tpu.memory_space<semaphore_mem>>
      %dma_start3A_464 = arith.constant 0 : i32
      %dma_start3A_465 = arith.constant 0 : i32
      %dma_start3A_466 = tpu.memref_slice %arg4[%add3A, %run_scoped3A_3, %dma_start3A_464, %dma_start3A_465] : memref<32x3x36x96xi32, #tpu.memory_space<hbm>> -> memref<1x1x36x96xi32, #tpu.memory_space<hbm>>
      %dma_start3A_467 = tpu.memref_squeeze %dma_start3A_466 : memref<1x1x36x96xi32, #tpu.memory_space<hbm>> -> memref<36x96xi32, #tpu.memory_space<hbm>>
      %dma_start3A_468 = arith.constant 0 : i32
      %dma_start3A_469 = arith.constant 0 : i32
      %dma_start3A_470 = tpu.memref_slice %arg4[%add3A, %run_scoped3A_3, %dma_start3A_468, %dma_start3A_469] : memref<32x3x36x96xi32, #tpu.memory_space<hbm>> -> memref<1x1x36x96xi32, #tpu.memory_space<hbm>>
      %dma_start3A_471 = tpu.memref_squeeze %dma_start3A_470 : memref<1x1x36x96xi32, #tpu.memory_space<hbm>> -> memref<36x96xi32, #tpu.memory_space<hbm>>
      tpu.enqueue_dma source(%dma_start3A_471 : memref<36x96xi32, #tpu.memory_space<hbm>>) target(%arg8 : memref<36x96xi32, #tpu.memory_space<vmem>>) target_semaphore(%run_scoped3A_463 : memref<!tpu.dma_semaphore, #tpu.memory_space<semaphore_mem>>)
      %dma_wait3A_472 = arith.constant 0 : i32
      %dma_wait3A_473 = arith.constant 0 : i32
      %dma_wait3A_474 = tpu.memref_slice %arg4[%add3A, %run_scoped3A_3, %dma_wait3A_472, %dma_wait3A_473] : memref<32x3x36x96xi32, #tpu.memory_space<hbm>> -> memref<1x1x36x96xi32, #tpu.memory_space<hbm>>
      %dma_wait3A_475 = tpu.memref_squeeze %dma_wait3A_474 : memref<1x1x36x96xi32, #tpu.memory_space<hbm>> -> memref<36x96xi32, #tpu.memory_space<hbm>>
      %dma_wait3A_476 = arith.constant 0 : i32
      %dma_wait3A_477 = arith.constant 0 : i32
      %dma_wait3A_478 = tpu.memref_slice %arg4[%add3A, %run_scoped3A_3, %dma_wait3A_476, %dma_wait3A_477] : memref<32x3x36x96xi32, #tpu.memory_space<hbm>> -> memref<1x1x36x96xi32, #tpu.memory_space<hbm>>
      %dma_wait3A_479 = tpu.memref_squeeze %dma_wait3A_478 : memref<1x1x36x96xi32, #tpu.memory_space<hbm>> -> memref<36x96xi32, #tpu.memory_space<hbm>>
      tpu.wait_dma2 semaphore(%run_scoped3A_463 : memref<!tpu.dma_semaphore, #tpu.memory_space<semaphore_mem>>) src(%dma_wait3A_479 : memref<36x96xi32, #tpu.memory_space<hbm>>) dst(%arg8 : memref<36x96xi32, #tpu.memory_space<vmem>>)
      tpu.yield
    }) : () -> ()
    %dma_start3A = arith.constant 0 : i32
    %dma_start3A_4 = arith.constant 0 : i32
    %dma_start3A_5 = arith.constant 0 : i32
    %dma_start3A_6 = arith.constant 0 : i32
    %dma_start3A_7 = tpu.memref_slice %arg9[%dma_start3A_4, %dma_start3A_5, %dma_start3A_6] : memref<3x96x128xf32, #tpu.memory_space<vmem>> -> memref<1x96x128xf32, #tpu.memory_space<vmem>>
    %dma_start3A_8 = tpu.memref_squeeze %dma_start3A_7 : memref<1x96x128xf32, #tpu.memory_space<vmem>> -> memref<96x128xf32, #tpu.memory_space<vmem>>
    %dma_start3A_9 = arith.constant 0 : i32
    %dma_start3A_10 = tpu.memref_slice %arg7[%dma_start3A, %dma_start3A_9] : memref<36x96xi32, #tpu.memory_space<vmem>> -> memref<1x96xi32, #tpu.memory_space<vmem>>
    %dma_start3A_11 = tpu.memref_squeeze %dma_start3A_10 : memref<1x96xi32, #tpu.memory_space<vmem>> -> memref<96xi32, #tpu.memory_space<vmem>>
    %dma_start3A_12 = arith.constant 0 : i32
    %dma_start3A_13 = arith.constant 0 : i32
    %dma_start3A_14 = tpu.memref_slice %arg2[%dma_start3A_12, %dma_start3A_13] : memref<10240x128xf32, #tpu.memory_space<hbm>> -> memref<10240x128xf32, #tpu.memory_space<hbm>>
    tpu.enqueue_indirect_dma source(%dma_start3A_14 : memref<10240x128xf32, #tpu.memory_space<hbm>>) target(%dma_start3A_8 : memref<96x128xf32, #tpu.memory_space<vmem>>) offsets(%dma_start3A_11 : memref<96xi32, #tpu.memory_space<vmem>>) semaphore(%arg11 : memref<!tpu.dma_semaphore, #tpu.memory_space<semaphore_mem>>)
    %dma_start3A_15 = arith.constant 1 : i32
    %dma_start3A_16 = arith.constant 1 : i32
    %dma_start3A_17 = arith.constant 0 : i32
    %dma_start3A_18 = arith.constant 0 : i32
    %dma_start3A_19 = tpu.memref_slice %arg9[%dma_start3A_16, %dma_start3A_17, %dma_start3A_18] : memref<3x96x128xf32, #tpu.memory_space<vmem>> -> memref<1x96x128xf32, #tpu.memory_space<vmem>>
    %dma_start3A_20 = tpu.memref_squeeze %dma_start3A_19 : memref<1x96x128xf32, #tpu.memory_space<vmem>> -> memref<96x128xf32, #tpu.memory_space<vmem>>
    %dma_start3A_21 = arith.constant 0 : i32
    %dma_start3A_22 = tpu.memref_slice %arg7[%dma_start3A_15, %dma_start3A_21] : memref<36x96xi32, #tpu.memory_space<vmem>> -> memref<1x96xi32, #tpu.memory_space<vmem>>
    %dma_start3A_23 = tpu.memref_squeeze %dma_start3A_22 : memref<1x96xi32, #tpu.memory_space<vmem>> -> memref<96xi32, #tpu.memory_space<vmem>>
    %dma_start3A_24 = arith.constant 0 : i32
    %dma_start3A_25 = arith.constant 0 : i32
    %dma_start3A_26 = tpu.memref_slice %arg2[%dma_start3A_24, %dma_start3A_25] : memref<10240x128xf32, #tpu.memory_space<hbm>> -> memref<10240x128xf32, #tpu.memory_space<hbm>>
    tpu.enqueue_indirect_dma source(%dma_start3A_26 : memref<10240x128xf32, #tpu.memory_space<hbm>>) target(%dma_start3A_20 : memref<96x128xf32, #tpu.memory_space<vmem>>) offsets(%dma_start3A_23 : memref<96xi32, #tpu.memory_space<vmem>>) semaphore(%arg12 : memref<!tpu.dma_semaphore, #tpu.memory_space<semaphore_mem>>)
    %dma_wait3A = arith.constant 0 : i32
    %dma_wait3A_27 = arith.constant 0 : i32
    %dma_wait3A_28 = arith.constant 0 : i32
    %dma_wait3A_29 = arith.constant 0 : i32
    %dma_wait3A_30 = tpu.memref_slice %arg9[%dma_wait3A_27, %dma_wait3A_28, %dma_wait3A_29] : memref<3x96x128xf32, #tpu.memory_space<vmem>> -> memref<1x96x128xf32, #tpu.memory_space<vmem>>
    %dma_wait3A_31 = tpu.memref_squeeze %dma_wait3A_30 : memref<1x96x128xf32, #tpu.memory_space<vmem>> -> memref<96x128xf32, #tpu.memory_space<vmem>>
    %dma_wait3A_32 = arith.constant 0 : i32
    %dma_wait3A_33 = tpu.memref_slice %arg7[%dma_wait3A, %dma_wait3A_32] : memref<36x96xi32, #tpu.memory_space<vmem>> -> memref<1x96xi32, #tpu.memory_space<vmem>>
    %dma_wait3A_34 = tpu.memref_squeeze %dma_wait3A_33 : memref<1x96xi32, #tpu.memory_space<vmem>> -> memref<96xi32, #tpu.memory_space<vmem>>
    %dma_wait3A_35 = arith.constant 0 : i32
    %dma_wait3A_36 = arith.constant 0 : i32
    %dma_wait3A_37 = tpu.memref_slice %arg2[%dma_wait3A_35, %dma_wait3A_36] : memref<10240x128xf32, #tpu.memory_space<hbm>> -> memref<10240x128xf32, #tpu.memory_space<hbm>>
    tpu.wait_indirect_dma semaphore(%arg11 : memref<!tpu.dma_semaphore, #tpu.memory_space<semaphore_mem>>) src(%dma_wait3A_37 : memref<10240x128xf32, #tpu.memory_space<hbm>>) dst(%dma_wait3A_31 : memref<96x128xf32, #tpu.memory_space<vmem>>)
    %dma_start3A_38 = arith.constant 0 : i32
    %dma_start3A_39 = arith.constant 0 : i32
    %dma_start3A_40 = arith.constant 0 : i32
    %dma_start3A_41 = arith.constant 0 : i32
    %dma_start3A_42 = tpu.memref_slice %arg9[%dma_start3A_38, %dma_start3A_40, %dma_start3A_41] : memref<3x96x128xf32, #tpu.memory_space<vmem>> -> memref<1x96x128xf32, #tpu.memory_space<vmem>>
    %dma_start3A_43 = tpu.memref_squeeze %dma_start3A_42 : memref<1x96x128xf32, #tpu.memory_space<vmem>> -> memref<96x128xf32, #tpu.memory_space<vmem>>
    %dma_start3A_44 = arith.constant 0 : i32
    %dma_start3A_45 = tpu.memref_slice %arg8[%dma_start3A_39, %dma_start3A_44] : memref<36x96xi32, #tpu.memory_space<vmem>> -> memref<1x96xi32, #tpu.memory_space<vmem>>
    %dma_start3A_46 = tpu.memref_squeeze %dma_start3A_45 : memref<1x96xi32, #tpu.memory_space<vmem>> -> memref<96xi32, #tpu.memory_space<vmem>>
    %dma_start3A_47 = arith.constant 0 : i32
    %dma_start3A_48 = arith.constant 0 : i32
    %dma_start3A_49 = tpu.memref_slice %arg10[%dma_start3A_47, %dma_start3A_48] : memref<10240x128xf32, #tpu.memory_space<vmem_shared>> -> memref<10240x128xf32, #tpu.memory_space<vmem_shared>>
    tpu.enqueue_indirect_dma source(%dma_start3A_43 : memref<96x128xf32, #tpu.memory_space<vmem>>) target(%dma_start3A_49 : memref<10240x128xf32, #tpu.memory_space<vmem_shared>>) offsets(%dma_start3A_46 : memref<96xi32, #tpu.memory_space<vmem>>) semaphore(%arg14 : memref<!tpu.dma_semaphore, #tpu.memory_space<semaphore_mem>>) {add = true}
    %dma_start3A_50 = arith.constant 2 : i32
    %dma_start3A_51 = arith.constant 2 : i32
    %dma_start3A_52 = arith.constant 0 : i32
    %dma_start3A_53 = arith.constant 0 : i32
    %dma_start3A_54 = tpu.memref_slice %arg9[%dma_start3A_51, %dma_start3A_52, %dma_start3A_53] : memref<3x96x128xf32, #tpu.memory_space<vmem>> -> memref<1x96x128xf32, #tpu.memory_space<vmem>>
    %dma_start3A_55 = tpu.memref_squeeze %dma_start3A_54 : memref<1x96x128xf32, #tpu.memory_space<vmem>> -> memref<96x128xf32, #tpu.memory_space<vmem>>
    %dma_start3A_56 = arith.constant 0 : i32
    %dma_start3A_57 = tpu.memref_slice %arg7[%dma_start3A_50, %dma_start3A_56] : memref<36x96xi32, #tpu.memory_space<vmem>> -> memref<1x96xi32, #tpu.memory_space<vmem>>
    %dma_start3A_58 = tpu.memref_squeeze %dma_start3A_57 : memref<1x96xi32, #tpu.memory_space<vmem>> -> memref<96xi32, #tpu.memory_space<vmem>>
    %dma_start3A_59 = arith.constant 0 : i32
    %dma_start3A_60 = arith.constant 0 : i32
    %dma_start3A_61 = tpu.memref_slice %arg2[%dma_start3A_59, %dma_start3A_60] : memref<10240x128xf32, #tpu.memory_space<hbm>> -> memref<10240x128xf32, #tpu.memory_space<hbm>>
    tpu.enqueue_indirect_dma source(%dma_start3A_61 : memref<10240x128xf32, #tpu.memory_space<hbm>>) target(%dma_start3A_55 : memref<96x128xf32, #tpu.memory_space<vmem>>) offsets(%dma_start3A_58 : memref<96xi32, #tpu.memory_space<vmem>>) semaphore(%arg13 : memref<!tpu.dma_semaphore, #tpu.memory_space<semaphore_mem>>)
    %dma_wait3A_62 = arith.constant 1 : i32
    %dma_wait3A_63 = arith.constant 1 : i32
    %dma_wait3A_64 = arith.constant 0 : i32
    %dma_wait3A_65 = arith.constant 0 : i32
    %dma_wait3A_66 = tpu.memref_slice %arg9[%dma_wait3A_63, %dma_wait3A_64, %dma_wait3A_65] : memref<3x96x128xf32, #tpu.memory_space<vmem>> -> memref<1x96x128xf32, #tpu.memory_space<vmem>>
    %dma_wait3A_67 = tpu.memref_squeeze %dma_wait3A_66 : memref<1x96x128xf32, #tpu.memory_space<vmem>> -> memref<96x128xf32, #tpu.memory_space<vmem>>
    %dma_wait3A_68 = arith.constant 0 : i32
    %dma_wait3A_69 = tpu.memref_slice %arg7[%dma_wait3A_62, %dma_wait3A_68] : memref<36x96xi32, #tpu.memory_space<vmem>> -> memref<1x96xi32, #tpu.memory_space<vmem>>
    %dma_wait3A_70 = tpu.memref_squeeze %dma_wait3A_69 : memref<1x96xi32, #tpu.memory_space<vmem>> -> memref<96xi32, #tpu.memory_space<vmem>>
    %dma_wait3A_71 = arith.constant 0 : i32
    %dma_wait3A_72 = arith.constant 0 : i32
    %dma_wait3A_73 = tpu.memref_slice %arg2[%dma_wait3A_71, %dma_wait3A_72] : memref<10240x128xf32, #tpu.memory_space<hbm>> -> memref<10240x128xf32, #tpu.memory_space<hbm>>
    tpu.wait_indirect_dma semaphore(%arg12 : memref<!tpu.dma_semaphore, #tpu.memory_space<semaphore_mem>>) src(%dma_wait3A_73 : memref<10240x128xf32, #tpu.memory_space<hbm>>) dst(%dma_wait3A_67 : memref<96x128xf32, #tpu.memory_space<vmem>>)
    %dma_start3A_74 = arith.constant 1 : i32
    %dma_start3A_75 = arith.constant 1 : i32
    %dma_start3A_76 = arith.constant 0 : i32
    %dma_start3A_77 = arith.constant 0 : i32
    %dma_start3A_78 = tpu.memref_slice %arg9[%dma_start3A_74, %dma_start3A_76, %dma_start3A_77] : memref<3x96x128xf32, #tpu.memory_space<vmem>> -> memref<1x96x128xf32, #tpu.memory_space<vmem>>
    %dma_start3A_79 = tpu.memref_squeeze %dma_start3A_78 : memref<1x96x128xf32, #tpu.memory_space<vmem>> -> memref<96x128xf32, #tpu.memory_space<vmem>>
    %dma_start3A_80 = arith.constant 0 : i32
    %dma_start3A_81 = tpu.memref_slice %arg8[%dma_start3A_75, %dma_start3A_80] : memref<36x96xi32, #tpu.memory_space<vmem>> -> memref<1x96xi32, #tpu.memory_space<vmem>>
    %dma_start3A_82 = tpu.memref_squeeze %dma_start3A_81 : memref<1x96xi32, #tpu.memory_space<vmem>> -> memref<96xi32, #tpu.memory_space<vmem>>
    %dma_start3A_83 = arith.constant 0 : i32
    %dma_start3A_84 = arith.constant 0 : i32
    %dma_start3A_85 = tpu.memref_slice %arg10[%dma_start3A_83, %dma_start3A_84] : memref<10240x128xf32, #tpu.memory_space<vmem_shared>> -> memref<10240x128xf32, #tpu.memory_space<vmem_shared>>
    tpu.enqueue_indirect_dma source(%dma_start3A_79 : memref<96x128xf32, #tpu.memory_space<vmem>>) target(%dma_start3A_85 : memref<10240x128xf32, #tpu.memory_space<vmem_shared>>) offsets(%dma_start3A_82 : memref<96xi32, #tpu.memory_space<vmem>>) semaphore(%arg15 : memref<!tpu.dma_semaphore, #tpu.memory_space<semaphore_mem>>) {add = true}
    %scan3A = arith.constant 0 : i32
    %scan3A_86 = arith.constant 0 : i32
    %scan3A_87 = arith.constant 11 : i32
    %scan3A_88 = arith.addi %scan3A_86, %scan3A_87 : i32
    %scan3A_89 = arith.constant 1 : i32
    scf.for %scan3A_463 = %scan3A_86 to %scan3A_88 step %scan3A_89  : i32 {
      %mul3A_464 = arith.constant 3 : i32
      %mul3A_465 = arith.muli %mul3A_464, %scan3A_463 : i32
      %add3A_466 = arith.constant 3 : i32
      %add3A_467 = arith.addi %add3A_466, %mul3A_465 : i32
      %add3A_468 = arith.constant 0 : i32
      %add3A_469 = arith.addi %add3A_467, %add3A_468 : i32
      %sub3A = arith.constant 3 : i32
      %sub3A_470 = arith.subi %add3A_469, %sub3A : i32
      %dma_wait3A_471 = arith.constant 0 : i32
      %dma_wait3A_472 = arith.constant 0 : i32
      %dma_wait3A_473 = arith.constant 0 : i32
      %dma_wait3A_474 = tpu.memref_slice %arg9[%dma_wait3A_471, %dma_wait3A_472, %dma_wait3A_473] : memref<3x96x128xf32, #tpu.memory_space<vmem>> -> memref<1x96x128xf32, #tpu.memory_space<vmem>>
      %dma_wait3A_475 = tpu.memref_squeeze %dma_wait3A_474 : memref<1x96x128xf32, #tpu.memory_space<vmem>> -> memref<96x128xf32, #tpu.memory_space<vmem>>
      %dma_wait3A_476 = arith.constant 0 : i32
      %dma_wait3A_477 = tpu.memref_slice %arg8[%sub3A_470, %dma_wait3A_476] : memref<36x96xi32, #tpu.memory_space<vmem>> -> memref<1x96xi32, #tpu.memory_space<vmem>>
      %dma_wait3A_478 = tpu.memref_squeeze %dma_wait3A_477 : memref<1x96xi32, #tpu.memory_space<vmem>> -> memref<96xi32, #tpu.memory_space<vmem>>
      %dma_wait3A_479 = arith.constant 0 : i32
      %dma_wait3A_480 = arith.constant 0 : i32
      %dma_wait3A_481 = tpu.memref_slice %arg10[%dma_wait3A_479, %dma_wait3A_480] : memref<10240x128xf32, #tpu.memory_space<vmem_shared>> -> memref<10240x128xf32, #tpu.memory_space<vmem_shared>>
      tpu.wait_indirect_dma semaphore(%arg14 : memref<!tpu.dma_semaphore, #tpu.memory_space<semaphore_mem>>) src(%dma_wait3A_475 : memref<96x128xf32, #tpu.memory_space<vmem>>) dst(%dma_wait3A_481 : memref<10240x128xf32, #tpu.memory_space<vmem_shared>>)
      %dma_start3A_482 = arith.constant 0 : i32
      %dma_start3A_483 = arith.constant 0 : i32
      %dma_start3A_484 = arith.constant 0 : i32
      %dma_start3A_485 = tpu.memref_slice %arg9[%dma_start3A_482, %dma_start3A_483, %dma_start3A_484] : memref<3x96x128xf32, #tpu.memory_space<vmem>> -> memref<1x96x128xf32, #tpu.memory_space<vmem>>
      %dma_start3A_486 = tpu.memref_squeeze %dma_start3A_485 : memref<1x96x128xf32, #tpu.memory_space<vmem>> -> memref<96x128xf32, #tpu.memory_space<vmem>>
      %dma_start3A_487 = arith.constant 0 : i32
      %dma_start3A_488 = tpu.memref_slice %arg7[%add3A_469, %dma_start3A_487] : memref<36x96xi32, #tpu.memory_space<vmem>> -> memref<1x96xi32, #tpu.memory_space<vmem>>
      %dma_start3A_489 = tpu.memref_squeeze %dma_start3A_488 : memref<1x96xi32, #tpu.memory_space<vmem>> -> memref<96xi32, #tpu.memory_space<vmem>>
      %dma_start3A_490 = arith.constant 0 : i32
      %dma_start3A_491 = arith.constant 0 : i32
      %dma_start3A_492 = tpu.memref_slice %arg2[%dma_start3A_490, %dma_start3A_491] : memref<10240x128xf32, #tpu.memory_space<hbm>> -> memref<10240x128xf32, #tpu.memory_space<hbm>>
      tpu.enqueue_indirect_dma source(%dma_start3A_492 : memref<10240x128xf32, #tpu.memory_space<hbm>>) target(%dma_start3A_486 : memref<96x128xf32, #tpu.memory_space<vmem>>) offsets(%dma_start3A_489 : memref<96xi32, #tpu.memory_space<vmem>>) semaphore(%arg11 : memref<!tpu.dma_semaphore, #tpu.memory_space<semaphore_mem>>)
      %sub3A_493 = arith.constant 1 : i32
      %sub3A_494 = arith.subi %add3A_469, %sub3A_493 : i32
      %dma_wait3A_495 = arith.constant 2 : i32
      %dma_wait3A_496 = arith.constant 0 : i32
      %dma_wait3A_497 = arith.constant 0 : i32
      %dma_wait3A_498 = tpu.memref_slice %arg9[%dma_wait3A_495, %dma_wait3A_496, %dma_wait3A_497] : memref<3x96x128xf32, #tpu.memory_space<vmem>> -> memref<1x96x128xf32, #tpu.memory_space<vmem>>
      %dma_wait3A_499 = tpu.memref_squeeze %dma_wait3A_498 : memref<1x96x128xf32, #tpu.memory_space<vmem>> -> memref<96x128xf32, #tpu.memory_space<vmem>>
      %dma_wait3A_500 = arith.constant 0 : i32
      %dma_wait3A_501 = tpu.memref_slice %arg7[%sub3A_494, %dma_wait3A_500] : memref<36x96xi32, #tpu.memory_space<vmem>> -> memref<1x96xi32, #tpu.memory_space<vmem>>
      %dma_wait3A_502 = tpu.memref_squeeze %dma_wait3A_501 : memref<1x96xi32, #tpu.memory_space<vmem>> -> memref<96xi32, #tpu.memory_space<vmem>>
      %dma_wait3A_503 = arith.constant 0 : i32
      %dma_wait3A_504 = arith.constant 0 : i32
      %dma_wait3A_505 = tpu.memref_slice %arg2[%dma_wait3A_503, %dma_wait3A_504] : memref<10240x128xf32, #tpu.memory_space<hbm>> -> memref<10240x128xf32, #tpu.memory_space<hbm>>
      tpu.wait_indirect_dma semaphore(%arg13 : memref<!tpu.dma_semaphore, #tpu.memory_space<semaphore_mem>>) src(%dma_wait3A_505 : memref<10240x128xf32, #tpu.memory_space<hbm>>) dst(%dma_wait3A_499 : memref<96x128xf32, #tpu.memory_space<vmem>>)
      %sub3A_506 = arith.constant 1 : i32
      %sub3A_507 = arith.subi %add3A_469, %sub3A_506 : i32
      %dma_start3A_508 = arith.constant 2 : i32
      %dma_start3A_509 = arith.constant 0 : i32
      %dma_start3A_510 = arith.constant 0 : i32
      %dma_start3A_511 = tpu.memref_slice %arg9[%dma_start3A_508, %dma_start3A_509, %dma_start3A_510] : memref<3x96x128xf32, #tpu.memory_space<vmem>> -> memref<1x96x128xf32, #tpu.memory_space<vmem>>
      %dma_start3A_512 = tpu.memref_squeeze %dma_start3A_511 : memref<1x96x128xf32, #tpu.memory_space<vmem>> -> memref<96x128xf32, #tpu.memory_space<vmem>>
      %dma_start3A_513 = arith.constant 0 : i32
      %dma_start3A_514 = tpu.memref_slice %arg8[%sub3A_507, %dma_start3A_513] : memref<36x96xi32, #tpu.memory_space<vmem>> -> memref<1x96xi32, #tpu.memory_space<vmem>>
      %dma_start3A_515 = tpu.memref_squeeze %dma_start3A_514 : memref<1x96xi32, #tpu.memory_space<vmem>> -> memref<96xi32, #tpu.memory_space<vmem>>
      %dma_start3A_516 = arith.constant 0 : i32
      %dma_start3A_517 = arith.constant 0 : i32
      %dma_start3A_518 = tpu.memref_slice %arg10[%dma_start3A_516, %dma_start3A_517] : memref<10240x128xf32, #tpu.memory_space<vmem_shared>> -> memref<10240x128xf32, #tpu.memory_space<vmem_shared>>
      tpu.enqueue_indirect_dma source(%dma_start3A_512 : memref<96x128xf32, #tpu.memory_space<vmem>>) target(%dma_start3A_518 : memref<10240x128xf32, #tpu.memory_space<vmem_shared>>) offsets(%dma_start3A_515 : memref<96xi32, #tpu.memory_space<vmem>>) semaphore(%arg16 : memref<!tpu.dma_semaphore, #tpu.memory_space<semaphore_mem>>) {add = true}
      %add3A_519 = arith.constant 1 : i32
      %add3A_520 = arith.addi %add3A_467, %add3A_519 : i32
      %sub3A_521 = arith.constant 3 : i32
      %sub3A_522 = arith.subi %add3A_520, %sub3A_521 : i32
      %dma_wait3A_523 = arith.constant 1 : i32
      %dma_wait3A_524 = arith.constant 0 : i32
      %dma_wait3A_525 = arith.constant 0 : i32
      %dma_wait3A_526 = tpu.memref_slice %arg9[%dma_wait3A_523, %dma_wait3A_524, %dma_wait3A_525] : memref<3x96x128xf32, #tpu.memory_space<vmem>> -> memref<1x96x128xf32, #tpu.memory_space<vmem>>
      %dma_wait3A_527 = tpu.memref_squeeze %dma_wait3A_526 : memref<1x96x128xf32, #tpu.memory_space<vmem>> -> memref<96x128xf32, #tpu.memory_space<vmem>>
      %dma_wait3A_528 = arith.constant 0 : i32
      %dma_wait3A_529 = tpu.memref_slice %arg8[%sub3A_522, %dma_wait3A_528] : memref<36x96xi32, #tpu.memory_space<vmem>> -> memref<1x96xi32, #tpu.memory_space<vmem>>
      %dma_wait3A_530 = tpu.memref_squeeze %dma_wait3A_529 : memref<1x96xi32, #tpu.memory_space<vmem>> -> memref<96xi32, #tpu.memory_space<vmem>>
      %dma_wait3A_531 = arith.constant 0 : i32
      %dma_wait3A_532 = arith.constant 0 : i32
      %dma_wait3A_533 = tpu.memref_slice %arg10[%dma_wait3A_531, %dma_wait3A_532] : memref<10240x128xf32, #tpu.memory_space<vmem_shared>> -> memref<10240x128xf32, #tpu.memory_space<vmem_shared>>
      tpu.wait_indirect_dma semaphore(%arg15 : memref<!tpu.dma_semaphore, #tpu.memory_space<semaphore_mem>>) src(%dma_wait3A_527 : memref<96x128xf32, #tpu.memory_space<vmem>>) dst(%dma_wait3A_533 : memref<10240x128xf32, #tpu.memory_space<vmem_shared>>)
      %dma_start3A_534 = arith.constant 1 : i32
      %dma_start3A_535 = arith.constant 0 : i32
      %dma_start3A_536 = arith.constant 0 : i32
      %dma_start3A_537 = tpu.memref_slice %arg9[%dma_start3A_534, %dma_start3A_535, %dma_start3A_536] : memref<3x96x128xf32, #tpu.memory_space<vmem>> -> memref<1x96x128xf32, #tpu.memory_space<vmem>>
      %dma_start3A_538 = tpu.memref_squeeze %dma_start3A_537 : memref<1x96x128xf32, #tpu.memory_space<vmem>> -> memref<96x128xf32, #tpu.memory_space<vmem>>
      %dma_start3A_539 = arith.constant 0 : i32
      %dma_start3A_540 = tpu.memref_slice %arg7[%add3A_520, %dma_start3A_539] : memref<36x96xi32, #tpu.memory_space<vmem>> -> memref<1x96xi32, #tpu.memory_space<vmem>>
      %dma_start3A_541 = tpu.memref_squeeze %dma_start3A_540 : memref<1x96xi32, #tpu.memory_space<vmem>> -> memref<96xi32, #tpu.memory_space<vmem>>
      %dma_start3A_542 = arith.constant 0 : i32
      %dma_start3A_543 = arith.constant 0 : i32
      %dma_start3A_544 = tpu.memref_slice %arg2[%dma_start3A_542, %dma_start3A_543] : memref<10240x128xf32, #tpu.memory_space<hbm>> -> memref<10240x128xf32, #tpu.memory_space<hbm>>
      tpu.enqueue_indirect_dma source(%dma_start3A_544 : memref<10240x128xf32, #tpu.memory_space<hbm>>) target(%dma_start3A_538 : memref<96x128xf32, #tpu.memory_space<vmem>>) offsets(%dma_start3A_541 : memref<96xi32, #tpu.memory_space<vmem>>) semaphore(%arg12 : memref<!tpu.dma_semaphore, #tpu.memory_space<semaphore_mem>>)
      %sub3A_545 = arith.constant 1 : i32
      %sub3A_546 = arith.subi %add3A_520, %sub3A_545 : i32
      %dma_wait3A_547 = arith.constant 0 : i32
      %dma_wait3A_548 = arith.constant 0 : i32
      %dma_wait3A_549 = arith.constant 0 : i32
      %dma_wait3A_550 = tpu.memref_slice %arg9[%dma_wait3A_547, %dma_wait3A_548, %dma_wait3A_549] : memref<3x96x128xf32, #tpu.memory_space<vmem>> -> memref<1x96x128xf32, #tpu.memory_space<vmem>>
      %dma_wait3A_551 = tpu.memref_squeeze %dma_wait3A_550 : memref<1x96x128xf32, #tpu.memory_space<vmem>> -> memref<96x128xf32, #tpu.memory_space<vmem>>
      %dma_wait3A_552 = arith.constant 0 : i32
      %dma_wait3A_553 = tpu.memref_slice %arg7[%sub3A_546, %dma_wait3A_552] : memref<36x96xi32, #tpu.memory_space<vmem>> -> memref<1x96xi32, #tpu.memory_space<vmem>>
      %dma_wait3A_554 = tpu.memref_squeeze %dma_wait3A_553 : memref<1x96xi32, #tpu.memory_space<vmem>> -> memref<96xi32, #tpu.memory_space<vmem>>
      %dma_wait3A_555 = arith.constant 0 : i32
      %dma_wait3A_556 = arith.constant 0 : i32
      %dma_wait3A_557 = tpu.memref_slice %arg2[%dma_wait3A_555, %dma_wait3A_556] : memref<10240x128xf32, #tpu.memory_space<hbm>> -> memref<10240x128xf32, #tpu.memory_space<hbm>>
      tpu.wait_indirect_dma semaphore(%arg11 : memref<!tpu.dma_semaphore, #tpu.memory_space<semaphore_mem>>) src(%dma_wait3A_557 : memref<10240x128xf32, #tpu.memory_space<hbm>>) dst(%dma_wait3A_551 : memref<96x128xf32, #tpu.memory_space<vmem>>)
      %sub3A_558 = arith.constant 1 : i32
      %sub3A_559 = arith.subi %add3A_520, %sub3A_558 : i32
      %dma_start3A_560 = arith.constant 0 : i32
      %dma_start3A_561 = arith.constant 0 : i32
      %dma_start3A_562 = arith.constant 0 : i32
      %dma_start3A_563 = tpu.memref_slice %arg9[%dma_start3A_560, %dma_start3A_561, %dma_start3A_562] : memref<3x96x128xf32, #tpu.memory_space<vmem>> -> memref<1x96x128xf32, #tpu.memory_space<vmem>>
      %dma_start3A_564 = tpu.memref_squeeze %dma_start3A_563 : memref<1x96x128xf32, #tpu.memory_space<vmem>> -> memref<96x128xf32, #tpu.memory_space<vmem>>
      %dma_start3A_565 = arith.constant 0 : i32
      %dma_start3A_566 = tpu.memref_slice %arg8[%sub3A_559, %dma_start3A_565] : memref<36x96xi32, #tpu.memory_space<vmem>> -> memref<1x96xi32, #tpu.memory_space<vmem>>
      %dma_start3A_567 = tpu.memref_squeeze %dma_start3A_566 : memref<1x96xi32, #tpu.memory_space<vmem>> -> memref<96xi32, #tpu.memory_space<vmem>>
      %dma_start3A_568 = arith.constant 0 : i32
      %dma_start3A_569 = arith.constant 0 : i32
      %dma_start3A_570 = tpu.memref_slice %arg10[%dma_start3A_568, %dma_start3A_569] : memref<10240x128xf32, #tpu.memory_space<vmem_shared>> -> memref<10240x128xf32, #tpu.memory_space<vmem_shared>>
      tpu.enqueue_indirect_dma source(%dma_start3A_564 : memref<96x128xf32, #tpu.memory_space<vmem>>) target(%dma_start3A_570 : memref<10240x128xf32, #tpu.memory_space<vmem_shared>>) offsets(%dma_start3A_567 : memref<96xi32, #tpu.memory_space<vmem>>) semaphore(%arg14 : memref<!tpu.dma_semaphore, #tpu.memory_space<semaphore_mem>>) {add = true}
      %add3A_571 = arith.constant 2 : i32
      %add3A_572 = arith.addi %add3A_467, %add3A_571 : i32
      %sub3A_573 = arith.constant 3 : i32
      %sub3A_574 = arith.subi %add3A_572, %sub3A_573 : i32
      %dma_wait3A_575 = arith.constant 2 : i32
      %dma_wait3A_576 = arith.constant 0 : i32
      %dma_wait3A_577 = arith.constant 0 : i32
      %dma_wait3A_578 = tpu.memref_slice %arg9[%dma_wait3A_575, %dma_wait3A_576, %dma_wait3A_577] : memref<3x96x128xf32, #tpu.memory_space<vmem>> -> memref<1x96x128xf32, #tpu.memory_space<vmem>>
      %dma_wait3A_579 = tpu.memref_squeeze %dma_wait3A_578 : memref<1x96x128xf32, #tpu.memory_space<vmem>> -> memref<96x128xf32, #tpu.memory_space<vmem>>
      %dma_wait3A_580 = arith.constant 0 : i32
      %dma_wait3A_581 = tpu.memref_slice %arg8[%sub3A_574, %dma_wait3A_580] : memref<36x96xi32, #tpu.memory_space<vmem>> -> memref<1x96xi32, #tpu.memory_space<vmem>>
      %dma_wait3A_582 = tpu.memref_squeeze %dma_wait3A_581 : memref<1x96xi32, #tpu.memory_space<vmem>> -> memref<96xi32, #tpu.memory_space<vmem>>
      %dma_wait3A_583 = arith.constant 0 : i32
      %dma_wait3A_584 = arith.constant 0 : i32
      %dma_wait3A_585 = tpu.memref_slice %arg10[%dma_wait3A_583, %dma_wait3A_584] : memref<10240x128xf32, #tpu.memory_space<vmem_shared>> -> memref<10240x128xf32, #tpu.memory_space<vmem_shared>>
      tpu.wait_indirect_dma semaphore(%arg16 : memref<!tpu.dma_semaphore, #tpu.memory_space<semaphore_mem>>) src(%dma_wait3A_579 : memref<96x128xf32, #tpu.memory_space<vmem>>) dst(%dma_wait3A_585 : memref<10240x128xf32, #tpu.memory_space<vmem_shared>>)
      %dma_start3A_586 = arith.constant 2 : i32
      %dma_start3A_587 = arith.constant 0 : i32
      %dma_start3A_588 = arith.constant 0 : i32
      %dma_start3A_589 = tpu.memref_slice %arg9[%dma_start3A_586, %dma_start3A_587, %dma_start3A_588] : memref<3x96x128xf32, #tpu.memory_space<vmem>> -> memref<1x96x128xf32, #tpu.memory_space<vmem>>
      %dma_start3A_590 = tpu.memref_squeeze %dma_start3A_589 : memref<1x96x128xf32, #tpu.memory_space<vmem>> -> memref<96x128xf32, #tpu.memory_space<vmem>>
      %dma_start3A_591 = arith.constant 0 : i32
      %dma_start3A_592 = tpu.memref_slice %arg7[%add3A_572, %dma_start3A_591] : memref<36x96xi32, #tpu.memory_space<vmem>> -> memref<1x96xi32, #tpu.memory_space<vmem>>
      %dma_start3A_593 = tpu.memref_squeeze %dma_start3A_592 : memref<1x96xi32, #tpu.memory_space<vmem>> -> memref<96xi32, #tpu.memory_space<vmem>>
      %dma_start3A_594 = arith.constant 0 : i32
      %dma_start3A_595 = arith.constant 0 : i32
      %dma_start3A_596 = tpu.memref_slice %arg2[%dma_start3A_594, %dma_start3A_595] : memref<10240x128xf32, #tpu.memory_space<hbm>> -> memref<10240x128xf32, #tpu.memory_space<hbm>>
      tpu.enqueue_indirect_dma source(%dma_start3A_596 : memref<10240x128xf32, #tpu.memory_space<hbm>>) target(%dma_start3A_590 : memref<96x128xf32, #tpu.memory_space<vmem>>) offsets(%dma_start3A_593 : memref<96xi32, #tpu.memory_space<vmem>>) semaphore(%arg13 : memref<!tpu.dma_semaphore, #tpu.memory_space<semaphore_mem>>)
      %sub3A_597 = arith.constant 1 : i32
      %sub3A_598 = arith.subi %add3A_572, %sub3A_597 : i32
      %dma_wait3A_599 = arith.constant 1 : i32
      %dma_wait3A_600 = arith.constant 0 : i32
      %dma_wait3A_601 = arith.constant 0 : i32
      %dma_wait3A_602 = tpu.memref_slice %arg9[%dma_wait3A_599, %dma_wait3A_600, %dma_wait3A_601] : memref<3x96x128xf32, #tpu.memory_space<vmem>> -> memref<1x96x128xf32, #tpu.memory_space<vmem>>
      %dma_wait3A_603 = tpu.memref_squeeze %dma_wait3A_602 : memref<1x96x128xf32, #tpu.memory_space<vmem>> -> memref<96x128xf32, #tpu.memory_space<vmem>>
      %dma_wait3A_604 = arith.constant 0 : i32
      %dma_wait3A_605 = tpu.memref_slice %arg7[%sub3A_598, %dma_wait3A_604] : memref<36x96xi32, #tpu.memory_space<vmem>> -> memref<1x96xi32, #tpu.memory_space<vmem>>
      %dma_wait3A_606 = tpu.memref_squeeze %dma_wait3A_605 : memref<1x96xi32, #tpu.memory_space<vmem>> -> memref<96xi32, #tpu.memory_space<vmem>>
      %dma_wait3A_607 = arith.constant 0 : i32
      %dma_wait3A_608 = arith.constant 0 : i32
      %dma_wait3A_609 = tpu.memref_slice %arg2[%dma_wait3A_607, %dma_wait3A_608] : memref<10240x128xf32, #tpu.memory_space<hbm>> -> memref<10240x128xf32, #tpu.memory_space<hbm>>
      tpu.wait_indirect_dma semaphore(%arg12 : memref<!tpu.dma_semaphore, #tpu.memory_space<semaphore_mem>>) src(%dma_wait3A_609 : memref<10240x128xf32, #tpu.memory_space<hbm>>) dst(%dma_wait3A_603 : memref<96x128xf32, #tpu.memory_space<vmem>>)
      %sub3A_610 = arith.constant 1 : i32
      %sub3A_611 = arith.subi %add3A_572, %sub3A_610 : i32
      %dma_start3A_612 = arith.constant 1 : i32
      %dma_start3A_613 = arith.constant 0 : i32
      %dma_start3A_614 = arith.constant 0 : i32
      %dma_start3A_615 = tpu.memref_slice %arg9[%dma_start3A_612, %dma_start3A_613, %dma_start3A_614] : memref<3x96x128xf32, #tpu.memory_space<vmem>> -> memref<1x96x128xf32, #tpu.memory_space<vmem>>
      %dma_start3A_616 = tpu.memref_squeeze %dma_start3A_615 : memref<1x96x128xf32, #tpu.memory_space<vmem>> -> memref<96x128xf32, #tpu.memory_space<vmem>>
      %dma_start3A_617 = arith.constant 0 : i32
      %dma_start3A_618 = tpu.memref_slice %arg8[%sub3A_611, %dma_start3A_617] : memref<36x96xi32, #tpu.memory_space<vmem>> -> memref<1x96xi32, #tpu.memory_space<vmem>>
      %dma_start3A_619 = tpu.memref_squeeze %dma_start3A_618 : memref<1x96xi32, #tpu.memory_space<vmem>> -> memref<96xi32, #tpu.memory_space<vmem>>
      %dma_start3A_620 = arith.constant 0 : i32
      %dma_start3A_621 = arith.constant 0 : i32
      %dma_start3A_622 = tpu.memref_slice %arg10[%dma_start3A_620, %dma_start3A_621] : memref<10240x128xf32, #tpu.memory_space<vmem_shared>> -> memref<10240x128xf32, #tpu.memory_space<vmem_shared>>
      tpu.enqueue_indirect_dma source(%dma_start3A_616 : memref<96x128xf32, #tpu.memory_space<vmem>>) target(%dma_start3A_622 : memref<10240x128xf32, #tpu.memory_space<vmem_shared>>) offsets(%dma_start3A_619 : memref<96xi32, #tpu.memory_space<vmem>>) semaphore(%arg15 : memref<!tpu.dma_semaphore, #tpu.memory_space<semaphore_mem>>) {add = true}
    }
    %scan3A_90 = arith.constant 11 : i32
    %dma_wait3A_91 = arith.constant 35 : i32
    %dma_wait3A_92 = arith.constant 2 : i32
    %dma_wait3A_93 = arith.constant 0 : i32
    %dma_wait3A_94 = arith.constant 0 : i32
    %dma_wait3A_95 = tpu.memref_slice %arg9[%dma_wait3A_92, %dma_wait3A_93, %dma_wait3A_94] : memref<3x96x128xf32, #tpu.memory_space<vmem>> -> memref<1x96x128xf32, #tpu.memory_space<vmem>>
    %dma_wait3A_96 = tpu.memref_squeeze %dma_wait3A_95 : memref<1x96x128xf32, #tpu.memory_space<vmem>> -> memref<96x128xf32, #tpu.memory_space<vmem>>
    %dma_wait3A_97 = arith.constant 0 : i32
    %dma_wait3A_98 = tpu.memref_slice %arg7[%dma_wait3A_91, %dma_wait3A_97] : memref<36x96xi32, #tpu.memory_space<vmem>> -> memref<1x96xi32, #tpu.memory_space<vmem>>
    %dma_wait3A_99 = tpu.memref_squeeze %dma_wait3A_98 : memref<1x96xi32, #tpu.memory_space<vmem>> -> memref<96xi32, #tpu.memory_space<vmem>>
    %dma_wait3A_100 = arith.constant 0 : i32
    %dma_wait3A_101 = arith.constant 0 : i32
    %dma_wait3A_102 = tpu.memref_slice %arg2[%dma_wait3A_100, %dma_wait3A_101] : memref<10240x128xf32, #tpu.memory_space<hbm>> -> memref<10240x128xf32, #tpu.memory_space<hbm>>
    tpu.wait_indirect_dma semaphore(%arg13 : memref<!tpu.dma_semaphore, #tpu.memory_space<semaphore_mem>>) src(%dma_wait3A_102 : memref<10240x128xf32, #tpu.memory_space<hbm>>) dst(%dma_wait3A_96 : memref<96x128xf32, #tpu.memory_space<vmem>>)
    %dma_start3A_103 = arith.constant 2 : i32
    %dma_start3A_104 = arith.constant 35 : i32
    %dma_start3A_105 = arith.constant 0 : i32
    %dma_start3A_106 = arith.constant 0 : i32
    %dma_start3A_107 = tpu.memref_slice %arg9[%dma_start3A_103, %dma_start3A_105, %dma_start3A_106] : memref<3x96x128xf32, #tpu.memory_space<vmem>> -> memref<1x96x128xf32, #tpu.memory_space<vmem>>
    %dma_start3A_108 = tpu.memref_squeeze %dma_start3A_107 : memref<1x96x128xf32, #tpu.memory_space<vmem>> -> memref<96x128xf32, #tpu.memory_space<vmem>>
    %dma_start3A_109 = arith.constant 0 : i32
    %dma_start3A_110 = tpu.memref_slice %arg8[%dma_start3A_104, %dma_start3A_109] : memref<36x96xi32, #tpu.memory_space<vmem>> -> memref<1x96xi32, #tpu.memory_space<vmem>>
    %dma_start3A_111 = tpu.memref_squeeze %dma_start3A_110 : memref<1x96xi32, #tpu.memory_space<vmem>> -> memref<96xi32, #tpu.memory_space<vmem>>
    %dma_start3A_112 = arith.constant 0 : i32
    %dma_start3A_113 = arith.constant 0 : i32
    %dma_start3A_114 = tpu.memref_slice %arg10[%dma_start3A_112, %dma_start3A_113] : memref<10240x128xf32, #tpu.memory_space<vmem_shared>> -> memref<10240x128xf32, #tpu.memory_space<vmem_shared>>
    tpu.enqueue_indirect_dma source(%dma_start3A_108 : memref<96x128xf32, #tpu.memory_space<vmem>>) target(%dma_start3A_114 : memref<10240x128xf32, #tpu.memory_space<vmem_shared>>) offsets(%dma_start3A_111 : memref<96xi32, #tpu.memory_space<vmem>>) semaphore(%arg16 : memref<!tpu.dma_semaphore, #tpu.memory_space<semaphore_mem>>) {add = true}
    %dma_wait3A_115 = arith.constant 0 : i32
    %dma_wait3A_116 = arith.constant 33 : i32
    %dma_wait3A_117 = arith.constant 0 : i32
    %dma_wait3A_118 = arith.constant 0 : i32
    %dma_wait3A_119 = tpu.memref_slice %arg9[%dma_wait3A_115, %dma_wait3A_117, %dma_wait3A_118] : memref<3x96x128xf32, #tpu.memory_space<vmem>> -> memref<1x96x128xf32, #tpu.memory_space<vmem>>
    %dma_wait3A_120 = tpu.memref_squeeze %dma_wait3A_119 : memref<1x96x128xf32, #tpu.memory_space<vmem>> -> memref<96x128xf32, #tpu.memory_space<vmem>>
    %dma_wait3A_121 = arith.constant 0 : i32
    %dma_wait3A_122 = tpu.memref_slice %arg8[%dma_wait3A_116, %dma_wait3A_121] : memref<36x96xi32, #tpu.memory_space<vmem>> -> memref<1x96xi32, #tpu.memory_space<vmem>>
    %dma_wait3A_123 = tpu.memref_squeeze %dma_wait3A_122 : memref<1x96xi32, #tpu.memory_space<vmem>> -> memref<96xi32, #tpu.memory_space<vmem>>
    %dma_wait3A_124 = arith.constant 0 : i32
    %dma_wait3A_125 = arith.constant 0 : i32
    %dma_wait3A_126 = tpu.memref_slice %arg10[%dma_wait3A_124, %dma_wait3A_125] : memref<10240x128xf32, #tpu.memory_space<vmem_shared>> -> memref<10240x128xf32, #tpu.memory_space<vmem_shared>>
    tpu.wait_indirect_dma semaphore(%arg14 : memref<!tpu.dma_semaphore, #tpu.memory_space<semaphore_mem>>) src(%dma_wait3A_120 : memref<96x128xf32, #tpu.memory_space<vmem>>) dst(%dma_wait3A_126 : memref<10240x128xf32, #tpu.memory_space<vmem_shared>>)
    %dma_wait3A_127 = arith.constant 1 : i32
    %dma_wait3A_128 = arith.constant 34 : i32
    %dma_wait3A_129 = arith.constant 0 : i32
    %dma_wait3A_130 = arith.constant 0 : i32
    %dma_wait3A_131 = tpu.memref_slice %arg9[%dma_wait3A_127, %dma_wait3A_129, %dma_wait3A_130] : memref<3x96x128xf32, #tpu.memory_space<vmem>> -> memref<1x96x128xf32, #tpu.memory_space<vmem>>
    %dma_wait3A_132 = tpu.memref_squeeze %dma_wait3A_131 : memref<1x96x128xf32, #tpu.memory_space<vmem>> -> memref<96x128xf32, #tpu.memory_space<vmem>>
    %dma_wait3A_133 = arith.constant 0 : i32
    %dma_wait3A_134 = tpu.memref_slice %arg8[%dma_wait3A_128, %dma_wait3A_133] : memref<36x96xi32, #tpu.memory_space<vmem>> -> memref<1x96xi32, #tpu.memory_space<vmem>>
    %dma_wait3A_135 = tpu.memref_squeeze %dma_wait3A_134 : memref<1x96xi32, #tpu.memory_space<vmem>> -> memref<96xi32, #tpu.memory_space<vmem>>
    %dma_wait3A_136 = arith.constant 0 : i32
    %dma_wait3A_137 = arith.constant 0 : i32
    %dma_wait3A_138 = tpu.memref_slice %arg10[%dma_wait3A_136, %dma_wait3A_137] : memref<10240x128xf32, #tpu.memory_space<vmem_shared>> -> memref<10240x128xf32, #tpu.memory_space<vmem_shared>>
    tpu.wait_indirect_dma semaphore(%arg15 : memref<!tpu.dma_semaphore, #tpu.memory_space<semaphore_mem>>) src(%dma_wait3A_132 : memref<96x128xf32, #tpu.memory_space<vmem>>) dst(%dma_wait3A_138 : memref<10240x128xf32, #tpu.memory_space<vmem_shared>>)
    %dma_wait3A_139 = arith.constant 2 : i32
    %dma_wait3A_140 = arith.constant 35 : i32
    %dma_wait3A_141 = arith.constant 0 : i32
    %dma_wait3A_142 = arith.constant 0 : i32
    %dma_wait3A_143 = tpu.memref_slice %arg9[%dma_wait3A_139, %dma_wait3A_141, %dma_wait3A_142] : memref<3x96x128xf32, #tpu.memory_space<vmem>> -> memref<1x96x128xf32, #tpu.memory_space<vmem>>
    %dma_wait3A_144 = tpu.memref_squeeze %dma_wait3A_143 : memref<1x96x128xf32, #tpu.memory_space<vmem>> -> memref<96x128xf32, #tpu.memory_space<vmem>>
    %dma_wait3A_145 = arith.constant 0 : i32
    %dma_wait3A_146 = tpu.memref_slice %arg8[%dma_wait3A_140, %dma_wait3A_145] : memref<36x96xi32, #tpu.memory_space<vmem>> -> memref<1x96xi32, #tpu.memory_space<vmem>>
    %dma_wait3A_147 = tpu.memref_squeeze %dma_wait3A_146 : memref<1x96xi32, #tpu.memory_space<vmem>> -> memref<96xi32, #tpu.memory_space<vmem>>
    %dma_wait3A_148 = arith.constant 0 : i32
    %dma_wait3A_149 = arith.constant 0 : i32
    %dma_wait3A_150 = tpu.memref_slice %arg10[%dma_wait3A_148, %dma_wait3A_149] : memref<10240x128xf32, #tpu.memory_space<vmem_shared>> -> memref<10240x128xf32, #tpu.memory_space<vmem_shared>>
    tpu.wait_indirect_dma semaphore(%arg16 : memref<!tpu.dma_semaphore, #tpu.memory_space<semaphore_mem>>) src(%dma_wait3A_144 : memref<96x128xf32, #tpu.memory_space<vmem>>) dst(%dma_wait3A_150 : memref<10240x128xf32, #tpu.memory_space<vmem_shared>>)
    %run_scoped3A_151 = arith.constant 1 : i32
    "tpu.region"() ({
      %run_scoped3A_463 = tpu.sem_alloc : memref<!tpu.dma_semaphore, #tpu.memory_space<semaphore_mem>>
      %dma_start3A_464 = arith.constant 0 : i32
      %dma_start3A_465 = arith.constant 0 : i32
      %dma_start3A_466 = tpu.memref_slice %arg3[%add3A, %run_scoped3A_151, %dma_start3A_464, %dma_start3A_465] : memref<32x3x36x96xi32, #tpu.memory_space<hbm>> -> memref<1x1x36x96xi32, #tpu.memory_space<hbm>>
      %dma_start3A_467 = tpu.memref_squeeze %dma_start3A_466 : memref<1x1x36x96xi32, #tpu.memory_space<hbm>> -> memref<36x96xi32, #tpu.memory_space<hbm>>
      %dma_start3A_468 = arith.constant 0 : i32
      %dma_start3A_469 = arith.constant 0 : i32
      %dma_start3A_470 = tpu.memref_slice %arg3[%add3A, %run_scoped3A_151, %dma_start3A_468, %dma_start3A_469] : memref<32x3x36x96xi32, #tpu.memory_space<hbm>> -> memref<1x1x36x96xi32, #tpu.memory_space<hbm>>
      %dma_start3A_471 = tpu.memref_squeeze %dma_start3A_470 : memref<1x1x36x96xi32, #tpu.memory_space<hbm>> -> memref<36x96xi32, #tpu.memory_space<hbm>>
      tpu.enqueue_dma source(%dma_start3A_471 : memref<36x96xi32, #tpu.memory_space<hbm>>) target(%arg7 : memref<36x96xi32, #tpu.memory_space<vmem>>) target_semaphore(%run_scoped3A_463 : memref<!tpu.dma_semaphore, #tpu.memory_space<semaphore_mem>>)
      %dma_wait3A_472 = arith.constant 0 : i32
      %dma_wait3A_473 = arith.constant 0 : i32
      %dma_wait3A_474 = tpu.memref_slice %arg3[%add3A, %run_scoped3A_151, %dma_wait3A_472, %dma_wait3A_473] : memref<32x3x36x96xi32, #tpu.memory_space<hbm>> -> memref<1x1x36x96xi32, #tpu.memory_space<hbm>>
      %dma_wait3A_475 = tpu.memref_squeeze %dma_wait3A_474 : memref<1x1x36x96xi32, #tpu.memory_space<hbm>> -> memref<36x96xi32, #tpu.memory_space<hbm>>
      %dma_wait3A_476 = arith.constant 0 : i32
      %dma_wait3A_477 = arith.constant 0 : i32
      %dma_wait3A_478 = tpu.memref_slice %arg3[%add3A, %run_scoped3A_151, %dma_wait3A_476, %dma_wait3A_477] : memref<32x3x36x96xi32, #tpu.memory_space<hbm>> -> memref<1x1x36x96xi32, #tpu.memory_space<hbm>>
      %dma_wait3A_479 = tpu.memref_squeeze %dma_wait3A_478 : memref<1x1x36x96xi32, #tpu.memory_space<hbm>> -> memref<36x96xi32, #tpu.memory_space<hbm>>
      tpu.wait_dma2 semaphore(%run_scoped3A_463 : memref<!tpu.dma_semaphore, #tpu.memory_space<semaphore_mem>>) src(%dma_wait3A_479 : memref<36x96xi32, #tpu.memory_space<hbm>>) dst(%arg7 : memref<36x96xi32, #tpu.memory_space<vmem>>)
      tpu.yield
    }) : () -> ()
    %run_scoped3A_152 = arith.constant 1 : i32
    "tpu.region"() ({
      %run_scoped3A_463 = tpu.sem_alloc : memref<!tpu.dma_semaphore, #tpu.memory_space<semaphore_mem>>
      %dma_start3A_464 = arith.constant 0 : i32
      %dma_start3A_465 = arith.constant 0 : i32
      %dma_start3A_466 = tpu.memref_slice %arg4[%add3A, %run_scoped3A_152, %dma_start3A_464, %dma_start3A_465] : memref<32x3x36x96xi32, #tpu.memory_space<hbm>> -> memref<1x1x36x96xi32, #tpu.memory_space<hbm>>
      %dma_start3A_467 = tpu.memref_squeeze %dma_start3A_466 : memref<1x1x36x96xi32, #tpu.memory_space<hbm>> -> memref<36x96xi32, #tpu.memory_space<hbm>>
      %dma_start3A_468 = arith.constant 0 : i32
      %dma_start3A_469 = arith.constant 0 : i32
      %dma_start3A_470 = tpu.memref_slice %arg4[%add3A, %run_scoped3A_152, %dma_start3A_468, %dma_start3A_469] : memref<32x3x36x96xi32, #tpu.memory_space<hbm>> -> memref<1x1x36x96xi32, #tpu.memory_space<hbm>>
      %dma_start3A_471 = tpu.memref_squeeze %dma_start3A_470 : memref<1x1x36x96xi32, #tpu.memory_space<hbm>> -> memref<36x96xi32, #tpu.memory_space<hbm>>
      tpu.enqueue_dma source(%dma_start3A_471 : memref<36x96xi32, #tpu.memory_space<hbm>>) target(%arg8 : memref<36x96xi32, #tpu.memory_space<vmem>>) target_semaphore(%run_scoped3A_463 : memref<!tpu.dma_semaphore, #tpu.memory_space<semaphore_mem>>)
      %dma_wait3A_472 = arith.constant 0 : i32
      %dma_wait3A_473 = arith.constant 0 : i32
      %dma_wait3A_474 = tpu.memref_slice %arg4[%add3A, %run_scoped3A_152, %dma_wait3A_472, %dma_wait3A_473] : memref<32x3x36x96xi32, #tpu.memory_space<hbm>> -> memref<1x1x36x96xi32, #tpu.memory_space<hbm>>
      %dma_wait3A_475 = tpu.memref_squeeze %dma_wait3A_474 : memref<1x1x36x96xi32, #tpu.memory_space<hbm>> -> memref<36x96xi32, #tpu.memory_space<hbm>>
      %dma_wait3A_476 = arith.constant 0 : i32
      %dma_wait3A_477 = arith.constant 0 : i32
      %dma_wait3A_478 = tpu.memref_slice %arg4[%add3A, %run_scoped3A_152, %dma_wait3A_476, %dma_wait3A_477] : memref<32x3x36x96xi32, #tpu.memory_space<hbm>> -> memref<1x1x36x96xi32, #tpu.memory_space<hbm>>
      %dma_wait3A_479 = tpu.memref_squeeze %dma_wait3A_478 : memref<1x1x36x96xi32, #tpu.memory_space<hbm>> -> memref<36x96xi32, #tpu.memory_space<hbm>>
      tpu.wait_dma2 semaphore(%run_scoped3A_463 : memref<!tpu.dma_semaphore, #tpu.memory_space<semaphore_mem>>) src(%dma_wait3A_479 : memref<36x96xi32, #tpu.memory_space<hbm>>) dst(%arg8 : memref<36x96xi32, #tpu.memory_space<vmem>>)
      tpu.yield
    }) : () -> ()
    %dma_start3A_153 = arith.constant 0 : i32
    %dma_start3A_154 = arith.constant 0 : i32
    %dma_start3A_155 = arith.constant 0 : i32
    %dma_start3A_156 = arith.constant 0 : i32
    %dma_start3A_157 = tpu.memref_slice %arg9[%dma_start3A_154, %dma_start3A_155, %dma_start3A_156] : memref<3x96x128xf32, #tpu.memory_space<vmem>> -> memref<1x96x128xf32, #tpu.memory_space<vmem>>
    %dma_start3A_158 = tpu.memref_squeeze %dma_start3A_157 : memref<1x96x128xf32, #tpu.memory_space<vmem>> -> memref<96x128xf32, #tpu.memory_space<vmem>>
    %dma_start3A_159 = arith.constant 0 : i32
    %dma_start3A_160 = tpu.memref_slice %arg7[%dma_start3A_153, %dma_start3A_159] : memref<36x96xi32, #tpu.memory_space<vmem>> -> memref<1x96xi32, #tpu.memory_space<vmem>>
    %dma_start3A_161 = tpu.memref_squeeze %dma_start3A_160 : memref<1x96xi32, #tpu.memory_space<vmem>> -> memref<96xi32, #tpu.memory_space<vmem>>
    %dma_start3A_162 = arith.constant 0 : i32
    %dma_start3A_163 = arith.constant 0 : i32
    %dma_start3A_164 = tpu.memref_slice %arg2[%dma_start3A_162, %dma_start3A_163] : memref<10240x128xf32, #tpu.memory_space<hbm>> -> memref<10240x128xf32, #tpu.memory_space<hbm>>
    tpu.enqueue_indirect_dma source(%dma_start3A_164 : memref<10240x128xf32, #tpu.memory_space<hbm>>) target(%dma_start3A_158 : memref<96x128xf32, #tpu.memory_space<vmem>>) offsets(%dma_start3A_161 : memref<96xi32, #tpu.memory_space<vmem>>) semaphore(%arg11 : memref<!tpu.dma_semaphore, #tpu.memory_space<semaphore_mem>>)
    %dma_start3A_165 = arith.constant 1 : i32
    %dma_start3A_166 = arith.constant 1 : i32
    %dma_start3A_167 = arith.constant 0 : i32
    %dma_start3A_168 = arith.constant 0 : i32
    %dma_start3A_169 = tpu.memref_slice %arg9[%dma_start3A_166, %dma_start3A_167, %dma_start3A_168] : memref<3x96x128xf32, #tpu.memory_space<vmem>> -> memref<1x96x128xf32, #tpu.memory_space<vmem>>
    %dma_start3A_170 = tpu.memref_squeeze %dma_start3A_169 : memref<1x96x128xf32, #tpu.memory_space<vmem>> -> memref<96x128xf32, #tpu.memory_space<vmem>>
    %dma_start3A_171 = arith.constant 0 : i32
    %dma_start3A_172 = tpu.memref_slice %arg7[%dma_start3A_165, %dma_start3A_171] : memref<36x96xi32, #tpu.memory_space<vmem>> -> memref<1x96xi32, #tpu.memory_space<vmem>>
    %dma_start3A_173 = tpu.memref_squeeze %dma_start3A_172 : memref<1x96xi32, #tpu.memory_space<vmem>> -> memref<96xi32, #tpu.memory_space<vmem>>
    %dma_start3A_174 = arith.constant 0 : i32
    %dma_start3A_175 = arith.constant 0 : i32
    %dma_start3A_176 = tpu.memref_slice %arg2[%dma_start3A_174, %dma_start3A_175] : memref<10240x128xf32, #tpu.memory_space<hbm>> -> memref<10240x128xf32, #tpu.memory_space<hbm>>
    tpu.enqueue_indirect_dma source(%dma_start3A_176 : memref<10240x128xf32, #tpu.memory_space<hbm>>) target(%dma_start3A_170 : memref<96x128xf32, #tpu.memory_space<vmem>>) offsets(%dma_start3A_173 : memref<96xi32, #tpu.memory_space<vmem>>) semaphore(%arg12 : memref<!tpu.dma_semaphore, #tpu.memory_space<semaphore_mem>>)
    %dma_wait3A_177 = arith.constant 0 : i32
    %dma_wait3A_178 = arith.constant 0 : i32
    %dma_wait3A_179 = arith.constant 0 : i32
    %dma_wait3A_180 = arith.constant 0 : i32
    %dma_wait3A_181 = tpu.memref_slice %arg9[%dma_wait3A_178, %dma_wait3A_179, %dma_wait3A_180] : memref<3x96x128xf32, #tpu.memory_space<vmem>> -> memref<1x96x128xf32, #tpu.memory_space<vmem>>
    %dma_wait3A_182 = tpu.memref_squeeze %dma_wait3A_181 : memref<1x96x128xf32, #tpu.memory_space<vmem>> -> memref<96x128xf32, #tpu.memory_space<vmem>>
    %dma_wait3A_183 = arith.constant 0 : i32
    %dma_wait3A_184 = tpu.memref_slice %arg7[%dma_wait3A_177, %dma_wait3A_183] : memref<36x96xi32, #tpu.memory_space<vmem>> -> memref<1x96xi32, #tpu.memory_space<vmem>>
    %dma_wait3A_185 = tpu.memref_squeeze %dma_wait3A_184 : memref<1x96xi32, #tpu.memory_space<vmem>> -> memref<96xi32, #tpu.memory_space<vmem>>
    %dma_wait3A_186 = arith.constant 0 : i32
    %dma_wait3A_187 = arith.constant 0 : i32
    %dma_wait3A_188 = tpu.memref_slice %arg2[%dma_wait3A_186, %dma_wait3A_187] : memref<10240x128xf32, #tpu.memory_space<hbm>> -> memref<10240x128xf32, #tpu.memory_space<hbm>>
    tpu.wait_indirect_dma semaphore(%arg11 : memref<!tpu.dma_semaphore, #tpu.memory_space<semaphore_mem>>) src(%dma_wait3A_188 : memref<10240x128xf32, #tpu.memory_space<hbm>>) dst(%dma_wait3A_182 : memref<96x128xf32, #tpu.memory_space<vmem>>)
    %dma_start3A_189 = arith.constant 0 : i32
    %dma_start3A_190 = arith.constant 0 : i32
    %dma_start3A_191 = arith.constant 0 : i32
    %dma_start3A_192 = arith.constant 0 : i32
    %dma_start3A_193 = tpu.memref_slice %arg9[%dma_start3A_189, %dma_start3A_191, %dma_start3A_192] : memref<3x96x128xf32, #tpu.memory_space<vmem>> -> memref<1x96x128xf32, #tpu.memory_space<vmem>>
    %dma_start3A_194 = tpu.memref_squeeze %dma_start3A_193 : memref<1x96x128xf32, #tpu.memory_space<vmem>> -> memref<96x128xf32, #tpu.memory_space<vmem>>
    %dma_start3A_195 = arith.constant 0 : i32
    %dma_start3A_196 = tpu.memref_slice %arg8[%dma_start3A_190, %dma_start3A_195] : memref<36x96xi32, #tpu.memory_space<vmem>> -> memref<1x96xi32, #tpu.memory_space<vmem>>
    %dma_start3A_197 = tpu.memref_squeeze %dma_start3A_196 : memref<1x96xi32, #tpu.memory_space<vmem>> -> memref<96xi32, #tpu.memory_space<vmem>>
    %dma_start3A_198 = arith.constant 0 : i32
    %dma_start3A_199 = arith.constant 0 : i32
    %dma_start3A_200 = tpu.memref_slice %arg10[%dma_start3A_198, %dma_start3A_199] : memref<10240x128xf32, #tpu.memory_space<vmem_shared>> -> memref<10240x128xf32, #tpu.memory_space<vmem_shared>>
    tpu.enqueue_indirect_dma source(%dma_start3A_194 : memref<96x128xf32, #tpu.memory_space<vmem>>) target(%dma_start3A_200 : memref<10240x128xf32, #tpu.memory_space<vmem_shared>>) offsets(%dma_start3A_197 : memref<96xi32, #tpu.memory_space<vmem>>) semaphore(%arg14 : memref<!tpu.dma_semaphore, #tpu.memory_space<semaphore_mem>>) {add = true}
    %dma_start3A_201 = arith.constant 2 : i32
    %dma_start3A_202 = arith.constant 2 : i32
    %dma_start3A_203 = arith.constant 0 : i32
    %dma_start3A_204 = arith.constant 0 : i32
    %dma_start3A_205 = tpu.memref_slice %arg9[%dma_start3A_202, %dma_start3A_203, %dma_start3A_204] : memref<3x96x128xf32, #tpu.memory_space<vmem>> -> memref<1x96x128xf32, #tpu.memory_space<vmem>>
    %dma_start3A_206 = tpu.memref_squeeze %dma_start3A_205 : memref<1x96x128xf32, #tpu.memory_space<vmem>> -> memref<96x128xf32, #tpu.memory_space<vmem>>
    %dma_start3A_207 = arith.constant 0 : i32
    %dma_start3A_208 = tpu.memref_slice %arg7[%dma_start3A_201, %dma_start3A_207] : memref<36x96xi32, #tpu.memory_space<vmem>> -> memref<1x96xi32, #tpu.memory_space<vmem>>
    %dma_start3A_209 = tpu.memref_squeeze %dma_start3A_208 : memref<1x96xi32, #tpu.memory_space<vmem>> -> memref<96xi32, #tpu.memory_space<vmem>>
    %dma_start3A_210 = arith.constant 0 : i32
    %dma_start3A_211 = arith.constant 0 : i32
    %dma_start3A_212 = tpu.memref_slice %arg2[%dma_start3A_210, %dma_start3A_211] : memref<10240x128xf32, #tpu.memory_space<hbm>> -> memref<10240x128xf32, #tpu.memory_space<hbm>>
    tpu.enqueue_indirect_dma source(%dma_start3A_212 : memref<10240x128xf32, #tpu.memory_space<hbm>>) target(%dma_start3A_206 : memref<96x128xf32, #tpu.memory_space<vmem>>) offsets(%dma_start3A_209 : memref<96xi32, #tpu.memory_space<vmem>>) semaphore(%arg13 : memref<!tpu.dma_semaphore, #tpu.memory_space<semaphore_mem>>)
    %dma_wait3A_213 = arith.constant 1 : i32
    %dma_wait3A_214 = arith.constant 1 : i32
    %dma_wait3A_215 = arith.constant 0 : i32
    %dma_wait3A_216 = arith.constant 0 : i32
    %dma_wait3A_217 = tpu.memref_slice %arg9[%dma_wait3A_214, %dma_wait3A_215, %dma_wait3A_216] : memref<3x96x128xf32, #tpu.memory_space<vmem>> -> memref<1x96x128xf32, #tpu.memory_space<vmem>>
    %dma_wait3A_218 = tpu.memref_squeeze %dma_wait3A_217 : memref<1x96x128xf32, #tpu.memory_space<vmem>> -> memref<96x128xf32, #tpu.memory_space<vmem>>
    %dma_wait3A_219 = arith.constant 0 : i32
    %dma_wait3A_220 = tpu.memref_slice %arg7[%dma_wait3A_213, %dma_wait3A_219] : memref<36x96xi32, #tpu.memory_space<vmem>> -> memref<1x96xi32, #tpu.memory_space<vmem>>
    %dma_wait3A_221 = tpu.memref_squeeze %dma_wait3A_220 : memref<1x96xi32, #tpu.memory_space<vmem>> -> memref<96xi32, #tpu.memory_space<vmem>>
    %dma_wait3A_222 = arith.constant 0 : i32
    %dma_wait3A_223 = arith.constant 0 : i32
    %dma_wait3A_224 = tpu.memref_slice %arg2[%dma_wait3A_222, %dma_wait3A_223] : memref<10240x128xf32, #tpu.memory_space<hbm>> -> memref<10240x128xf32, #tpu.memory_space<hbm>>
    tpu.wait_indirect_dma semaphore(%arg12 : memref<!tpu.dma_semaphore, #tpu.memory_space<semaphore_mem>>) src(%dma_wait3A_224 : memref<10240x128xf32, #tpu.memory_space<hbm>>) dst(%dma_wait3A_218 : memref<96x128xf32, #tpu.memory_space<vmem>>)
    %dma_start3A_225 = arith.constant 1 : i32
    %dma_start3A_226 = arith.constant 1 : i32
    %dma_start3A_227 = arith.constant 0 : i32
    %dma_start3A_228 = arith.constant 0 : i32
    %dma_start3A_229 = tpu.memref_slice %arg9[%dma_start3A_225, %dma_start3A_227, %dma_start3A_228] : memref<3x96x128xf32, #tpu.memory_space<vmem>> -> memref<1x96x128xf32, #tpu.memory_space<vmem>>
    %dma_start3A_230 = tpu.memref_squeeze %dma_start3A_229 : memref<1x96x128xf32, #tpu.memory_space<vmem>> -> memref<96x128xf32, #tpu.memory_space<vmem>>
    %dma_start3A_231 = arith.constant 0 : i32
    %dma_start3A_232 = tpu.memref_slice %arg8[%dma_start3A_226, %dma_start3A_231] : memref<36x96xi32, #tpu.memory_space<vmem>> -> memref<1x96xi32, #tpu.memory_space<vmem>>
    %dma_start3A_233 = tpu.memref_squeeze %dma_start3A_232 : memref<1x96xi32, #tpu.memory_space<vmem>> -> memref<96xi32, #tpu.memory_space<vmem>>
    %dma_start3A_234 = arith.constant 0 : i32
    %dma_start3A_235 = arith.constant 0 : i32
    %dma_start3A_236 = tpu.memref_slice %arg10[%dma_start3A_234, %dma_start3A_235] : memref<10240x128xf32, #tpu.memory_space<vmem_shared>> -> memref<10240x128xf32, #tpu.memory_space<vmem_shared>>
    tpu.enqueue_indirect_dma source(%dma_start3A_230 : memref<96x128xf32, #tpu.memory_space<vmem>>) target(%dma_start3A_236 : memref<10240x128xf32, #tpu.memory_space<vmem_shared>>) offsets(%dma_start3A_233 : memref<96xi32, #tpu.memory_space<vmem>>) semaphore(%arg15 : memref<!tpu.dma_semaphore, #tpu.memory_space<semaphore_mem>>) {add = true}
    %scan3A_237 = arith.constant 0 : i32
    %scan3A_238 = arith.constant 0 : i32
    %scan3A_239 = arith.constant 11 : i32
    %scan3A_240 = arith.addi %scan3A_238, %scan3A_239 : i32
    %scan3A_241 = arith.constant 1 : i32
    scf.for %scan3A_463 = %scan3A_238 to %scan3A_240 step %scan3A_241  : i32 {
      %mul3A_464 = arith.constant 3 : i32
      %mul3A_465 = arith.muli %mul3A_464, %scan3A_463 : i32
      %add3A_466 = arith.constant 3 : i32
      %add3A_467 = arith.addi %add3A_466, %mul3A_465 : i32
      %add3A_468 = arith.constant 0 : i32
      %add3A_469 = arith.addi %add3A_467, %add3A_468 : i32
      %sub3A = arith.constant 3 : i32
      %sub3A_470 = arith.subi %add3A_469, %sub3A : i32
      %dma_wait3A_471 = arith.constant 0 : i32
      %dma_wait3A_472 = arith.constant 0 : i32
      %dma_wait3A_473 = arith.constant 0 : i32
      %dma_wait3A_474 = tpu.memref_slice %arg9[%dma_wait3A_471, %dma_wait3A_472, %dma_wait3A_473] : memref<3x96x128xf32, #tpu.memory_space<vmem>> -> memref<1x96x128xf32, #tpu.memory_space<vmem>>
      %dma_wait3A_475 = tpu.memref_squeeze %dma_wait3A_474 : memref<1x96x128xf32, #tpu.memory_space<vmem>> -> memref<96x128xf32, #tpu.memory_space<vmem>>
      %dma_wait3A_476 = arith.constant 0 : i32
      %dma_wait3A_477 = tpu.memref_slice %arg8[%sub3A_470, %dma_wait3A_476] : memref<36x96xi32, #tpu.memory_space<vmem>> -> memref<1x96xi32, #tpu.memory_space<vmem>>
      %dma_wait3A_478 = tpu.memref_squeeze %dma_wait3A_477 : memref<1x96xi32, #tpu.memory_space<vmem>> -> memref<96xi32, #tpu.memory_space<vmem>>
      %dma_wait3A_479 = arith.constant 0 : i32
      %dma_wait3A_480 = arith.constant 0 : i32
      %dma_wait3A_481 = tpu.memref_slice %arg10[%dma_wait3A_479, %dma_wait3A_480] : memref<10240x128xf32, #tpu.memory_space<vmem_shared>> -> memref<10240x128xf32, #tpu.memory_space<vmem_shared>>
      tpu.wait_indirect_dma semaphore(%arg14 : memref<!tpu.dma_semaphore, #tpu.memory_space<semaphore_mem>>) src(%dma_wait3A_475 : memref<96x128xf32, #tpu.memory_space<vmem>>) dst(%dma_wait3A_481 : memref<10240x128xf32, #tpu.memory_space<vmem_shared>>)
      %dma_start3A_482 = arith.constant 0 : i32
      %dma_start3A_483 = arith.constant 0 : i32
      %dma_start3A_484 = arith.constant 0 : i32
      %dma_start3A_485 = tpu.memref_slice %arg9[%dma_start3A_482, %dma_start3A_483, %dma_start3A_484] : memref<3x96x128xf32, #tpu.memory_space<vmem>> -> memref<1x96x128xf32, #tpu.memory_space<vmem>>
      %dma_start3A_486 = tpu.memref_squeeze %dma_start3A_485 : memref<1x96x128xf32, #tpu.memory_space<vmem>> -> memref<96x128xf32, #tpu.memory_space<vmem>>
      %dma_start3A_487 = arith.constant 0 : i32
      %dma_start3A_488 = tpu.memref_slice %arg7[%add3A_469, %dma_start3A_487] : memref<36x96xi32, #tpu.memory_space<vmem>> -> memref<1x96xi32, #tpu.memory_space<vmem>>
      %dma_start3A_489 = tpu.memref_squeeze %dma_start3A_488 : memref<1x96xi32, #tpu.memory_space<vmem>> -> memref<96xi32, #tpu.memory_space<vmem>>
      %dma_start3A_490 = arith.constant 0 : i32
      %dma_start3A_491 = arith.constant 0 : i32
      %dma_start3A_492 = tpu.memref_slice %arg2[%dma_start3A_490, %dma_start3A_491] : memref<10240x128xf32, #tpu.memory_space<hbm>> -> memref<10240x128xf32, #tpu.memory_space<hbm>>
      tpu.enqueue_indirect_dma source(%dma_start3A_492 : memref<10240x128xf32, #tpu.memory_space<hbm>>) target(%dma_start3A_486 : memref<96x128xf32, #tpu.memory_space<vmem>>) offsets(%dma_start3A_489 : memref<96xi32, #tpu.memory_space<vmem>>) semaphore(%arg11 : memref<!tpu.dma_semaphore, #tpu.memory_space<semaphore_mem>>)
      %sub3A_493 = arith.constant 1 : i32
      %sub3A_494 = arith.subi %add3A_469, %sub3A_493 : i32
      %dma_wait3A_495 = arith.constant 2 : i32
      %dma_wait3A_496 = arith.constant 0 : i32
      %dma_wait3A_497 = arith.constant 0 : i32
      %dma_wait3A_498 = tpu.memref_slice %arg9[%dma_wait3A_495, %dma_wait3A_496, %dma_wait3A_497] : memref<3x96x128xf32, #tpu.memory_space<vmem>> -> memref<1x96x128xf32, #tpu.memory_space<vmem>>
      %dma_wait3A_499 = tpu.memref_squeeze %dma_wait3A_498 : memref<1x96x128xf32, #tpu.memory_space<vmem>> -> memref<96x128xf32, #tpu.memory_space<vmem>>
      %dma_wait3A_500 = arith.constant 0 : i32
      %dma_wait3A_501 = tpu.memref_slice %arg7[%sub3A_494, %dma_wait3A_500] : memref<36x96xi32, #tpu.memory_space<vmem>> -> memref<1x96xi32, #tpu.memory_space<vmem>>
      %dma_wait3A_502 = tpu.memref_squeeze %dma_wait3A_501 : memref<1x96xi32, #tpu.memory_space<vmem>> -> memref<96xi32, #tpu.memory_space<vmem>>
      %dma_wait3A_503 = arith.constant 0 : i32
      %dma_wait3A_504 = arith.constant 0 : i32
      %dma_wait3A_505 = tpu.memref_slice %arg2[%dma_wait3A_503, %dma_wait3A_504] : memref<10240x128xf32, #tpu.memory_space<hbm>> -> memref<10240x128xf32, #tpu.memory_space<hbm>>
      tpu.wait_indirect_dma semaphore(%arg13 : memref<!tpu.dma_semaphore, #tpu.memory_space<semaphore_mem>>) src(%dma_wait3A_505 : memref<10240x128xf32, #tpu.memory_space<hbm>>) dst(%dma_wait3A_499 : memref<96x128xf32, #tpu.memory_space<vmem>>)
      %sub3A_506 = arith.constant 1 : i32
      %sub3A_507 = arith.subi %add3A_469, %sub3A_506 : i32
      %dma_start3A_508 = arith.constant 2 : i32
      %dma_start3A_509 = arith.constant 0 : i32
      %dma_start3A_510 = arith.constant 0 : i32
      %dma_start3A_511 = tpu.memref_slice %arg9[%dma_start3A_508, %dma_start3A_509, %dma_start3A_510] : memref<3x96x128xf32, #tpu.memory_space<vmem>> -> memref<1x96x128xf32, #tpu.memory_space<vmem>>
      %dma_start3A_512 = tpu.memref_squeeze %dma_start3A_511 : memref<1x96x128xf32, #tpu.memory_space<vmem>> -> memref<96x128xf32, #tpu.memory_space<vmem>>
      %dma_start3A_513 = arith.constant 0 : i32
      %dma_start3A_514 = tpu.memref_slice %arg8[%sub3A_507, %dma_start3A_513] : memref<36x96xi32, #tpu.memory_space<vmem>> -> memref<1x96xi32, #tpu.memory_space<vmem>>
      %dma_start3A_515 = tpu.memref_squeeze %dma_start3A_514 : memref<1x96xi32, #tpu.memory_space<vmem>> -> memref<96xi32, #tpu.memory_space<vmem>>
      %dma_start3A_516 = arith.constant 0 : i32
      %dma_start3A_517 = arith.constant 0 : i32
      %dma_start3A_518 = tpu.memref_slice %arg10[%dma_start3A_516, %dma_start3A_517] : memref<10240x128xf32, #tpu.memory_space<vmem_shared>> -> memref<10240x128xf32, #tpu.memory_space<vmem_shared>>
      tpu.enqueue_indirect_dma source(%dma_start3A_512 : memref<96x128xf32, #tpu.memory_space<vmem>>) target(%dma_start3A_518 : memref<10240x128xf32, #tpu.memory_space<vmem_shared>>) offsets(%dma_start3A_515 : memref<96xi32, #tpu.memory_space<vmem>>) semaphore(%arg16 : memref<!tpu.dma_semaphore, #tpu.memory_space<semaphore_mem>>) {add = true}
      %add3A_519 = arith.constant 1 : i32
      %add3A_520 = arith.addi %add3A_467, %add3A_519 : i32
      %sub3A_521 = arith.constant 3 : i32
      %sub3A_522 = arith.subi %add3A_520, %sub3A_521 : i32
      %dma_wait3A_523 = arith.constant 1 : i32
      %dma_wait3A_524 = arith.constant 0 : i32
      %dma_wait3A_525 = arith.constant 0 : i32
      %dma_wait3A_526 = tpu.memref_slice %arg9[%dma_wait3A_523, %dma_wait3A_524, %dma_wait3A_525] : memref<3x96x128xf32, #tpu.memory_space<vmem>> -> memref<1x96x128xf32, #tpu.memory_space<vmem>>
      %dma_wait3A_527 = tpu.memref_squeeze %dma_wait3A_526 : memref<1x96x128xf32, #tpu.memory_space<vmem>> -> memref<96x128xf32, #tpu.memory_space<vmem>>
      %dma_wait3A_528 = arith.constant 0 : i32
      %dma_wait3A_529 = tpu.memref_slice %arg8[%sub3A_522, %dma_wait3A_528] : memref<36x96xi32, #tpu.memory_space<vmem>> -> memref<1x96xi32, #tpu.memory_space<vmem>>
      %dma_wait3A_530 = tpu.memref_squeeze %dma_wait3A_529 : memref<1x96xi32, #tpu.memory_space<vmem>> -> memref<96xi32, #tpu.memory_space<vmem>>
      %dma_wait3A_531 = arith.constant 0 : i32
      %dma_wait3A_532 = arith.constant 0 : i32
      %dma_wait3A_533 = tpu.memref_slice %arg10[%dma_wait3A_531, %dma_wait3A_532] : memref<10240x128xf32, #tpu.memory_space<vmem_shared>> -> memref<10240x128xf32, #tpu.memory_space<vmem_shared>>
      tpu.wait_indirect_dma semaphore(%arg15 : memref<!tpu.dma_semaphore, #tpu.memory_space<semaphore_mem>>) src(%dma_wait3A_527 : memref<96x128xf32, #tpu.memory_space<vmem>>) dst(%dma_wait3A_533 : memref<10240x128xf32, #tpu.memory_space<vmem_shared>>)
      %dma_start3A_534 = arith.constant 1 : i32
      %dma_start3A_535 = arith.constant 0 : i32
      %dma_start3A_536 = arith.constant 0 : i32
      %dma_start3A_537 = tpu.memref_slice %arg9[%dma_start3A_534, %dma_start3A_535, %dma_start3A_536] : memref<3x96x128xf32, #tpu.memory_space<vmem>> -> memref<1x96x128xf32, #tpu.memory_space<vmem>>
      %dma_start3A_538 = tpu.memref_squeeze %dma_start3A_537 : memref<1x96x128xf32, #tpu.memory_space<vmem>> -> memref<96x128xf32, #tpu.memory_space<vmem>>
      %dma_start3A_539 = arith.constant 0 : i32
      %dma_start3A_540 = tpu.memref_slice %arg7[%add3A_520, %dma_start3A_539] : memref<36x96xi32, #tpu.memory_space<vmem>> -> memref<1x96xi32, #tpu.memory_space<vmem>>
      %dma_start3A_541 = tpu.memref_squeeze %dma_start3A_540 : memref<1x96xi32, #tpu.memory_space<vmem>> -> memref<96xi32, #tpu.memory_space<vmem>>
      %dma_start3A_542 = arith.constant 0 : i32
      %dma_start3A_543 = arith.constant 0 : i32
      %dma_start3A_544 = tpu.memref_slice %arg2[%dma_start3A_542, %dma_start3A_543] : memref<10240x128xf32, #tpu.memory_space<hbm>> -> memref<10240x128xf32, #tpu.memory_space<hbm>>
      tpu.enqueue_indirect_dma source(%dma_start3A_544 : memref<10240x128xf32, #tpu.memory_space<hbm>>) target(%dma_start3A_538 : memref<96x128xf32, #tpu.memory_space<vmem>>) offsets(%dma_start3A_541 : memref<96xi32, #tpu.memory_space<vmem>>) semaphore(%arg12 : memref<!tpu.dma_semaphore, #tpu.memory_space<semaphore_mem>>)
      %sub3A_545 = arith.constant 1 : i32
      %sub3A_546 = arith.subi %add3A_520, %sub3A_545 : i32
      %dma_wait3A_547 = arith.constant 0 : i32
      %dma_wait3A_548 = arith.constant 0 : i32
      %dma_wait3A_549 = arith.constant 0 : i32
      %dma_wait3A_550 = tpu.memref_slice %arg9[%dma_wait3A_547, %dma_wait3A_548, %dma_wait3A_549] : memref<3x96x128xf32, #tpu.memory_space<vmem>> -> memref<1x96x128xf32, #tpu.memory_space<vmem>>
      %dma_wait3A_551 = tpu.memref_squeeze %dma_wait3A_550 : memref<1x96x128xf32, #tpu.memory_space<vmem>> -> memref<96x128xf32, #tpu.memory_space<vmem>>
      %dma_wait3A_552 = arith.constant 0 : i32
      %dma_wait3A_553 = tpu.memref_slice %arg7[%sub3A_546, %dma_wait3A_552] : memref<36x96xi32, #tpu.memory_space<vmem>> -> memref<1x96xi32, #tpu.memory_space<vmem>>
      %dma_wait3A_554 = tpu.memref_squeeze %dma_wait3A_553 : memref<1x96xi32, #tpu.memory_space<vmem>> -> memref<96xi32, #tpu.memory_space<vmem>>
      %dma_wait3A_555 = arith.constant 0 : i32
      %dma_wait3A_556 = arith.constant 0 : i32
      %dma_wait3A_557 = tpu.memref_slice %arg2[%dma_wait3A_555, %dma_wait3A_556] : memref<10240x128xf32, #tpu.memory_space<hbm>> -> memref<10240x128xf32, #tpu.memory_space<hbm>>
      tpu.wait_indirect_dma semaphore(%arg11 : memref<!tpu.dma_semaphore, #tpu.memory_space<semaphore_mem>>) src(%dma_wait3A_557 : memref<10240x128xf32, #tpu.memory_space<hbm>>) dst(%dma_wait3A_551 : memref<96x128xf32, #tpu.memory_space<vmem>>)
      %sub3A_558 = arith.constant 1 : i32
      %sub3A_559 = arith.subi %add3A_520, %sub3A_558 : i32
      %dma_start3A_560 = arith.constant 0 : i32
      %dma_start3A_561 = arith.constant 0 : i32
      %dma_start3A_562 = arith.constant 0 : i32
      %dma_start3A_563 = tpu.memref_slice %arg9[%dma_start3A_560, %dma_start3A_561, %dma_start3A_562] : memref<3x96x128xf32, #tpu.memory_space<vmem>> -> memref<1x96x128xf32, #tpu.memory_space<vmem>>
      %dma_start3A_564 = tpu.memref_squeeze %dma_start3A_563 : memref<1x96x128xf32, #tpu.memory_space<vmem>> -> memref<96x128xf32, #tpu.memory_space<vmem>>
      %dma_start3A_565 = arith.constant 0 : i32
      %dma_start3A_566 = tpu.memref_slice %arg8[%sub3A_559, %dma_start3A_565] : memref<36x96xi32, #tpu.memory_space<vmem>> -> memref<1x96xi32, #tpu.memory_space<vmem>>
      %dma_start3A_567 = tpu.memref_squeeze %dma_start3A_566 : memref<1x96xi32, #tpu.memory_space<vmem>> -> memref<96xi32, #tpu.memory_space<vmem>>
      %dma_start3A_568 = arith.constant 0 : i32
      %dma_start3A_569 = arith.constant 0 : i32
      %dma_start3A_570 = tpu.memref_slice %arg10[%dma_start3A_568, %dma_start3A_569] : memref<10240x128xf32, #tpu.memory_space<vmem_shared>> -> memref<10240x128xf32, #tpu.memory_space<vmem_shared>>
      tpu.enqueue_indirect_dma source(%dma_start3A_564 : memref<96x128xf32, #tpu.memory_space<vmem>>) target(%dma_start3A_570 : memref<10240x128xf32, #tpu.memory_space<vmem_shared>>) offsets(%dma_start3A_567 : memref<96xi32, #tpu.memory_space<vmem>>) semaphore(%arg14 : memref<!tpu.dma_semaphore, #tpu.memory_space<semaphore_mem>>) {add = true}
      %add3A_571 = arith.constant 2 : i32
      %add3A_572 = arith.addi %add3A_467, %add3A_571 : i32
      %sub3A_573 = arith.constant 3 : i32
      %sub3A_574 = arith.subi %add3A_572, %sub3A_573 : i32
      %dma_wait3A_575 = arith.constant 2 : i32
      %dma_wait3A_576 = arith.constant 0 : i32
      %dma_wait3A_577 = arith.constant 0 : i32
      %dma_wait3A_578 = tpu.memref_slice %arg9[%dma_wait3A_575, %dma_wait3A_576, %dma_wait3A_577] : memref<3x96x128xf32, #tpu.memory_space<vmem>> -> memref<1x96x128xf32, #tpu.memory_space<vmem>>
      %dma_wait3A_579 = tpu.memref_squeeze %dma_wait3A_578 : memref<1x96x128xf32, #tpu.memory_space<vmem>> -> memref<96x128xf32, #tpu.memory_space<vmem>>
      %dma_wait3A_580 = arith.constant 0 : i32
      %dma_wait3A_581 = tpu.memref_slice %arg8[%sub3A_574, %dma_wait3A_580] : memref<36x96xi32, #tpu.memory_space<vmem>> -> memref<1x96xi32, #tpu.memory_space<vmem>>
      %dma_wait3A_582 = tpu.memref_squeeze %dma_wait3A_581 : memref<1x96xi32, #tpu.memory_space<vmem>> -> memref<96xi32, #tpu.memory_space<vmem>>
      %dma_wait3A_583 = arith.constant 0 : i32
      %dma_wait3A_584 = arith.constant 0 : i32
      %dma_wait3A_585 = tpu.memref_slice %arg10[%dma_wait3A_583, %dma_wait3A_584] : memref<10240x128xf32, #tpu.memory_space<vmem_shared>> -> memref<10240x128xf32, #tpu.memory_space<vmem_shared>>
      tpu.wait_indirect_dma semaphore(%arg16 : memref<!tpu.dma_semaphore, #tpu.memory_space<semaphore_mem>>) src(%dma_wait3A_579 : memref<96x128xf32, #tpu.memory_space<vmem>>) dst(%dma_wait3A_585 : memref<10240x128xf32, #tpu.memory_space<vmem_shared>>)
      %dma_start3A_586 = arith.constant 2 : i32
      %dma_start3A_587 = arith.constant 0 : i32
      %dma_start3A_588 = arith.constant 0 : i32
      %dma_start3A_589 = tpu.memref_slice %arg9[%dma_start3A_586, %dma_start3A_587, %dma_start3A_588] : memref<3x96x128xf32, #tpu.memory_space<vmem>> -> memref<1x96x128xf32, #tpu.memory_space<vmem>>
      %dma_start3A_590 = tpu.memref_squeeze %dma_start3A_589 : memref<1x96x128xf32, #tpu.memory_space<vmem>> -> memref<96x128xf32, #tpu.memory_space<vmem>>
      %dma_start3A_591 = arith.constant 0 : i32
      %dma_start3A_592 = tpu.memref_slice %arg7[%add3A_572, %dma_start3A_591] : memref<36x96xi32, #tpu.memory_space<vmem>> -> memref<1x96xi32, #tpu.memory_space<vmem>>
      %dma_start3A_593 = tpu.memref_squeeze %dma_start3A_592 : memref<1x96xi32, #tpu.memory_space<vmem>> -> memref<96xi32, #tpu.memory_space<vmem>>
      %dma_start3A_594 = arith.constant 0 : i32
      %dma_start3A_595 = arith.constant 0 : i32
      %dma_start3A_596 = tpu.memref_slice %arg2[%dma_start3A_594, %dma_start3A_595] : memref<10240x128xf32, #tpu.memory_space<hbm>> -> memref<10240x128xf32, #tpu.memory_space<hbm>>
      tpu.enqueue_indirect_dma source(%dma_start3A_596 : memref<10240x128xf32, #tpu.memory_space<hbm>>) target(%dma_start3A_590 : memref<96x128xf32, #tpu.memory_space<vmem>>) offsets(%dma_start3A_593 : memref<96xi32, #tpu.memory_space<vmem>>) semaphore(%arg13 : memref<!tpu.dma_semaphore, #tpu.memory_space<semaphore_mem>>)
      %sub3A_597 = arith.constant 1 : i32
      %sub3A_598 = arith.subi %add3A_572, %sub3A_597 : i32
      %dma_wait3A_599 = arith.constant 1 : i32
      %dma_wait3A_600 = arith.constant 0 : i32
      %dma_wait3A_601 = arith.constant 0 : i32
      %dma_wait3A_602 = tpu.memref_slice %arg9[%dma_wait3A_599, %dma_wait3A_600, %dma_wait3A_601] : memref<3x96x128xf32, #tpu.memory_space<vmem>> -> memref<1x96x128xf32, #tpu.memory_space<vmem>>
      %dma_wait3A_603 = tpu.memref_squeeze %dma_wait3A_602 : memref<1x96x128xf32, #tpu.memory_space<vmem>> -> memref<96x128xf32, #tpu.memory_space<vmem>>
      %dma_wait3A_604 = arith.constant 0 : i32
      %dma_wait3A_605 = tpu.memref_slice %arg7[%sub3A_598, %dma_wait3A_604] : memref<36x96xi32, #tpu.memory_space<vmem>> -> memref<1x96xi32, #tpu.memory_space<vmem>>
      %dma_wait3A_606 = tpu.memref_squeeze %dma_wait3A_605 : memref<1x96xi32, #tpu.memory_space<vmem>> -> memref<96xi32, #tpu.memory_space<vmem>>
      %dma_wait3A_607 = arith.constant 0 : i32
      %dma_wait3A_608 = arith.constant 0 : i32
      %dma_wait3A_609 = tpu.memref_slice %arg2[%dma_wait3A_607, %dma_wait3A_608] : memref<10240x128xf32, #tpu.memory_space<hbm>> -> memref<10240x128xf32, #tpu.memory_space<hbm>>
      tpu.wait_indirect_dma semaphore(%arg12 : memref<!tpu.dma_semaphore, #tpu.memory_space<semaphore_mem>>) src(%dma_wait3A_609 : memref<10240x128xf32, #tpu.memory_space<hbm>>) dst(%dma_wait3A_603 : memref<96x128xf32, #tpu.memory_space<vmem>>)
      %sub3A_610 = arith.constant 1 : i32
      %sub3A_611 = arith.subi %add3A_572, %sub3A_610 : i32
      %dma_start3A_612 = arith.constant 1 : i32
      %dma_start3A_613 = arith.constant 0 : i32
      %dma_start3A_614 = arith.constant 0 : i32
      %dma_start3A_615 = tpu.memref_slice %arg9[%dma_start3A_612, %dma_start3A_613, %dma_start3A_614] : memref<3x96x128xf32, #tpu.memory_space<vmem>> -> memref<1x96x128xf32, #tpu.memory_space<vmem>>
      %dma_start3A_616 = tpu.memref_squeeze %dma_start3A_615 : memref<1x96x128xf32, #tpu.memory_space<vmem>> -> memref<96x128xf32, #tpu.memory_space<vmem>>
      %dma_start3A_617 = arith.constant 0 : i32
      %dma_start3A_618 = tpu.memref_slice %arg8[%sub3A_611, %dma_start3A_617] : memref<36x96xi32, #tpu.memory_space<vmem>> -> memref<1x96xi32, #tpu.memory_space<vmem>>
      %dma_start3A_619 = tpu.memref_squeeze %dma_start3A_618 : memref<1x96xi32, #tpu.memory_space<vmem>> -> memref<96xi32, #tpu.memory_space<vmem>>
      %dma_start3A_620 = arith.constant 0 : i32
      %dma_start3A_621 = arith.constant 0 : i32
      %dma_start3A_622 = tpu.memref_slice %arg10[%dma_start3A_620, %dma_start3A_621] : memref<10240x128xf32, #tpu.memory_space<vmem_shared>> -> memref<10240x128xf32, #tpu.memory_space<vmem_shared>>
      tpu.enqueue_indirect_dma source(%dma_start3A_616 : memref<96x128xf32, #tpu.memory_space<vmem>>) target(%dma_start3A_622 : memref<10240x128xf32, #tpu.memory_space<vmem_shared>>) offsets(%dma_start3A_619 : memref<96xi32, #tpu.memory_space<vmem>>) semaphore(%arg15 : memref<!tpu.dma_semaphore, #tpu.memory_space<semaphore_mem>>) {add = true}
    }
    %scan3A_242 = arith.constant 11 : i32
    %dma_wait3A_243 = arith.constant 35 : i32
    %dma_wait3A_244 = arith.constant 2 : i32
    %dma_wait3A_245 = arith.constant 0 : i32
    %dma_wait3A_246 = arith.constant 0 : i32
    %dma_wait3A_247 = tpu.memref_slice %arg9[%dma_wait3A_244, %dma_wait3A_245, %dma_wait3A_246] : memref<3x96x128xf32, #tpu.memory_space<vmem>> -> memref<1x96x128xf32, #tpu.memory_space<vmem>>
    %dma_wait3A_248 = tpu.memref_squeeze %dma_wait3A_247 : memref<1x96x128xf32, #tpu.memory_space<vmem>> -> memref<96x128xf32, #tpu.memory_space<vmem>>
    %dma_wait3A_249 = arith.constant 0 : i32
    %dma_wait3A_250 = tpu.memref_slice %arg7[%dma_wait3A_243, %dma_wait3A_249] : memref<36x96xi32, #tpu.memory_space<vmem>> -> memref<1x96xi32, #tpu.memory_space<vmem>>
    %dma_wait3A_251 = tpu.memref_squeeze %dma_wait3A_250 : memref<1x96xi32, #tpu.memory_space<vmem>> -> memref<96xi32, #tpu.memory_space<vmem>>
    %dma_wait3A_252 = arith.constant 0 : i32
    %dma_wait3A_253 = arith.constant 0 : i32
    %dma_wait3A_254 = tpu.memref_slice %arg2[%dma_wait3A_252, %dma_wait3A_253] : memref<10240x128xf32, #tpu.memory_space<hbm>> -> memref<10240x128xf32, #tpu.memory_space<hbm>>
    tpu.wait_indirect_dma semaphore(%arg13 : memref<!tpu.dma_semaphore, #tpu.memory_space<semaphore_mem>>) src(%dma_wait3A_254 : memref<10240x128xf32, #tpu.memory_space<hbm>>) dst(%dma_wait3A_248 : memref<96x128xf32, #tpu.memory_space<vmem>>)
    %dma_start3A_255 = arith.constant 2 : i32
    %dma_start3A_256 = arith.constant 35 : i32
    %dma_start3A_257 = arith.constant 0 : i32
    %dma_start3A_258 = arith.constant 0 : i32
    %dma_start3A_259 = tpu.memref_slice %arg9[%dma_start3A_255, %dma_start3A_257, %dma_start3A_258] : memref<3x96x128xf32, #tpu.memory_space<vmem>> -> memref<1x96x128xf32, #tpu.memory_space<vmem>>
    %dma_start3A_260 = tpu.memref_squeeze %dma_start3A_259 : memref<1x96x128xf32, #tpu.memory_space<vmem>> -> memref<96x128xf32, #tpu.memory_space<vmem>>
    %dma_start3A_261 = arith.constant 0 : i32
    %dma_start3A_262 = tpu.memref_slice %arg8[%dma_start3A_256, %dma_start3A_261] : memref<36x96xi32, #tpu.memory_space<vmem>> -> memref<1x96xi32, #tpu.memory_space<vmem>>
    %dma_start3A_263 = tpu.memref_squeeze %dma_start3A_262 : memref<1x96xi32, #tpu.memory_space<vmem>> -> memref<96xi32, #tpu.memory_space<vmem>>
    %dma_start3A_264 = arith.constant 0 : i32
    %dma_start3A_265 = arith.constant 0 : i32
    %dma_start3A_266 = tpu.memref_slice %arg10[%dma_start3A_264, %dma_start3A_265] : memref<10240x128xf32, #tpu.memory_space<vmem_shared>> -> memref<10240x128xf32, #tpu.memory_space<vmem_shared>>
    tpu.enqueue_indirect_dma source(%dma_start3A_260 : memref<96x128xf32, #tpu.memory_space<vmem>>) target(%dma_start3A_266 : memref<10240x128xf32, #tpu.memory_space<vmem_shared>>) offsets(%dma_start3A_263 : memref<96xi32, #tpu.memory_space<vmem>>) semaphore(%arg16 : memref<!tpu.dma_semaphore, #tpu.memory_space<semaphore_mem>>) {add = true}
    %dma_wait3A_267 = arith.constant 0 : i32
    %dma_wait3A_268 = arith.constant 33 : i32
    %dma_wait3A_269 = arith.constant 0 : i32
    %dma_wait3A_270 = arith.constant 0 : i32
    %dma_wait3A_271 = tpu.memref_slice %arg9[%dma_wait3A_267, %dma_wait3A_269, %dma_wait3A_270] : memref<3x96x128xf32, #tpu.memory_space<vmem>> -> memref<1x96x128xf32, #tpu.memory_space<vmem>>
    %dma_wait3A_272 = tpu.memref_squeeze %dma_wait3A_271 : memref<1x96x128xf32, #tpu.memory_space<vmem>> -> memref<96x128xf32, #tpu.memory_space<vmem>>
    %dma_wait3A_273 = arith.constant 0 : i32
    %dma_wait3A_274 = tpu.memref_slice %arg8[%dma_wait3A_268, %dma_wait3A_273] : memref<36x96xi32, #tpu.memory_space<vmem>> -> memref<1x96xi32, #tpu.memory_space<vmem>>
    %dma_wait3A_275 = tpu.memref_squeeze %dma_wait3A_274 : memref<1x96xi32, #tpu.memory_space<vmem>> -> memref<96xi32, #tpu.memory_space<vmem>>
    %dma_wait3A_276 = arith.constant 0 : i32
    %dma_wait3A_277 = arith.constant 0 : i32
    %dma_wait3A_278 = tpu.memref_slice %arg10[%dma_wait3A_276, %dma_wait3A_277] : memref<10240x128xf32, #tpu.memory_space<vmem_shared>> -> memref<10240x128xf32, #tpu.memory_space<vmem_shared>>
    tpu.wait_indirect_dma semaphore(%arg14 : memref<!tpu.dma_semaphore, #tpu.memory_space<semaphore_mem>>) src(%dma_wait3A_272 : memref<96x128xf32, #tpu.memory_space<vmem>>) dst(%dma_wait3A_278 : memref<10240x128xf32, #tpu.memory_space<vmem_shared>>)
    %dma_wait3A_279 = arith.constant 1 : i32
    %dma_wait3A_280 = arith.constant 34 : i32
    %dma_wait3A_281 = arith.constant 0 : i32
    %dma_wait3A_282 = arith.constant 0 : i32
    %dma_wait3A_283 = tpu.memref_slice %arg9[%dma_wait3A_279, %dma_wait3A_281, %dma_wait3A_282] : memref<3x96x128xf32, #tpu.memory_space<vmem>> -> memref<1x96x128xf32, #tpu.memory_space<vmem>>
    %dma_wait3A_284 = tpu.memref_squeeze %dma_wait3A_283 : memref<1x96x128xf32, #tpu.memory_space<vmem>> -> memref<96x128xf32, #tpu.memory_space<vmem>>
    %dma_wait3A_285 = arith.constant 0 : i32
    %dma_wait3A_286 = tpu.memref_slice %arg8[%dma_wait3A_280, %dma_wait3A_285] : memref<36x96xi32, #tpu.memory_space<vmem>> -> memref<1x96xi32, #tpu.memory_space<vmem>>
    %dma_wait3A_287 = tpu.memref_squeeze %dma_wait3A_286 : memref<1x96xi32, #tpu.memory_space<vmem>> -> memref<96xi32, #tpu.memory_space<vmem>>
    %dma_wait3A_288 = arith.constant 0 : i32
    %dma_wait3A_289 = arith.constant 0 : i32
    %dma_wait3A_290 = tpu.memref_slice %arg10[%dma_wait3A_288, %dma_wait3A_289] : memref<10240x128xf32, #tpu.memory_space<vmem_shared>> -> memref<10240x128xf32, #tpu.memory_space<vmem_shared>>
    tpu.wait_indirect_dma semaphore(%arg15 : memref<!tpu.dma_semaphore, #tpu.memory_space<semaphore_mem>>) src(%dma_wait3A_284 : memref<96x128xf32, #tpu.memory_space<vmem>>) dst(%dma_wait3A_290 : memref<10240x128xf32, #tpu.memory_space<vmem_shared>>)
    %dma_wait3A_291 = arith.constant 2 : i32
    %dma_wait3A_292 = arith.constant 35 : i32
    %dma_wait3A_293 = arith.constant 0 : i32
    %dma_wait3A_294 = arith.constant 0 : i32
    %dma_wait3A_295 = tpu.memref_slice %arg9[%dma_wait3A_291, %dma_wait3A_293, %dma_wait3A_294] : memref<3x96x128xf32, #tpu.memory_space<vmem>> -> memref<1x96x128xf32, #tpu.memory_space<vmem>>
    %dma_wait3A_296 = tpu.memref_squeeze %dma_wait3A_295 : memref<1x96x128xf32, #tpu.memory_space<vmem>> -> memref<96x128xf32, #tpu.memory_space<vmem>>
    %dma_wait3A_297 = arith.constant 0 : i32
    %dma_wait3A_298 = tpu.memref_slice %arg8[%dma_wait3A_292, %dma_wait3A_297] : memref<36x96xi32, #tpu.memory_space<vmem>> -> memref<1x96xi32, #tpu.memory_space<vmem>>
    %dma_wait3A_299 = tpu.memref_squeeze %dma_wait3A_298 : memref<1x96xi32, #tpu.memory_space<vmem>> -> memref<96xi32, #tpu.memory_space<vmem>>
    %dma_wait3A_300 = arith.constant 0 : i32
    %dma_wait3A_301 = arith.constant 0 : i32
    %dma_wait3A_302 = tpu.memref_slice %arg10[%dma_wait3A_300, %dma_wait3A_301] : memref<10240x128xf32, #tpu.memory_space<vmem_shared>> -> memref<10240x128xf32, #tpu.memory_space<vmem_shared>>
    tpu.wait_indirect_dma semaphore(%arg16 : memref<!tpu.dma_semaphore, #tpu.memory_space<semaphore_mem>>) src(%dma_wait3A_296 : memref<96x128xf32, #tpu.memory_space<vmem>>) dst(%dma_wait3A_302 : memref<10240x128xf32, #tpu.memory_space<vmem_shared>>)
    %run_scoped3A_303 = arith.constant 2 : i32
    "tpu.region"() ({
      %run_scoped3A_463 = tpu.sem_alloc : memref<!tpu.dma_semaphore, #tpu.memory_space<semaphore_mem>>
      %dma_start3A_464 = arith.constant 0 : i32
      %dma_start3A_465 = arith.constant 0 : i32
      %dma_start3A_466 = tpu.memref_slice %arg3[%add3A, %run_scoped3A_303, %dma_start3A_464, %dma_start3A_465] : memref<32x3x36x96xi32, #tpu.memory_space<hbm>> -> memref<1x1x36x96xi32, #tpu.memory_space<hbm>>
      %dma_start3A_467 = tpu.memref_squeeze %dma_start3A_466 : memref<1x1x36x96xi32, #tpu.memory_space<hbm>> -> memref<36x96xi32, #tpu.memory_space<hbm>>
      %dma_start3A_468 = arith.constant 0 : i32
      %dma_start3A_469 = arith.constant 0 : i32
      %dma_start3A_470 = tpu.memref_slice %arg3[%add3A, %run_scoped3A_303, %dma_start3A_468, %dma_start3A_469] : memref<32x3x36x96xi32, #tpu.memory_space<hbm>> -> memref<1x1x36x96xi32, #tpu.memory_space<hbm>>
      %dma_start3A_471 = tpu.memref_squeeze %dma_start3A_470 : memref<1x1x36x96xi32, #tpu.memory_space<hbm>> -> memref<36x96xi32, #tpu.memory_space<hbm>>
      tpu.enqueue_dma source(%dma_start3A_471 : memref<36x96xi32, #tpu.memory_space<hbm>>) target(%arg7 : memref<36x96xi32, #tpu.memory_space<vmem>>) target_semaphore(%run_scoped3A_463 : memref<!tpu.dma_semaphore, #tpu.memory_space<semaphore_mem>>)
      %dma_wait3A_472 = arith.constant 0 : i32
      %dma_wait3A_473 = arith.constant 0 : i32
      %dma_wait3A_474 = tpu.memref_slice %arg3[%add3A, %run_scoped3A_303, %dma_wait3A_472, %dma_wait3A_473] : memref<32x3x36x96xi32, #tpu.memory_space<hbm>> -> memref<1x1x36x96xi32, #tpu.memory_space<hbm>>
      %dma_wait3A_475 = tpu.memref_squeeze %dma_wait3A_474 : memref<1x1x36x96xi32, #tpu.memory_space<hbm>> -> memref<36x96xi32, #tpu.memory_space<hbm>>
      %dma_wait3A_476 = arith.constant 0 : i32
      %dma_wait3A_477 = arith.constant 0 : i32
      %dma_wait3A_478 = tpu.memref_slice %arg3[%add3A, %run_scoped3A_303, %dma_wait3A_476, %dma_wait3A_477] : memref<32x3x36x96xi32, #tpu.memory_space<hbm>> -> memref<1x1x36x96xi32, #tpu.memory_space<hbm>>
      %dma_wait3A_479 = tpu.memref_squeeze %dma_wait3A_478 : memref<1x1x36x96xi32, #tpu.memory_space<hbm>> -> memref<36x96xi32, #tpu.memory_space<hbm>>
      tpu.wait_dma2 semaphore(%run_scoped3A_463 : memref<!tpu.dma_semaphore, #tpu.memory_space<semaphore_mem>>) src(%dma_wait3A_479 : memref<36x96xi32, #tpu.memory_space<hbm>>) dst(%arg7 : memref<36x96xi32, #tpu.memory_space<vmem>>)
      tpu.yield
    }) : () -> ()
    %run_scoped3A_304 = arith.constant 2 : i32
    "tpu.region"() ({
      %run_scoped3A_463 = tpu.sem_alloc : memref<!tpu.dma_semaphore, #tpu.memory_space<semaphore_mem>>
      %dma_start3A_464 = arith.constant 0 : i32
      %dma_start3A_465 = arith.constant 0 : i32
      %dma_start3A_466 = tpu.memref_slice %arg4[%add3A, %run_scoped3A_304, %dma_start3A_464, %dma_start3A_465] : memref<32x3x36x96xi32, #tpu.memory_space<hbm>> -> memref<1x1x36x96xi32, #tpu.memory_space<hbm>>
      %dma_start3A_467 = tpu.memref_squeeze %dma_start3A_466 : memref<1x1x36x96xi32, #tpu.memory_space<hbm>> -> memref<36x96xi32, #tpu.memory_space<hbm>>
      %dma_start3A_468 = arith.constant 0 : i32
      %dma_start3A_469 = arith.constant 0 : i32
      %dma_start3A_470 = tpu.memref_slice %arg4[%add3A, %run_scoped3A_304, %dma_start3A_468, %dma_start3A_469] : memref<32x3x36x96xi32, #tpu.memory_space<hbm>> -> memref<1x1x36x96xi32, #tpu.memory_space<hbm>>
      %dma_start3A_471 = tpu.memref_squeeze %dma_start3A_470 : memref<1x1x36x96xi32, #tpu.memory_space<hbm>> -> memref<36x96xi32, #tpu.memory_space<hbm>>
      tpu.enqueue_dma source(%dma_start3A_471 : memref<36x96xi32, #tpu.memory_space<hbm>>) target(%arg8 : memref<36x96xi32, #tpu.memory_space<vmem>>) target_semaphore(%run_scoped3A_463 : memref<!tpu.dma_semaphore, #tpu.memory_space<semaphore_mem>>)
      %dma_wait3A_472 = arith.constant 0 : i32
      %dma_wait3A_473 = arith.constant 0 : i32
      %dma_wait3A_474 = tpu.memref_slice %arg4[%add3A, %run_scoped3A_304, %dma_wait3A_472, %dma_wait3A_473] : memref<32x3x36x96xi32, #tpu.memory_space<hbm>> -> memref<1x1x36x96xi32, #tpu.memory_space<hbm>>
      %dma_wait3A_475 = tpu.memref_squeeze %dma_wait3A_474 : memref<1x1x36x96xi32, #tpu.memory_space<hbm>> -> memref<36x96xi32, #tpu.memory_space<hbm>>
      %dma_wait3A_476 = arith.constant 0 : i32
      %dma_wait3A_477 = arith.constant 0 : i32
      %dma_wait3A_478 = tpu.memref_slice %arg4[%add3A, %run_scoped3A_304, %dma_wait3A_476, %dma_wait3A_477] : memref<32x3x36x96xi32, #tpu.memory_space<hbm>> -> memref<1x1x36x96xi32, #tpu.memory_space<hbm>>
      %dma_wait3A_479 = tpu.memref_squeeze %dma_wait3A_478 : memref<1x1x36x96xi32, #tpu.memory_space<hbm>> -> memref<36x96xi32, #tpu.memory_space<hbm>>
      tpu.wait_dma2 semaphore(%run_scoped3A_463 : memref<!tpu.dma_semaphore, #tpu.memory_space<semaphore_mem>>) src(%dma_wait3A_479 : memref<36x96xi32, #tpu.memory_space<hbm>>) dst(%arg8 : memref<36x96xi32, #tpu.memory_space<vmem>>)
      tpu.yield
    }) : () -> ()
    %dma_start3A_305 = arith.constant 0 : i32
    %dma_start3A_306 = arith.constant 0 : i32
    %dma_start3A_307 = arith.constant 0 : i32
    %dma_start3A_308 = arith.constant 0 : i32
    %dma_start3A_309 = tpu.memref_slice %arg9[%dma_start3A_306, %dma_start3A_307, %dma_start3A_308] : memref<3x96x128xf32, #tpu.memory_space<vmem>> -> memref<1x96x128xf32, #tpu.memory_space<vmem>>
    %dma_start3A_310 = tpu.memref_squeeze %dma_start3A_309 : memref<1x96x128xf32, #tpu.memory_space<vmem>> -> memref<96x128xf32, #tpu.memory_space<vmem>>
    %dma_start3A_311 = arith.constant 0 : i32
    %dma_start3A_312 = tpu.memref_slice %arg7[%dma_start3A_305, %dma_start3A_311] : memref<36x96xi32, #tpu.memory_space<vmem>> -> memref<1x96xi32, #tpu.memory_space<vmem>>
    %dma_start3A_313 = tpu.memref_squeeze %dma_start3A_312 : memref<1x96xi32, #tpu.memory_space<vmem>> -> memref<96xi32, #tpu.memory_space<vmem>>
    %dma_start3A_314 = arith.constant 0 : i32
    %dma_start3A_315 = arith.constant 0 : i32
    %dma_start3A_316 = tpu.memref_slice %arg2[%dma_start3A_314, %dma_start3A_315] : memref<10240x128xf32, #tpu.memory_space<hbm>> -> memref<10240x128xf32, #tpu.memory_space<hbm>>
    tpu.enqueue_indirect_dma source(%dma_start3A_316 : memref<10240x128xf32, #tpu.memory_space<hbm>>) target(%dma_start3A_310 : memref<96x128xf32, #tpu.memory_space<vmem>>) offsets(%dma_start3A_313 : memref<96xi32, #tpu.memory_space<vmem>>) semaphore(%arg11 : memref<!tpu.dma_semaphore, #tpu.memory_space<semaphore_mem>>)
    %dma_start3A_317 = arith.constant 1 : i32
    %dma_start3A_318 = arith.constant 1 : i32
    %dma_start3A_319 = arith.constant 0 : i32
    %dma_start3A_320 = arith.constant 0 : i32
    %dma_start3A_321 = tpu.memref_slice %arg9[%dma_start3A_318, %dma_start3A_319, %dma_start3A_320] : memref<3x96x128xf32, #tpu.memory_space<vmem>> -> memref<1x96x128xf32, #tpu.memory_space<vmem>>
    %dma_start3A_322 = tpu.memref_squeeze %dma_start3A_321 : memref<1x96x128xf32, #tpu.memory_space<vmem>> -> memref<96x128xf32, #tpu.memory_space<vmem>>
    %dma_start3A_323 = arith.constant 0 : i32
    %dma_start3A_324 = tpu.memref_slice %arg7[%dma_start3A_317, %dma_start3A_323] : memref<36x96xi32, #tpu.memory_space<vmem>> -> memref<1x96xi32, #tpu.memory_space<vmem>>
    %dma_start3A_325 = tpu.memref_squeeze %dma_start3A_324 : memref<1x96xi32, #tpu.memory_space<vmem>> -> memref<96xi32, #tpu.memory_space<vmem>>
    %dma_start3A_326 = arith.constant 0 : i32
    %dma_start3A_327 = arith.constant 0 : i32
    %dma_start3A_328 = tpu.memref_slice %arg2[%dma_start3A_326, %dma_start3A_327] : memref<10240x128xf32, #tpu.memory_space<hbm>> -> memref<10240x128xf32, #tpu.memory_space<hbm>>
    tpu.enqueue_indirect_dma source(%dma_start3A_328 : memref<10240x128xf32, #tpu.memory_space<hbm>>) target(%dma_start3A_322 : memref<96x128xf32, #tpu.memory_space<vmem>>) offsets(%dma_start3A_325 : memref<96xi32, #tpu.memory_space<vmem>>) semaphore(%arg12 : memref<!tpu.dma_semaphore, #tpu.memory_space<semaphore_mem>>)
    %dma_wait3A_329 = arith.constant 0 : i32
    %dma_wait3A_330 = arith.constant 0 : i32
    %dma_wait3A_331 = arith.constant 0 : i32
    %dma_wait3A_332 = arith.constant 0 : i32
    %dma_wait3A_333 = tpu.memref_slice %arg9[%dma_wait3A_330, %dma_wait3A_331, %dma_wait3A_332] : memref<3x96x128xf32, #tpu.memory_space<vmem>> -> memref<1x96x128xf32, #tpu.memory_space<vmem>>
    %dma_wait3A_334 = tpu.memref_squeeze %dma_wait3A_333 : memref<1x96x128xf32, #tpu.memory_space<vmem>> -> memref<96x128xf32, #tpu.memory_space<vmem>>
    %dma_wait3A_335 = arith.constant 0 : i32
    %dma_wait3A_336 = tpu.memref_slice %arg7[%dma_wait3A_329, %dma_wait3A_335] : memref<36x96xi32, #tpu.memory_space<vmem>> -> memref<1x96xi32, #tpu.memory_space<vmem>>
    %dma_wait3A_337 = tpu.memref_squeeze %dma_wait3A_336 : memref<1x96xi32, #tpu.memory_space<vmem>> -> memref<96xi32, #tpu.memory_space<vmem>>
    %dma_wait3A_338 = arith.constant 0 : i32
    %dma_wait3A_339 = arith.constant 0 : i32
    %dma_wait3A_340 = tpu.memref_slice %arg2[%dma_wait3A_338, %dma_wait3A_339] : memref<10240x128xf32, #tpu.memory_space<hbm>> -> memref<10240x128xf32, #tpu.memory_space<hbm>>
    tpu.wait_indirect_dma semaphore(%arg11 : memref<!tpu.dma_semaphore, #tpu.memory_space<semaphore_mem>>) src(%dma_wait3A_340 : memref<10240x128xf32, #tpu.memory_space<hbm>>) dst(%dma_wait3A_334 : memref<96x128xf32, #tpu.memory_space<vmem>>)
    %dma_start3A_341 = arith.constant 0 : i32
    %dma_start3A_342 = arith.constant 0 : i32
    %dma_start3A_343 = arith.constant 0 : i32
    %dma_start3A_344 = arith.constant 0 : i32
    %dma_start3A_345 = tpu.memref_slice %arg9[%dma_start3A_341, %dma_start3A_343, %dma_start3A_344] : memref<3x96x128xf32, #tpu.memory_space<vmem>> -> memref<1x96x128xf32, #tpu.memory_space<vmem>>
    %dma_start3A_346 = tpu.memref_squeeze %dma_start3A_345 : memref<1x96x128xf32, #tpu.memory_space<vmem>> -> memref<96x128xf32, #tpu.memory_space<vmem>>
    %dma_start3A_347 = arith.constant 0 : i32
    %dma_start3A_348 = tpu.memref_slice %arg8[%dma_start3A_342, %dma_start3A_347] : memref<36x96xi32, #tpu.memory_space<vmem>> -> memref<1x96xi32, #tpu.memory_space<vmem>>
    %dma_start3A_349 = tpu.memref_squeeze %dma_start3A_348 : memref<1x96xi32, #tpu.memory_space<vmem>> -> memref<96xi32, #tpu.memory_space<vmem>>
    %dma_start3A_350 = arith.constant 0 : i32
    %dma_start3A_351 = arith.constant 0 : i32
    %dma_start3A_352 = tpu.memref_slice %arg10[%dma_start3A_350, %dma_start3A_351] : memref<10240x128xf32, #tpu.memory_space<vmem_shared>> -> memref<10240x128xf32, #tpu.memory_space<vmem_shared>>
    tpu.enqueue_indirect_dma source(%dma_start3A_346 : memref<96x128xf32, #tpu.memory_space<vmem>>) target(%dma_start3A_352 : memref<10240x128xf32, #tpu.memory_space<vmem_shared>>) offsets(%dma_start3A_349 : memref<96xi32, #tpu.memory_space<vmem>>) semaphore(%arg14 : memref<!tpu.dma_semaphore, #tpu.memory_space<semaphore_mem>>) {add = true}
    %dma_start3A_353 = arith.constant 2 : i32
    %dma_start3A_354 = arith.constant 2 : i32
    %dma_start3A_355 = arith.constant 0 : i32
    %dma_start3A_356 = arith.constant 0 : i32
    %dma_start3A_357 = tpu.memref_slice %arg9[%dma_start3A_354, %dma_start3A_355, %dma_start3A_356] : memref<3x96x128xf32, #tpu.memory_space<vmem>> -> memref<1x96x128xf32, #tpu.memory_space<vmem>>
    %dma_start3A_358 = tpu.memref_squeeze %dma_start3A_357 : memref<1x96x128xf32, #tpu.memory_space<vmem>> -> memref<96x128xf32, #tpu.memory_space<vmem>>
    %dma_start3A_359 = arith.constant 0 : i32
    %dma_start3A_360 = tpu.memref_slice %arg7[%dma_start3A_353, %dma_start3A_359] : memref<36x96xi32, #tpu.memory_space<vmem>> -> memref<1x96xi32, #tpu.memory_space<vmem>>
    %dma_start3A_361 = tpu.memref_squeeze %dma_start3A_360 : memref<1x96xi32, #tpu.memory_space<vmem>> -> memref<96xi32, #tpu.memory_space<vmem>>
    %dma_start3A_362 = arith.constant 0 : i32
    %dma_start3A_363 = arith.constant 0 : i32
    %dma_start3A_364 = tpu.memref_slice %arg2[%dma_start3A_362, %dma_start3A_363] : memref<10240x128xf32, #tpu.memory_space<hbm>> -> memref<10240x128xf32, #tpu.memory_space<hbm>>
    tpu.enqueue_indirect_dma source(%dma_start3A_364 : memref<10240x128xf32, #tpu.memory_space<hbm>>) target(%dma_start3A_358 : memref<96x128xf32, #tpu.memory_space<vmem>>) offsets(%dma_start3A_361 : memref<96xi32, #tpu.memory_space<vmem>>) semaphore(%arg13 : memref<!tpu.dma_semaphore, #tpu.memory_space<semaphore_mem>>)
    %dma_wait3A_365 = arith.constant 1 : i32
    %dma_wait3A_366 = arith.constant 1 : i32
    %dma_wait3A_367 = arith.constant 0 : i32
    %dma_wait3A_368 = arith.constant 0 : i32
    %dma_wait3A_369 = tpu.memref_slice %arg9[%dma_wait3A_366, %dma_wait3A_367, %dma_wait3A_368] : memref<3x96x128xf32, #tpu.memory_space<vmem>> -> memref<1x96x128xf32, #tpu.memory_space<vmem>>
    %dma_wait3A_370 = tpu.memref_squeeze %dma_wait3A_369 : memref<1x96x128xf32, #tpu.memory_space<vmem>> -> memref<96x128xf32, #tpu.memory_space<vmem>>
    %dma_wait3A_371 = arith.constant 0 : i32
    %dma_wait3A_372 = tpu.memref_slice %arg7[%dma_wait3A_365, %dma_wait3A_371] : memref<36x96xi32, #tpu.memory_space<vmem>> -> memref<1x96xi32, #tpu.memory_space<vmem>>
    %dma_wait3A_373 = tpu.memref_squeeze %dma_wait3A_372 : memref<1x96xi32, #tpu.memory_space<vmem>> -> memref<96xi32, #tpu.memory_space<vmem>>
    %dma_wait3A_374 = arith.constant 0 : i32
    %dma_wait3A_375 = arith.constant 0 : i32
    %dma_wait3A_376 = tpu.memref_slice %arg2[%dma_wait3A_374, %dma_wait3A_375] : memref<10240x128xf32, #tpu.memory_space<hbm>> -> memref<10240x128xf32, #tpu.memory_space<hbm>>
    tpu.wait_indirect_dma semaphore(%arg12 : memref<!tpu.dma_semaphore, #tpu.memory_space<semaphore_mem>>) src(%dma_wait3A_376 : memref<10240x128xf32, #tpu.memory_space<hbm>>) dst(%dma_wait3A_370 : memref<96x128xf32, #tpu.memory_space<vmem>>)
    %dma_start3A_377 = arith.constant 1 : i32
    %dma_start3A_378 = arith.constant 1 : i32
    %dma_start3A_379 = arith.constant 0 : i32
    %dma_start3A_380 = arith.constant 0 : i32
    %dma_start3A_381 = tpu.memref_slice %arg9[%dma_start3A_377, %dma_start3A_379, %dma_start3A_380] : memref<3x96x128xf32, #tpu.memory_space<vmem>> -> memref<1x96x128xf32, #tpu.memory_space<vmem>>
    %dma_start3A_382 = tpu.memref_squeeze %dma_start3A_381 : memref<1x96x128xf32, #tpu.memory_space<vmem>> -> memref<96x128xf32, #tpu.memory_space<vmem>>
    %dma_start3A_383 = arith.constant 0 : i32
    %dma_start3A_384 = tpu.memref_slice %arg8[%dma_start3A_378, %dma_start3A_383] : memref<36x96xi32, #tpu.memory_space<vmem>> -> memref<1x96xi32, #tpu.memory_space<vmem>>
    %dma_start3A_385 = tpu.memref_squeeze %dma_start3A_384 : memref<1x96xi32, #tpu.memory_space<vmem>> -> memref<96xi32, #tpu.memory_space<vmem>>
    %dma_start3A_386 = arith.constant 0 : i32
    %dma_start3A_387 = arith.constant 0 : i32
    %dma_start3A_388 = tpu.memref_slice %arg10[%dma_start3A_386, %dma_start3A_387] : memref<10240x128xf32, #tpu.memory_space<vmem_shared>> -> memref<10240x128xf32, #tpu.memory_space<vmem_shared>>
    tpu.enqueue_indirect_dma source(%dma_start3A_382 : memref<96x128xf32, #tpu.memory_space<vmem>>) target(%dma_start3A_388 : memref<10240x128xf32, #tpu.memory_space<vmem_shared>>) offsets(%dma_start3A_385 : memref<96xi32, #tpu.memory_space<vmem>>) semaphore(%arg15 : memref<!tpu.dma_semaphore, #tpu.memory_space<semaphore_mem>>) {add = true}
    %scan3A_389 = arith.constant 0 : i32
    %scan3A_390 = arith.constant 0 : i32
    %scan3A_391 = arith.constant 11 : i32
    %scan3A_392 = arith.addi %scan3A_390, %scan3A_391 : i32
    %scan3A_393 = arith.constant 1 : i32
    scf.for %scan3A_463 = %scan3A_390 to %scan3A_392 step %scan3A_393  : i32 {
      %mul3A_464 = arith.constant 3 : i32
      %mul3A_465 = arith.muli %mul3A_464, %scan3A_463 : i32
      %add3A_466 = arith.constant 3 : i32
      %add3A_467 = arith.addi %add3A_466, %mul3A_465 : i32
      %add3A_468 = arith.constant 0 : i32
      %add3A_469 = arith.addi %add3A_467, %add3A_468 : i32
      %sub3A = arith.constant 3 : i32
      %sub3A_470 = arith.subi %add3A_469, %sub3A : i32
      %dma_wait3A_471 = arith.constant 0 : i32
      %dma_wait3A_472 = arith.constant 0 : i32
      %dma_wait3A_473 = arith.constant 0 : i32
      %dma_wait3A_474 = tpu.memref_slice %arg9[%dma_wait3A_471, %dma_wait3A_472, %dma_wait3A_473] : memref<3x96x128xf32, #tpu.memory_space<vmem>> -> memref<1x96x128xf32, #tpu.memory_space<vmem>>
      %dma_wait3A_475 = tpu.memref_squeeze %dma_wait3A_474 : memref<1x96x128xf32, #tpu.memory_space<vmem>> -> memref<96x128xf32, #tpu.memory_space<vmem>>
      %dma_wait3A_476 = arith.constant 0 : i32
      %dma_wait3A_477 = tpu.memref_slice %arg8[%sub3A_470, %dma_wait3A_476] : memref<36x96xi32, #tpu.memory_space<vmem>> -> memref<1x96xi32, #tpu.memory_space<vmem>>
      %dma_wait3A_478 = tpu.memref_squeeze %dma_wait3A_477 : memref<1x96xi32, #tpu.memory_space<vmem>> -> memref<96xi32, #tpu.memory_space<vmem>>
      %dma_wait3A_479 = arith.constant 0 : i32
      %dma_wait3A_480 = arith.constant 0 : i32
      %dma_wait3A_481 = tpu.memref_slice %arg10[%dma_wait3A_479, %dma_wait3A_480] : memref<10240x128xf32, #tpu.memory_space<vmem_shared>> -> memref<10240x128xf32, #tpu.memory_space<vmem_shared>>
      tpu.wait_indirect_dma semaphore(%arg14 : memref<!tpu.dma_semaphore, #tpu.memory_space<semaphore_mem>>) src(%dma_wait3A_475 : memref<96x128xf32, #tpu.memory_space<vmem>>) dst(%dma_wait3A_481 : memref<10240x128xf32, #tpu.memory_space<vmem_shared>>)
      %dma_start3A_482 = arith.constant 0 : i32
      %dma_start3A_483 = arith.constant 0 : i32
      %dma_start3A_484 = arith.constant 0 : i32
      %dma_start3A_485 = tpu.memref_slice %arg9[%dma_start3A_482, %dma_start3A_483, %dma_start3A_484] : memref<3x96x128xf32, #tpu.memory_space<vmem>> -> memref<1x96x128xf32, #tpu.memory_space<vmem>>
      %dma_start3A_486 = tpu.memref_squeeze %dma_start3A_485 : memref<1x96x128xf32, #tpu.memory_space<vmem>> -> memref<96x128xf32, #tpu.memory_space<vmem>>
      %dma_start3A_487 = arith.constant 0 : i32
      %dma_start3A_488 = tpu.memref_slice %arg7[%add3A_469, %dma_start3A_487] : memref<36x96xi32, #tpu.memory_space<vmem>> -> memref<1x96xi32, #tpu.memory_space<vmem>>
      %dma_start3A_489 = tpu.memref_squeeze %dma_start3A_488 : memref<1x96xi32, #tpu.memory_space<vmem>> -> memref<96xi32, #tpu.memory_space<vmem>>
      %dma_start3A_490 = arith.constant 0 : i32
      %dma_start3A_491 = arith.constant 0 : i32
      %dma_start3A_492 = tpu.memref_slice %arg2[%dma_start3A_490, %dma_start3A_491] : memref<10240x128xf32, #tpu.memory_space<hbm>> -> memref<10240x128xf32, #tpu.memory_space<hbm>>
      tpu.enqueue_indirect_dma source(%dma_start3A_492 : memref<10240x128xf32, #tpu.memory_space<hbm>>) target(%dma_start3A_486 : memref<96x128xf32, #tpu.memory_space<vmem>>) offsets(%dma_start3A_489 : memref<96xi32, #tpu.memory_space<vmem>>) semaphore(%arg11 : memref<!tpu.dma_semaphore, #tpu.memory_space<semaphore_mem>>)
      %sub3A_493 = arith.constant 1 : i32
      %sub3A_494 = arith.subi %add3A_469, %sub3A_493 : i32
      %dma_wait3A_495 = arith.constant 2 : i32
      %dma_wait3A_496 = arith.constant 0 : i32
      %dma_wait3A_497 = arith.constant 0 : i32
      %dma_wait3A_498 = tpu.memref_slice %arg9[%dma_wait3A_495, %dma_wait3A_496, %dma_wait3A_497] : memref<3x96x128xf32, #tpu.memory_space<vmem>> -> memref<1x96x128xf32, #tpu.memory_space<vmem>>
      %dma_wait3A_499 = tpu.memref_squeeze %dma_wait3A_498 : memref<1x96x128xf32, #tpu.memory_space<vmem>> -> memref<96x128xf32, #tpu.memory_space<vmem>>
      %dma_wait3A_500 = arith.constant 0 : i32
      %dma_wait3A_501 = tpu.memref_slice %arg7[%sub3A_494, %dma_wait3A_500] : memref<36x96xi32, #tpu.memory_space<vmem>> -> memref<1x96xi32, #tpu.memory_space<vmem>>
      %dma_wait3A_502 = tpu.memref_squeeze %dma_wait3A_501 : memref<1x96xi32, #tpu.memory_space<vmem>> -> memref<96xi32, #tpu.memory_space<vmem>>
      %dma_wait3A_503 = arith.constant 0 : i32
      %dma_wait3A_504 = arith.constant 0 : i32
      %dma_wait3A_505 = tpu.memref_slice %arg2[%dma_wait3A_503, %dma_wait3A_504] : memref<10240x128xf32, #tpu.memory_space<hbm>> -> memref<10240x128xf32, #tpu.memory_space<hbm>>
      tpu.wait_indirect_dma semaphore(%arg13 : memref<!tpu.dma_semaphore, #tpu.memory_space<semaphore_mem>>) src(%dma_wait3A_505 : memref<10240x128xf32, #tpu.memory_space<hbm>>) dst(%dma_wait3A_499 : memref<96x128xf32, #tpu.memory_space<vmem>>)
      %sub3A_506 = arith.constant 1 : i32
      %sub3A_507 = arith.subi %add3A_469, %sub3A_506 : i32
      %dma_start3A_508 = arith.constant 2 : i32
      %dma_start3A_509 = arith.constant 0 : i32
      %dma_start3A_510 = arith.constant 0 : i32
      %dma_start3A_511 = tpu.memref_slice %arg9[%dma_start3A_508, %dma_start3A_509, %dma_start3A_510] : memref<3x96x128xf32, #tpu.memory_space<vmem>> -> memref<1x96x128xf32, #tpu.memory_space<vmem>>
      %dma_start3A_512 = tpu.memref_squeeze %dma_start3A_511 : memref<1x96x128xf32, #tpu.memory_space<vmem>> -> memref<96x128xf32, #tpu.memory_space<vmem>>
      %dma_start3A_513 = arith.constant 0 : i32
      %dma_start3A_514 = tpu.memref_slice %arg8[%sub3A_507, %dma_start3A_513] : memref<36x96xi32, #tpu.memory_space<vmem>> -> memref<1x96xi32, #tpu.memory_space<vmem>>
      %dma_start3A_515 = tpu.memref_squeeze %dma_start3A_514 : memref<1x96xi32, #tpu.memory_space<vmem>> -> memref<96xi32, #tpu.memory_space<vmem>>
      %dma_start3A_516 = arith.constant 0 : i32
      %dma_start3A_517 = arith.constant 0 : i32
      %dma_start3A_518 = tpu.memref_slice %arg10[%dma_start3A_516, %dma_start3A_517] : memref<10240x128xf32, #tpu.memory_space<vmem_shared>> -> memref<10240x128xf32, #tpu.memory_space<vmem_shared>>
      tpu.enqueue_indirect_dma source(%dma_start3A_512 : memref<96x128xf32, #tpu.memory_space<vmem>>) target(%dma_start3A_518 : memref<10240x128xf32, #tpu.memory_space<vmem_shared>>) offsets(%dma_start3A_515 : memref<96xi32, #tpu.memory_space<vmem>>) semaphore(%arg16 : memref<!tpu.dma_semaphore, #tpu.memory_space<semaphore_mem>>) {add = true}
      %add3A_519 = arith.constant 1 : i32
      %add3A_520 = arith.addi %add3A_467, %add3A_519 : i32
      %sub3A_521 = arith.constant 3 : i32
      %sub3A_522 = arith.subi %add3A_520, %sub3A_521 : i32
      %dma_wait3A_523 = arith.constant 1 : i32
      %dma_wait3A_524 = arith.constant 0 : i32
      %dma_wait3A_525 = arith.constant 0 : i32
      %dma_wait3A_526 = tpu.memref_slice %arg9[%dma_wait3A_523, %dma_wait3A_524, %dma_wait3A_525] : memref<3x96x128xf32, #tpu.memory_space<vmem>> -> memref<1x96x128xf32, #tpu.memory_space<vmem>>
      %dma_wait3A_527 = tpu.memref_squeeze %dma_wait3A_526 : memref<1x96x128xf32, #tpu.memory_space<vmem>> -> memref<96x128xf32, #tpu.memory_space<vmem>>
      %dma_wait3A_528 = arith.constant 0 : i32
      %dma_wait3A_529 = tpu.memref_slice %arg8[%sub3A_522, %dma_wait3A_528] : memref<36x96xi32, #tpu.memory_space<vmem>> -> memref<1x96xi32, #tpu.memory_space<vmem>>
      %dma_wait3A_530 = tpu.memref_squeeze %dma_wait3A_529 : memref<1x96xi32, #tpu.memory_space<vmem>> -> memref<96xi32, #tpu.memory_space<vmem>>
      %dma_wait3A_531 = arith.constant 0 : i32
      %dma_wait3A_532 = arith.constant 0 : i32
      %dma_wait3A_533 = tpu.memref_slice %arg10[%dma_wait3A_531, %dma_wait3A_532] : memref<10240x128xf32, #tpu.memory_space<vmem_shared>> -> memref<10240x128xf32, #tpu.memory_space<vmem_shared>>
      tpu.wait_indirect_dma semaphore(%arg15 : memref<!tpu.dma_semaphore, #tpu.memory_space<semaphore_mem>>) src(%dma_wait3A_527 : memref<96x128xf32, #tpu.memory_space<vmem>>) dst(%dma_wait3A_533 : memref<10240x128xf32, #tpu.memory_space<vmem_shared>>)
      %dma_start3A_534 = arith.constant 1 : i32
      %dma_start3A_535 = arith.constant 0 : i32
      %dma_start3A_536 = arith.constant 0 : i32
      %dma_start3A_537 = tpu.memref_slice %arg9[%dma_start3A_534, %dma_start3A_535, %dma_start3A_536] : memref<3x96x128xf32, #tpu.memory_space<vmem>> -> memref<1x96x128xf32, #tpu.memory_space<vmem>>
      %dma_start3A_538 = tpu.memref_squeeze %dma_start3A_537 : memref<1x96x128xf32, #tpu.memory_space<vmem>> -> memref<96x128xf32, #tpu.memory_space<vmem>>
      %dma_start3A_539 = arith.constant 0 : i32
      %dma_start3A_540 = tpu.memref_slice %arg7[%add3A_520, %dma_start3A_539] : memref<36x96xi32, #tpu.memory_space<vmem>> -> memref<1x96xi32, #tpu.memory_space<vmem>>
      %dma_start3A_541 = tpu.memref_squeeze %dma_start3A_540 : memref<1x96xi32, #tpu.memory_space<vmem>> -> memref<96xi32, #tpu.memory_space<vmem>>
      %dma_start3A_542 = arith.constant 0 : i32
      %dma_start3A_543 = arith.constant 0 : i32
      %dma_start3A_544 = tpu.memref_slice %arg2[%dma_start3A_542, %dma_start3A_543] : memref<10240x128xf32, #tpu.memory_space<hbm>> -> memref<10240x128xf32, #tpu.memory_space<hbm>>
      tpu.enqueue_indirect_dma source(%dma_start3A_544 : memref<10240x128xf32, #tpu.memory_space<hbm>>) target(%dma_start3A_538 : memref<96x128xf32, #tpu.memory_space<vmem>>) offsets(%dma_start3A_541 : memref<96xi32, #tpu.memory_space<vmem>>) semaphore(%arg12 : memref<!tpu.dma_semaphore, #tpu.memory_space<semaphore_mem>>)
      %sub3A_545 = arith.constant 1 : i32
      %sub3A_546 = arith.subi %add3A_520, %sub3A_545 : i32
      %dma_wait3A_547 = arith.constant 0 : i32
      %dma_wait3A_548 = arith.constant 0 : i32
      %dma_wait3A_549 = arith.constant 0 : i32
      %dma_wait3A_550 = tpu.memref_slice %arg9[%dma_wait3A_547, %dma_wait3A_548, %dma_wait3A_549] : memref<3x96x128xf32, #tpu.memory_space<vmem>> -> memref<1x96x128xf32, #tpu.memory_space<vmem>>
      %dma_wait3A_551 = tpu.memref_squeeze %dma_wait3A_550 : memref<1x96x128xf32, #tpu.memory_space<vmem>> -> memref<96x128xf32, #tpu.memory_space<vmem>>
      %dma_wait3A_552 = arith.constant 0 : i32
      %dma_wait3A_553 = tpu.memref_slice %arg7[%sub3A_546, %dma_wait3A_552] : memref<36x96xi32, #tpu.memory_space<vmem>> -> memref<1x96xi32, #tpu.memory_space<vmem>>
      %dma_wait3A_554 = tpu.memref_squeeze %dma_wait3A_553 : memref<1x96xi32, #tpu.memory_space<vmem>> -> memref<96xi32, #tpu.memory_space<vmem>>
      %dma_wait3A_555 = arith.constant 0 : i32
      %dma_wait3A_556 = arith.constant 0 : i32
      %dma_wait3A_557 = tpu.memref_slice %arg2[%dma_wait3A_555, %dma_wait3A_556] : memref<10240x128xf32, #tpu.memory_space<hbm>> -> memref<10240x128xf32, #tpu.memory_space<hbm>>
      tpu.wait_indirect_dma semaphore(%arg11 : memref<!tpu.dma_semaphore, #tpu.memory_space<semaphore_mem>>) src(%dma_wait3A_557 : memref<10240x128xf32, #tpu.memory_space<hbm>>) dst(%dma_wait3A_551 : memref<96x128xf32, #tpu.memory_space<vmem>>)
      %sub3A_558 = arith.constant 1 : i32
      %sub3A_559 = arith.subi %add3A_520, %sub3A_558 : i32
      %dma_start3A_560 = arith.constant 0 : i32
      %dma_start3A_561 = arith.constant 0 : i32
      %dma_start3A_562 = arith.constant 0 : i32
      %dma_start3A_563 = tpu.memref_slice %arg9[%dma_start3A_560, %dma_start3A_561, %dma_start3A_562] : memref<3x96x128xf32, #tpu.memory_space<vmem>> -> memref<1x96x128xf32, #tpu.memory_space<vmem>>
      %dma_start3A_564 = tpu.memref_squeeze %dma_start3A_563 : memref<1x96x128xf32, #tpu.memory_space<vmem>> -> memref<96x128xf32, #tpu.memory_space<vmem>>
      %dma_start3A_565 = arith.constant 0 : i32
      %dma_start3A_566 = tpu.memref_slice %arg8[%sub3A_559, %dma_start3A_565] : memref<36x96xi32, #tpu.memory_space<vmem>> -> memref<1x96xi32, #tpu.memory_space<vmem>>
      %dma_start3A_567 = tpu.memref_squeeze %dma_start3A_566 : memref<1x96xi32, #tpu.memory_space<vmem>> -> memref<96xi32, #tpu.memory_space<vmem>>
      %dma_start3A_568 = arith.constant 0 : i32
      %dma_start3A_569 = arith.constant 0 : i32
      %dma_start3A_570 = tpu.memref_slice %arg10[%dma_start3A_568, %dma_start3A_569] : memref<10240x128xf32, #tpu.memory_space<vmem_shared>> -> memref<10240x128xf32, #tpu.memory_space<vmem_shared>>
      tpu.enqueue_indirect_dma source(%dma_start3A_564 : memref<96x128xf32, #tpu.memory_space<vmem>>) target(%dma_start3A_570 : memref<10240x128xf32, #tpu.memory_space<vmem_shared>>) offsets(%dma_start3A_567 : memref<96xi32, #tpu.memory_space<vmem>>) semaphore(%arg14 : memref<!tpu.dma_semaphore, #tpu.memory_space<semaphore_mem>>) {add = true}
      %add3A_571 = arith.constant 2 : i32
      %add3A_572 = arith.addi %add3A_467, %add3A_571 : i32
      %sub3A_573 = arith.constant 3 : i32
      %sub3A_574 = arith.subi %add3A_572, %sub3A_573 : i32
      %dma_wait3A_575 = arith.constant 2 : i32
      %dma_wait3A_576 = arith.constant 0 : i32
      %dma_wait3A_577 = arith.constant 0 : i32
      %dma_wait3A_578 = tpu.memref_slice %arg9[%dma_wait3A_575, %dma_wait3A_576, %dma_wait3A_577] : memref<3x96x128xf32, #tpu.memory_space<vmem>> -> memref<1x96x128xf32, #tpu.memory_space<vmem>>
      %dma_wait3A_579 = tpu.memref_squeeze %dma_wait3A_578 : memref<1x96x128xf32, #tpu.memory_space<vmem>> -> memref<96x128xf32, #tpu.memory_space<vmem>>
      %dma_wait3A_580 = arith.constant 0 : i32
      %dma_wait3A_581 = tpu.memref_slice %arg8[%sub3A_574, %dma_wait3A_580] : memref<36x96xi32, #tpu.memory_space<vmem>> -> memref<1x96xi32, #tpu.memory_space<vmem>>
      %dma_wait3A_582 = tpu.memref_squeeze %dma_wait3A_581 : memref<1x96xi32, #tpu.memory_space<vmem>> -> memref<96xi32, #tpu.memory_space<vmem>>
      %dma_wait3A_583 = arith.constant 0 : i32
      %dma_wait3A_584 = arith.constant 0 : i32
      %dma_wait3A_585 = tpu.memref_slice %arg10[%dma_wait3A_583, %dma_wait3A_584] : memref<10240x128xf32, #tpu.memory_space<vmem_shared>> -> memref<10240x128xf32, #tpu.memory_space<vmem_shared>>
      tpu.wait_indirect_dma semaphore(%arg16 : memref<!tpu.dma_semaphore, #tpu.memory_space<semaphore_mem>>) src(%dma_wait3A_579 : memref<96x128xf32, #tpu.memory_space<vmem>>) dst(%dma_wait3A_585 : memref<10240x128xf32, #tpu.memory_space<vmem_shared>>)
      %dma_start3A_586 = arith.constant 2 : i32
      %dma_start3A_587 = arith.constant 0 : i32
      %dma_start3A_588 = arith.constant 0 : i32
      %dma_start3A_589 = tpu.memref_slice %arg9[%dma_start3A_586, %dma_start3A_587, %dma_start3A_588] : memref<3x96x128xf32, #tpu.memory_space<vmem>> -> memref<1x96x128xf32, #tpu.memory_space<vmem>>
      %dma_start3A_590 = tpu.memref_squeeze %dma_start3A_589 : memref<1x96x128xf32, #tpu.memory_space<vmem>> -> memref<96x128xf32, #tpu.memory_space<vmem>>
      %dma_start3A_591 = arith.constant 0 : i32
      %dma_start3A_592 = tpu.memref_slice %arg7[%add3A_572, %dma_start3A_591] : memref<36x96xi32, #tpu.memory_space<vmem>> -> memref<1x96xi32, #tpu.memory_space<vmem>>
      %dma_start3A_593 = tpu.memref_squeeze %dma_start3A_592 : memref<1x96xi32, #tpu.memory_space<vmem>> -> memref<96xi32, #tpu.memory_space<vmem>>
      %dma_start3A_594 = arith.constant 0 : i32
      %dma_start3A_595 = arith.constant 0 : i32
      %dma_start3A_596 = tpu.memref_slice %arg2[%dma_start3A_594, %dma_start3A_595] : memref<10240x128xf32, #tpu.memory_space<hbm>> -> memref<10240x128xf32, #tpu.memory_space<hbm>>
      tpu.enqueue_indirect_dma source(%dma_start3A_596 : memref<10240x128xf32, #tpu.memory_space<hbm>>) target(%dma_start3A_590 : memref<96x128xf32, #tpu.memory_space<vmem>>) offsets(%dma_start3A_593 : memref<96xi32, #tpu.memory_space<vmem>>) semaphore(%arg13 : memref<!tpu.dma_semaphore, #tpu.memory_space<semaphore_mem>>)
      %sub3A_597 = arith.constant 1 : i32
      %sub3A_598 = arith.subi %add3A_572, %sub3A_597 : i32
      %dma_wait3A_599 = arith.constant 1 : i32
      %dma_wait3A_600 = arith.constant 0 : i32
      %dma_wait3A_601 = arith.constant 0 : i32
      %dma_wait3A_602 = tpu.memref_slice %arg9[%dma_wait3A_599, %dma_wait3A_600, %dma_wait3A_601] : memref<3x96x128xf32, #tpu.memory_space<vmem>> -> memref<1x96x128xf32, #tpu.memory_space<vmem>>
      %dma_wait3A_603 = tpu.memref_squeeze %dma_wait3A_602 : memref<1x96x128xf32, #tpu.memory_space<vmem>> -> memref<96x128xf32, #tpu.memory_space<vmem>>
      %dma_wait3A_604 = arith.constant 0 : i32
      %dma_wait3A_605 = tpu.memref_slice %arg7[%sub3A_598, %dma_wait3A_604] : memref<36x96xi32, #tpu.memory_space<vmem>> -> memref<1x96xi32, #tpu.memory_space<vmem>>
      %dma_wait3A_606 = tpu.memref_squeeze %dma_wait3A_605 : memref<1x96xi32, #tpu.memory_space<vmem>> -> memref<96xi32, #tpu.memory_space<vmem>>
      %dma_wait3A_607 = arith.constant 0 : i32
      %dma_wait3A_608 = arith.constant 0 : i32
      %dma_wait3A_609 = tpu.memref_slice %arg2[%dma_wait3A_607, %dma_wait3A_608] : memref<10240x128xf32, #tpu.memory_space<hbm>> -> memref<10240x128xf32, #tpu.memory_space<hbm>>
      tpu.wait_indirect_dma semaphore(%arg12 : memref<!tpu.dma_semaphore, #tpu.memory_space<semaphore_mem>>) src(%dma_wait3A_609 : memref<10240x128xf32, #tpu.memory_space<hbm>>) dst(%dma_wait3A_603 : memref<96x128xf32, #tpu.memory_space<vmem>>)
      %sub3A_610 = arith.constant 1 : i32
      %sub3A_611 = arith.subi %add3A_572, %sub3A_610 : i32
      %dma_start3A_612 = arith.constant 1 : i32
      %dma_start3A_613 = arith.constant 0 : i32
      %dma_start3A_614 = arith.constant 0 : i32
      %dma_start3A_615 = tpu.memref_slice %arg9[%dma_start3A_612, %dma_start3A_613, %dma_start3A_614] : memref<3x96x128xf32, #tpu.memory_space<vmem>> -> memref<1x96x128xf32, #tpu.memory_space<vmem>>
      %dma_start3A_616 = tpu.memref_squeeze %dma_start3A_615 : memref<1x96x128xf32, #tpu.memory_space<vmem>> -> memref<96x128xf32, #tpu.memory_space<vmem>>
      %dma_start3A_617 = arith.constant 0 : i32
      %dma_start3A_618 = tpu.memref_slice %arg8[%sub3A_611, %dma_start3A_617] : memref<36x96xi32, #tpu.memory_space<vmem>> -> memref<1x96xi32, #tpu.memory_space<vmem>>
      %dma_start3A_619 = tpu.memref_squeeze %dma_start3A_618 : memref<1x96xi32, #tpu.memory_space<vmem>> -> memref<96xi32, #tpu.memory_space<vmem>>
      %dma_start3A_620 = arith.constant 0 : i32
      %dma_start3A_621 = arith.constant 0 : i32
      %dma_start3A_622 = tpu.memref_slice %arg10[%dma_start3A_620, %dma_start3A_621] : memref<10240x128xf32, #tpu.memory_space<vmem_shared>> -> memref<10240x128xf32, #tpu.memory_space<vmem_shared>>
      tpu.enqueue_indirect_dma source(%dma_start3A_616 : memref<96x128xf32, #tpu.memory_space<vmem>>) target(%dma_start3A_622 : memref<10240x128xf32, #tpu.memory_space<vmem_shared>>) offsets(%dma_start3A_619 : memref<96xi32, #tpu.memory_space<vmem>>) semaphore(%arg15 : memref<!tpu.dma_semaphore, #tpu.memory_space<semaphore_mem>>) {add = true}
    }
    %scan3A_394 = arith.constant 11 : i32
    %dma_wait3A_395 = arith.constant 35 : i32
    %dma_wait3A_396 = arith.constant 2 : i32
    %dma_wait3A_397 = arith.constant 0 : i32
    %dma_wait3A_398 = arith.constant 0 : i32
    %dma_wait3A_399 = tpu.memref_slice %arg9[%dma_wait3A_396, %dma_wait3A_397, %dma_wait3A_398] : memref<3x96x128xf32, #tpu.memory_space<vmem>> -> memref<1x96x128xf32, #tpu.memory_space<vmem>>
    %dma_wait3A_400 = tpu.memref_squeeze %dma_wait3A_399 : memref<1x96x128xf32, #tpu.memory_space<vmem>> -> memref<96x128xf32, #tpu.memory_space<vmem>>
    %dma_wait3A_401 = arith.constant 0 : i32
    %dma_wait3A_402 = tpu.memref_slice %arg7[%dma_wait3A_395, %dma_wait3A_401] : memref<36x96xi32, #tpu.memory_space<vmem>> -> memref<1x96xi32, #tpu.memory_space<vmem>>
    %dma_wait3A_403 = tpu.memref_squeeze %dma_wait3A_402 : memref<1x96xi32, #tpu.memory_space<vmem>> -> memref<96xi32, #tpu.memory_space<vmem>>
    %dma_wait3A_404 = arith.constant 0 : i32
    %dma_wait3A_405 = arith.constant 0 : i32
    %dma_wait3A_406 = tpu.memref_slice %arg2[%dma_wait3A_404, %dma_wait3A_405] : memref<10240x128xf32, #tpu.memory_space<hbm>> -> memref<10240x128xf32, #tpu.memory_space<hbm>>
    tpu.wait_indirect_dma semaphore(%arg13 : memref<!tpu.dma_semaphore, #tpu.memory_space<semaphore_mem>>) src(%dma_wait3A_406 : memref<10240x128xf32, #tpu.memory_space<hbm>>) dst(%dma_wait3A_400 : memref<96x128xf32, #tpu.memory_space<vmem>>)
    %dma_start3A_407 = arith.constant 2 : i32
    %dma_start3A_408 = arith.constant 35 : i32
    %dma_start3A_409 = arith.constant 0 : i32
    %dma_start3A_410 = arith.constant 0 : i32
    %dma_start3A_411 = tpu.memref_slice %arg9[%dma_start3A_407, %dma_start3A_409, %dma_start3A_410] : memref<3x96x128xf32, #tpu.memory_space<vmem>> -> memref<1x96x128xf32, #tpu.memory_space<vmem>>
    %dma_start3A_412 = tpu.memref_squeeze %dma_start3A_411 : memref<1x96x128xf32, #tpu.memory_space<vmem>> -> memref<96x128xf32, #tpu.memory_space<vmem>>
    %dma_start3A_413 = arith.constant 0 : i32
    %dma_start3A_414 = tpu.memref_slice %arg8[%dma_start3A_408, %dma_start3A_413] : memref<36x96xi32, #tpu.memory_space<vmem>> -> memref<1x96xi32, #tpu.memory_space<vmem>>
    %dma_start3A_415 = tpu.memref_squeeze %dma_start3A_414 : memref<1x96xi32, #tpu.memory_space<vmem>> -> memref<96xi32, #tpu.memory_space<vmem>>
    %dma_start3A_416 = arith.constant 0 : i32
    %dma_start3A_417 = arith.constant 0 : i32
    %dma_start3A_418 = tpu.memref_slice %arg10[%dma_start3A_416, %dma_start3A_417] : memref<10240x128xf32, #tpu.memory_space<vmem_shared>> -> memref<10240x128xf32, #tpu.memory_space<vmem_shared>>
    tpu.enqueue_indirect_dma source(%dma_start3A_412 : memref<96x128xf32, #tpu.memory_space<vmem>>) target(%dma_start3A_418 : memref<10240x128xf32, #tpu.memory_space<vmem_shared>>) offsets(%dma_start3A_415 : memref<96xi32, #tpu.memory_space<vmem>>) semaphore(%arg16 : memref<!tpu.dma_semaphore, #tpu.memory_space<semaphore_mem>>) {add = true}
    %dma_wait3A_419 = arith.constant 0 : i32
    %dma_wait3A_420 = arith.constant 33 : i32
    %dma_wait3A_421 = arith.constant 0 : i32
    %dma_wait3A_422 = arith.constant 0 : i32
    %dma_wait3A_423 = tpu.memref_slice %arg9[%dma_wait3A_419, %dma_wait3A_421, %dma_wait3A_422] : memref<3x96x128xf32, #tpu.memory_space<vmem>> -> memref<1x96x128xf32, #tpu.memory_space<vmem>>
    %dma_wait3A_424 = tpu.memref_squeeze %dma_wait3A_423 : memref<1x96x128xf32, #tpu.memory_space<vmem>> -> memref<96x128xf32, #tpu.memory_space<vmem>>
    %dma_wait3A_425 = arith.constant 0 : i32
    %dma_wait3A_426 = tpu.memref_slice %arg8[%dma_wait3A_420, %dma_wait3A_425] : memref<36x96xi32, #tpu.memory_space<vmem>> -> memref<1x96xi32, #tpu.memory_space<vmem>>
    %dma_wait3A_427 = tpu.memref_squeeze %dma_wait3A_426 : memref<1x96xi32, #tpu.memory_space<vmem>> -> memref<96xi32, #tpu.memory_space<vmem>>
    %dma_wait3A_428 = arith.constant 0 : i32
    %dma_wait3A_429 = arith.constant 0 : i32
    %dma_wait3A_430 = tpu.memref_slice %arg10[%dma_wait3A_428, %dma_wait3A_429] : memref<10240x128xf32, #tpu.memory_space<vmem_shared>> -> memref<10240x128xf32, #tpu.memory_space<vmem_shared>>
    tpu.wait_indirect_dma semaphore(%arg14 : memref<!tpu.dma_semaphore, #tpu.memory_space<semaphore_mem>>) src(%dma_wait3A_424 : memref<96x128xf32, #tpu.memory_space<vmem>>) dst(%dma_wait3A_430 : memref<10240x128xf32, #tpu.memory_space<vmem_shared>>)
    %dma_wait3A_431 = arith.constant 1 : i32
    %dma_wait3A_432 = arith.constant 34 : i32
    %dma_wait3A_433 = arith.constant 0 : i32
    %dma_wait3A_434 = arith.constant 0 : i32
    %dma_wait3A_435 = tpu.memref_slice %arg9[%dma_wait3A_431, %dma_wait3A_433, %dma_wait3A_434] : memref<3x96x128xf32, #tpu.memory_space<vmem>> -> memref<1x96x128xf32, #tpu.memory_space<vmem>>
    %dma_wait3A_436 = tpu.memref_squeeze %dma_wait3A_435 : memref<1x96x128xf32, #tpu.memory_space<vmem>> -> memref<96x128xf32, #tpu.memory_space<vmem>>
    %dma_wait3A_437 = arith.constant 0 : i32
    %dma_wait3A_438 = tpu.memref_slice %arg8[%dma_wait3A_432, %dma_wait3A_437] : memref<36x96xi32, #tpu.memory_space<vmem>> -> memref<1x96xi32, #tpu.memory_space<vmem>>
    %dma_wait3A_439 = tpu.memref_squeeze %dma_wait3A_438 : memref<1x96xi32, #tpu.memory_space<vmem>> -> memref<96xi32, #tpu.memory_space<vmem>>
    %dma_wait3A_440 = arith.constant 0 : i32
    %dma_wait3A_441 = arith.constant 0 : i32
    %dma_wait3A_442 = tpu.memref_slice %arg10[%dma_wait3A_440, %dma_wait3A_441] : memref<10240x128xf32, #tpu.memory_space<vmem_shared>> -> memref<10240x128xf32, #tpu.memory_space<vmem_shared>>
    tpu.wait_indirect_dma semaphore(%arg15 : memref<!tpu.dma_semaphore, #tpu.memory_space<semaphore_mem>>) src(%dma_wait3A_436 : memref<96x128xf32, #tpu.memory_space<vmem>>) dst(%dma_wait3A_442 : memref<10240x128xf32, #tpu.memory_space<vmem_shared>>)
    %dma_wait3A_443 = arith.constant 2 : i32
    %dma_wait3A_444 = arith.constant 35 : i32
    %dma_wait3A_445 = arith.constant 0 : i32
    %dma_wait3A_446 = arith.constant 0 : i32
    %dma_wait3A_447 = tpu.memref_slice %arg9[%dma_wait3A_443, %dma_wait3A_445, %dma_wait3A_446] : memref<3x96x128xf32, #tpu.memory_space<vmem>> -> memref<1x96x128xf32, #tpu.memory_space<vmem>>
    %dma_wait3A_448 = tpu.memref_squeeze %dma_wait3A_447 : memref<1x96x128xf32, #tpu.memory_space<vmem>> -> memref<96x128xf32, #tpu.memory_space<vmem>>
    %dma_wait3A_449 = arith.constant 0 : i32
    %dma_wait3A_450 = tpu.memref_slice %arg8[%dma_wait3A_444, %dma_wait3A_449] : memref<36x96xi32, #tpu.memory_space<vmem>> -> memref<1x96xi32, #tpu.memory_space<vmem>>
    %dma_wait3A_451 = tpu.memref_squeeze %dma_wait3A_450 : memref<1x96xi32, #tpu.memory_space<vmem>> -> memref<96xi32, #tpu.memory_space<vmem>>
    %dma_wait3A_452 = arith.constant 0 : i32
    %dma_wait3A_453 = arith.constant 0 : i32
    %dma_wait3A_454 = tpu.memref_slice %arg10[%dma_wait3A_452, %dma_wait3A_453] : memref<10240x128xf32, #tpu.memory_space<vmem_shared>> -> memref<10240x128xf32, #tpu.memory_space<vmem_shared>>
    tpu.wait_indirect_dma semaphore(%arg16 : memref<!tpu.dma_semaphore, #tpu.memory_space<semaphore_mem>>) src(%dma_wait3A_448 : memref<96x128xf32, #tpu.memory_space<vmem>>) dst(%dma_wait3A_454 : memref<10240x128xf32, #tpu.memory_space<vmem_shared>>)
    %barrier3A_455 = arith.constant 0 : index
    tpu.barrier barrier_id(%barrier3A_455)
    %eq3A = arith.constant 0 : i32
    %eq3A_456 = arith.cmpi eq, %arg0, %eq3A : i32
    %convert_element_type3A = arith.extui %eq3A_456 : i1 to i32
    %cond3A = arith.constant 0 : i32
    %cond3A_457 = arith.cmpi ne, %convert_element_type3A, %cond3A : i32
    scf.if %cond3A_457 {
      "tpu.region"() ({
        %run_scoped3A_463 = tpu.sem_alloc : memref<!tpu.dma_semaphore, #tpu.memory_space<semaphore_mem>>
        %dma_start3A_464 = arith.constant 0 : i32
        %dma_start3A_465 = tpu.memref_slice %arg5[%multiple_of3A, %dma_start3A_464] : memref<10240x128xf32, #tpu.memory_space<hbm>> -> memref<640x128xf32, #tpu.memory_space<hbm>>
        %dma_start3A_466 = arith.constant 0 : i32
        %dma_start3A_467 = tpu.memref_slice %arg10[%multiple_of3A, %dma_start3A_466] : memref<10240x128xf32, #tpu.memory_space<vmem_shared>> -> memref<640x128xf32, #tpu.memory_space<vmem_shared>>
        tpu.enqueue_dma source(%dma_start3A_467 : memref<640x128xf32, #tpu.memory_space<vmem_shared>>) target(%dma_start3A_465 : memref<640x128xf32, #tpu.memory_space<hbm>>) target_semaphore(%run_scoped3A_463 : memref<!tpu.dma_semaphore, #tpu.memory_space<semaphore_mem>>)
        %dma_wait3A_468 = arith.constant 0 : i32
        %dma_wait3A_469 = tpu.memref_slice %arg5[%multiple_of3A, %dma_wait3A_468] : memref<10240x128xf32, #tpu.memory_space<hbm>> -> memref<640x128xf32, #tpu.memory_space<hbm>>
        %dma_wait3A_470 = arith.constant 0 : i32
        %dma_wait3A_471 = tpu.memref_slice %arg10[%multiple_of3A, %dma_wait3A_470] : memref<10240x128xf32, #tpu.memory_space<vmem_shared>> -> memref<640x128xf32, #tpu.memory_space<vmem_shared>>
        tpu.wait_dma2 semaphore(%run_scoped3A_463 : memref<!tpu.dma_semaphore, #tpu.memory_space<semaphore_mem>>) src(%dma_wait3A_471 : memref<640x128xf32, #tpu.memory_space<vmem_shared>>) dst(%dma_wait3A_469 : memref<640x128xf32, #tpu.memory_space<hbm>>)
        tpu.yield
      }) : () -> ()
    } else {
    }
    %eq3A_458 = arith.constant 1 : i32
    %eq3A_459 = arith.cmpi eq, %arg0, %eq3A_458 : i32
    %convert_element_type3A_460 = arith.extui %eq3A_459 : i1 to i32
    %cond3A_461 = arith.constant 0 : i32
    %cond3A_462 = arith.cmpi ne, %convert_element_type3A_460, %cond3A_461 : i32
    scf.if %cond3A_462 {
      "tpu.region"() ({
        %run_scoped3A_463 = tpu.sem_alloc : memref<!tpu.dma_semaphore, #tpu.memory_space<semaphore_mem>>
        %dma_start3A_464 = arith.constant 0 : i32
        %dma_start3A_465 = tpu.memref_slice %arg6[%multiple_of3A, %dma_start3A_464] : memref<10240x128xf32, #tpu.memory_space<hbm>> -> memref<640x128xf32, #tpu.memory_space<hbm>>
        %dma_start3A_466 = arith.constant 0 : i32
        %dma_start3A_467 = tpu.memref_slice %arg10[%multiple_of3A, %dma_start3A_466] : memref<10240x128xf32, #tpu.memory_space<vmem_shared>> -> memref<640x128xf32, #tpu.memory_space<vmem_shared>>
        tpu.enqueue_dma source(%dma_start3A_467 : memref<640x128xf32, #tpu.memory_space<vmem_shared>>) target(%dma_start3A_465 : memref<640x128xf32, #tpu.memory_space<hbm>>) target_semaphore(%run_scoped3A_463 : memref<!tpu.dma_semaphore, #tpu.memory_space<semaphore_mem>>)
        %dma_wait3A_468 = arith.constant 0 : i32
        %dma_wait3A_469 = tpu.memref_slice %arg6[%multiple_of3A, %dma_wait3A_468] : memref<10240x128xf32, #tpu.memory_space<hbm>> -> memref<640x128xf32, #tpu.memory_space<hbm>>
        %dma_wait3A_470 = arith.constant 0 : i32
        %dma_wait3A_471 = tpu.memref_slice %arg10[%multiple_of3A, %dma_wait3A_470] : memref<10240x128xf32, #tpu.memory_space<vmem_shared>> -> memref<640x128xf32, #tpu.memory_space<vmem_shared>>
        tpu.wait_dma2 semaphore(%run_scoped3A_463 : memref<!tpu.dma_semaphore, #tpu.memory_space<semaphore_mem>>) src(%dma_wait3A_471 : memref<640x128xf32, #tpu.memory_space<vmem_shared>>) dst(%dma_wait3A_469 : memref<640x128xf32, #tpu.memory_space<hbm>>)
        tpu.yield
      }) : () -> ()
    } else {
    }
    return
  }
}

#map = affine_map<(d0, d1) -> (0, 0)>
#map1 = affine_map<(d0, d1) -> (0, 0, 0, 0)>
module attributes {stable_mosaic.version = 14 : i64} {
  func.func @_scat_body(%arg0: i32, %arg1: i32, %arg2: memref<10240x128xf32, #tpu.memory_space<hbm>>, %arg3: memref<32x3x36x96xi32, #tpu.memory_space<hbm>>, %arg4: memref<32x3x36x96xi32, #tpu.memory_space<hbm>>, %arg5: memref<10240x128xf32, #tpu.memory_space<hbm>>, %arg6: memref<10240x128xf32, #tpu.memory_space<hbm>>, %arg7: memref<36x96xi32, #tpu.memory_space<vmem>>, %arg8: memref<36x96xi32, #tpu.memory_space<vmem>>, %arg9: memref<3x96x128xf32, #tpu.memory_space<vmem>>, %arg10: memref<10240x128xf32, #tpu.memory_space<vmem_shared>>, %arg11: memref<!tpu.dma_semaphore, #tpu.memory_space<semaphore_mem>>, %arg12: memref<!tpu.dma_semaphore, #tpu.memory_space<semaphore_mem>>, %arg13: memref<!tpu.dma_semaphore, #tpu.memory_space<semaphore_mem>>, %arg14: memref<!tpu.dma_semaphore, #tpu.memory_space<semaphore_mem>>, %arg15: memref<!tpu.dma_semaphore, #tpu.memory_space<semaphore_mem>>, %arg16: memref<!tpu.dma_semaphore, #tpu.memory_space<semaphore_mem>>) attributes {dimension_semantics = [#tpu.dimension_semantics<core_parallel>, #tpu.dimension_semantics<subcore_parallel>], iteration_bounds = array<i64: 2, 16>, scalar_prefetch = 0 : i64, scratch_operands = 10 : i64, tpu.core_type = #tpu.core_type<sc_vector_subcore>, window_params = [{transform_indices = #map}, {transform_indices = #map1}, {transform_indices = #map1}, {transform_indices = #map}, {transform_indices = #map}]} {
    %mul3A = arith.constant 16 : i32
    %mul3A_0 = arith.muli %arg0, %mul3A : i32
    %add3A = arith.addi %mul3A_0, %arg1 : i32
    %mul3A_1 = arith.constant 640 : i32
    %mul3A_2 = arith.muli %arg1, %mul3A_1 : i32
    %multiple_of3A = tpu.assume_multiple %mul3A_2, 8 : i32
    "tpu.region"() ({
      %run_scoped3A_463 = tpu.sem_alloc : memref<!tpu.dma_semaphore, #tpu.memory_space<semaphore_mem>>
      %dma_start3A_464 = arith.constant 0 : i32
      %dma_start3A_465 = tpu.memref_slice %arg10[%multiple_of3A, %dma_start3A_464] : memref<10240x128xf32, #tpu.memory_space<vmem_shared>> -> memref<640x128xf32, #tpu.memory_space<vmem_shared>>
      %dma_start3A_466 = arith.constant 0 : i32
      %dma_start3A_467 = tpu.memref_slice %arg2[%multiple_of3A, %dma_start3A_466] : memref<10240x128xf32, #tpu.memory_space<hbm>> -> memref<640x128xf32, #tpu.memory_space<hbm>>
      tpu.enqueue_dma source(%dma_start3A_467 : memref<640x128xf32, #tpu.memory_space<hbm>>) target(%dma_start3A_465 : memref<640x128xf32, #tpu.memory_space<vmem_shared>>) target_semaphore(%run_scoped3A_463 : memref<!tpu.dma_semaphore, #tpu.memory_space<semaphore_mem>>)
      %dma_wait3A_468 = arith.constant 0 : i32
      %dma_wait3A_469 = tpu.memref_slice %arg10[%multiple_of3A, %dma_wait3A_468] : memref<10240x128xf32, #tpu.memory_space<vmem_shared>> -> memref<640x128xf32, #tpu.memory_space<vmem_shared>>
      %dma_wait3A_470 = arith.constant 0 : i32
      %dma_wait3A_471 = tpu.memref_slice %arg2[%multiple_of3A, %dma_wait3A_470] : memref<10240x128xf32, #tpu.memory_space<hbm>> -> memref<640x128xf32, #tpu.memory_space<hbm>>
      tpu.wait_dma2 semaphore(%run_scoped3A_463 : memref<!tpu.dma_semaphore, #tpu.memory_space<semaphore_mem>>) src(%dma_wait3A_471 : memref<640x128xf32, #tpu.memory_space<hbm>>) dst(%dma_wait3A_469 : memref<640x128xf32, #tpu.memory_space<vmem_shared>>)
      tpu.yield
    }) : () -> ()
    %barrier3A = arith.constant 0 : index
    tpu.barrier barrier_id(%barrier3A)
    %run_scoped3A = arith.constant 0 : i32
    "tpu.region"() ({
      %run_scoped3A_463 = tpu.sem_alloc : memref<!tpu.dma_semaphore, #tpu.memory_space<semaphore_mem>>
      %dma_start3A_464 = arith.constant 0 : i32
      %dma_start3A_465 = arith.constant 0 : i32
      %dma_start3A_466 = tpu.memref_slice %arg3[%add3A, %run_scoped3A, %dma_start3A_464, %dma_start3A_465] : memref<32x3x36x96xi32, #tpu.memory_space<hbm>> -> memref<1x1x36x96xi32, #tpu.memory_space<hbm>>
      %dma_start3A_467 = tpu.memref_squeeze %dma_start3A_466 : memref<1x1x36x96xi32, #tpu.memory_space<hbm>> -> memref<36x96xi32, #tpu.memory_space<hbm>>
      %dma_start3A_468 = arith.constant 0 : i32
      %dma_start3A_469 = arith.constant 0 : i32
      %dma_start3A_470 = tpu.memref_slice %arg3[%add3A, %run_scoped3A, %dma_start3A_468, %dma_start3A_469] : memref<32x3x36x96xi32, #tpu.memory_space<hbm>> -> memref<1x1x36x96xi32, #tpu.memory_space<hbm>>
      %dma_start3A_471 = tpu.memref_squeeze %dma_start3A_470 : memref<1x1x36x96xi32, #tpu.memory_space<hbm>> -> memref<36x96xi32, #tpu.memory_space<hbm>>
      tpu.enqueue_dma source(%dma_start3A_471 : memref<36x96xi32, #tpu.memory_space<hbm>>) target(%arg7 : memref<36x96xi32, #tpu.memory_space<vmem>>) target_semaphore(%run_scoped3A_463 : memref<!tpu.dma_semaphore, #tpu.memory_space<semaphore_mem>>)
      %dma_wait3A_472 = arith.constant 0 : i32
      %dma_wait3A_473 = arith.constant 0 : i32
      %dma_wait3A_474 = tpu.memref_slice %arg3[%add3A, %run_scoped3A, %dma_wait3A_472, %dma_wait3A_473] : memref<32x3x36x96xi32, #tpu.memory_space<hbm>> -> memref<1x1x36x96xi32, #tpu.memory_space<hbm>>
      %dma_wait3A_475 = tpu.memref_squeeze %dma_wait3A_474 : memref<1x1x36x96xi32, #tpu.memory_space<hbm>> -> memref<36x96xi32, #tpu.memory_space<hbm>>
      %dma_wait3A_476 = arith.constant 0 : i32
      %dma_wait3A_477 = arith.constant 0 : i32
      %dma_wait3A_478 = tpu.memref_slice %arg3[%add3A, %run_scoped3A, %dma_wait3A_476, %dma_wait3A_477] : memref<32x3x36x96xi32, #tpu.memory_space<hbm>> -> memref<1x1x36x96xi32, #tpu.memory_space<hbm>>
      %dma_wait3A_479 = tpu.memref_squeeze %dma_wait3A_478 : memref<1x1x36x96xi32, #tpu.memory_space<hbm>> -> memref<36x96xi32, #tpu.memory_space<hbm>>
      tpu.wait_dma2 semaphore(%run_scoped3A_463 : memref<!tpu.dma_semaphore, #tpu.memory_space<semaphore_mem>>) src(%dma_wait3A_479 : memref<36x96xi32, #tpu.memory_space<hbm>>) dst(%arg7 : memref<36x96xi32, #tpu.memory_space<vmem>>)
      tpu.yield
    }) : () -> ()
    %run_scoped3A_3 = arith.constant 0 : i32
    "tpu.region"() ({
      %run_scoped3A_463 = tpu.sem_alloc : memref<!tpu.dma_semaphore, #tpu.memory_space<semaphore_mem>>
      %dma_start3A_464 = arith.constant 0 : i32
      %dma_start3A_465 = arith.constant 0 : i32
      %dma_start3A_466 = tpu.memref_slice %arg4[%add3A, %run_scoped3A_3, %dma_start3A_464, %dma_start3A_465] : memref<32x3x36x96xi32, #tpu.memory_space<hbm>> -> memref<1x1x36x96xi32, #tpu.memory_space<hbm>>
      %dma_start3A_467 = tpu.memref_squeeze %dma_start3A_466 : memref<1x1x36x96xi32, #tpu.memory_space<hbm>> -> memref<36x96xi32, #tpu.memory_space<hbm>>
      %dma_start3A_468 = arith.constant 0 : i32
      %dma_start3A_469 = arith.constant 0 : i32
      %dma_start3A_470 = tpu.memref_slice %arg4[%add3A, %run_scoped3A_3, %dma_start3A_468, %dma_start3A_469] : memref<32x3x36x96xi32, #tpu.memory_space<hbm>> -> memref<1x1x36x96xi32, #tpu.memory_space<hbm>>
      %dma_start3A_471 = tpu.memref_squeeze %dma_start3A_470 : memref<1x1x36x96xi32, #tpu.memory_space<hbm>> -> memref<36x96xi32, #tpu.memory_space<hbm>>
      tpu.enqueue_dma source(%dma_start3A_471 : memref<36x96xi32, #tpu.memory_space<hbm>>) target(%arg8 : memref<36x96xi32, #tpu.memory_space<vmem>>) target_semaphore(%run_scoped3A_463 : memref<!tpu.dma_semaphore, #tpu.memory_space<semaphore_mem>>)
      %dma_wait3A_472 = arith.constant 0 : i32
      %dma_wait3A_473 = arith.constant 0 : i32
      %dma_wait3A_474 = tpu.memref_slice %arg4[%add3A, %run_scoped3A_3, %dma_wait3A_472, %dma_wait3A_473] : memref<32x3x36x96xi32, #tpu.memory_space<hbm>> -> memref<1x1x36x96xi32, #tpu.memory_space<hbm>>
      %dma_wait3A_475 = tpu.memref_squeeze %dma_wait3A_474 : memref<1x1x36x96xi32, #tpu.memory_space<hbm>> -> memref<36x96xi32, #tpu.memory_space<hbm>>
      %dma_wait3A_476 = arith.constant 0 : i32
      %dma_wait3A_477 = arith.constant 0 : i32
      %dma_wait3A_478 = tpu.memref_slice %arg4[%add3A, %run_scoped3A_3, %dma_wait3A_476, %dma_wait3A_477] : memref<32x3x36x96xi32, #tpu.memory_space<hbm>> -> memref<1x1x36x96xi32, #tpu.memory_space<hbm>>
      %dma_wait3A_479 = tpu.memref_squeeze %dma_wait3A_478 : memref<1x1x36x96xi32, #tpu.memory_space<hbm>> -> memref<36x96xi32, #tpu.memory_space<hbm>>
      tpu.wait_dma2 semaphore(%run_scoped3A_463 : memref<!tpu.dma_semaphore, #tpu.memory_space<semaphore_mem>>) src(%dma_wait3A_479 : memref<36x96xi32, #tpu.memory_space<hbm>>) dst(%arg8 : memref<36x96xi32, #tpu.memory_space<vmem>>)
      tpu.yield
    }) : () -> ()
    %dma_start3A = arith.constant 0 : i32
    %dma_start3A_4 = arith.constant 0 : i32
    %dma_start3A_5 = arith.constant 0 : i32
    %dma_start3A_6 = arith.constant 0 : i32
    %dma_start3A_7 = tpu.memref_slice %arg9[%dma_start3A_4, %dma_start3A_5, %dma_start3A_6] : memref<3x96x128xf32, #tpu.memory_space<vmem>> -> memref<1x96x128xf32, #tpu.memory_space<vmem>>
    %dma_start3A_8 = tpu.memref_squeeze %dma_start3A_7 : memref<1x96x128xf32, #tpu.memory_space<vmem>> -> memref<96x128xf32, #tpu.memory_space<vmem>>
    %dma_start3A_9 = arith.constant 0 : i32
    %dma_start3A_10 = tpu.memref_slice %arg7[%dma_start3A, %dma_start3A_9] : memref<36x96xi32, #tpu.memory_space<vmem>> -> memref<1x96xi32, #tpu.memory_space<vmem>>
    %dma_start3A_11 = tpu.memref_squeeze %dma_start3A_10 : memref<1x96xi32, #tpu.memory_space<vmem>> -> memref<96xi32, #tpu.memory_space<vmem>>
    %dma_start3A_12 = arith.constant 0 : i32
    %dma_start3A_13 = arith.constant 0 : i32
    %dma_start3A_14 = tpu.memref_slice %arg2[%dma_start3A_12, %dma_start3A_13] : memref<10240x128xf32, #tpu.memory_space<hbm>> -> memref<10240x128xf32, #tpu.memory_space<hbm>>
    tpu.enqueue_indirect_dma source(%dma_start3A_14 : memref<10240x128xf32, #tpu.memory_space<hbm>>) target(%dma_start3A_8 : memref<96x128xf32, #tpu.memory_space<vmem>>) offsets(%dma_start3A_11 : memref<96xi32, #tpu.memory_space<vmem>>) semaphore(%arg11 : memref<!tpu.dma_semaphore, #tpu.memory_space<semaphore_mem>>)
    %dma_start3A_15 = arith.constant 1 : i32
    %dma_start3A_16 = arith.constant 1 : i32
    %dma_start3A_17 = arith.constant 0 : i32
    %dma_start3A_18 = arith.constant 0 : i32
    %dma_start3A_19 = tpu.memref_slice %arg9[%dma_start3A_16, %dma_start3A_17, %dma_start3A_18] : memref<3x96x128xf32, #tpu.memory_space<vmem>> -> memref<1x96x128xf32, #tpu.memory_space<vmem>>
    %dma_start3A_20 = tpu.memref_squeeze %dma_start3A_19 : memref<1x96x128xf32, #tpu.memory_space<vmem>> -> memref<96x128xf32, #tpu.memory_space<vmem>>
    %dma_start3A_21 = arith.constant 0 : i32
    %dma_start3A_22 = tpu.memref_slice %arg7[%dma_start3A_15, %dma_start3A_21] : memref<36x96xi32, #tpu.memory_space<vmem>> -> memref<1x96xi32, #tpu.memory_space<vmem>>
    %dma_start3A_23 = tpu.memref_squeeze %dma_start3A_22 : memref<1x96xi32, #tpu.memory_space<vmem>> -> memref<96xi32, #tpu.memory_space<vmem>>
    %dma_start3A_24 = arith.constant 0 : i32
    %dma_start3A_25 = arith.constant 0 : i32
    %dma_start3A_26 = tpu.memref_slice %arg2[%dma_start3A_24, %dma_start3A_25] : memref<10240x128xf32, #tpu.memory_space<hbm>> -> memref<10240x128xf32, #tpu.memory_space<hbm>>
    tpu.enqueue_indirect_dma source(%dma_start3A_26 : memref<10240x128xf32, #tpu.memory_space<hbm>>) target(%dma_start3A_20 : memref<96x128xf32, #tpu.memory_space<vmem>>) offsets(%dma_start3A_23 : memref<96xi32, #tpu.memory_space<vmem>>) semaphore(%arg12 : memref<!tpu.dma_semaphore, #tpu.memory_space<semaphore_mem>>)
    %dma_wait3A = arith.constant 0 : i32
    %dma_wait3A_27 = arith.constant 0 : i32
    %dma_wait3A_28 = arith.constant 0 : i32
    %dma_wait3A_29 = arith.constant 0 : i32
    %dma_wait3A_30 = tpu.memref_slice %arg9[%dma_wait3A_27, %dma_wait3A_28, %dma_wait3A_29] : memref<3x96x128xf32, #tpu.memory_space<vmem>> -> memref<1x96x128xf32, #tpu.memory_space<vmem>>
    %dma_wait3A_31 = tpu.memref_squeeze %dma_wait3A_30 : memref<1x96x128xf32, #tpu.memory_space<vmem>> -> memref<96x128xf32, #tpu.memory_space<vmem>>
    %dma_wait3A_32 = arith.constant 0 : i32
    %dma_wait3A_33 = tpu.memref_slice %arg7[%dma_wait3A, %dma_wait3A_32] : memref<36x96xi32, #tpu.memory_space<vmem>> -> memref<1x96xi32, #tpu.memory_space<vmem>>
    %dma_wait3A_34 = tpu.memref_squeeze %dma_wait3A_33 : memref<1x96xi32, #tpu.memory_space<vmem>> -> memref<96xi32, #tpu.memory_space<vmem>>
    %dma_wait3A_35 = arith.constant 0 : i32
    %dma_wait3A_36 = arith.constant 0 : i32
    %dma_wait3A_37 = tpu.memref_slice %arg2[%dma_wait3A_35, %dma_wait3A_36] : memref<10240x128xf32, #tpu.memory_space<hbm>> -> memref<10240x128xf32, #tpu.memory_space<hbm>>
    tpu.wait_indirect_dma semaphore(%arg11 : memref<!tpu.dma_semaphore, #tpu.memory_space<semaphore_mem>>) src(%dma_wait3A_37 : memref<10240x128xf32, #tpu.memory_space<hbm>>) dst(%dma_wait3A_31 : memref<96x128xf32, #tpu.memory_space<vmem>>)
    %dma_start3A_38 = arith.constant 0 : i32
    %dma_start3A_39 = arith.constant 0 : i32
    %dma_start3A_40 = arith.constant 0 : i32
    %dma_start3A_41 = arith.constant 0 : i32
    %dma_start3A_42 = tpu.memref_slice %arg9[%dma_start3A_38, %dma_start3A_40, %dma_start3A_41] : memref<3x96x128xf32, #tpu.memory_space<vmem>> -> memref<1x96x128xf32, #tpu.memory_space<vmem>>
    %dma_start3A_43 = tpu.memref_squeeze %dma_start3A_42 : memref<1x96x128xf32, #tpu.memory_space<vmem>> -> memref<96x128xf32, #tpu.memory_space<vmem>>
    %dma_start3A_44 = arith.constant 0 : i32
    %dma_start3A_45 = tpu.memref_slice %arg8[%dma_start3A_39, %dma_start3A_44] : memref<36x96xi32, #tpu.memory_space<vmem>> -> memref<1x96xi32, #tpu.memory_space<vmem>>
    %dma_start3A_46 = tpu.memref_squeeze %dma_start3A_45 : memref<1x96xi32, #tpu.memory_space<vmem>> -> memref<96xi32, #tpu.memory_space<vmem>>
    %dma_start3A_47 = arith.constant 0 : i32
    %dma_start3A_48 = arith.constant 0 : i32
    %dma_start3A_49 = tpu.memref_slice %arg10[%dma_start3A_47, %dma_start3A_48] : memref<10240x128xf32, #tpu.memory_space<vmem_shared>> -> memref<10240x128xf32, #tpu.memory_space<vmem_shared>>
    tpu.enqueue_indirect_dma source(%dma_start3A_43 : memref<96x128xf32, #tpu.memory_space<vmem>>) target(%dma_start3A_49 : memref<10240x128xf32, #tpu.memory_space<vmem_shared>>) offsets(%dma_start3A_46 : memref<96xi32, #tpu.memory_space<vmem>>) semaphore(%arg14 : memref<!tpu.dma_semaphore, #tpu.memory_space<semaphore_mem>>) {add = true}
    %dma_start3A_50 = arith.constant 2 : i32
    %dma_start3A_51 = arith.constant 2 : i32
    %dma_start3A_52 = arith.constant 0 : i32
    %dma_start3A_53 = arith.constant 0 : i32
    %dma_start3A_54 = tpu.memref_slice %arg9[%dma_start3A_51, %dma_start3A_52, %dma_start3A_53] : memref<3x96x128xf32, #tpu.memory_space<vmem>> -> memref<1x96x128xf32, #tpu.memory_space<vmem>>
    %dma_start3A_55 = tpu.memref_squeeze %dma_start3A_54 : memref<1x96x128xf32, #tpu.memory_space<vmem>> -> memref<96x128xf32, #tpu.memory_space<vmem>>
    %dma_start3A_56 = arith.constant 0 : i32
    %dma_start3A_57 = tpu.memref_slice %arg7[%dma_start3A_50, %dma_start3A_56] : memref<36x96xi32, #tpu.memory_space<vmem>> -> memref<1x96xi32, #tpu.memory_space<vmem>>
    %dma_start3A_58 = tpu.memref_squeeze %dma_start3A_57 : memref<1x96xi32, #tpu.memory_space<vmem>> -> memref<96xi32, #tpu.memory_space<vmem>>
    %dma_start3A_59 = arith.constant 0 : i32
    %dma_start3A_60 = arith.constant 0 : i32
    %dma_start3A_61 = tpu.memref_slice %arg2[%dma_start3A_59, %dma_start3A_60] : memref<10240x128xf32, #tpu.memory_space<hbm>> -> memref<10240x128xf32, #tpu.memory_space<hbm>>
    tpu.enqueue_indirect_dma source(%dma_start3A_61 : memref<10240x128xf32, #tpu.memory_space<hbm>>) target(%dma_start3A_55 : memref<96x128xf32, #tpu.memory_space<vmem>>) offsets(%dma_start3A_58 : memref<96xi32, #tpu.memory_space<vmem>>) semaphore(%arg13 : memref<!tpu.dma_semaphore, #tpu.memory_space<semaphore_mem>>)
    %dma_wait3A_62 = arith.constant 1 : i32
    %dma_wait3A_63 = arith.constant 1 : i32
    %dma_wait3A_64 = arith.constant 0 : i32
    %dma_wait3A_65 = arith.constant 0 : i32
    %dma_wait3A_66 = tpu.memref_slice %arg9[%dma_wait3A_63, %dma_wait3A_64, %dma_wait3A_65] : memref<3x96x128xf32, #tpu.memory_space<vmem>> -> memref<1x96x128xf32, #tpu.memory_space<vmem>>
    %dma_wait3A_67 = tpu.memref_squeeze %dma_wait3A_66 : memref<1x96x128xf32, #tpu.memory_space<vmem>> -> memref<96x128xf32, #tpu.memory_space<vmem>>
    %dma_wait3A_68 = arith.constant 0 : i32
    %dma_wait3A_69 = tpu.memref_slice %arg7[%dma_wait3A_62, %dma_wait3A_68] : memref<36x96xi32, #tpu.memory_space<vmem>> -> memref<1x96xi32, #tpu.memory_space<vmem>>
    %dma_wait3A_70 = tpu.memref_squeeze %dma_wait3A_69 : memref<1x96xi32, #tpu.memory_space<vmem>> -> memref<96xi32, #tpu.memory_space<vmem>>
    %dma_wait3A_71 = arith.constant 0 : i32
    %dma_wait3A_72 = arith.constant 0 : i32
    %dma_wait3A_73 = tpu.memref_slice %arg2[%dma_wait3A_71, %dma_wait3A_72] : memref<10240x128xf32, #tpu.memory_space<hbm>> -> memref<10240x128xf32, #tpu.memory_space<hbm>>
    tpu.wait_indirect_dma semaphore(%arg12 : memref<!tpu.dma_semaphore, #tpu.memory_space<semaphore_mem>>) src(%dma_wait3A_73 : memref<10240x128xf32, #tpu.memory_space<hbm>>) dst(%dma_wait3A_67 : memref<96x128xf32, #tpu.memory_space<vmem>>)
    %dma_start3A_74 = arith.constant 1 : i32
    %dma_start3A_75 = arith.constant 1 : i32
    %dma_start3A_76 = arith.constant 0 : i32
    %dma_start3A_77 = arith.constant 0 : i32
    %dma_start3A_78 = tpu.memref_slice %arg9[%dma_start3A_74, %dma_start3A_76, %dma_start3A_77] : memref<3x96x128xf32, #tpu.memory_space<vmem>> -> memref<1x96x128xf32, #tpu.memory_space<vmem>>
    %dma_start3A_79 = tpu.memref_squeeze %dma_start3A_78 : memref<1x96x128xf32, #tpu.memory_space<vmem>> -> memref<96x128xf32, #tpu.memory_space<vmem>>
    %dma_start3A_80 = arith.constant 0 : i32
    %dma_start3A_81 = tpu.memref_slice %arg8[%dma_start3A_75, %dma_start3A_80] : memref<36x96xi32, #tpu.memory_space<vmem>> -> memref<1x96xi32, #tpu.memory_space<vmem>>
    %dma_start3A_82 = tpu.memref_squeeze %dma_start3A_81 : memref<1x96xi32, #tpu.memory_space<vmem>> -> memref<96xi32, #tpu.memory_space<vmem>>
    %dma_start3A_83 = arith.constant 0 : i32
    %dma_start3A_84 = arith.constant 0 : i32
    %dma_start3A_85 = tpu.memref_slice %arg10[%dma_start3A_83, %dma_start3A_84] : memref<10240x128xf32, #tpu.memory_space<vmem_shared>> -> memref<10240x128xf32, #tpu.memory_space<vmem_shared>>
    tpu.enqueue_indirect_dma source(%dma_start3A_79 : memref<96x128xf32, #tpu.memory_space<vmem>>) target(%dma_start3A_85 : memref<10240x128xf32, #tpu.memory_space<vmem_shared>>) offsets(%dma_start3A_82 : memref<96xi32, #tpu.memory_space<vmem>>) semaphore(%arg15 : memref<!tpu.dma_semaphore, #tpu.memory_space<semaphore_mem>>) {add = true}
    %scan3A = arith.constant 0 : i32
    %scan3A_86 = arith.constant 0 : i32
    %scan3A_87 = arith.constant 11 : i32
    %scan3A_88 = arith.addi %scan3A_86, %scan3A_87 : i32
    %scan3A_89 = arith.constant 1 : i32
    scf.for %scan3A_463 = %scan3A_86 to %scan3A_88 step %scan3A_89  : i32 {
      %mul3A_464 = arith.constant 3 : i32
      %mul3A_465 = arith.muli %mul3A_464, %scan3A_463 : i32
      %add3A_466 = arith.constant 3 : i32
      %add3A_467 = arith.addi %add3A_466, %mul3A_465 : i32
      %add3A_468 = arith.constant 0 : i32
      %add3A_469 = arith.addi %add3A_467, %add3A_468 : i32
      %sub3A = arith.constant 3 : i32
      %sub3A_470 = arith.subi %add3A_469, %sub3A : i32
      %dma_wait3A_471 = arith.constant 0 : i32
      %dma_wait3A_472 = arith.constant 0 : i32
      %dma_wait3A_473 = arith.constant 0 : i32
      %dma_wait3A_474 = tpu.memref_slice %arg9[%dma_wait3A_471, %dma_wait3A_472, %dma_wait3A_473] : memref<3x96x128xf32, #tpu.memory_space<vmem>> -> memref<1x96x128xf32, #tpu.memory_space<vmem>>
      %dma_wait3A_475 = tpu.memref_squeeze %dma_wait3A_474 : memref<1x96x128xf32, #tpu.memory_space<vmem>> -> memref<96x128xf32, #tpu.memory_space<vmem>>
      %dma_wait3A_476 = arith.constant 0 : i32
      %dma_wait3A_477 = tpu.memref_slice %arg8[%sub3A_470, %dma_wait3A_476] : memref<36x96xi32, #tpu.memory_space<vmem>> -> memref<1x96xi32, #tpu.memory_space<vmem>>
      %dma_wait3A_478 = tpu.memref_squeeze %dma_wait3A_477 : memref<1x96xi32, #tpu.memory_space<vmem>> -> memref<96xi32, #tpu.memory_space<vmem>>
      %dma_wait3A_479 = arith.constant 0 : i32
      %dma_wait3A_480 = arith.constant 0 : i32
      %dma_wait3A_481 = tpu.memref_slice %arg10[%dma_wait3A_479, %dma_wait3A_480] : memref<10240x128xf32, #tpu.memory_space<vmem_shared>> -> memref<10240x128xf32, #tpu.memory_space<vmem_shared>>
      tpu.wait_indirect_dma semaphore(%arg14 : memref<!tpu.dma_semaphore, #tpu.memory_space<semaphore_mem>>) src(%dma_wait3A_475 : memref<96x128xf32, #tpu.memory_space<vmem>>) dst(%dma_wait3A_481 : memref<10240x128xf32, #tpu.memory_space<vmem_shared>>)
      %dma_start3A_482 = arith.constant 0 : i32
      %dma_start3A_483 = arith.constant 0 : i32
      %dma_start3A_484 = arith.constant 0 : i32
      %dma_start3A_485 = tpu.memref_slice %arg9[%dma_start3A_482, %dma_start3A_483, %dma_start3A_484] : memref<3x96x128xf32, #tpu.memory_space<vmem>> -> memref<1x96x128xf32, #tpu.memory_space<vmem>>
      %dma_start3A_486 = tpu.memref_squeeze %dma_start3A_485 : memref<1x96x128xf32, #tpu.memory_space<vmem>> -> memref<96x128xf32, #tpu.memory_space<vmem>>
      %dma_start3A_487 = arith.constant 0 : i32
      %dma_start3A_488 = tpu.memref_slice %arg7[%add3A_469, %dma_start3A_487] : memref<36x96xi32, #tpu.memory_space<vmem>> -> memref<1x96xi32, #tpu.memory_space<vmem>>
      %dma_start3A_489 = tpu.memref_squeeze %dma_start3A_488 : memref<1x96xi32, #tpu.memory_space<vmem>> -> memref<96xi32, #tpu.memory_space<vmem>>
      %dma_start3A_490 = arith.constant 0 : i32
      %dma_start3A_491 = arith.constant 0 : i32
      %dma_start3A_492 = tpu.memref_slice %arg2[%dma_start3A_490, %dma_start3A_491] : memref<10240x128xf32, #tpu.memory_space<hbm>> -> memref<10240x128xf32, #tpu.memory_space<hbm>>
      tpu.enqueue_indirect_dma source(%dma_start3A_492 : memref<10240x128xf32, #tpu.memory_space<hbm>>) target(%dma_start3A_486 : memref<96x128xf32, #tpu.memory_space<vmem>>) offsets(%dma_start3A_489 : memref<96xi32, #tpu.memory_space<vmem>>) semaphore(%arg11 : memref<!tpu.dma_semaphore, #tpu.memory_space<semaphore_mem>>)
      %sub3A_493 = arith.constant 1 : i32
      %sub3A_494 = arith.subi %add3A_469, %sub3A_493 : i32
      %dma_wait3A_495 = arith.constant 2 : i32
      %dma_wait3A_496 = arith.constant 0 : i32
      %dma_wait3A_497 = arith.constant 0 : i32
      %dma_wait3A_498 = tpu.memref_slice %arg9[%dma_wait3A_495, %dma_wait3A_496, %dma_wait3A_497] : memref<3x96x128xf32, #tpu.memory_space<vmem>> -> memref<1x96x128xf32, #tpu.memory_space<vmem>>
      %dma_wait3A_499 = tpu.memref_squeeze %dma_wait3A_498 : memref<1x96x128xf32, #tpu.memory_space<vmem>> -> memref<96x128xf32, #tpu.memory_space<vmem>>
      %dma_wait3A_500 = arith.constant 0 : i32
      %dma_wait3A_501 = tpu.memref_slice %arg7[%sub3A_494, %dma_wait3A_500] : memref<36x96xi32, #tpu.memory_space<vmem>> -> memref<1x96xi32, #tpu.memory_space<vmem>>
      %dma_wait3A_502 = tpu.memref_squeeze %dma_wait3A_501 : memref<1x96xi32, #tpu.memory_space<vmem>> -> memref<96xi32, #tpu.memory_space<vmem>>
      %dma_wait3A_503 = arith.constant 0 : i32
      %dma_wait3A_504 = arith.constant 0 : i32
      %dma_wait3A_505 = tpu.memref_slice %arg2[%dma_wait3A_503, %dma_wait3A_504] : memref<10240x128xf32, #tpu.memory_space<hbm>> -> memref<10240x128xf32, #tpu.memory_space<hbm>>
      tpu.wait_indirect_dma semaphore(%arg13 : memref<!tpu.dma_semaphore, #tpu.memory_space<semaphore_mem>>) src(%dma_wait3A_505 : memref<10240x128xf32, #tpu.memory_space<hbm>>) dst(%dma_wait3A_499 : memref<96x128xf32, #tpu.memory_space<vmem>>)
      %sub3A_506 = arith.constant 1 : i32
      %sub3A_507 = arith.subi %add3A_469, %sub3A_506 : i32
      %dma_start3A_508 = arith.constant 2 : i32
      %dma_start3A_509 = arith.constant 0 : i32
      %dma_start3A_510 = arith.constant 0 : i32
      %dma_start3A_511 = tpu.memref_slice %arg9[%dma_start3A_508, %dma_start3A_509, %dma_start3A_510] : memref<3x96x128xf32, #tpu.memory_space<vmem>> -> memref<1x96x128xf32, #tpu.memory_space<vmem>>
      %dma_start3A_512 = tpu.memref_squeeze %dma_start3A_511 : memref<1x96x128xf32, #tpu.memory_space<vmem>> -> memref<96x128xf32, #tpu.memory_space<vmem>>
      %dma_start3A_513 = arith.constant 0 : i32
      %dma_start3A_514 = tpu.memref_slice %arg8[%sub3A_507, %dma_start3A_513] : memref<36x96xi32, #tpu.memory_space<vmem>> -> memref<1x96xi32, #tpu.memory_space<vmem>>
      %dma_start3A_515 = tpu.memref_squeeze %dma_start3A_514 : memref<1x96xi32, #tpu.memory_space<vmem>> -> memref<96xi32, #tpu.memory_space<vmem>>
      %dma_start3A_516 = arith.constant 0 : i32
      %dma_start3A_517 = arith.constant 0 : i32
      %dma_start3A_518 = tpu.memref_slice %arg10[%dma_start3A_516, %dma_start3A_517] : memref<10240x128xf32, #tpu.memory_space<vmem_shared>> -> memref<10240x128xf32, #tpu.memory_space<vmem_shared>>
      tpu.enqueue_indirect_dma source(%dma_start3A_512 : memref<96x128xf32, #tpu.memory_space<vmem>>) target(%dma_start3A_518 : memref<10240x128xf32, #tpu.memory_space<vmem_shared>>) offsets(%dma_start3A_515 : memref<96xi32, #tpu.memory_space<vmem>>) semaphore(%arg16 : memref<!tpu.dma_semaphore, #tpu.memory_space<semaphore_mem>>) {add = true}
      %add3A_519 = arith.constant 1 : i32
      %add3A_520 = arith.addi %add3A_467, %add3A_519 : i32
      %sub3A_521 = arith.constant 3 : i32
      %sub3A_522 = arith.subi %add3A_520, %sub3A_521 : i32
      %dma_wait3A_523 = arith.constant 1 : i32
      %dma_wait3A_524 = arith.constant 0 : i32
      %dma_wait3A_525 = arith.constant 0 : i32
      %dma_wait3A_526 = tpu.memref_slice %arg9[%dma_wait3A_523, %dma_wait3A_524, %dma_wait3A_525] : memref<3x96x128xf32, #tpu.memory_space<vmem>> -> memref<1x96x128xf32, #tpu.memory_space<vmem>>
      %dma_wait3A_527 = tpu.memref_squeeze %dma_wait3A_526 : memref<1x96x128xf32, #tpu.memory_space<vmem>> -> memref<96x128xf32, #tpu.memory_space<vmem>>
      %dma_wait3A_528 = arith.constant 0 : i32
      %dma_wait3A_529 = tpu.memref_slice %arg8[%sub3A_522, %dma_wait3A_528] : memref<36x96xi32, #tpu.memory_space<vmem>> -> memref<1x96xi32, #tpu.memory_space<vmem>>
      %dma_wait3A_530 = tpu.memref_squeeze %dma_wait3A_529 : memref<1x96xi32, #tpu.memory_space<vmem>> -> memref<96xi32, #tpu.memory_space<vmem>>
      %dma_wait3A_531 = arith.constant 0 : i32
      %dma_wait3A_532 = arith.constant 0 : i32
      %dma_wait3A_533 = tpu.memref_slice %arg10[%dma_wait3A_531, %dma_wait3A_532] : memref<10240x128xf32, #tpu.memory_space<vmem_shared>> -> memref<10240x128xf32, #tpu.memory_space<vmem_shared>>
      tpu.wait_indirect_dma semaphore(%arg15 : memref<!tpu.dma_semaphore, #tpu.memory_space<semaphore_mem>>) src(%dma_wait3A_527 : memref<96x128xf32, #tpu.memory_space<vmem>>) dst(%dma_wait3A_533 : memref<10240x128xf32, #tpu.memory_space<vmem_shared>>)
      %dma_start3A_534 = arith.constant 1 : i32
      %dma_start3A_535 = arith.constant 0 : i32
      %dma_start3A_536 = arith.constant 0 : i32
      %dma_start3A_537 = tpu.memref_slice %arg9[%dma_start3A_534, %dma_start3A_535, %dma_start3A_536] : memref<3x96x128xf32, #tpu.memory_space<vmem>> -> memref<1x96x128xf32, #tpu.memory_space<vmem>>
      %dma_start3A_538 = tpu.memref_squeeze %dma_start3A_537 : memref<1x96x128xf32, #tpu.memory_space<vmem>> -> memref<96x128xf32, #tpu.memory_space<vmem>>
      %dma_start3A_539 = arith.constant 0 : i32
      %dma_start3A_540 = tpu.memref_slice %arg7[%add3A_520, %dma_start3A_539] : memref<36x96xi32, #tpu.memory_space<vmem>> -> memref<1x96xi32, #tpu.memory_space<vmem>>
      %dma_start3A_541 = tpu.memref_squeeze %dma_start3A_540 : memref<1x96xi32, #tpu.memory_space<vmem>> -> memref<96xi32, #tpu.memory_space<vmem>>
      %dma_start3A_542 = arith.constant 0 : i32
      %dma_start3A_543 = arith.constant 0 : i32
      %dma_start3A_544 = tpu.memref_slice %arg2[%dma_start3A_542, %dma_start3A_543] : memref<10240x128xf32, #tpu.memory_space<hbm>> -> memref<10240x128xf32, #tpu.memory_space<hbm>>
      tpu.enqueue_indirect_dma source(%dma_start3A_544 : memref<10240x128xf32, #tpu.memory_space<hbm>>) target(%dma_start3A_538 : memref<96x128xf32, #tpu.memory_space<vmem>>) offsets(%dma_start3A_541 : memref<96xi32, #tpu.memory_space<vmem>>) semaphore(%arg12 : memref<!tpu.dma_semaphore, #tpu.memory_space<semaphore_mem>>)
      %sub3A_545 = arith.constant 1 : i32
      %sub3A_546 = arith.subi %add3A_520, %sub3A_545 : i32
      %dma_wait3A_547 = arith.constant 0 : i32
      %dma_wait3A_548 = arith.constant 0 : i32
      %dma_wait3A_549 = arith.constant 0 : i32
      %dma_wait3A_550 = tpu.memref_slice %arg9[%dma_wait3A_547, %dma_wait3A_548, %dma_wait3A_549] : memref<3x96x128xf32, #tpu.memory_space<vmem>> -> memref<1x96x128xf32, #tpu.memory_space<vmem>>
      %dma_wait3A_551 = tpu.memref_squeeze %dma_wait3A_550 : memref<1x96x128xf32, #tpu.memory_space<vmem>> -> memref<96x128xf32, #tpu.memory_space<vmem>>
      %dma_wait3A_552 = arith.constant 0 : i32
      %dma_wait3A_553 = tpu.memref_slice %arg7[%sub3A_546, %dma_wait3A_552] : memref<36x96xi32, #tpu.memory_space<vmem>> -> memref<1x96xi32, #tpu.memory_space<vmem>>
      %dma_wait3A_554 = tpu.memref_squeeze %dma_wait3A_553 : memref<1x96xi32, #tpu.memory_space<vmem>> -> memref<96xi32, #tpu.memory_space<vmem>>
      %dma_wait3A_555 = arith.constant 0 : i32
      %dma_wait3A_556 = arith.constant 0 : i32
      %dma_wait3A_557 = tpu.memref_slice %arg2[%dma_wait3A_555, %dma_wait3A_556] : memref<10240x128xf32, #tpu.memory_space<hbm>> -> memref<10240x128xf32, #tpu.memory_space<hbm>>
      tpu.wait_indirect_dma semaphore(%arg11 : memref<!tpu.dma_semaphore, #tpu.memory_space<semaphore_mem>>) src(%dma_wait3A_557 : memref<10240x128xf32, #tpu.memory_space<hbm>>) dst(%dma_wait3A_551 : memref<96x128xf32, #tpu.memory_space<vmem>>)
      %sub3A_558 = arith.constant 1 : i32
      %sub3A_559 = arith.subi %add3A_520, %sub3A_558 : i32
      %dma_start3A_560 = arith.constant 0 : i32
      %dma_start3A_561 = arith.constant 0 : i32
      %dma_start3A_562 = arith.constant 0 : i32
      %dma_start3A_563 = tpu.memref_slice %arg9[%dma_start3A_560, %dma_start3A_561, %dma_start3A_562] : memref<3x96x128xf32, #tpu.memory_space<vmem>> -> memref<1x96x128xf32, #tpu.memory_space<vmem>>
      %dma_start3A_564 = tpu.memref_squeeze %dma_start3A_563 : memref<1x96x128xf32, #tpu.memory_space<vmem>> -> memref<96x128xf32, #tpu.memory_space<vmem>>
      %dma_start3A_565 = arith.constant 0 : i32
      %dma_start3A_566 = tpu.memref_slice %arg8[%sub3A_559, %dma_start3A_565] : memref<36x96xi32, #tpu.memory_space<vmem>> -> memref<1x96xi32, #tpu.memory_space<vmem>>
      %dma_start3A_567 = tpu.memref_squeeze %dma_start3A_566 : memref<1x96xi32, #tpu.memory_space<vmem>> -> memref<96xi32, #tpu.memory_space<vmem>>
      %dma_start3A_568 = arith.constant 0 : i32
      %dma_start3A_569 = arith.constant 0 : i32
      %dma_start3A_570 = tpu.memref_slice %arg10[%dma_start3A_568, %dma_start3A_569] : memref<10240x128xf32, #tpu.memory_space<vmem_shared>> -> memref<10240x128xf32, #tpu.memory_space<vmem_shared>>
      tpu.enqueue_indirect_dma source(%dma_start3A_564 : memref<96x128xf32, #tpu.memory_space<vmem>>) target(%dma_start3A_570 : memref<10240x128xf32, #tpu.memory_space<vmem_shared>>) offsets(%dma_start3A_567 : memref<96xi32, #tpu.memory_space<vmem>>) semaphore(%arg14 : memref<!tpu.dma_semaphore, #tpu.memory_space<semaphore_mem>>) {add = true}
      %add3A_571 = arith.constant 2 : i32
      %add3A_572 = arith.addi %add3A_467, %add3A_571 : i32
      %sub3A_573 = arith.constant 3 : i32
      %sub3A_574 = arith.subi %add3A_572, %sub3A_573 : i32
      %dma_wait3A_575 = arith.constant 2 : i32
      %dma_wait3A_576 = arith.constant 0 : i32
      %dma_wait3A_577 = arith.constant 0 : i32
      %dma_wait3A_578 = tpu.memref_slice %arg9[%dma_wait3A_575, %dma_wait3A_576, %dma_wait3A_577] : memref<3x96x128xf32, #tpu.memory_space<vmem>> -> memref<1x96x128xf32, #tpu.memory_space<vmem>>
      %dma_wait3A_579 = tpu.memref_squeeze %dma_wait3A_578 : memref<1x96x128xf32, #tpu.memory_space<vmem>> -> memref<96x128xf32, #tpu.memory_space<vmem>>
      %dma_wait3A_580 = arith.constant 0 : i32
      %dma_wait3A_581 = tpu.memref_slice %arg8[%sub3A_574, %dma_wait3A_580] : memref<36x96xi32, #tpu.memory_space<vmem>> -> memref<1x96xi32, #tpu.memory_space<vmem>>
      %dma_wait3A_582 = tpu.memref_squeeze %dma_wait3A_581 : memref<1x96xi32, #tpu.memory_space<vmem>> -> memref<96xi32, #tpu.memory_space<vmem>>
      %dma_wait3A_583 = arith.constant 0 : i32
      %dma_wait3A_584 = arith.constant 0 : i32
      %dma_wait3A_585 = tpu.memref_slice %arg10[%dma_wait3A_583, %dma_wait3A_584] : memref<10240x128xf32, #tpu.memory_space<vmem_shared>> -> memref<10240x128xf32, #tpu.memory_space<vmem_shared>>
      tpu.wait_indirect_dma semaphore(%arg16 : memref<!tpu.dma_semaphore, #tpu.memory_space<semaphore_mem>>) src(%dma_wait3A_579 : memref<96x128xf32, #tpu.memory_space<vmem>>) dst(%dma_wait3A_585 : memref<10240x128xf32, #tpu.memory_space<vmem_shared>>)
      %dma_start3A_586 = arith.constant 2 : i32
      %dma_start3A_587 = arith.constant 0 : i32
      %dma_start3A_588 = arith.constant 0 : i32
      %dma_start3A_589 = tpu.memref_slice %arg9[%dma_start3A_586, %dma_start3A_587, %dma_start3A_588] : memref<3x96x128xf32, #tpu.memory_space<vmem>> -> memref<1x96x128xf32, #tpu.memory_space<vmem>>
      %dma_start3A_590 = tpu.memref_squeeze %dma_start3A_589 : memref<1x96x128xf32, #tpu.memory_space<vmem>> -> memref<96x128xf32, #tpu.memory_space<vmem>>
      %dma_start3A_591 = arith.constant 0 : i32
      %dma_start3A_592 = tpu.memref_slice %arg7[%add3A_572, %dma_start3A_591] : memref<36x96xi32, #tpu.memory_space<vmem>> -> memref<1x96xi32, #tpu.memory_space<vmem>>
      %dma_start3A_593 = tpu.memref_squeeze %dma_start3A_592 : memref<1x96xi32, #tpu.memory_space<vmem>> -> memref<96xi32, #tpu.memory_space<vmem>>
      %dma_start3A_594 = arith.constant 0 : i32
      %dma_start3A_595 = arith.constant 0 : i32
      %dma_start3A_596 = tpu.memref_slice %arg2[%dma_start3A_594, %dma_start3A_595] : memref<10240x128xf32, #tpu.memory_space<hbm>> -> memref<10240x128xf32, #tpu.memory_space<hbm>>
      tpu.enqueue_indirect_dma source(%dma_start3A_596 : memref<10240x128xf32, #tpu.memory_space<hbm>>) target(%dma_start3A_590 : memref<96x128xf32, #tpu.memory_space<vmem>>) offsets(%dma_start3A_593 : memref<96xi32, #tpu.memory_space<vmem>>) semaphore(%arg13 : memref<!tpu.dma_semaphore, #tpu.memory_space<semaphore_mem>>)
      %sub3A_597 = arith.constant 1 : i32
      %sub3A_598 = arith.subi %add3A_572, %sub3A_597 : i32
      %dma_wait3A_599 = arith.constant 1 : i32
      %dma_wait3A_600 = arith.constant 0 : i32
      %dma_wait3A_601 = arith.constant 0 : i32
      %dma_wait3A_602 = tpu.memref_slice %arg9[%dma_wait3A_599, %dma_wait3A_600, %dma_wait3A_601] : memref<3x96x128xf32, #tpu.memory_space<vmem>> -> memref<1x96x128xf32, #tpu.memory_space<vmem>>
      %dma_wait3A_603 = tpu.memref_squeeze %dma_wait3A_602 : memref<1x96x128xf32, #tpu.memory_space<vmem>> -> memref<96x128xf32, #tpu.memory_space<vmem>>
      %dma_wait3A_604 = arith.constant 0 : i32
      %dma_wait3A_605 = tpu.memref_slice %arg7[%sub3A_598, %dma_wait3A_604] : memref<36x96xi32, #tpu.memory_space<vmem>> -> memref<1x96xi32, #tpu.memory_space<vmem>>
      %dma_wait3A_606 = tpu.memref_squeeze %dma_wait3A_605 : memref<1x96xi32, #tpu.memory_space<vmem>> -> memref<96xi32, #tpu.memory_space<vmem>>
      %dma_wait3A_607 = arith.constant 0 : i32
      %dma_wait3A_608 = arith.constant 0 : i32
      %dma_wait3A_609 = tpu.memref_slice %arg2[%dma_wait3A_607, %dma_wait3A_608] : memref<10240x128xf32, #tpu.memory_space<hbm>> -> memref<10240x128xf32, #tpu.memory_space<hbm>>
      tpu.wait_indirect_dma semaphore(%arg12 : memref<!tpu.dma_semaphore, #tpu.memory_space<semaphore_mem>>) src(%dma_wait3A_609 : memref<10240x128xf32, #tpu.memory_space<hbm>>) dst(%dma_wait3A_603 : memref<96x128xf32, #tpu.memory_space<vmem>>)
      %sub3A_610 = arith.constant 1 : i32
      %sub3A_611 = arith.subi %add3A_572, %sub3A_610 : i32
      %dma_start3A_612 = arith.constant 1 : i32
      %dma_start3A_613 = arith.constant 0 : i32
      %dma_start3A_614 = arith.constant 0 : i32
      %dma_start3A_615 = tpu.memref_slice %arg9[%dma_start3A_612, %dma_start3A_613, %dma_start3A_614] : memref<3x96x128xf32, #tpu.memory_space<vmem>> -> memref<1x96x128xf32, #tpu.memory_space<vmem>>
      %dma_start3A_616 = tpu.memref_squeeze %dma_start3A_615 : memref<1x96x128xf32, #tpu.memory_space<vmem>> -> memref<96x128xf32, #tpu.memory_space<vmem>>
      %dma_start3A_617 = arith.constant 0 : i32
      %dma_start3A_618 = tpu.memref_slice %arg8[%sub3A_611, %dma_start3A_617] : memref<36x96xi32, #tpu.memory_space<vmem>> -> memref<1x96xi32, #tpu.memory_space<vmem>>
      %dma_start3A_619 = tpu.memref_squeeze %dma_start3A_618 : memref<1x96xi32, #tpu.memory_space<vmem>> -> memref<96xi32, #tpu.memory_space<vmem>>
      %dma_start3A_620 = arith.constant 0 : i32
      %dma_start3A_621 = arith.constant 0 : i32
      %dma_start3A_622 = tpu.memref_slice %arg10[%dma_start3A_620, %dma_start3A_621] : memref<10240x128xf32, #tpu.memory_space<vmem_shared>> -> memref<10240x128xf32, #tpu.memory_space<vmem_shared>>
      tpu.enqueue_indirect_dma source(%dma_start3A_616 : memref<96x128xf32, #tpu.memory_space<vmem>>) target(%dma_start3A_622 : memref<10240x128xf32, #tpu.memory_space<vmem_shared>>) offsets(%dma_start3A_619 : memref<96xi32, #tpu.memory_space<vmem>>) semaphore(%arg15 : memref<!tpu.dma_semaphore, #tpu.memory_space<semaphore_mem>>) {add = true}
    }
    %scan3A_90 = arith.constant 11 : i32
    %dma_wait3A_91 = arith.constant 35 : i32
    %dma_wait3A_92 = arith.constant 2 : i32
    %dma_wait3A_93 = arith.constant 0 : i32
    %dma_wait3A_94 = arith.constant 0 : i32
    %dma_wait3A_95 = tpu.memref_slice %arg9[%dma_wait3A_92, %dma_wait3A_93, %dma_wait3A_94] : memref<3x96x128xf32, #tpu.memory_space<vmem>> -> memref<1x96x128xf32, #tpu.memory_space<vmem>>
    %dma_wait3A_96 = tpu.memref_squeeze %dma_wait3A_95 : memref<1x96x128xf32, #tpu.memory_space<vmem>> -> memref<96x128xf32, #tpu.memory_space<vmem>>
    %dma_wait3A_97 = arith.constant 0 : i32
    %dma_wait3A_98 = tpu.memref_slice %arg7[%dma_wait3A_91, %dma_wait3A_97] : memref<36x96xi32, #tpu.memory_space<vmem>> -> memref<1x96xi32, #tpu.memory_space<vmem>>
    %dma_wait3A_99 = tpu.memref_squeeze %dma_wait3A_98 : memref<1x96xi32, #tpu.memory_space<vmem>> -> memref<96xi32, #tpu.memory_space<vmem>>
    %dma_wait3A_100 = arith.constant 0 : i32
    %dma_wait3A_101 = arith.constant 0 : i32
    %dma_wait3A_102 = tpu.memref_slice %arg2[%dma_wait3A_100, %dma_wait3A_101] : memref<10240x128xf32, #tpu.memory_space<hbm>> -> memref<10240x128xf32, #tpu.memory_space<hbm>>
    tpu.wait_indirect_dma semaphore(%arg13 : memref<!tpu.dma_semaphore, #tpu.memory_space<semaphore_mem>>) src(%dma_wait3A_102 : memref<10240x128xf32, #tpu.memory_space<hbm>>) dst(%dma_wait3A_96 : memref<96x128xf32, #tpu.memory_space<vmem>>)
    %dma_start3A_103 = arith.constant 2 : i32
    %dma_start3A_104 = arith.constant 35 : i32
    %dma_start3A_105 = arith.constant 0 : i32
    %dma_start3A_106 = arith.constant 0 : i32
    %dma_start3A_107 = tpu.memref_slice %arg9[%dma_start3A_103, %dma_start3A_105, %dma_start3A_106] : memref<3x96x128xf32, #tpu.memory_space<vmem>> -> memref<1x96x128xf32, #tpu.memory_space<vmem>>
    %dma_start3A_108 = tpu.memref_squeeze %dma_start3A_107 : memref<1x96x128xf32, #tpu.memory_space<vmem>> -> memref<96x128xf32, #tpu.memory_space<vmem>>
    %dma_start3A_109 = arith.constant 0 : i32
    %dma_start3A_110 = tpu.memref_slice %arg8[%dma_start3A_104, %dma_start3A_109] : memref<36x96xi32, #tpu.memory_space<vmem>> -> memref<1x96xi32, #tpu.memory_space<vmem>>
    %dma_start3A_111 = tpu.memref_squeeze %dma_start3A_110 : memref<1x96xi32, #tpu.memory_space<vmem>> -> memref<96xi32, #tpu.memory_space<vmem>>
    %dma_start3A_112 = arith.constant 0 : i32
    %dma_start3A_113 = arith.constant 0 : i32
    %dma_start3A_114 = tpu.memref_slice %arg10[%dma_start3A_112, %dma_start3A_113] : memref<10240x128xf32, #tpu.memory_space<vmem_shared>> -> memref<10240x128xf32, #tpu.memory_space<vmem_shared>>
    tpu.enqueue_indirect_dma source(%dma_start3A_108 : memref<96x128xf32, #tpu.memory_space<vmem>>) target(%dma_start3A_114 : memref<10240x128xf32, #tpu.memory_space<vmem_shared>>) offsets(%dma_start3A_111 : memref<96xi32, #tpu.memory_space<vmem>>) semaphore(%arg16 : memref<!tpu.dma_semaphore, #tpu.memory_space<semaphore_mem>>) {add = true}
    %dma_wait3A_115 = arith.constant 0 : i32
    %dma_wait3A_116 = arith.constant 33 : i32
    %dma_wait3A_117 = arith.constant 0 : i32
    %dma_wait3A_118 = arith.constant 0 : i32
    %dma_wait3A_119 = tpu.memref_slice %arg9[%dma_wait3A_115, %dma_wait3A_117, %dma_wait3A_118] : memref<3x96x128xf32, #tpu.memory_space<vmem>> -> memref<1x96x128xf32, #tpu.memory_space<vmem>>
    %dma_wait3A_120 = tpu.memref_squeeze %dma_wait3A_119 : memref<1x96x128xf32, #tpu.memory_space<vmem>> -> memref<96x128xf32, #tpu.memory_space<vmem>>
    %dma_wait3A_121 = arith.constant 0 : i32
    %dma_wait3A_122 = tpu.memref_slice %arg8[%dma_wait3A_116, %dma_wait3A_121] : memref<36x96xi32, #tpu.memory_space<vmem>> -> memref<1x96xi32, #tpu.memory_space<vmem>>
    %dma_wait3A_123 = tpu.memref_squeeze %dma_wait3A_122 : memref<1x96xi32, #tpu.memory_space<vmem>> -> memref<96xi32, #tpu.memory_space<vmem>>
    %dma_wait3A_124 = arith.constant 0 : i32
    %dma_wait3A_125 = arith.constant 0 : i32
    %dma_wait3A_126 = tpu.memref_slice %arg10[%dma_wait3A_124, %dma_wait3A_125] : memref<10240x128xf32, #tpu.memory_space<vmem_shared>> -> memref<10240x128xf32, #tpu.memory_space<vmem_shared>>
    tpu.wait_indirect_dma semaphore(%arg14 : memref<!tpu.dma_semaphore, #tpu.memory_space<semaphore_mem>>) src(%dma_wait3A_120 : memref<96x128xf32, #tpu.memory_space<vmem>>) dst(%dma_wait3A_126 : memref<10240x128xf32, #tpu.memory_space<vmem_shared>>)
    %dma_wait3A_127 = arith.constant 1 : i32
    %dma_wait3A_128 = arith.constant 34 : i32
    %dma_wait3A_129 = arith.constant 0 : i32
    %dma_wait3A_130 = arith.constant 0 : i32
    %dma_wait3A_131 = tpu.memref_slice %arg9[%dma_wait3A_127, %dma_wait3A_129, %dma_wait3A_130] : memref<3x96x128xf32, #tpu.memory_space<vmem>> -> memref<1x96x128xf32, #tpu.memory_space<vmem>>
    %dma_wait3A_132 = tpu.memref_squeeze %dma_wait3A_131 : memref<1x96x128xf32, #tpu.memory_space<vmem>> -> memref<96x128xf32, #tpu.memory_space<vmem>>
    %dma_wait3A_133 = arith.constant 0 : i32
    %dma_wait3A_134 = tpu.memref_slice %arg8[%dma_wait3A_128, %dma_wait3A_133] : memref<36x96xi32, #tpu.memory_space<vmem>> -> memref<1x96xi32, #tpu.memory_space<vmem>>
    %dma_wait3A_135 = tpu.memref_squeeze %dma_wait3A_134 : memref<1x96xi32, #tpu.memory_space<vmem>> -> memref<96xi32, #tpu.memory_space<vmem>>
    %dma_wait3A_136 = arith.constant 0 : i32
    %dma_wait3A_137 = arith.constant 0 : i32
    %dma_wait3A_138 = tpu.memref_slice %arg10[%dma_wait3A_136, %dma_wait3A_137] : memref<10240x128xf32, #tpu.memory_space<vmem_shared>> -> memref<10240x128xf32, #tpu.memory_space<vmem_shared>>
    tpu.wait_indirect_dma semaphore(%arg15 : memref<!tpu.dma_semaphore, #tpu.memory_space<semaphore_mem>>) src(%dma_wait3A_132 : memref<96x128xf32, #tpu.memory_space<vmem>>) dst(%dma_wait3A_138 : memref<10240x128xf32, #tpu.memory_space<vmem_shared>>)
    %dma_wait3A_139 = arith.constant 2 : i32
    %dma_wait3A_140 = arith.constant 35 : i32
    %dma_wait3A_141 = arith.constant 0 : i32
    %dma_wait3A_142 = arith.constant 0 : i32
    %dma_wait3A_143 = tpu.memref_slice %arg9[%dma_wait3A_139, %dma_wait3A_141, %dma_wait3A_142] : memref<3x96x128xf32, #tpu.memory_space<vmem>> -> memref<1x96x128xf32, #tpu.memory_space<vmem>>
    %dma_wait3A_144 = tpu.memref_squeeze %dma_wait3A_143 : memref<1x96x128xf32, #tpu.memory_space<vmem>> -> memref<96x128xf32, #tpu.memory_space<vmem>>
    %dma_wait3A_145 = arith.constant 0 : i32
    %dma_wait3A_146 = tpu.memref_slice %arg8[%dma_wait3A_140, %dma_wait3A_145] : memref<36x96xi32, #tpu.memory_space<vmem>> -> memref<1x96xi32, #tpu.memory_space<vmem>>
    %dma_wait3A_147 = tpu.memref_squeeze %dma_wait3A_146 : memref<1x96xi32, #tpu.memory_space<vmem>> -> memref<96xi32, #tpu.memory_space<vmem>>
    %dma_wait3A_148 = arith.constant 0 : i32
    %dma_wait3A_149 = arith.constant 0 : i32
    %dma_wait3A_150 = tpu.memref_slice %arg10[%dma_wait3A_148, %dma_wait3A_149] : memref<10240x128xf32, #tpu.memory_space<vmem_shared>> -> memref<10240x128xf32, #tpu.memory_space<vmem_shared>>
    tpu.wait_indirect_dma semaphore(%arg16 : memref<!tpu.dma_semaphore, #tpu.memory_space<semaphore_mem>>) src(%dma_wait3A_144 : memref<96x128xf32, #tpu.memory_space<vmem>>) dst(%dma_wait3A_150 : memref<10240x128xf32, #tpu.memory_space<vmem_shared>>)
    %run_scoped3A_151 = arith.constant 1 : i32
    "tpu.region"() ({
      %run_scoped3A_463 = tpu.sem_alloc : memref<!tpu.dma_semaphore, #tpu.memory_space<semaphore_mem>>
      %dma_start3A_464 = arith.constant 0 : i32
      %dma_start3A_465 = arith.constant 0 : i32
      %dma_start3A_466 = tpu.memref_slice %arg3[%add3A, %run_scoped3A_151, %dma_start3A_464, %dma_start3A_465] : memref<32x3x36x96xi32, #tpu.memory_space<hbm>> -> memref<1x1x36x96xi32, #tpu.memory_space<hbm>>
      %dma_start3A_467 = tpu.memref_squeeze %dma_start3A_466 : memref<1x1x36x96xi32, #tpu.memory_space<hbm>> -> memref<36x96xi32, #tpu.memory_space<hbm>>
      %dma_start3A_468 = arith.constant 0 : i32
      %dma_start3A_469 = arith.constant 0 : i32
      %dma_start3A_470 = tpu.memref_slice %arg3[%add3A, %run_scoped3A_151, %dma_start3A_468, %dma_start3A_469] : memref<32x3x36x96xi32, #tpu.memory_space<hbm>> -> memref<1x1x36x96xi32, #tpu.memory_space<hbm>>
      %dma_start3A_471 = tpu.memref_squeeze %dma_start3A_470 : memref<1x1x36x96xi32, #tpu.memory_space<hbm>> -> memref<36x96xi32, #tpu.memory_space<hbm>>
      tpu.enqueue_dma source(%dma_start3A_471 : memref<36x96xi32, #tpu.memory_space<hbm>>) target(%arg7 : memref<36x96xi32, #tpu.memory_space<vmem>>) target_semaphore(%run_scoped3A_463 : memref<!tpu.dma_semaphore, #tpu.memory_space<semaphore_mem>>)
      %dma_wait3A_472 = arith.constant 0 : i32
      %dma_wait3A_473 = arith.constant 0 : i32
      %dma_wait3A_474 = tpu.memref_slice %arg3[%add3A, %run_scoped3A_151, %dma_wait3A_472, %dma_wait3A_473] : memref<32x3x36x96xi32, #tpu.memory_space<hbm>> -> memref<1x1x36x96xi32, #tpu.memory_space<hbm>>
      %dma_wait3A_475 = tpu.memref_squeeze %dma_wait3A_474 : memref<1x1x36x96xi32, #tpu.memory_space<hbm>> -> memref<36x96xi32, #tpu.memory_space<hbm>>
      %dma_wait3A_476 = arith.constant 0 : i32
      %dma_wait3A_477 = arith.constant 0 : i32
      %dma_wait3A_478 = tpu.memref_slice %arg3[%add3A, %run_scoped3A_151, %dma_wait3A_476, %dma_wait3A_477] : memref<32x3x36x96xi32, #tpu.memory_space<hbm>> -> memref<1x1x36x96xi32, #tpu.memory_space<hbm>>
      %dma_wait3A_479 = tpu.memref_squeeze %dma_wait3A_478 : memref<1x1x36x96xi32, #tpu.memory_space<hbm>> -> memref<36x96xi32, #tpu.memory_space<hbm>>
      tpu.wait_dma2 semaphore(%run_scoped3A_463 : memref<!tpu.dma_semaphore, #tpu.memory_space<semaphore_mem>>) src(%dma_wait3A_479 : memref<36x96xi32, #tpu.memory_space<hbm>>) dst(%arg7 : memref<36x96xi32, #tpu.memory_space<vmem>>)
      tpu.yield
    }) : () -> ()
    %run_scoped3A_152 = arith.constant 1 : i32
    "tpu.region"() ({
      %run_scoped3A_463 = tpu.sem_alloc : memref<!tpu.dma_semaphore, #tpu.memory_space<semaphore_mem>>
      %dma_start3A_464 = arith.constant 0 : i32
      %dma_start3A_465 = arith.constant 0 : i32
      %dma_start3A_466 = tpu.memref_slice %arg4[%add3A, %run_scoped3A_152, %dma_start3A_464, %dma_start3A_465] : memref<32x3x36x96xi32, #tpu.memory_space<hbm>> -> memref<1x1x36x96xi32, #tpu.memory_space<hbm>>
      %dma_start3A_467 = tpu.memref_squeeze %dma_start3A_466 : memref<1x1x36x96xi32, #tpu.memory_space<hbm>> -> memref<36x96xi32, #tpu.memory_space<hbm>>
      %dma_start3A_468 = arith.constant 0 : i32
      %dma_start3A_469 = arith.constant 0 : i32
      %dma_start3A_470 = tpu.memref_slice %arg4[%add3A, %run_scoped3A_152, %dma_start3A_468, %dma_start3A_469] : memref<32x3x36x96xi32, #tpu.memory_space<hbm>> -> memref<1x1x36x96xi32, #tpu.memory_space<hbm>>
      %dma_start3A_471 = tpu.memref_squeeze %dma_start3A_470 : memref<1x1x36x96xi32, #tpu.memory_space<hbm>> -> memref<36x96xi32, #tpu.memory_space<hbm>>
      tpu.enqueue_dma source(%dma_start3A_471 : memref<36x96xi32, #tpu.memory_space<hbm>>) target(%arg8 : memref<36x96xi32, #tpu.memory_space<vmem>>) target_semaphore(%run_scoped3A_463 : memref<!tpu.dma_semaphore, #tpu.memory_space<semaphore_mem>>)
      %dma_wait3A_472 = arith.constant 0 : i32
      %dma_wait3A_473 = arith.constant 0 : i32
      %dma_wait3A_474 = tpu.memref_slice %arg4[%add3A, %run_scoped3A_152, %dma_wait3A_472, %dma_wait3A_473] : memref<32x3x36x96xi32, #tpu.memory_space<hbm>> -> memref<1x1x36x96xi32, #tpu.memory_space<hbm>>
      %dma_wait3A_475 = tpu.memref_squeeze %dma_wait3A_474 : memref<1x1x36x96xi32, #tpu.memory_space<hbm>> -> memref<36x96xi32, #tpu.memory_space<hbm>>
      %dma_wait3A_476 = arith.constant 0 : i32
      %dma_wait3A_477 = arith.constant 0 : i32
      %dma_wait3A_478 = tpu.memref_slice %arg4[%add3A, %run_scoped3A_152, %dma_wait3A_476, %dma_wait3A_477] : memref<32x3x36x96xi32, #tpu.memory_space<hbm>> -> memref<1x1x36x96xi32, #tpu.memory_space<hbm>>
      %dma_wait3A_479 = tpu.memref_squeeze %dma_wait3A_478 : memref<1x1x36x96xi32, #tpu.memory_space<hbm>> -> memref<36x96xi32, #tpu.memory_space<hbm>>
      tpu.wait_dma2 semaphore(%run_scoped3A_463 : memref<!tpu.dma_semaphore, #tpu.memory_space<semaphore_mem>>) src(%dma_wait3A_479 : memref<36x96xi32, #tpu.memory_space<hbm>>) dst(%arg8 : memref<36x96xi32, #tpu.memory_space<vmem>>)
      tpu.yield
    }) : () -> ()
    %dma_start3A_153 = arith.constant 0 : i32
    %dma_start3A_154 = arith.constant 0 : i32
    %dma_start3A_155 = arith.constant 0 : i32
    %dma_start3A_156 = arith.constant 0 : i32
    %dma_start3A_157 = tpu.memref_slice %arg9[%dma_start3A_154, %dma_start3A_155, %dma_start3A_156] : memref<3x96x128xf32, #tpu.memory_space<vmem>> -> memref<1x96x128xf32, #tpu.memory_space<vmem>>
    %dma_start3A_158 = tpu.memref_squeeze %dma_start3A_157 : memref<1x96x128xf32, #tpu.memory_space<vmem>> -> memref<96x128xf32, #tpu.memory_space<vmem>>
    %dma_start3A_159 = arith.constant 0 : i32
    %dma_start3A_160 = tpu.memref_slice %arg7[%dma_start3A_153, %dma_start3A_159] : memref<36x96xi32, #tpu.memory_space<vmem>> -> memref<1x96xi32, #tpu.memory_space<vmem>>
    %dma_start3A_161 = tpu.memref_squeeze %dma_start3A_160 : memref<1x96xi32, #tpu.memory_space<vmem>> -> memref<96xi32, #tpu.memory_space<vmem>>
    %dma_start3A_162 = arith.constant 0 : i32
    %dma_start3A_163 = arith.constant 0 : i32
    %dma_start3A_164 = tpu.memref_slice %arg2[%dma_start3A_162, %dma_start3A_163] : memref<10240x128xf32, #tpu.memory_space<hbm>> -> memref<10240x128xf32, #tpu.memory_space<hbm>>
    tpu.enqueue_indirect_dma source(%dma_start3A_164 : memref<10240x128xf32, #tpu.memory_space<hbm>>) target(%dma_start3A_158 : memref<96x128xf32, #tpu.memory_space<vmem>>) offsets(%dma_start3A_161 : memref<96xi32, #tpu.memory_space<vmem>>) semaphore(%arg11 : memref<!tpu.dma_semaphore, #tpu.memory_space<semaphore_mem>>)
    %dma_start3A_165 = arith.constant 1 : i32
    %dma_start3A_166 = arith.constant 1 : i32
    %dma_start3A_167 = arith.constant 0 : i32
    %dma_start3A_168 = arith.constant 0 : i32
    %dma_start3A_169 = tpu.memref_slice %arg9[%dma_start3A_166, %dma_start3A_167, %dma_start3A_168] : memref<3x96x128xf32, #tpu.memory_space<vmem>> -> memref<1x96x128xf32, #tpu.memory_space<vmem>>
    %dma_start3A_170 = tpu.memref_squeeze %dma_start3A_169 : memref<1x96x128xf32, #tpu.memory_space<vmem>> -> memref<96x128xf32, #tpu.memory_space<vmem>>
    %dma_start3A_171 = arith.constant 0 : i32
    %dma_start3A_172 = tpu.memref_slice %arg7[%dma_start3A_165, %dma_start3A_171] : memref<36x96xi32, #tpu.memory_space<vmem>> -> memref<1x96xi32, #tpu.memory_space<vmem>>
    %dma_start3A_173 = tpu.memref_squeeze %dma_start3A_172 : memref<1x96xi32, #tpu.memory_space<vmem>> -> memref<96xi32, #tpu.memory_space<vmem>>
    %dma_start3A_174 = arith.constant 0 : i32
    %dma_start3A_175 = arith.constant 0 : i32
    %dma_start3A_176 = tpu.memref_slice %arg2[%dma_start3A_174, %dma_start3A_175] : memref<10240x128xf32, #tpu.memory_space<hbm>> -> memref<10240x128xf32, #tpu.memory_space<hbm>>
    tpu.enqueue_indirect_dma source(%dma_start3A_176 : memref<10240x128xf32, #tpu.memory_space<hbm>>) target(%dma_start3A_170 : memref<96x128xf32, #tpu.memory_space<vmem>>) offsets(%dma_start3A_173 : memref<96xi32, #tpu.memory_space<vmem>>) semaphore(%arg12 : memref<!tpu.dma_semaphore, #tpu.memory_space<semaphore_mem>>)
    %dma_wait3A_177 = arith.constant 0 : i32
    %dma_wait3A_178 = arith.constant 0 : i32
    %dma_wait3A_179 = arith.constant 0 : i32
    %dma_wait3A_180 = arith.constant 0 : i32
    %dma_wait3A_181 = tpu.memref_slice %arg9[%dma_wait3A_178, %dma_wait3A_179, %dma_wait3A_180] : memref<3x96x128xf32, #tpu.memory_space<vmem>> -> memref<1x96x128xf32, #tpu.memory_space<vmem>>
    %dma_wait3A_182 = tpu.memref_squeeze %dma_wait3A_181 : memref<1x96x128xf32, #tpu.memory_space<vmem>> -> memref<96x128xf32, #tpu.memory_space<vmem>>
    %dma_wait3A_183 = arith.constant 0 : i32
    %dma_wait3A_184 = tpu.memref_slice %arg7[%dma_wait3A_177, %dma_wait3A_183] : memref<36x96xi32, #tpu.memory_space<vmem>> -> memref<1x96xi32, #tpu.memory_space<vmem>>
    %dma_wait3A_185 = tpu.memref_squeeze %dma_wait3A_184 : memref<1x96xi32, #tpu.memory_space<vmem>> -> memref<96xi32, #tpu.memory_space<vmem>>
    %dma_wait3A_186 = arith.constant 0 : i32
    %dma_wait3A_187 = arith.constant 0 : i32
    %dma_wait3A_188 = tpu.memref_slice %arg2[%dma_wait3A_186, %dma_wait3A_187] : memref<10240x128xf32, #tpu.memory_space<hbm>> -> memref<10240x128xf32, #tpu.memory_space<hbm>>
    tpu.wait_indirect_dma semaphore(%arg11 : memref<!tpu.dma_semaphore, #tpu.memory_space<semaphore_mem>>) src(%dma_wait3A_188 : memref<10240x128xf32, #tpu.memory_space<hbm>>) dst(%dma_wait3A_182 : memref<96x128xf32, #tpu.memory_space<vmem>>)
    %dma_start3A_189 = arith.constant 0 : i32
    %dma_start3A_190 = arith.constant 0 : i32
    %dma_start3A_191 = arith.constant 0 : i32
    %dma_start3A_192 = arith.constant 0 : i32
    %dma_start3A_193 = tpu.memref_slice %arg9[%dma_start3A_189, %dma_start3A_191, %dma_start3A_192] : memref<3x96x128xf32, #tpu.memory_space<vmem>> -> memref<1x96x128xf32, #tpu.memory_space<vmem>>
    %dma_start3A_194 = tpu.memref_squeeze %dma_start3A_193 : memref<1x96x128xf32, #tpu.memory_space<vmem>> -> memref<96x128xf32, #tpu.memory_space<vmem>>
    %dma_start3A_195 = arith.constant 0 : i32
    %dma_start3A_196 = tpu.memref_slice %arg8[%dma_start3A_190, %dma_start3A_195] : memref<36x96xi32, #tpu.memory_space<vmem>> -> memref<1x96xi32, #tpu.memory_space<vmem>>
    %dma_start3A_197 = tpu.memref_squeeze %dma_start3A_196 : memref<1x96xi32, #tpu.memory_space<vmem>> -> memref<96xi32, #tpu.memory_space<vmem>>
    %dma_start3A_198 = arith.constant 0 : i32
    %dma_start3A_199 = arith.constant 0 : i32
    %dma_start3A_200 = tpu.memref_slice %arg10[%dma_start3A_198, %dma_start3A_199] : memref<10240x128xf32, #tpu.memory_space<vmem_shared>> -> memref<10240x128xf32, #tpu.memory_space<vmem_shared>>
    tpu.enqueue_indirect_dma source(%dma_start3A_194 : memref<96x128xf32, #tpu.memory_space<vmem>>) target(%dma_start3A_200 : memref<10240x128xf32, #tpu.memory_space<vmem_shared>>) offsets(%dma_start3A_197 : memref<96xi32, #tpu.memory_space<vmem>>) semaphore(%arg14 : memref<!tpu.dma_semaphore, #tpu.memory_space<semaphore_mem>>) {add = true}
    %dma_start3A_201 = arith.constant 2 : i32
    %dma_start3A_202 = arith.constant 2 : i32
    %dma_start3A_203 = arith.constant 0 : i32
    %dma_start3A_204 = arith.constant 0 : i32
    %dma_start3A_205 = tpu.memref_slice %arg9[%dma_start3A_202, %dma_start3A_203, %dma_start3A_204] : memref<3x96x128xf32, #tpu.memory_space<vmem>> -> memref<1x96x128xf32, #tpu.memory_space<vmem>>
    %dma_start3A_206 = tpu.memref_squeeze %dma_start3A_205 : memref<1x96x128xf32, #tpu.memory_space<vmem>> -> memref<96x128xf32, #tpu.memory_space<vmem>>
    %dma_start3A_207 = arith.constant 0 : i32
    %dma_start3A_208 = tpu.memref_slice %arg7[%dma_start3A_201, %dma_start3A_207] : memref<36x96xi32, #tpu.memory_space<vmem>> -> memref<1x96xi32, #tpu.memory_space<vmem>>
    %dma_start3A_209 = tpu.memref_squeeze %dma_start3A_208 : memref<1x96xi32, #tpu.memory_space<vmem>> -> memref<96xi32, #tpu.memory_space<vmem>>
    %dma_start3A_210 = arith.constant 0 : i32
    %dma_start3A_211 = arith.constant 0 : i32
    %dma_start3A_212 = tpu.memref_slice %arg2[%dma_start3A_210, %dma_start3A_211] : memref<10240x128xf32, #tpu.memory_space<hbm>> -> memref<10240x128xf32, #tpu.memory_space<hbm>>
    tpu.enqueue_indirect_dma source(%dma_start3A_212 : memref<10240x128xf32, #tpu.memory_space<hbm>>) target(%dma_start3A_206 : memref<96x128xf32, #tpu.memory_space<vmem>>) offsets(%dma_start3A_209 : memref<96xi32, #tpu.memory_space<vmem>>) semaphore(%arg13 : memref<!tpu.dma_semaphore, #tpu.memory_space<semaphore_mem>>)
    %dma_wait3A_213 = arith.constant 1 : i32
    %dma_wait3A_214 = arith.constant 1 : i32
    %dma_wait3A_215 = arith.constant 0 : i32
    %dma_wait3A_216 = arith.constant 0 : i32
    %dma_wait3A_217 = tpu.memref_slice %arg9[%dma_wait3A_214, %dma_wait3A_215, %dma_wait3A_216] : memref<3x96x128xf32, #tpu.memory_space<vmem>> -> memref<1x96x128xf32, #tpu.memory_space<vmem>>
    %dma_wait3A_218 = tpu.memref_squeeze %dma_wait3A_217 : memref<1x96x128xf32, #tpu.memory_space<vmem>> -> memref<96x128xf32, #tpu.memory_space<vmem>>
    %dma_wait3A_219 = arith.constant 0 : i32
    %dma_wait3A_220 = tpu.memref_slice %arg7[%dma_wait3A_213, %dma_wait3A_219] : memref<36x96xi32, #tpu.memory_space<vmem>> -> memref<1x96xi32, #tpu.memory_space<vmem>>
    %dma_wait3A_221 = tpu.memref_squeeze %dma_wait3A_220 : memref<1x96xi32, #tpu.memory_space<vmem>> -> memref<96xi32, #tpu.memory_space<vmem>>
    %dma_wait3A_222 = arith.constant 0 : i32
    %dma_wait3A_223 = arith.constant 0 : i32
    %dma_wait3A_224 = tpu.memref_slice %arg2[%dma_wait3A_222, %dma_wait3A_223] : memref<10240x128xf32, #tpu.memory_space<hbm>> -> memref<10240x128xf32, #tpu.memory_space<hbm>>
    tpu.wait_indirect_dma semaphore(%arg12 : memref<!tpu.dma_semaphore, #tpu.memory_space<semaphore_mem>>) src(%dma_wait3A_224 : memref<10240x128xf32, #tpu.memory_space<hbm>>) dst(%dma_wait3A_218 : memref<96x128xf32, #tpu.memory_space<vmem>>)
    %dma_start3A_225 = arith.constant 1 : i32
    %dma_start3A_226 = arith.constant 1 : i32
    %dma_start3A_227 = arith.constant 0 : i32
    %dma_start3A_228 = arith.constant 0 : i32
    %dma_start3A_229 = tpu.memref_slice %arg9[%dma_start3A_225, %dma_start3A_227, %dma_start3A_228] : memref<3x96x128xf32, #tpu.memory_space<vmem>> -> memref<1x96x128xf32, #tpu.memory_space<vmem>>
    %dma_start3A_230 = tpu.memref_squeeze %dma_start3A_229 : memref<1x96x128xf32, #tpu.memory_space<vmem>> -> memref<96x128xf32, #tpu.memory_space<vmem>>
    %dma_start3A_231 = arith.constant 0 : i32
    %dma_start3A_232 = tpu.memref_slice %arg8[%dma_start3A_226, %dma_start3A_231] : memref<36x96xi32, #tpu.memory_space<vmem>> -> memref<1x96xi32, #tpu.memory_space<vmem>>
    %dma_start3A_233 = tpu.memref_squeeze %dma_start3A_232 : memref<1x96xi32, #tpu.memory_space<vmem>> -> memref<96xi32, #tpu.memory_space<vmem>>
    %dma_start3A_234 = arith.constant 0 : i32
    %dma_start3A_235 = arith.constant 0 : i32
    %dma_start3A_236 = tpu.memref_slice %arg10[%dma_start3A_234, %dma_start3A_235] : memref<10240x128xf32, #tpu.memory_space<vmem_shared>> -> memref<10240x128xf32, #tpu.memory_space<vmem_shared>>
    tpu.enqueue_indirect_dma source(%dma_start3A_230 : memref<96x128xf32, #tpu.memory_space<vmem>>) target(%dma_start3A_236 : memref<10240x128xf32, #tpu.memory_space<vmem_shared>>) offsets(%dma_start3A_233 : memref<96xi32, #tpu.memory_space<vmem>>) semaphore(%arg15 : memref<!tpu.dma_semaphore, #tpu.memory_space<semaphore_mem>>) {add = true}
    %scan3A_237 = arith.constant 0 : i32
    %scan3A_238 = arith.constant 0 : i32
    %scan3A_239 = arith.constant 11 : i32
    %scan3A_240 = arith.addi %scan3A_238, %scan3A_239 : i32
    %scan3A_241 = arith.constant 1 : i32
    scf.for %scan3A_463 = %scan3A_238 to %scan3A_240 step %scan3A_241  : i32 {
      %mul3A_464 = arith.constant 3 : i32
      %mul3A_465 = arith.muli %mul3A_464, %scan3A_463 : i32
      %add3A_466 = arith.constant 3 : i32
      %add3A_467 = arith.addi %add3A_466, %mul3A_465 : i32
      %add3A_468 = arith.constant 0 : i32
      %add3A_469 = arith.addi %add3A_467, %add3A_468 : i32
      %sub3A = arith.constant 3 : i32
      %sub3A_470 = arith.subi %add3A_469, %sub3A : i32
      %dma_wait3A_471 = arith.constant 0 : i32
      %dma_wait3A_472 = arith.constant 0 : i32
      %dma_wait3A_473 = arith.constant 0 : i32
      %dma_wait3A_474 = tpu.memref_slice %arg9[%dma_wait3A_471, %dma_wait3A_472, %dma_wait3A_473] : memref<3x96x128xf32, #tpu.memory_space<vmem>> -> memref<1x96x128xf32, #tpu.memory_space<vmem>>
      %dma_wait3A_475 = tpu.memref_squeeze %dma_wait3A_474 : memref<1x96x128xf32, #tpu.memory_space<vmem>> -> memref<96x128xf32, #tpu.memory_space<vmem>>
      %dma_wait3A_476 = arith.constant 0 : i32
      %dma_wait3A_477 = tpu.memref_slice %arg8[%sub3A_470, %dma_wait3A_476] : memref<36x96xi32, #tpu.memory_space<vmem>> -> memref<1x96xi32, #tpu.memory_space<vmem>>
      %dma_wait3A_478 = tpu.memref_squeeze %dma_wait3A_477 : memref<1x96xi32, #tpu.memory_space<vmem>> -> memref<96xi32, #tpu.memory_space<vmem>>
      %dma_wait3A_479 = arith.constant 0 : i32
      %dma_wait3A_480 = arith.constant 0 : i32
      %dma_wait3A_481 = tpu.memref_slice %arg10[%dma_wait3A_479, %dma_wait3A_480] : memref<10240x128xf32, #tpu.memory_space<vmem_shared>> -> memref<10240x128xf32, #tpu.memory_space<vmem_shared>>
      tpu.wait_indirect_dma semaphore(%arg14 : memref<!tpu.dma_semaphore, #tpu.memory_space<semaphore_mem>>) src(%dma_wait3A_475 : memref<96x128xf32, #tpu.memory_space<vmem>>) dst(%dma_wait3A_481 : memref<10240x128xf32, #tpu.memory_space<vmem_shared>>)
      %dma_start3A_482 = arith.constant 0 : i32
      %dma_start3A_483 = arith.constant 0 : i32
      %dma_start3A_484 = arith.constant 0 : i32
      %dma_start3A_485 = tpu.memref_slice %arg9[%dma_start3A_482, %dma_start3A_483, %dma_start3A_484] : memref<3x96x128xf32, #tpu.memory_space<vmem>> -> memref<1x96x128xf32, #tpu.memory_space<vmem>>
      %dma_start3A_486 = tpu.memref_squeeze %dma_start3A_485 : memref<1x96x128xf32, #tpu.memory_space<vmem>> -> memref<96x128xf32, #tpu.memory_space<vmem>>
      %dma_start3A_487 = arith.constant 0 : i32
      %dma_start3A_488 = tpu.memref_slice %arg7[%add3A_469, %dma_start3A_487] : memref<36x96xi32, #tpu.memory_space<vmem>> -> memref<1x96xi32, #tpu.memory_space<vmem>>
      %dma_start3A_489 = tpu.memref_squeeze %dma_start3A_488 : memref<1x96xi32, #tpu.memory_space<vmem>> -> memref<96xi32, #tpu.memory_space<vmem>>
      %dma_start3A_490 = arith.constant 0 : i32
      %dma_start3A_491 = arith.constant 0 : i32
      %dma_start3A_492 = tpu.memref_slice %arg2[%dma_start3A_490, %dma_start3A_491] : memref<10240x128xf32, #tpu.memory_space<hbm>> -> memref<10240x128xf32, #tpu.memory_space<hbm>>
      tpu.enqueue_indirect_dma source(%dma_start3A_492 : memref<10240x128xf32, #tpu.memory_space<hbm>>) target(%dma_start3A_486 : memref<96x128xf32, #tpu.memory_space<vmem>>) offsets(%dma_start3A_489 : memref<96xi32, #tpu.memory_space<vmem>>) semaphore(%arg11 : memref<!tpu.dma_semaphore, #tpu.memory_space<semaphore_mem>>)
      %sub3A_493 = arith.constant 1 : i32
      %sub3A_494 = arith.subi %add3A_469, %sub3A_493 : i32
      %dma_wait3A_495 = arith.constant 2 : i32
      %dma_wait3A_496 = arith.constant 0 : i32
      %dma_wait3A_497 = arith.constant 0 : i32
      %dma_wait3A_498 = tpu.memref_slice %arg9[%dma_wait3A_495, %dma_wait3A_496, %dma_wait3A_497] : memref<3x96x128xf32, #tpu.memory_space<vmem>> -> memref<1x96x128xf32, #tpu.memory_space<vmem>>
      %dma_wait3A_499 = tpu.memref_squeeze %dma_wait3A_498 : memref<1x96x128xf32, #tpu.memory_space<vmem>> -> memref<96x128xf32, #tpu.memory_space<vmem>>
      %dma_wait3A_500 = arith.constant 0 : i32
      %dma_wait3A_501 = tpu.memref_slice %arg7[%sub3A_494, %dma_wait3A_500] : memref<36x96xi32, #tpu.memory_space<vmem>> -> memref<1x96xi32, #tpu.memory_space<vmem>>
      %dma_wait3A_502 = tpu.memref_squeeze %dma_wait3A_501 : memref<1x96xi32, #tpu.memory_space<vmem>> -> memref<96xi32, #tpu.memory_space<vmem>>
      %dma_wait3A_503 = arith.constant 0 : i32
      %dma_wait3A_504 = arith.constant 0 : i32
      %dma_wait3A_505 = tpu.memref_slice %arg2[%dma_wait3A_503, %dma_wait3A_504] : memref<10240x128xf32, #tpu.memory_space<hbm>> -> memref<10240x128xf32, #tpu.memory_space<hbm>>
      tpu.wait_indirect_dma semaphore(%arg13 : memref<!tpu.dma_semaphore, #tpu.memory_space<semaphore_mem>>) src(%dma_wait3A_505 : memref<10240x128xf32, #tpu.memory_space<hbm>>) dst(%dma_wait3A_499 : memref<96x128xf32, #tpu.memory_space<vmem>>)
      %sub3A_506 = arith.constant 1 : i32
      %sub3A_507 = arith.subi %add3A_469, %sub3A_506 : i32
      %dma_start3A_508 = arith.constant 2 : i32
      %dma_start3A_509 = arith.constant 0 : i32
      %dma_start3A_510 = arith.constant 0 : i32
      %dma_start3A_511 = tpu.memref_slice %arg9[%dma_start3A_508, %dma_start3A_509, %dma_start3A_510] : memref<3x96x128xf32, #tpu.memory_space<vmem>> -> memref<1x96x128xf32, #tpu.memory_space<vmem>>
      %dma_start3A_512 = tpu.memref_squeeze %dma_start3A_511 : memref<1x96x128xf32, #tpu.memory_space<vmem>> -> memref<96x128xf32, #tpu.memory_space<vmem>>
      %dma_start3A_513 = arith.constant 0 : i32
      %dma_start3A_514 = tpu.memref_slice %arg8[%sub3A_507, %dma_start3A_513] : memref<36x96xi32, #tpu.memory_space<vmem>> -> memref<1x96xi32, #tpu.memory_space<vmem>>
      %dma_start3A_515 = tpu.memref_squeeze %dma_start3A_514 : memref<1x96xi32, #tpu.memory_space<vmem>> -> memref<96xi32, #tpu.memory_space<vmem>>
      %dma_start3A_516 = arith.constant 0 : i32
      %dma_start3A_517 = arith.constant 0 : i32
      %dma_start3A_518 = tpu.memref_slice %arg10[%dma_start3A_516, %dma_start3A_517] : memref<10240x128xf32, #tpu.memory_space<vmem_shared>> -> memref<10240x128xf32, #tpu.memory_space<vmem_shared>>
      tpu.enqueue_indirect_dma source(%dma_start3A_512 : memref<96x128xf32, #tpu.memory_space<vmem>>) target(%dma_start3A_518 : memref<10240x128xf32, #tpu.memory_space<vmem_shared>>) offsets(%dma_start3A_515 : memref<96xi32, #tpu.memory_space<vmem>>) semaphore(%arg16 : memref<!tpu.dma_semaphore, #tpu.memory_space<semaphore_mem>>) {add = true}
      %add3A_519 = arith.constant 1 : i32
      %add3A_520 = arith.addi %add3A_467, %add3A_519 : i32
      %sub3A_521 = arith.constant 3 : i32
      %sub3A_522 = arith.subi %add3A_520, %sub3A_521 : i32
      %dma_wait3A_523 = arith.constant 1 : i32
      %dma_wait3A_524 = arith.constant 0 : i32
      %dma_wait3A_525 = arith.constant 0 : i32
      %dma_wait3A_526 = tpu.memref_slice %arg9[%dma_wait3A_523, %dma_wait3A_524, %dma_wait3A_525] : memref<3x96x128xf32, #tpu.memory_space<vmem>> -> memref<1x96x128xf32, #tpu.memory_space<vmem>>
      %dma_wait3A_527 = tpu.memref_squeeze %dma_wait3A_526 : memref<1x96x128xf32, #tpu.memory_space<vmem>> -> memref<96x128xf32, #tpu.memory_space<vmem>>
      %dma_wait3A_528 = arith.constant 0 : i32
      %dma_wait3A_529 = tpu.memref_slice %arg8[%sub3A_522, %dma_wait3A_528] : memref<36x96xi32, #tpu.memory_space<vmem>> -> memref<1x96xi32, #tpu.memory_space<vmem>>
      %dma_wait3A_530 = tpu.memref_squeeze %dma_wait3A_529 : memref<1x96xi32, #tpu.memory_space<vmem>> -> memref<96xi32, #tpu.memory_space<vmem>>
      %dma_wait3A_531 = arith.constant 0 : i32
      %dma_wait3A_532 = arith.constant 0 : i32
      %dma_wait3A_533 = tpu.memref_slice %arg10[%dma_wait3A_531, %dma_wait3A_532] : memref<10240x128xf32, #tpu.memory_space<vmem_shared>> -> memref<10240x128xf32, #tpu.memory_space<vmem_shared>>
      tpu.wait_indirect_dma semaphore(%arg15 : memref<!tpu.dma_semaphore, #tpu.memory_space<semaphore_mem>>) src(%dma_wait3A_527 : memref<96x128xf32, #tpu.memory_space<vmem>>) dst(%dma_wait3A_533 : memref<10240x128xf32, #tpu.memory_space<vmem_shared>>)
      %dma_start3A_534 = arith.constant 1 : i32
      %dma_start3A_535 = arith.constant 0 : i32
      %dma_start3A_536 = arith.constant 0 : i32
      %dma_start3A_537 = tpu.memref_slice %arg9[%dma_start3A_534, %dma_start3A_535, %dma_start3A_536] : memref<3x96x128xf32, #tpu.memory_space<vmem>> -> memref<1x96x128xf32, #tpu.memory_space<vmem>>
      %dma_start3A_538 = tpu.memref_squeeze %dma_start3A_537 : memref<1x96x128xf32, #tpu.memory_space<vmem>> -> memref<96x128xf32, #tpu.memory_space<vmem>>
      %dma_start3A_539 = arith.constant 0 : i32
      %dma_start3A_540 = tpu.memref_slice %arg7[%add3A_520, %dma_start3A_539] : memref<36x96xi32, #tpu.memory_space<vmem>> -> memref<1x96xi32, #tpu.memory_space<vmem>>
      %dma_start3A_541 = tpu.memref_squeeze %dma_start3A_540 : memref<1x96xi32, #tpu.memory_space<vmem>> -> memref<96xi32, #tpu.memory_space<vmem>>
      %dma_start3A_542 = arith.constant 0 : i32
      %dma_start3A_543 = arith.constant 0 : i32
      %dma_start3A_544 = tpu.memref_slice %arg2[%dma_start3A_542, %dma_start3A_543] : memref<10240x128xf32, #tpu.memory_space<hbm>> -> memref<10240x128xf32, #tpu.memory_space<hbm>>
      tpu.enqueue_indirect_dma source(%dma_start3A_544 : memref<10240x128xf32, #tpu.memory_space<hbm>>) target(%dma_start3A_538 : memref<96x128xf32, #tpu.memory_space<vmem>>) offsets(%dma_start3A_541 : memref<96xi32, #tpu.memory_space<vmem>>) semaphore(%arg12 : memref<!tpu.dma_semaphore, #tpu.memory_space<semaphore_mem>>)
      %sub3A_545 = arith.constant 1 : i32
      %sub3A_546 = arith.subi %add3A_520, %sub3A_545 : i32
      %dma_wait3A_547 = arith.constant 0 : i32
      %dma_wait3A_548 = arith.constant 0 : i32
      %dma_wait3A_549 = arith.constant 0 : i32
      %dma_wait3A_550 = tpu.memref_slice %arg9[%dma_wait3A_547, %dma_wait3A_548, %dma_wait3A_549] : memref<3x96x128xf32, #tpu.memory_space<vmem>> -> memref<1x96x128xf32, #tpu.memory_space<vmem>>
      %dma_wait3A_551 = tpu.memref_squeeze %dma_wait3A_550 : memref<1x96x128xf32, #tpu.memory_space<vmem>> -> memref<96x128xf32, #tpu.memory_space<vmem>>
      %dma_wait3A_552 = arith.constant 0 : i32
      %dma_wait3A_553 = tpu.memref_slice %arg7[%sub3A_546, %dma_wait3A_552] : memref<36x96xi32, #tpu.memory_space<vmem>> -> memref<1x96xi32, #tpu.memory_space<vmem>>
      %dma_wait3A_554 = tpu.memref_squeeze %dma_wait3A_553 : memref<1x96xi32, #tpu.memory_space<vmem>> -> memref<96xi32, #tpu.memory_space<vmem>>
      %dma_wait3A_555 = arith.constant 0 : i32
      %dma_wait3A_556 = arith.constant 0 : i32
      %dma_wait3A_557 = tpu.memref_slice %arg2[%dma_wait3A_555, %dma_wait3A_556] : memref<10240x128xf32, #tpu.memory_space<hbm>> -> memref<10240x128xf32, #tpu.memory_space<hbm>>
      tpu.wait_indirect_dma semaphore(%arg11 : memref<!tpu.dma_semaphore, #tpu.memory_space<semaphore_mem>>) src(%dma_wait3A_557 : memref<10240x128xf32, #tpu.memory_space<hbm>>) dst(%dma_wait3A_551 : memref<96x128xf32, #tpu.memory_space<vmem>>)
      %sub3A_558 = arith.constant 1 : i32
      %sub3A_559 = arith.subi %add3A_520, %sub3A_558 : i32
      %dma_start3A_560 = arith.constant 0 : i32
      %dma_start3A_561 = arith.constant 0 : i32
      %dma_start3A_562 = arith.constant 0 : i32
      %dma_start3A_563 = tpu.memref_slice %arg9[%dma_start3A_560, %dma_start3A_561, %dma_start3A_562] : memref<3x96x128xf32, #tpu.memory_space<vmem>> -> memref<1x96x128xf32, #tpu.memory_space<vmem>>
      %dma_start3A_564 = tpu.memref_squeeze %dma_start3A_563 : memref<1x96x128xf32, #tpu.memory_space<vmem>> -> memref<96x128xf32, #tpu.memory_space<vmem>>
      %dma_start3A_565 = arith.constant 0 : i32
      %dma_start3A_566 = tpu.memref_slice %arg8[%sub3A_559, %dma_start3A_565] : memref<36x96xi32, #tpu.memory_space<vmem>> -> memref<1x96xi32, #tpu.memory_space<vmem>>
      %dma_start3A_567 = tpu.memref_squeeze %dma_start3A_566 : memref<1x96xi32, #tpu.memory_space<vmem>> -> memref<96xi32, #tpu.memory_space<vmem>>
      %dma_start3A_568 = arith.constant 0 : i32
      %dma_start3A_569 = arith.constant 0 : i32
      %dma_start3A_570 = tpu.memref_slice %arg10[%dma_start3A_568, %dma_start3A_569] : memref<10240x128xf32, #tpu.memory_space<vmem_shared>> -> memref<10240x128xf32, #tpu.memory_space<vmem_shared>>
      tpu.enqueue_indirect_dma source(%dma_start3A_564 : memref<96x128xf32, #tpu.memory_space<vmem>>) target(%dma_start3A_570 : memref<10240x128xf32, #tpu.memory_space<vmem_shared>>) offsets(%dma_start3A_567 : memref<96xi32, #tpu.memory_space<vmem>>) semaphore(%arg14 : memref<!tpu.dma_semaphore, #tpu.memory_space<semaphore_mem>>) {add = true}
      %add3A_571 = arith.constant 2 : i32
      %add3A_572 = arith.addi %add3A_467, %add3A_571 : i32
      %sub3A_573 = arith.constant 3 : i32
      %sub3A_574 = arith.subi %add3A_572, %sub3A_573 : i32
      %dma_wait3A_575 = arith.constant 2 : i32
      %dma_wait3A_576 = arith.constant 0 : i32
      %dma_wait3A_577 = arith.constant 0 : i32
      %dma_wait3A_578 = tpu.memref_slice %arg9[%dma_wait3A_575, %dma_wait3A_576, %dma_wait3A_577] : memref<3x96x128xf32, #tpu.memory_space<vmem>> -> memref<1x96x128xf32, #tpu.memory_space<vmem>>
      %dma_wait3A_579 = tpu.memref_squeeze %dma_wait3A_578 : memref<1x96x128xf32, #tpu.memory_space<vmem>> -> memref<96x128xf32, #tpu.memory_space<vmem>>
      %dma_wait3A_580 = arith.constant 0 : i32
      %dma_wait3A_581 = tpu.memref_slice %arg8[%sub3A_574, %dma_wait3A_580] : memref<36x96xi32, #tpu.memory_space<vmem>> -> memref<1x96xi32, #tpu.memory_space<vmem>>
      %dma_wait3A_582 = tpu.memref_squeeze %dma_wait3A_581 : memref<1x96xi32, #tpu.memory_space<vmem>> -> memref<96xi32, #tpu.memory_space<vmem>>
      %dma_wait3A_583 = arith.constant 0 : i32
      %dma_wait3A_584 = arith.constant 0 : i32
      %dma_wait3A_585 = tpu.memref_slice %arg10[%dma_wait3A_583, %dma_wait3A_584] : memref<10240x128xf32, #tpu.memory_space<vmem_shared>> -> memref<10240x128xf32, #tpu.memory_space<vmem_shared>>
      tpu.wait_indirect_dma semaphore(%arg16 : memref<!tpu.dma_semaphore, #tpu.memory_space<semaphore_mem>>) src(%dma_wait3A_579 : memref<96x128xf32, #tpu.memory_space<vmem>>) dst(%dma_wait3A_585 : memref<10240x128xf32, #tpu.memory_space<vmem_shared>>)
      %dma_start3A_586 = arith.constant 2 : i32
      %dma_start3A_587 = arith.constant 0 : i32
      %dma_start3A_588 = arith.constant 0 : i32
      %dma_start3A_589 = tpu.memref_slice %arg9[%dma_start3A_586, %dma_start3A_587, %dma_start3A_588] : memref<3x96x128xf32, #tpu.memory_space<vmem>> -> memref<1x96x128xf32, #tpu.memory_space<vmem>>
      %dma_start3A_590 = tpu.memref_squeeze %dma_start3A_589 : memref<1x96x128xf32, #tpu.memory_space<vmem>> -> memref<96x128xf32, #tpu.memory_space<vmem>>
      %dma_start3A_591 = arith.constant 0 : i32
      %dma_start3A_592 = tpu.memref_slice %arg7[%add3A_572, %dma_start3A_591] : memref<36x96xi32, #tpu.memory_space<vmem>> -> memref<1x96xi32, #tpu.memory_space<vmem>>
      %dma_start3A_593 = tpu.memref_squeeze %dma_start3A_592 : memref<1x96xi32, #tpu.memory_space<vmem>> -> memref<96xi32, #tpu.memory_space<vmem>>
      %dma_start3A_594 = arith.constant 0 : i32
      %dma_start3A_595 = arith.constant 0 : i32
      %dma_start3A_596 = tpu.memref_slice %arg2[%dma_start3A_594, %dma_start3A_595] : memref<10240x128xf32, #tpu.memory_space<hbm>> -> memref<10240x128xf32, #tpu.memory_space<hbm>>
      tpu.enqueue_indirect_dma source(%dma_start3A_596 : memref<10240x128xf32, #tpu.memory_space<hbm>>) target(%dma_start3A_590 : memref<96x128xf32, #tpu.memory_space<vmem>>) offsets(%dma_start3A_593 : memref<96xi32, #tpu.memory_space<vmem>>) semaphore(%arg13 : memref<!tpu.dma_semaphore, #tpu.memory_space<semaphore_mem>>)
      %sub3A_597 = arith.constant 1 : i32
      %sub3A_598 = arith.subi %add3A_572, %sub3A_597 : i32
      %dma_wait3A_599 = arith.constant 1 : i32
      %dma_wait3A_600 = arith.constant 0 : i32
      %dma_wait3A_601 = arith.constant 0 : i32
      %dma_wait3A_602 = tpu.memref_slice %arg9[%dma_wait3A_599, %dma_wait3A_600, %dma_wait3A_601] : memref<3x96x128xf32, #tpu.memory_space<vmem>> -> memref<1x96x128xf32, #tpu.memory_space<vmem>>
      %dma_wait3A_603 = tpu.memref_squeeze %dma_wait3A_602 : memref<1x96x128xf32, #tpu.memory_space<vmem>> -> memref<96x128xf32, #tpu.memory_space<vmem>>
      %dma_wait3A_604 = arith.constant 0 : i32
      %dma_wait3A_605 = tpu.memref_slice %arg7[%sub3A_598, %dma_wait3A_604] : memref<36x96xi32, #tpu.memory_space<vmem>> -> memref<1x96xi32, #tpu.memory_space<vmem>>
      %dma_wait3A_606 = tpu.memref_squeeze %dma_wait3A_605 : memref<1x96xi32, #tpu.memory_space<vmem>> -> memref<96xi32, #tpu.memory_space<vmem>>
      %dma_wait3A_607 = arith.constant 0 : i32
      %dma_wait3A_608 = arith.constant 0 : i32
      %dma_wait3A_609 = tpu.memref_slice %arg2[%dma_wait3A_607, %dma_wait3A_608] : memref<10240x128xf32, #tpu.memory_space<hbm>> -> memref<10240x128xf32, #tpu.memory_space<hbm>>
      tpu.wait_indirect_dma semaphore(%arg12 : memref<!tpu.dma_semaphore, #tpu.memory_space<semaphore_mem>>) src(%dma_wait3A_609 : memref<10240x128xf32, #tpu.memory_space<hbm>>) dst(%dma_wait3A_603 : memref<96x128xf32, #tpu.memory_space<vmem>>)
      %sub3A_610 = arith.constant 1 : i32
      %sub3A_611 = arith.subi %add3A_572, %sub3A_610 : i32
      %dma_start3A_612 = arith.constant 1 : i32
      %dma_start3A_613 = arith.constant 0 : i32
      %dma_start3A_614 = arith.constant 0 : i32
      %dma_start3A_615 = tpu.memref_slice %arg9[%dma_start3A_612, %dma_start3A_613, %dma_start3A_614] : memref<3x96x128xf32, #tpu.memory_space<vmem>> -> memref<1x96x128xf32, #tpu.memory_space<vmem>>
      %dma_start3A_616 = tpu.memref_squeeze %dma_start3A_615 : memref<1x96x128xf32, #tpu.memory_space<vmem>> -> memref<96x128xf32, #tpu.memory_space<vmem>>
      %dma_start3A_617 = arith.constant 0 : i32
      %dma_start3A_618 = tpu.memref_slice %arg8[%sub3A_611, %dma_start3A_617] : memref<36x96xi32, #tpu.memory_space<vmem>> -> memref<1x96xi32, #tpu.memory_space<vmem>>
      %dma_start3A_619 = tpu.memref_squeeze %dma_start3A_618 : memref<1x96xi32, #tpu.memory_space<vmem>> -> memref<96xi32, #tpu.memory_space<vmem>>
      %dma_start3A_620 = arith.constant 0 : i32
      %dma_start3A_621 = arith.constant 0 : i32
      %dma_start3A_622 = tpu.memref_slice %arg10[%dma_start3A_620, %dma_start3A_621] : memref<10240x128xf32, #tpu.memory_space<vmem_shared>> -> memref<10240x128xf32, #tpu.memory_space<vmem_shared>>
      tpu.enqueue_indirect_dma source(%dma_start3A_616 : memref<96x128xf32, #tpu.memory_space<vmem>>) target(%dma_start3A_622 : memref<10240x128xf32, #tpu.memory_space<vmem_shared>>) offsets(%dma_start3A_619 : memref<96xi32, #tpu.memory_space<vmem>>) semaphore(%arg15 : memref<!tpu.dma_semaphore, #tpu.memory_space<semaphore_mem>>) {add = true}
    }
    %scan3A_242 = arith.constant 11 : i32
    %dma_wait3A_243 = arith.constant 35 : i32
    %dma_wait3A_244 = arith.constant 2 : i32
    %dma_wait3A_245 = arith.constant 0 : i32
    %dma_wait3A_246 = arith.constant 0 : i32
    %dma_wait3A_247 = tpu.memref_slice %arg9[%dma_wait3A_244, %dma_wait3A_245, %dma_wait3A_246] : memref<3x96x128xf32, #tpu.memory_space<vmem>> -> memref<1x96x128xf32, #tpu.memory_space<vmem>>
    %dma_wait3A_248 = tpu.memref_squeeze %dma_wait3A_247 : memref<1x96x128xf32, #tpu.memory_space<vmem>> -> memref<96x128xf32, #tpu.memory_space<vmem>>
    %dma_wait3A_249 = arith.constant 0 : i32
    %dma_wait3A_250 = tpu.memref_slice %arg7[%dma_wait3A_243, %dma_wait3A_249] : memref<36x96xi32, #tpu.memory_space<vmem>> -> memref<1x96xi32, #tpu.memory_space<vmem>>
    %dma_wait3A_251 = tpu.memref_squeeze %dma_wait3A_250 : memref<1x96xi32, #tpu.memory_space<vmem>> -> memref<96xi32, #tpu.memory_space<vmem>>
    %dma_wait3A_252 = arith.constant 0 : i32
    %dma_wait3A_253 = arith.constant 0 : i32
    %dma_wait3A_254 = tpu.memref_slice %arg2[%dma_wait3A_252, %dma_wait3A_253] : memref<10240x128xf32, #tpu.memory_space<hbm>> -> memref<10240x128xf32, #tpu.memory_space<hbm>>
    tpu.wait_indirect_dma semaphore(%arg13 : memref<!tpu.dma_semaphore, #tpu.memory_space<semaphore_mem>>) src(%dma_wait3A_254 : memref<10240x128xf32, #tpu.memory_space<hbm>>) dst(%dma_wait3A_248 : memref<96x128xf32, #tpu.memory_space<vmem>>)
    %dma_start3A_255 = arith.constant 2 : i32
    %dma_start3A_256 = arith.constant 35 : i32
    %dma_start3A_257 = arith.constant 0 : i32
    %dma_start3A_258 = arith.constant 0 : i32
    %dma_start3A_259 = tpu.memref_slice %arg9[%dma_start3A_255, %dma_start3A_257, %dma_start3A_258] : memref<3x96x128xf32, #tpu.memory_space<vmem>> -> memref<1x96x128xf32, #tpu.memory_space<vmem>>
    %dma_start3A_260 = tpu.memref_squeeze %dma_start3A_259 : memref<1x96x128xf32, #tpu.memory_space<vmem>> -> memref<96x128xf32, #tpu.memory_space<vmem>>
    %dma_start3A_261 = arith.constant 0 : i32
    %dma_start3A_262 = tpu.memref_slice %arg8[%dma_start3A_256, %dma_start3A_261] : memref<36x96xi32, #tpu.memory_space<vmem>> -> memref<1x96xi32, #tpu.memory_space<vmem>>
    %dma_start3A_263 = tpu.memref_squeeze %dma_start3A_262 : memref<1x96xi32, #tpu.memory_space<vmem>> -> memref<96xi32, #tpu.memory_space<vmem>>
    %dma_start3A_264 = arith.constant 0 : i32
    %dma_start3A_265 = arith.constant 0 : i32
    %dma_start3A_266 = tpu.memref_slice %arg10[%dma_start3A_264, %dma_start3A_265] : memref<10240x128xf32, #tpu.memory_space<vmem_shared>> -> memref<10240x128xf32, #tpu.memory_space<vmem_shared>>
    tpu.enqueue_indirect_dma source(%dma_start3A_260 : memref<96x128xf32, #tpu.memory_space<vmem>>) target(%dma_start3A_266 : memref<10240x128xf32, #tpu.memory_space<vmem_shared>>) offsets(%dma_start3A_263 : memref<96xi32, #tpu.memory_space<vmem>>) semaphore(%arg16 : memref<!tpu.dma_semaphore, #tpu.memory_space<semaphore_mem>>) {add = true}
    %dma_wait3A_267 = arith.constant 0 : i32
    %dma_wait3A_268 = arith.constant 33 : i32
    %dma_wait3A_269 = arith.constant 0 : i32
    %dma_wait3A_270 = arith.constant 0 : i32
    %dma_wait3A_271 = tpu.memref_slice %arg9[%dma_wait3A_267, %dma_wait3A_269, %dma_wait3A_270] : memref<3x96x128xf32, #tpu.memory_space<vmem>> -> memref<1x96x128xf32, #tpu.memory_space<vmem>>
    %dma_wait3A_272 = tpu.memref_squeeze %dma_wait3A_271 : memref<1x96x128xf32, #tpu.memory_space<vmem>> -> memref<96x128xf32, #tpu.memory_space<vmem>>
    %dma_wait3A_273 = arith.constant 0 : i32
    %dma_wait3A_274 = tpu.memref_slice %arg8[%dma_wait3A_268, %dma_wait3A_273] : memref<36x96xi32, #tpu.memory_space<vmem>> -> memref<1x96xi32, #tpu.memory_space<vmem>>
    %dma_wait3A_275 = tpu.memref_squeeze %dma_wait3A_274 : memref<1x96xi32, #tpu.memory_space<vmem>> -> memref<96xi32, #tpu.memory_space<vmem>>
    %dma_wait3A_276 = arith.constant 0 : i32
    %dma_wait3A_277 = arith.constant 0 : i32
    %dma_wait3A_278 = tpu.memref_slice %arg10[%dma_wait3A_276, %dma_wait3A_277] : memref<10240x128xf32, #tpu.memory_space<vmem_shared>> -> memref<10240x128xf32, #tpu.memory_space<vmem_shared>>
    tpu.wait_indirect_dma semaphore(%arg14 : memref<!tpu.dma_semaphore, #tpu.memory_space<semaphore_mem>>) src(%dma_wait3A_272 : memref<96x128xf32, #tpu.memory_space<vmem>>) dst(%dma_wait3A_278 : memref<10240x128xf32, #tpu.memory_space<vmem_shared>>)
    %dma_wait3A_279 = arith.constant 1 : i32
    %dma_wait3A_280 = arith.constant 34 : i32
    %dma_wait3A_281 = arith.constant 0 : i32
    %dma_wait3A_282 = arith.constant 0 : i32
    %dma_wait3A_283 = tpu.memref_slice %arg9[%dma_wait3A_279, %dma_wait3A_281, %dma_wait3A_282] : memref<3x96x128xf32, #tpu.memory_space<vmem>> -> memref<1x96x128xf32, #tpu.memory_space<vmem>>
    %dma_wait3A_284 = tpu.memref_squeeze %dma_wait3A_283 : memref<1x96x128xf32, #tpu.memory_space<vmem>> -> memref<96x128xf32, #tpu.memory_space<vmem>>
    %dma_wait3A_285 = arith.constant 0 : i32
    %dma_wait3A_286 = tpu.memref_slice %arg8[%dma_wait3A_280, %dma_wait3A_285] : memref<36x96xi32, #tpu.memory_space<vmem>> -> memref<1x96xi32, #tpu.memory_space<vmem>>
    %dma_wait3A_287 = tpu.memref_squeeze %dma_wait3A_286 : memref<1x96xi32, #tpu.memory_space<vmem>> -> memref<96xi32, #tpu.memory_space<vmem>>
    %dma_wait3A_288 = arith.constant 0 : i32
    %dma_wait3A_289 = arith.constant 0 : i32
    %dma_wait3A_290 = tpu.memref_slice %arg10[%dma_wait3A_288, %dma_wait3A_289] : memref<10240x128xf32, #tpu.memory_space<vmem_shared>> -> memref<10240x128xf32, #tpu.memory_space<vmem_shared>>
    tpu.wait_indirect_dma semaphore(%arg15 : memref<!tpu.dma_semaphore, #tpu.memory_space<semaphore_mem>>) src(%dma_wait3A_284 : memref<96x128xf32, #tpu.memory_space<vmem>>) dst(%dma_wait3A_290 : memref<10240x128xf32, #tpu.memory_space<vmem_shared>>)
    %dma_wait3A_291 = arith.constant 2 : i32
    %dma_wait3A_292 = arith.constant 35 : i32
    %dma_wait3A_293 = arith.constant 0 : i32
    %dma_wait3A_294 = arith.constant 0 : i32
    %dma_wait3A_295 = tpu.memref_slice %arg9[%dma_wait3A_291, %dma_wait3A_293, %dma_wait3A_294] : memref<3x96x128xf32, #tpu.memory_space<vmem>> -> memref<1x96x128xf32, #tpu.memory_space<vmem>>
    %dma_wait3A_296 = tpu.memref_squeeze %dma_wait3A_295 : memref<1x96x128xf32, #tpu.memory_space<vmem>> -> memref<96x128xf32, #tpu.memory_space<vmem>>
    %dma_wait3A_297 = arith.constant 0 : i32
    %dma_wait3A_298 = tpu.memref_slice %arg8[%dma_wait3A_292, %dma_wait3A_297] : memref<36x96xi32, #tpu.memory_space<vmem>> -> memref<1x96xi32, #tpu.memory_space<vmem>>
    %dma_wait3A_299 = tpu.memref_squeeze %dma_wait3A_298 : memref<1x96xi32, #tpu.memory_space<vmem>> -> memref<96xi32, #tpu.memory_space<vmem>>
    %dma_wait3A_300 = arith.constant 0 : i32
    %dma_wait3A_301 = arith.constant 0 : i32
    %dma_wait3A_302 = tpu.memref_slice %arg10[%dma_wait3A_300, %dma_wait3A_301] : memref<10240x128xf32, #tpu.memory_space<vmem_shared>> -> memref<10240x128xf32, #tpu.memory_space<vmem_shared>>
    tpu.wait_indirect_dma semaphore(%arg16 : memref<!tpu.dma_semaphore, #tpu.memory_space<semaphore_mem>>) src(%dma_wait3A_296 : memref<96x128xf32, #tpu.memory_space<vmem>>) dst(%dma_wait3A_302 : memref<10240x128xf32, #tpu.memory_space<vmem_shared>>)
    %run_scoped3A_303 = arith.constant 2 : i32
    "tpu.region"() ({
      %run_scoped3A_463 = tpu.sem_alloc : memref<!tpu.dma_semaphore, #tpu.memory_space<semaphore_mem>>
      %dma_start3A_464 = arith.constant 0 : i32
      %dma_start3A_465 = arith.constant 0 : i32
      %dma_start3A_466 = tpu.memref_slice %arg3[%add3A, %run_scoped3A_303, %dma_start3A_464, %dma_start3A_465] : memref<32x3x36x96xi32, #tpu.memory_space<hbm>> -> memref<1x1x36x96xi32, #tpu.memory_space<hbm>>
      %dma_start3A_467 = tpu.memref_squeeze %dma_start3A_466 : memref<1x1x36x96xi32, #tpu.memory_space<hbm>> -> memref<36x96xi32, #tpu.memory_space<hbm>>
      %dma_start3A_468 = arith.constant 0 : i32
      %dma_start3A_469 = arith.constant 0 : i32
      %dma_start3A_470 = tpu.memref_slice %arg3[%add3A, %run_scoped3A_303, %dma_start3A_468, %dma_start3A_469] : memref<32x3x36x96xi32, #tpu.memory_space<hbm>> -> memref<1x1x36x96xi32, #tpu.memory_space<hbm>>
      %dma_start3A_471 = tpu.memref_squeeze %dma_start3A_470 : memref<1x1x36x96xi32, #tpu.memory_space<hbm>> -> memref<36x96xi32, #tpu.memory_space<hbm>>
      tpu.enqueue_dma source(%dma_start3A_471 : memref<36x96xi32, #tpu.memory_space<hbm>>) target(%arg7 : memref<36x96xi32, #tpu.memory_space<vmem>>) target_semaphore(%run_scoped3A_463 : memref<!tpu.dma_semaphore, #tpu.memory_space<semaphore_mem>>)
      %dma_wait3A_472 = arith.constant 0 : i32
      %dma_wait3A_473 = arith.constant 0 : i32
      %dma_wait3A_474 = tpu.memref_slice %arg3[%add3A, %run_scoped3A_303, %dma_wait3A_472, %dma_wait3A_473] : memref<32x3x36x96xi32, #tpu.memory_space<hbm>> -> memref<1x1x36x96xi32, #tpu.memory_space<hbm>>
      %dma_wait3A_475 = tpu.memref_squeeze %dma_wait3A_474 : memref<1x1x36x96xi32, #tpu.memory_space<hbm>> -> memref<36x96xi32, #tpu.memory_space<hbm>>
      %dma_wait3A_476 = arith.constant 0 : i32
      %dma_wait3A_477 = arith.constant 0 : i32
      %dma_wait3A_478 = tpu.memref_slice %arg3[%add3A, %run_scoped3A_303, %dma_wait3A_476, %dma_wait3A_477] : memref<32x3x36x96xi32, #tpu.memory_space<hbm>> -> memref<1x1x36x96xi32, #tpu.memory_space<hbm>>
      %dma_wait3A_479 = tpu.memref_squeeze %dma_wait3A_478 : memref<1x1x36x96xi32, #tpu.memory_space<hbm>> -> memref<36x96xi32, #tpu.memory_space<hbm>>
      tpu.wait_dma2 semaphore(%run_scoped3A_463 : memref<!tpu.dma_semaphore, #tpu.memory_space<semaphore_mem>>) src(%dma_wait3A_479 : memref<36x96xi32, #tpu.memory_space<hbm>>) dst(%arg7 : memref<36x96xi32, #tpu.memory_space<vmem>>)
      tpu.yield
    }) : () -> ()
    %run_scoped3A_304 = arith.constant 2 : i32
    "tpu.region"() ({
      %run_scoped3A_463 = tpu.sem_alloc : memref<!tpu.dma_semaphore, #tpu.memory_space<semaphore_mem>>
      %dma_start3A_464 = arith.constant 0 : i32
      %dma_start3A_465 = arith.constant 0 : i32
      %dma_start3A_466 = tpu.memref_slice %arg4[%add3A, %run_scoped3A_304, %dma_start3A_464, %dma_start3A_465] : memref<32x3x36x96xi32, #tpu.memory_space<hbm>> -> memref<1x1x36x96xi32, #tpu.memory_space<hbm>>
      %dma_start3A_467 = tpu.memref_squeeze %dma_start3A_466 : memref<1x1x36x96xi32, #tpu.memory_space<hbm>> -> memref<36x96xi32, #tpu.memory_space<hbm>>
      %dma_start3A_468 = arith.constant 0 : i32
      %dma_start3A_469 = arith.constant 0 : i32
      %dma_start3A_470 = tpu.memref_slice %arg4[%add3A, %run_scoped3A_304, %dma_start3A_468, %dma_start3A_469] : memref<32x3x36x96xi32, #tpu.memory_space<hbm>> -> memref<1x1x36x96xi32, #tpu.memory_space<hbm>>
      %dma_start3A_471 = tpu.memref_squeeze %dma_start3A_470 : memref<1x1x36x96xi32, #tpu.memory_space<hbm>> -> memref<36x96xi32, #tpu.memory_space<hbm>>
      tpu.enqueue_dma source(%dma_start3A_471 : memref<36x96xi32, #tpu.memory_space<hbm>>) target(%arg8 : memref<36x96xi32, #tpu.memory_space<vmem>>) target_semaphore(%run_scoped3A_463 : memref<!tpu.dma_semaphore, #tpu.memory_space<semaphore_mem>>)
      %dma_wait3A_472 = arith.constant 0 : i32
      %dma_wait3A_473 = arith.constant 0 : i32
      %dma_wait3A_474 = tpu.memref_slice %arg4[%add3A, %run_scoped3A_304, %dma_wait3A_472, %dma_wait3A_473] : memref<32x3x36x96xi32, #tpu.memory_space<hbm>> -> memref<1x1x36x96xi32, #tpu.memory_space<hbm>>
      %dma_wait3A_475 = tpu.memref_squeeze %dma_wait3A_474 : memref<1x1x36x96xi32, #tpu.memory_space<hbm>> -> memref<36x96xi32, #tpu.memory_space<hbm>>
      %dma_wait3A_476 = arith.constant 0 : i32
      %dma_wait3A_477 = arith.constant 0 : i32
      %dma_wait3A_478 = tpu.memref_slice %arg4[%add3A, %run_scoped3A_304, %dma_wait3A_476, %dma_wait3A_477] : memref<32x3x36x96xi32, #tpu.memory_space<hbm>> -> memref<1x1x36x96xi32, #tpu.memory_space<hbm>>
      %dma_wait3A_479 = tpu.memref_squeeze %dma_wait3A_478 : memref<1x1x36x96xi32, #tpu.memory_space<hbm>> -> memref<36x96xi32, #tpu.memory_space<hbm>>
      tpu.wait_dma2 semaphore(%run_scoped3A_463 : memref<!tpu.dma_semaphore, #tpu.memory_space<semaphore_mem>>) src(%dma_wait3A_479 : memref<36x96xi32, #tpu.memory_space<hbm>>) dst(%arg8 : memref<36x96xi32, #tpu.memory_space<vmem>>)
      tpu.yield
    }) : () -> ()
    %dma_start3A_305 = arith.constant 0 : i32
    %dma_start3A_306 = arith.constant 0 : i32
    %dma_start3A_307 = arith.constant 0 : i32
    %dma_start3A_308 = arith.constant 0 : i32
    %dma_start3A_309 = tpu.memref_slice %arg9[%dma_start3A_306, %dma_start3A_307, %dma_start3A_308] : memref<3x96x128xf32, #tpu.memory_space<vmem>> -> memref<1x96x128xf32, #tpu.memory_space<vmem>>
    %dma_start3A_310 = tpu.memref_squeeze %dma_start3A_309 : memref<1x96x128xf32, #tpu.memory_space<vmem>> -> memref<96x128xf32, #tpu.memory_space<vmem>>
    %dma_start3A_311 = arith.constant 0 : i32
    %dma_start3A_312 = tpu.memref_slice %arg7[%dma_start3A_305, %dma_start3A_311] : memref<36x96xi32, #tpu.memory_space<vmem>> -> memref<1x96xi32, #tpu.memory_space<vmem>>
    %dma_start3A_313 = tpu.memref_squeeze %dma_start3A_312 : memref<1x96xi32, #tpu.memory_space<vmem>> -> memref<96xi32, #tpu.memory_space<vmem>>
    %dma_start3A_314 = arith.constant 0 : i32
    %dma_start3A_315 = arith.constant 0 : i32
    %dma_start3A_316 = tpu.memref_slice %arg2[%dma_start3A_314, %dma_start3A_315] : memref<10240x128xf32, #tpu.memory_space<hbm>> -> memref<10240x128xf32, #tpu.memory_space<hbm>>
    tpu.enqueue_indirect_dma source(%dma_start3A_316 : memref<10240x128xf32, #tpu.memory_space<hbm>>) target(%dma_start3A_310 : memref<96x128xf32, #tpu.memory_space<vmem>>) offsets(%dma_start3A_313 : memref<96xi32, #tpu.memory_space<vmem>>) semaphore(%arg11 : memref<!tpu.dma_semaphore, #tpu.memory_space<semaphore_mem>>)
    %dma_start3A_317 = arith.constant 1 : i32
    %dma_start3A_318 = arith.constant 1 : i32
    %dma_start3A_319 = arith.constant 0 : i32
    %dma_start3A_320 = arith.constant 0 : i32
    %dma_start3A_321 = tpu.memref_slice %arg9[%dma_start3A_318, %dma_start3A_319, %dma_start3A_320] : memref<3x96x128xf32, #tpu.memory_space<vmem>> -> memref<1x96x128xf32, #tpu.memory_space<vmem>>
    %dma_start3A_322 = tpu.memref_squeeze %dma_start3A_321 : memref<1x96x128xf32, #tpu.memory_space<vmem>> -> memref<96x128xf32, #tpu.memory_space<vmem>>
    %dma_start3A_323 = arith.constant 0 : i32
    %dma_start3A_324 = tpu.memref_slice %arg7[%dma_start3A_317, %dma_start3A_323] : memref<36x96xi32, #tpu.memory_space<vmem>> -> memref<1x96xi32, #tpu.memory_space<vmem>>
    %dma_start3A_325 = tpu.memref_squeeze %dma_start3A_324 : memref<1x96xi32, #tpu.memory_space<vmem>> -> memref<96xi32, #tpu.memory_space<vmem>>
    %dma_start3A_326 = arith.constant 0 : i32
    %dma_start3A_327 = arith.constant 0 : i32
    %dma_start3A_328 = tpu.memref_slice %arg2[%dma_start3A_326, %dma_start3A_327] : memref<10240x128xf32, #tpu.memory_space<hbm>> -> memref<10240x128xf32, #tpu.memory_space<hbm>>
    tpu.enqueue_indirect_dma source(%dma_start3A_328 : memref<10240x128xf32, #tpu.memory_space<hbm>>) target(%dma_start3A_322 : memref<96x128xf32, #tpu.memory_space<vmem>>) offsets(%dma_start3A_325 : memref<96xi32, #tpu.memory_space<vmem>>) semaphore(%arg12 : memref<!tpu.dma_semaphore, #tpu.memory_space<semaphore_mem>>)
    %dma_wait3A_329 = arith.constant 0 : i32
    %dma_wait3A_330 = arith.constant 0 : i32
    %dma_wait3A_331 = arith.constant 0 : i32
    %dma_wait3A_332 = arith.constant 0 : i32
    %dma_wait3A_333 = tpu.memref_slice %arg9[%dma_wait3A_330, %dma_wait3A_331, %dma_wait3A_332] : memref<3x96x128xf32, #tpu.memory_space<vmem>> -> memref<1x96x128xf32, #tpu.memory_space<vmem>>
    %dma_wait3A_334 = tpu.memref_squeeze %dma_wait3A_333 : memref<1x96x128xf32, #tpu.memory_space<vmem>> -> memref<96x128xf32, #tpu.memory_space<vmem>>
    %dma_wait3A_335 = arith.constant 0 : i32
    %dma_wait3A_336 = tpu.memref_slice %arg7[%dma_wait3A_329, %dma_wait3A_335] : memref<36x96xi32, #tpu.memory_space<vmem>> -> memref<1x96xi32, #tpu.memory_space<vmem>>
    %dma_wait3A_337 = tpu.memref_squeeze %dma_wait3A_336 : memref<1x96xi32, #tpu.memory_space<vmem>> -> memref<96xi32, #tpu.memory_space<vmem>>
    %dma_wait3A_338 = arith.constant 0 : i32
    %dma_wait3A_339 = arith.constant 0 : i32
    %dma_wait3A_340 = tpu.memref_slice %arg2[%dma_wait3A_338, %dma_wait3A_339] : memref<10240x128xf32, #tpu.memory_space<hbm>> -> memref<10240x128xf32, #tpu.memory_space<hbm>>
    tpu.wait_indirect_dma semaphore(%arg11 : memref<!tpu.dma_semaphore, #tpu.memory_space<semaphore_mem>>) src(%dma_wait3A_340 : memref<10240x128xf32, #tpu.memory_space<hbm>>) dst(%dma_wait3A_334 : memref<96x128xf32, #tpu.memory_space<vmem>>)
    %dma_start3A_341 = arith.constant 0 : i32
    %dma_start3A_342 = arith.constant 0 : i32
    %dma_start3A_343 = arith.constant 0 : i32
    %dma_start3A_344 = arith.constant 0 : i32
    %dma_start3A_345 = tpu.memref_slice %arg9[%dma_start3A_341, %dma_start3A_343, %dma_start3A_344] : memref<3x96x128xf32, #tpu.memory_space<vmem>> -> memref<1x96x128xf32, #tpu.memory_space<vmem>>
    %dma_start3A_346 = tpu.memref_squeeze %dma_start3A_345 : memref<1x96x128xf32, #tpu.memory_space<vmem>> -> memref<96x128xf32, #tpu.memory_space<vmem>>
    %dma_start3A_347 = arith.constant 0 : i32
    %dma_start3A_348 = tpu.memref_slice %arg8[%dma_start3A_342, %dma_start3A_347] : memref<36x96xi32, #tpu.memory_space<vmem>> -> memref<1x96xi32, #tpu.memory_space<vmem>>
    %dma_start3A_349 = tpu.memref_squeeze %dma_start3A_348 : memref<1x96xi32, #tpu.memory_space<vmem>> -> memref<96xi32, #tpu.memory_space<vmem>>
    %dma_start3A_350 = arith.constant 0 : i32
    %dma_start3A_351 = arith.constant 0 : i32
    %dma_start3A_352 = tpu.memref_slice %arg10[%dma_start3A_350, %dma_start3A_351] : memref<10240x128xf32, #tpu.memory_space<vmem_shared>> -> memref<10240x128xf32, #tpu.memory_space<vmem_shared>>
    tpu.enqueue_indirect_dma source(%dma_start3A_346 : memref<96x128xf32, #tpu.memory_space<vmem>>) target(%dma_start3A_352 : memref<10240x128xf32, #tpu.memory_space<vmem_shared>>) offsets(%dma_start3A_349 : memref<96xi32, #tpu.memory_space<vmem>>) semaphore(%arg14 : memref<!tpu.dma_semaphore, #tpu.memory_space<semaphore_mem>>) {add = true}
    %dma_start3A_353 = arith.constant 2 : i32
    %dma_start3A_354 = arith.constant 2 : i32
    %dma_start3A_355 = arith.constant 0 : i32
    %dma_start3A_356 = arith.constant 0 : i32
    %dma_start3A_357 = tpu.memref_slice %arg9[%dma_start3A_354, %dma_start3A_355, %dma_start3A_356] : memref<3x96x128xf32, #tpu.memory_space<vmem>> -> memref<1x96x128xf32, #tpu.memory_space<vmem>>
    %dma_start3A_358 = tpu.memref_squeeze %dma_start3A_357 : memref<1x96x128xf32, #tpu.memory_space<vmem>> -> memref<96x128xf32, #tpu.memory_space<vmem>>
    %dma_start3A_359 = arith.constant 0 : i32
    %dma_start3A_360 = tpu.memref_slice %arg7[%dma_start3A_353, %dma_start3A_359] : memref<36x96xi32, #tpu.memory_space<vmem>> -> memref<1x96xi32, #tpu.memory_space<vmem>>
    %dma_start3A_361 = tpu.memref_squeeze %dma_start3A_360 : memref<1x96xi32, #tpu.memory_space<vmem>> -> memref<96xi32, #tpu.memory_space<vmem>>
    %dma_start3A_362 = arith.constant 0 : i32
    %dma_start3A_363 = arith.constant 0 : i32
    %dma_start3A_364 = tpu.memref_slice %arg2[%dma_start3A_362, %dma_start3A_363] : memref<10240x128xf32, #tpu.memory_space<hbm>> -> memref<10240x128xf32, #tpu.memory_space<hbm>>
    tpu.enqueue_indirect_dma source(%dma_start3A_364 : memref<10240x128xf32, #tpu.memory_space<hbm>>) target(%dma_start3A_358 : memref<96x128xf32, #tpu.memory_space<vmem>>) offsets(%dma_start3A_361 : memref<96xi32, #tpu.memory_space<vmem>>) semaphore(%arg13 : memref<!tpu.dma_semaphore, #tpu.memory_space<semaphore_mem>>)
    %dma_wait3A_365 = arith.constant 1 : i32
    %dma_wait3A_366 = arith.constant 1 : i32
    %dma_wait3A_367 = arith.constant 0 : i32
    %dma_wait3A_368 = arith.constant 0 : i32
    %dma_wait3A_369 = tpu.memref_slice %arg9[%dma_wait3A_366, %dma_wait3A_367, %dma_wait3A_368] : memref<3x96x128xf32, #tpu.memory_space<vmem>> -> memref<1x96x128xf32, #tpu.memory_space<vmem>>
    %dma_wait3A_370 = tpu.memref_squeeze %dma_wait3A_369 : memref<1x96x128xf32, #tpu.memory_space<vmem>> -> memref<96x128xf32, #tpu.memory_space<vmem>>
    %dma_wait3A_371 = arith.constant 0 : i32
    %dma_wait3A_372 = tpu.memref_slice %arg7[%dma_wait3A_365, %dma_wait3A_371] : memref<36x96xi32, #tpu.memory_space<vmem>> -> memref<1x96xi32, #tpu.memory_space<vmem>>
    %dma_wait3A_373 = tpu.memref_squeeze %dma_wait3A_372 : memref<1x96xi32, #tpu.memory_space<vmem>> -> memref<96xi32, #tpu.memory_space<vmem>>
    %dma_wait3A_374 = arith.constant 0 : i32
    %dma_wait3A_375 = arith.constant 0 : i32
    %dma_wait3A_376 = tpu.memref_slice %arg2[%dma_wait3A_374, %dma_wait3A_375] : memref<10240x128xf32, #tpu.memory_space<hbm>> -> memref<10240x128xf32, #tpu.memory_space<hbm>>
    tpu.wait_indirect_dma semaphore(%arg12 : memref<!tpu.dma_semaphore, #tpu.memory_space<semaphore_mem>>) src(%dma_wait3A_376 : memref<10240x128xf32, #tpu.memory_space<hbm>>) dst(%dma_wait3A_370 : memref<96x128xf32, #tpu.memory_space<vmem>>)
    %dma_start3A_377 = arith.constant 1 : i32
    %dma_start3A_378 = arith.constant 1 : i32
    %dma_start3A_379 = arith.constant 0 : i32
    %dma_start3A_380 = arith.constant 0 : i32
    %dma_start3A_381 = tpu.memref_slice %arg9[%dma_start3A_377, %dma_start3A_379, %dma_start3A_380] : memref<3x96x128xf32, #tpu.memory_space<vmem>> -> memref<1x96x128xf32, #tpu.memory_space<vmem>>
    %dma_start3A_382 = tpu.memref_squeeze %dma_start3A_381 : memref<1x96x128xf32, #tpu.memory_space<vmem>> -> memref<96x128xf32, #tpu.memory_space<vmem>>
    %dma_start3A_383 = arith.constant 0 : i32
    %dma_start3A_384 = tpu.memref_slice %arg8[%dma_start3A_378, %dma_start3A_383] : memref<36x96xi32, #tpu.memory_space<vmem>> -> memref<1x96xi32, #tpu.memory_space<vmem>>
    %dma_start3A_385 = tpu.memref_squeeze %dma_start3A_384 : memref<1x96xi32, #tpu.memory_space<vmem>> -> memref<96xi32, #tpu.memory_space<vmem>>
    %dma_start3A_386 = arith.constant 0 : i32
    %dma_start3A_387 = arith.constant 0 : i32
    %dma_start3A_388 = tpu.memref_slice %arg10[%dma_start3A_386, %dma_start3A_387] : memref<10240x128xf32, #tpu.memory_space<vmem_shared>> -> memref<10240x128xf32, #tpu.memory_space<vmem_shared>>
    tpu.enqueue_indirect_dma source(%dma_start3A_382 : memref<96x128xf32, #tpu.memory_space<vmem>>) target(%dma_start3A_388 : memref<10240x128xf32, #tpu.memory_space<vmem_shared>>) offsets(%dma_start3A_385 : memref<96xi32, #tpu.memory_space<vmem>>) semaphore(%arg15 : memref<!tpu.dma_semaphore, #tpu.memory_space<semaphore_mem>>) {add = true}
    %scan3A_389 = arith.constant 0 : i32
    %scan3A_390 = arith.constant 0 : i32
    %scan3A_391 = arith.constant 11 : i32
    %scan3A_392 = arith.addi %scan3A_390, %scan3A_391 : i32
    %scan3A_393 = arith.constant 1 : i32
    scf.for %scan3A_463 = %scan3A_390 to %scan3A_392 step %scan3A_393  : i32 {
      %mul3A_464 = arith.constant 3 : i32
      %mul3A_465 = arith.muli %mul3A_464, %scan3A_463 : i32
      %add3A_466 = arith.constant 3 : i32
      %add3A_467 = arith.addi %add3A_466, %mul3A_465 : i32
      %add3A_468 = arith.constant 0 : i32
      %add3A_469 = arith.addi %add3A_467, %add3A_468 : i32
      %sub3A = arith.constant 3 : i32
      %sub3A_470 = arith.subi %add3A_469, %sub3A : i32
      %dma_wait3A_471 = arith.constant 0 : i32
      %dma_wait3A_472 = arith.constant 0 : i32
      %dma_wait3A_473 = arith.constant 0 : i32
      %dma_wait3A_474 = tpu.memref_slice %arg9[%dma_wait3A_471, %dma_wait3A_472, %dma_wait3A_473] : memref<3x96x128xf32, #tpu.memory_space<vmem>> -> memref<1x96x128xf32, #tpu.memory_space<vmem>>
      %dma_wait3A_475 = tpu.memref_squeeze %dma_wait3A_474 : memref<1x96x128xf32, #tpu.memory_space<vmem>> -> memref<96x128xf32, #tpu.memory_space<vmem>>
      %dma_wait3A_476 = arith.constant 0 : i32
      %dma_wait3A_477 = tpu.memref_slice %arg8[%sub3A_470, %dma_wait3A_476] : memref<36x96xi32, #tpu.memory_space<vmem>> -> memref<1x96xi32, #tpu.memory_space<vmem>>
      %dma_wait3A_478 = tpu.memref_squeeze %dma_wait3A_477 : memref<1x96xi32, #tpu.memory_space<vmem>> -> memref<96xi32, #tpu.memory_space<vmem>>
      %dma_wait3A_479 = arith.constant 0 : i32
      %dma_wait3A_480 = arith.constant 0 : i32
      %dma_wait3A_481 = tpu.memref_slice %arg10[%dma_wait3A_479, %dma_wait3A_480] : memref<10240x128xf32, #tpu.memory_space<vmem_shared>> -> memref<10240x128xf32, #tpu.memory_space<vmem_shared>>
      tpu.wait_indirect_dma semaphore(%arg14 : memref<!tpu.dma_semaphore, #tpu.memory_space<semaphore_mem>>) src(%dma_wait3A_475 : memref<96x128xf32, #tpu.memory_space<vmem>>) dst(%dma_wait3A_481 : memref<10240x128xf32, #tpu.memory_space<vmem_shared>>)
      %dma_start3A_482 = arith.constant 0 : i32
      %dma_start3A_483 = arith.constant 0 : i32
      %dma_start3A_484 = arith.constant 0 : i32
      %dma_start3A_485 = tpu.memref_slice %arg9[%dma_start3A_482, %dma_start3A_483, %dma_start3A_484] : memref<3x96x128xf32, #tpu.memory_space<vmem>> -> memref<1x96x128xf32, #tpu.memory_space<vmem>>
      %dma_start3A_486 = tpu.memref_squeeze %dma_start3A_485 : memref<1x96x128xf32, #tpu.memory_space<vmem>> -> memref<96x128xf32, #tpu.memory_space<vmem>>
      %dma_start3A_487 = arith.constant 0 : i32
      %dma_start3A_488 = tpu.memref_slice %arg7[%add3A_469, %dma_start3A_487] : memref<36x96xi32, #tpu.memory_space<vmem>> -> memref<1x96xi32, #tpu.memory_space<vmem>>
      %dma_start3A_489 = tpu.memref_squeeze %dma_start3A_488 : memref<1x96xi32, #tpu.memory_space<vmem>> -> memref<96xi32, #tpu.memory_space<vmem>>
      %dma_start3A_490 = arith.constant 0 : i32
      %dma_start3A_491 = arith.constant 0 : i32
      %dma_start3A_492 = tpu.memref_slice %arg2[%dma_start3A_490, %dma_start3A_491] : memref<10240x128xf32, #tpu.memory_space<hbm>> -> memref<10240x128xf32, #tpu.memory_space<hbm>>
      tpu.enqueue_indirect_dma source(%dma_start3A_492 : memref<10240x128xf32, #tpu.memory_space<hbm>>) target(%dma_start3A_486 : memref<96x128xf32, #tpu.memory_space<vmem>>) offsets(%dma_start3A_489 : memref<96xi32, #tpu.memory_space<vmem>>) semaphore(%arg11 : memref<!tpu.dma_semaphore, #tpu.memory_space<semaphore_mem>>)
      %sub3A_493 = arith.constant 1 : i32
      %sub3A_494 = arith.subi %add3A_469, %sub3A_493 : i32
      %dma_wait3A_495 = arith.constant 2 : i32
      %dma_wait3A_496 = arith.constant 0 : i32
      %dma_wait3A_497 = arith.constant 0 : i32
      %dma_wait3A_498 = tpu.memref_slice %arg9[%dma_wait3A_495, %dma_wait3A_496, %dma_wait3A_497] : memref<3x96x128xf32, #tpu.memory_space<vmem>> -> memref<1x96x128xf32, #tpu.memory_space<vmem>>
      %dma_wait3A_499 = tpu.memref_squeeze %dma_wait3A_498 : memref<1x96x128xf32, #tpu.memory_space<vmem>> -> memref<96x128xf32, #tpu.memory_space<vmem>>
      %dma_wait3A_500 = arith.constant 0 : i32
      %dma_wait3A_501 = tpu.memref_slice %arg7[%sub3A_494, %dma_wait3A_500] : memref<36x96xi32, #tpu.memory_space<vmem>> -> memref<1x96xi32, #tpu.memory_space<vmem>>
      %dma_wait3A_502 = tpu.memref_squeeze %dma_wait3A_501 : memref<1x96xi32, #tpu.memory_space<vmem>> -> memref<96xi32, #tpu.memory_space<vmem>>
      %dma_wait3A_503 = arith.constant 0 : i32
      %dma_wait3A_504 = arith.constant 0 : i32
      %dma_wait3A_505 = tpu.memref_slice %arg2[%dma_wait3A_503, %dma_wait3A_504] : memref<10240x128xf32, #tpu.memory_space<hbm>> -> memref<10240x128xf32, #tpu.memory_space<hbm>>
      tpu.wait_indirect_dma semaphore(%arg13 : memref<!tpu.dma_semaphore, #tpu.memory_space<semaphore_mem>>) src(%dma_wait3A_505 : memref<10240x128xf32, #tpu.memory_space<hbm>>) dst(%dma_wait3A_499 : memref<96x128xf32, #tpu.memory_space<vmem>>)
      %sub3A_506 = arith.constant 1 : i32
      %sub3A_507 = arith.subi %add3A_469, %sub3A_506 : i32
      %dma_start3A_508 = arith.constant 2 : i32
      %dma_start3A_509 = arith.constant 0 : i32
      %dma_start3A_510 = arith.constant 0 : i32
      %dma_start3A_511 = tpu.memref_slice %arg9[%dma_start3A_508, %dma_start3A_509, %dma_start3A_510] : memref<3x96x128xf32, #tpu.memory_space<vmem>> -> memref<1x96x128xf32, #tpu.memory_space<vmem>>
      %dma_start3A_512 = tpu.memref_squeeze %dma_start3A_511 : memref<1x96x128xf32, #tpu.memory_space<vmem>> -> memref<96x128xf32, #tpu.memory_space<vmem>>
      %dma_start3A_513 = arith.constant 0 : i32
      %dma_start3A_514 = tpu.memref_slice %arg8[%sub3A_507, %dma_start3A_513] : memref<36x96xi32, #tpu.memory_space<vmem>> -> memref<1x96xi32, #tpu.memory_space<vmem>>
      %dma_start3A_515 = tpu.memref_squeeze %dma_start3A_514 : memref<1x96xi32, #tpu.memory_space<vmem>> -> memref<96xi32, #tpu.memory_space<vmem>>
      %dma_start3A_516 = arith.constant 0 : i32
      %dma_start3A_517 = arith.constant 0 : i32
      %dma_start3A_518 = tpu.memref_slice %arg10[%dma_start3A_516, %dma_start3A_517] : memref<10240x128xf32, #tpu.memory_space<vmem_shared>> -> memref<10240x128xf32, #tpu.memory_space<vmem_shared>>
      tpu.enqueue_indirect_dma source(%dma_start3A_512 : memref<96x128xf32, #tpu.memory_space<vmem>>) target(%dma_start3A_518 : memref<10240x128xf32, #tpu.memory_space<vmem_shared>>) offsets(%dma_start3A_515 : memref<96xi32, #tpu.memory_space<vmem>>) semaphore(%arg16 : memref<!tpu.dma_semaphore, #tpu.memory_space<semaphore_mem>>) {add = true}
      %add3A_519 = arith.constant 1 : i32
      %add3A_520 = arith.addi %add3A_467, %add3A_519 : i32
      %sub3A_521 = arith.constant 3 : i32
      %sub3A_522 = arith.subi %add3A_520, %sub3A_521 : i32
      %dma_wait3A_523 = arith.constant 1 : i32
      %dma_wait3A_524 = arith.constant 0 : i32
      %dma_wait3A_525 = arith.constant 0 : i32
      %dma_wait3A_526 = tpu.memref_slice %arg9[%dma_wait3A_523, %dma_wait3A_524, %dma_wait3A_525] : memref<3x96x128xf32, #tpu.memory_space<vmem>> -> memref<1x96x128xf32, #tpu.memory_space<vmem>>
      %dma_wait3A_527 = tpu.memref_squeeze %dma_wait3A_526 : memref<1x96x128xf32, #tpu.memory_space<vmem>> -> memref<96x128xf32, #tpu.memory_space<vmem>>
      %dma_wait3A_528 = arith.constant 0 : i32
      %dma_wait3A_529 = tpu.memref_slice %arg8[%sub3A_522, %dma_wait3A_528] : memref<36x96xi32, #tpu.memory_space<vmem>> -> memref<1x96xi32, #tpu.memory_space<vmem>>
      %dma_wait3A_530 = tpu.memref_squeeze %dma_wait3A_529 : memref<1x96xi32, #tpu.memory_space<vmem>> -> memref<96xi32, #tpu.memory_space<vmem>>
      %dma_wait3A_531 = arith.constant 0 : i32
      %dma_wait3A_532 = arith.constant 0 : i32
      %dma_wait3A_533 = tpu.memref_slice %arg10[%dma_wait3A_531, %dma_wait3A_532] : memref<10240x128xf32, #tpu.memory_space<vmem_shared>> -> memref<10240x128xf32, #tpu.memory_space<vmem_shared>>
      tpu.wait_indirect_dma semaphore(%arg15 : memref<!tpu.dma_semaphore, #tpu.memory_space<semaphore_mem>>) src(%dma_wait3A_527 : memref<96x128xf32, #tpu.memory_space<vmem>>) dst(%dma_wait3A_533 : memref<10240x128xf32, #tpu.memory_space<vmem_shared>>)
      %dma_start3A_534 = arith.constant 1 : i32
      %dma_start3A_535 = arith.constant 0 : i32
      %dma_start3A_536 = arith.constant 0 : i32
      %dma_start3A_537 = tpu.memref_slice %arg9[%dma_start3A_534, %dma_start3A_535, %dma_start3A_536] : memref<3x96x128xf32, #tpu.memory_space<vmem>> -> memref<1x96x128xf32, #tpu.memory_space<vmem>>
      %dma_start3A_538 = tpu.memref_squeeze %dma_start3A_537 : memref<1x96x128xf32, #tpu.memory_space<vmem>> -> memref<96x128xf32, #tpu.memory_space<vmem>>
      %dma_start3A_539 = arith.constant 0 : i32
      %dma_start3A_540 = tpu.memref_slice %arg7[%add3A_520, %dma_start3A_539] : memref<36x96xi32, #tpu.memory_space<vmem>> -> memref<1x96xi32, #tpu.memory_space<vmem>>
      %dma_start3A_541 = tpu.memref_squeeze %dma_start3A_540 : memref<1x96xi32, #tpu.memory_space<vmem>> -> memref<96xi32, #tpu.memory_space<vmem>>
      %dma_start3A_542 = arith.constant 0 : i32
      %dma_start3A_543 = arith.constant 0 : i32
      %dma_start3A_544 = tpu.memref_slice %arg2[%dma_start3A_542, %dma_start3A_543] : memref<10240x128xf32, #tpu.memory_space<hbm>> -> memref<10240x128xf32, #tpu.memory_space<hbm>>
      tpu.enqueue_indirect_dma source(%dma_start3A_544 : memref<10240x128xf32, #tpu.memory_space<hbm>>) target(%dma_start3A_538 : memref<96x128xf32, #tpu.memory_space<vmem>>) offsets(%dma_start3A_541 : memref<96xi32, #tpu.memory_space<vmem>>) semaphore(%arg12 : memref<!tpu.dma_semaphore, #tpu.memory_space<semaphore_mem>>)
      %sub3A_545 = arith.constant 1 : i32
      %sub3A_546 = arith.subi %add3A_520, %sub3A_545 : i32
      %dma_wait3A_547 = arith.constant 0 : i32
      %dma_wait3A_548 = arith.constant 0 : i32
      %dma_wait3A_549 = arith.constant 0 : i32
      %dma_wait3A_550 = tpu.memref_slice %arg9[%dma_wait3A_547, %dma_wait3A_548, %dma_wait3A_549] : memref<3x96x128xf32, #tpu.memory_space<vmem>> -> memref<1x96x128xf32, #tpu.memory_space<vmem>>
      %dma_wait3A_551 = tpu.memref_squeeze %dma_wait3A_550 : memref<1x96x128xf32, #tpu.memory_space<vmem>> -> memref<96x128xf32, #tpu.memory_space<vmem>>
      %dma_wait3A_552 = arith.constant 0 : i32
      %dma_wait3A_553 = tpu.memref_slice %arg7[%sub3A_546, %dma_wait3A_552] : memref<36x96xi32, #tpu.memory_space<vmem>> -> memref<1x96xi32, #tpu.memory_space<vmem>>
      %dma_wait3A_554 = tpu.memref_squeeze %dma_wait3A_553 : memref<1x96xi32, #tpu.memory_space<vmem>> -> memref<96xi32, #tpu.memory_space<vmem>>
      %dma_wait3A_555 = arith.constant 0 : i32
      %dma_wait3A_556 = arith.constant 0 : i32
      %dma_wait3A_557 = tpu.memref_slice %arg2[%dma_wait3A_555, %dma_wait3A_556] : memref<10240x128xf32, #tpu.memory_space<hbm>> -> memref<10240x128xf32, #tpu.memory_space<hbm>>
      tpu.wait_indirect_dma semaphore(%arg11 : memref<!tpu.dma_semaphore, #tpu.memory_space<semaphore_mem>>) src(%dma_wait3A_557 : memref<10240x128xf32, #tpu.memory_space<hbm>>) dst(%dma_wait3A_551 : memref<96x128xf32, #tpu.memory_space<vmem>>)
      %sub3A_558 = arith.constant 1 : i32
      %sub3A_559 = arith.subi %add3A_520, %sub3A_558 : i32
      %dma_start3A_560 = arith.constant 0 : i32
      %dma_start3A_561 = arith.constant 0 : i32
      %dma_start3A_562 = arith.constant 0 : i32
      %dma_start3A_563 = tpu.memref_slice %arg9[%dma_start3A_560, %dma_start3A_561, %dma_start3A_562] : memref<3x96x128xf32, #tpu.memory_space<vmem>> -> memref<1x96x128xf32, #tpu.memory_space<vmem>>
      %dma_start3A_564 = tpu.memref_squeeze %dma_start3A_563 : memref<1x96x128xf32, #tpu.memory_space<vmem>> -> memref<96x128xf32, #tpu.memory_space<vmem>>
      %dma_start3A_565 = arith.constant 0 : i32
      %dma_start3A_566 = tpu.memref_slice %arg8[%sub3A_559, %dma_start3A_565] : memref<36x96xi32, #tpu.memory_space<vmem>> -> memref<1x96xi32, #tpu.memory_space<vmem>>
      %dma_start3A_567 = tpu.memref_squeeze %dma_start3A_566 : memref<1x96xi32, #tpu.memory_space<vmem>> -> memref<96xi32, #tpu.memory_space<vmem>>
      %dma_start3A_568 = arith.constant 0 : i32
      %dma_start3A_569 = arith.constant 0 : i32
      %dma_start3A_570 = tpu.memref_slice %arg10[%dma_start3A_568, %dma_start3A_569] : memref<10240x128xf32, #tpu.memory_space<vmem_shared>> -> memref<10240x128xf32, #tpu.memory_space<vmem_shared>>
      tpu.enqueue_indirect_dma source(%dma_start3A_564 : memref<96x128xf32, #tpu.memory_space<vmem>>) target(%dma_start3A_570 : memref<10240x128xf32, #tpu.memory_space<vmem_shared>>) offsets(%dma_start3A_567 : memref<96xi32, #tpu.memory_space<vmem>>) semaphore(%arg14 : memref<!tpu.dma_semaphore, #tpu.memory_space<semaphore_mem>>) {add = true}
      %add3A_571 = arith.constant 2 : i32
      %add3A_572 = arith.addi %add3A_467, %add3A_571 : i32
      %sub3A_573 = arith.constant 3 : i32
      %sub3A_574 = arith.subi %add3A_572, %sub3A_573 : i32
      %dma_wait3A_575 = arith.constant 2 : i32
      %dma_wait3A_576 = arith.constant 0 : i32
      %dma_wait3A_577 = arith.constant 0 : i32
      %dma_wait3A_578 = tpu.memref_slice %arg9[%dma_wait3A_575, %dma_wait3A_576, %dma_wait3A_577] : memref<3x96x128xf32, #tpu.memory_space<vmem>> -> memref<1x96x128xf32, #tpu.memory_space<vmem>>
      %dma_wait3A_579 = tpu.memref_squeeze %dma_wait3A_578 : memref<1x96x128xf32, #tpu.memory_space<vmem>> -> memref<96x128xf32, #tpu.memory_space<vmem>>
      %dma_wait3A_580 = arith.constant 0 : i32
      %dma_wait3A_581 = tpu.memref_slice %arg8[%sub3A_574, %dma_wait3A_580] : memref<36x96xi32, #tpu.memory_space<vmem>> -> memref<1x96xi32, #tpu.memory_space<vmem>>
      %dma_wait3A_582 = tpu.memref_squeeze %dma_wait3A_581 : memref<1x96xi32, #tpu.memory_space<vmem>> -> memref<96xi32, #tpu.memory_space<vmem>>
      %dma_wait3A_583 = arith.constant 0 : i32
      %dma_wait3A_584 = arith.constant 0 : i32
      %dma_wait3A_585 = tpu.memref_slice %arg10[%dma_wait3A_583, %dma_wait3A_584] : memref<10240x128xf32, #tpu.memory_space<vmem_shared>> -> memref<10240x128xf32, #tpu.memory_space<vmem_shared>>
      tpu.wait_indirect_dma semaphore(%arg16 : memref<!tpu.dma_semaphore, #tpu.memory_space<semaphore_mem>>) src(%dma_wait3A_579 : memref<96x128xf32, #tpu.memory_space<vmem>>) dst(%dma_wait3A_585 : memref<10240x128xf32, #tpu.memory_space<vmem_shared>>)
      %dma_start3A_586 = arith.constant 2 : i32
      %dma_start3A_587 = arith.constant 0 : i32
      %dma_start3A_588 = arith.constant 0 : i32
      %dma_start3A_589 = tpu.memref_slice %arg9[%dma_start3A_586, %dma_start3A_587, %dma_start3A_588] : memref<3x96x128xf32, #tpu.memory_space<vmem>> -> memref<1x96x128xf32, #tpu.memory_space<vmem>>
      %dma_start3A_590 = tpu.memref_squeeze %dma_start3A_589 : memref<1x96x128xf32, #tpu.memory_space<vmem>> -> memref<96x128xf32, #tpu.memory_space<vmem>>
      %dma_start3A_591 = arith.constant 0 : i32
      %dma_start3A_592 = tpu.memref_slice %arg7[%add3A_572, %dma_start3A_591] : memref<36x96xi32, #tpu.memory_space<vmem>> -> memref<1x96xi32, #tpu.memory_space<vmem>>
      %dma_start3A_593 = tpu.memref_squeeze %dma_start3A_592 : memref<1x96xi32, #tpu.memory_space<vmem>> -> memref<96xi32, #tpu.memory_space<vmem>>
      %dma_start3A_594 = arith.constant 0 : i32
      %dma_start3A_595 = arith.constant 0 : i32
      %dma_start3A_596 = tpu.memref_slice %arg2[%dma_start3A_594, %dma_start3A_595] : memref<10240x128xf32, #tpu.memory_space<hbm>> -> memref<10240x128xf32, #tpu.memory_space<hbm>>
      tpu.enqueue_indirect_dma source(%dma_start3A_596 : memref<10240x128xf32, #tpu.memory_space<hbm>>) target(%dma_start3A_590 : memref<96x128xf32, #tpu.memory_space<vmem>>) offsets(%dma_start3A_593 : memref<96xi32, #tpu.memory_space<vmem>>) semaphore(%arg13 : memref<!tpu.dma_semaphore, #tpu.memory_space<semaphore_mem>>)
      %sub3A_597 = arith.constant 1 : i32
      %sub3A_598 = arith.subi %add3A_572, %sub3A_597 : i32
      %dma_wait3A_599 = arith.constant 1 : i32
      %dma_wait3A_600 = arith.constant 0 : i32
      %dma_wait3A_601 = arith.constant 0 : i32
      %dma_wait3A_602 = tpu.memref_slice %arg9[%dma_wait3A_599, %dma_wait3A_600, %dma_wait3A_601] : memref<3x96x128xf32, #tpu.memory_space<vmem>> -> memref<1x96x128xf32, #tpu.memory_space<vmem>>
      %dma_wait3A_603 = tpu.memref_squeeze %dma_wait3A_602 : memref<1x96x128xf32, #tpu.memory_space<vmem>> -> memref<96x128xf32, #tpu.memory_space<vmem>>
      %dma_wait3A_604 = arith.constant 0 : i32
      %dma_wait3A_605 = tpu.memref_slice %arg7[%sub3A_598, %dma_wait3A_604] : memref<36x96xi32, #tpu.memory_space<vmem>> -> memref<1x96xi32, #tpu.memory_space<vmem>>
      %dma_wait3A_606 = tpu.memref_squeeze %dma_wait3A_605 : memref<1x96xi32, #tpu.memory_space<vmem>> -> memref<96xi32, #tpu.memory_space<vmem>>
      %dma_wait3A_607 = arith.constant 0 : i32
      %dma_wait3A_608 = arith.constant 0 : i32
      %dma_wait3A_609 = tpu.memref_slice %arg2[%dma_wait3A_607, %dma_wait3A_608] : memref<10240x128xf32, #tpu.memory_space<hbm>> -> memref<10240x128xf32, #tpu.memory_space<hbm>>
      tpu.wait_indirect_dma semaphore(%arg12 : memref<!tpu.dma_semaphore, #tpu.memory_space<semaphore_mem>>) src(%dma_wait3A_609 : memref<10240x128xf32, #tpu.memory_space<hbm>>) dst(%dma_wait3A_603 : memref<96x128xf32, #tpu.memory_space<vmem>>)
      %sub3A_610 = arith.constant 1 : i32
      %sub3A_611 = arith.subi %add3A_572, %sub3A_610 : i32
      %dma_start3A_612 = arith.constant 1 : i32
      %dma_start3A_613 = arith.constant 0 : i32
      %dma_start3A_614 = arith.constant 0 : i32
      %dma_start3A_615 = tpu.memref_slice %arg9[%dma_start3A_612, %dma_start3A_613, %dma_start3A_614] : memref<3x96x128xf32, #tpu.memory_space<vmem>> -> memref<1x96x128xf32, #tpu.memory_space<vmem>>
      %dma_start3A_616 = tpu.memref_squeeze %dma_start3A_615 : memref<1x96x128xf32, #tpu.memory_space<vmem>> -> memref<96x128xf32, #tpu.memory_space<vmem>>
      %dma_start3A_617 = arith.constant 0 : i32
      %dma_start3A_618 = tpu.memref_slice %arg8[%sub3A_611, %dma_start3A_617] : memref<36x96xi32, #tpu.memory_space<vmem>> -> memref<1x96xi32, #tpu.memory_space<vmem>>
      %dma_start3A_619 = tpu.memref_squeeze %dma_start3A_618 : memref<1x96xi32, #tpu.memory_space<vmem>> -> memref<96xi32, #tpu.memory_space<vmem>>
      %dma_start3A_620 = arith.constant 0 : i32
      %dma_start3A_621 = arith.constant 0 : i32
      %dma_start3A_622 = tpu.memref_slice %arg10[%dma_start3A_620, %dma_start3A_621] : memref<10240x128xf32, #tpu.memory_space<vmem_shared>> -> memref<10240x128xf32, #tpu.memory_space<vmem_shared>>
      tpu.enqueue_indirect_dma source(%dma_start3A_616 : memref<96x128xf32, #tpu.memory_space<vmem>>) target(%dma_start3A_622 : memref<10240x128xf32, #tpu.memory_space<vmem_shared>>) offsets(%dma_start3A_619 : memref<96xi32, #tpu.memory_space<vmem>>) semaphore(%arg15 : memref<!tpu.dma_semaphore, #tpu.memory_space<semaphore_mem>>) {add = true}
    }
    %scan3A_394 = arith.constant 11 : i32
    %dma_wait3A_395 = arith.constant 35 : i32
    %dma_wait3A_396 = arith.constant 2 : i32
    %dma_wait3A_397 = arith.constant 0 : i32
    %dma_wait3A_398 = arith.constant 0 : i32
    %dma_wait3A_399 = tpu.memref_slice %arg9[%dma_wait3A_396, %dma_wait3A_397, %dma_wait3A_398] : memref<3x96x128xf32, #tpu.memory_space<vmem>> -> memref<1x96x128xf32, #tpu.memory_space<vmem>>
    %dma_wait3A_400 = tpu.memref_squeeze %dma_wait3A_399 : memref<1x96x128xf32, #tpu.memory_space<vmem>> -> memref<96x128xf32, #tpu.memory_space<vmem>>
    %dma_wait3A_401 = arith.constant 0 : i32
    %dma_wait3A_402 = tpu.memref_slice %arg7[%dma_wait3A_395, %dma_wait3A_401] : memref<36x96xi32, #tpu.memory_space<vmem>> -> memref<1x96xi32, #tpu.memory_space<vmem>>
    %dma_wait3A_403 = tpu.memref_squeeze %dma_wait3A_402 : memref<1x96xi32, #tpu.memory_space<vmem>> -> memref<96xi32, #tpu.memory_space<vmem>>
    %dma_wait3A_404 = arith.constant 0 : i32
    %dma_wait3A_405 = arith.constant 0 : i32
    %dma_wait3A_406 = tpu.memref_slice %arg2[%dma_wait3A_404, %dma_wait3A_405] : memref<10240x128xf32, #tpu.memory_space<hbm>> -> memref<10240x128xf32, #tpu.memory_space<hbm>>
    tpu.wait_indirect_dma semaphore(%arg13 : memref<!tpu.dma_semaphore, #tpu.memory_space<semaphore_mem>>) src(%dma_wait3A_406 : memref<10240x128xf32, #tpu.memory_space<hbm>>) dst(%dma_wait3A_400 : memref<96x128xf32, #tpu.memory_space<vmem>>)
    %dma_start3A_407 = arith.constant 2 : i32
    %dma_start3A_408 = arith.constant 35 : i32
    %dma_start3A_409 = arith.constant 0 : i32
    %dma_start3A_410 = arith.constant 0 : i32
    %dma_start3A_411 = tpu.memref_slice %arg9[%dma_start3A_407, %dma_start3A_409, %dma_start3A_410] : memref<3x96x128xf32, #tpu.memory_space<vmem>> -> memref<1x96x128xf32, #tpu.memory_space<vmem>>
    %dma_start3A_412 = tpu.memref_squeeze %dma_start3A_411 : memref<1x96x128xf32, #tpu.memory_space<vmem>> -> memref<96x128xf32, #tpu.memory_space<vmem>>
    %dma_start3A_413 = arith.constant 0 : i32
    %dma_start3A_414 = tpu.memref_slice %arg8[%dma_start3A_408, %dma_start3A_413] : memref<36x96xi32, #tpu.memory_space<vmem>> -> memref<1x96xi32, #tpu.memory_space<vmem>>
    %dma_start3A_415 = tpu.memref_squeeze %dma_start3A_414 : memref<1x96xi32, #tpu.memory_space<vmem>> -> memref<96xi32, #tpu.memory_space<vmem>>
    %dma_start3A_416 = arith.constant 0 : i32
    %dma_start3A_417 = arith.constant 0 : i32
    %dma_start3A_418 = tpu.memref_slice %arg10[%dma_start3A_416, %dma_start3A_417] : memref<10240x128xf32, #tpu.memory_space<vmem_shared>> -> memref<10240x128xf32, #tpu.memory_space<vmem_shared>>
    tpu.enqueue_indirect_dma source(%dma_start3A_412 : memref<96x128xf32, #tpu.memory_space<vmem>>) target(%dma_start3A_418 : memref<10240x128xf32, #tpu.memory_space<vmem_shared>>) offsets(%dma_start3A_415 : memref<96xi32, #tpu.memory_space<vmem>>) semaphore(%arg16 : memref<!tpu.dma_semaphore, #tpu.memory_space<semaphore_mem>>) {add = true}
    %dma_wait3A_419 = arith.constant 0 : i32
    %dma_wait3A_420 = arith.constant 33 : i32
    %dma_wait3A_421 = arith.constant 0 : i32
    %dma_wait3A_422 = arith.constant 0 : i32
    %dma_wait3A_423 = tpu.memref_slice %arg9[%dma_wait3A_419, %dma_wait3A_421, %dma_wait3A_422] : memref<3x96x128xf32, #tpu.memory_space<vmem>> -> memref<1x96x128xf32, #tpu.memory_space<vmem>>
    %dma_wait3A_424 = tpu.memref_squeeze %dma_wait3A_423 : memref<1x96x128xf32, #tpu.memory_space<vmem>> -> memref<96x128xf32, #tpu.memory_space<vmem>>
    %dma_wait3A_425 = arith.constant 0 : i32
    %dma_wait3A_426 = tpu.memref_slice %arg8[%dma_wait3A_420, %dma_wait3A_425] : memref<36x96xi32, #tpu.memory_space<vmem>> -> memref<1x96xi32, #tpu.memory_space<vmem>>
    %dma_wait3A_427 = tpu.memref_squeeze %dma_wait3A_426 : memref<1x96xi32, #tpu.memory_space<vmem>> -> memref<96xi32, #tpu.memory_space<vmem>>
    %dma_wait3A_428 = arith.constant 0 : i32
    %dma_wait3A_429 = arith.constant 0 : i32
    %dma_wait3A_430 = tpu.memref_slice %arg10[%dma_wait3A_428, %dma_wait3A_429] : memref<10240x128xf32, #tpu.memory_space<vmem_shared>> -> memref<10240x128xf32, #tpu.memory_space<vmem_shared>>
    tpu.wait_indirect_dma semaphore(%arg14 : memref<!tpu.dma_semaphore, #tpu.memory_space<semaphore_mem>>) src(%dma_wait3A_424 : memref<96x128xf32, #tpu.memory_space<vmem>>) dst(%dma_wait3A_430 : memref<10240x128xf32, #tpu.memory_space<vmem_shared>>)
    %dma_wait3A_431 = arith.constant 1 : i32
    %dma_wait3A_432 = arith.constant 34 : i32
    %dma_wait3A_433 = arith.constant 0 : i32
    %dma_wait3A_434 = arith.constant 0 : i32
    %dma_wait3A_435 = tpu.memref_slice %arg9[%dma_wait3A_431, %dma_wait3A_433, %dma_wait3A_434] : memref<3x96x128xf32, #tpu.memory_space<vmem>> -> memref<1x96x128xf32, #tpu.memory_space<vmem>>
    %dma_wait3A_436 = tpu.memref_squeeze %dma_wait3A_435 : memref<1x96x128xf32, #tpu.memory_space<vmem>> -> memref<96x128xf32, #tpu.memory_space<vmem>>
    %dma_wait3A_437 = arith.constant 0 : i32
    %dma_wait3A_438 = tpu.memref_slice %arg8[%dma_wait3A_432, %dma_wait3A_437] : memref<36x96xi32, #tpu.memory_space<vmem>> -> memref<1x96xi32, #tpu.memory_space<vmem>>
    %dma_wait3A_439 = tpu.memref_squeeze %dma_wait3A_438 : memref<1x96xi32, #tpu.memory_space<vmem>> -> memref<96xi32, #tpu.memory_space<vmem>>
    %dma_wait3A_440 = arith.constant 0 : i32
    %dma_wait3A_441 = arith.constant 0 : i32
    %dma_wait3A_442 = tpu.memref_slice %arg10[%dma_wait3A_440, %dma_wait3A_441] : memref<10240x128xf32, #tpu.memory_space<vmem_shared>> -> memref<10240x128xf32, #tpu.memory_space<vmem_shared>>
    tpu.wait_indirect_dma semaphore(%arg15 : memref<!tpu.dma_semaphore, #tpu.memory_space<semaphore_mem>>) src(%dma_wait3A_436 : memref<96x128xf32, #tpu.memory_space<vmem>>) dst(%dma_wait3A_442 : memref<10240x128xf32, #tpu.memory_space<vmem_shared>>)
    %dma_wait3A_443 = arith.constant 2 : i32
    %dma_wait3A_444 = arith.constant 35 : i32
    %dma_wait3A_445 = arith.constant 0 : i32
    %dma_wait3A_446 = arith.constant 0 : i32
    %dma_wait3A_447 = tpu.memref_slice %arg9[%dma_wait3A_443, %dma_wait3A_445, %dma_wait3A_446] : memref<3x96x128xf32, #tpu.memory_space<vmem>> -> memref<1x96x128xf32, #tpu.memory_space<vmem>>
    %dma_wait3A_448 = tpu.memref_squeeze %dma_wait3A_447 : memref<1x96x128xf32, #tpu.memory_space<vmem>> -> memref<96x128xf32, #tpu.memory_space<vmem>>
    %dma_wait3A_449 = arith.constant 0 : i32
    %dma_wait3A_450 = tpu.memref_slice %arg8[%dma_wait3A_444, %dma_wait3A_449] : memref<36x96xi32, #tpu.memory_space<vmem>> -> memref<1x96xi32, #tpu.memory_space<vmem>>
    %dma_wait3A_451 = tpu.memref_squeeze %dma_wait3A_450 : memref<1x96xi32, #tpu.memory_space<vmem>> -> memref<96xi32, #tpu.memory_space<vmem>>
    %dma_wait3A_452 = arith.constant 0 : i32
    %dma_wait3A_453 = arith.constant 0 : i32
    %dma_wait3A_454 = tpu.memref_slice %arg10[%dma_wait3A_452, %dma_wait3A_453] : memref<10240x128xf32, #tpu.memory_space<vmem_shared>> -> memref<10240x128xf32, #tpu.memory_space<vmem_shared>>
    tpu.wait_indirect_dma semaphore(%arg16 : memref<!tpu.dma_semaphore, #tpu.memory_space<semaphore_mem>>) src(%dma_wait3A_448 : memref<96x128xf32, #tpu.memory_space<vmem>>) dst(%dma_wait3A_454 : memref<10240x128xf32, #tpu.memory_space<vmem_shared>>)
    %barrier3A_455 = arith.constant 0 : index
    tpu.barrier barrier_id(%barrier3A_455)
    %eq3A = arith.constant 0 : i32
    %eq3A_456 = arith.cmpi eq, %arg0, %eq3A : i32
    %convert_element_type3A = arith.extui %eq3A_456 : i1 to i32
    %cond3A = arith.constant 0 : i32
    %cond3A_457 = arith.cmpi ne, %convert_element_type3A, %cond3A : i32
    scf.if %cond3A_457 {
      "tpu.region"() ({
        %run_scoped3A_463 = tpu.sem_alloc : memref<!tpu.dma_semaphore, #tpu.memory_space<semaphore_mem>>
        %dma_start3A_464 = arith.constant 0 : i32
        %dma_start3A_465 = tpu.memref_slice %arg5[%multiple_of3A, %dma_start3A_464] : memref<10240x128xf32, #tpu.memory_space<hbm>> -> memref<640x128xf32, #tpu.memory_space<hbm>>
        %dma_start3A_466 = arith.constant 0 : i32
        %dma_start3A_467 = tpu.memref_slice %arg10[%multiple_of3A, %dma_start3A_466] : memref<10240x128xf32, #tpu.memory_space<vmem_shared>> -> memref<640x128xf32, #tpu.memory_space<vmem_shared>>
        tpu.enqueue_dma source(%dma_start3A_467 : memref<640x128xf32, #tpu.memory_space<vmem_shared>>) target(%dma_start3A_465 : memref<640x128xf32, #tpu.memory_space<hbm>>) target_semaphore(%run_scoped3A_463 : memref<!tpu.dma_semaphore, #tpu.memory_space<semaphore_mem>>)
        %dma_wait3A_468 = arith.constant 0 : i32
        %dma_wait3A_469 = tpu.memref_slice %arg5[%multiple_of3A, %dma_wait3A_468] : memref<10240x128xf32, #tpu.memory_space<hbm>> -> memref<640x128xf32, #tpu.memory_space<hbm>>
        %dma_wait3A_470 = arith.constant 0 : i32
        %dma_wait3A_471 = tpu.memref_slice %arg10[%multiple_of3A, %dma_wait3A_470] : memref<10240x128xf32, #tpu.memory_space<vmem_shared>> -> memref<640x128xf32, #tpu.memory_space<vmem_shared>>
        tpu.wait_dma2 semaphore(%run_scoped3A_463 : memref<!tpu.dma_semaphore, #tpu.memory_space<semaphore_mem>>) src(%dma_wait3A_471 : memref<640x128xf32, #tpu.memory_space<vmem_shared>>) dst(%dma_wait3A_469 : memref<640x128xf32, #tpu.memory_space<hbm>>)
        tpu.yield
      }) : () -> ()
    } else {
    }
    %eq3A_458 = arith.constant 1 : i32
    %eq3A_459 = arith.cmpi eq, %arg0, %eq3A_458 : i32
    %convert_element_type3A_460 = arith.extui %eq3A_459 : i1 to i32
    %cond3A_461 = arith.constant 0 : i32
    %cond3A_462 = arith.cmpi ne, %convert_element_type3A_460, %cond3A_461 : i32
    scf.if %cond3A_462 {
      "tpu.region"() ({
        %run_scoped3A_463 = tpu.sem_alloc : memref<!tpu.dma_semaphore, #tpu.memory_space<semaphore_mem>>
        %dma_start3A_464 = arith.constant 0 : i32
        %dma_start3A_465 = tpu.memref_slice %arg6[%multiple_of3A, %dma_start3A_464] : memref<10240x128xf32, #tpu.memory_space<hbm>> -> memref<640x128xf32, #tpu.memory_space<hbm>>
        %dma_start3A_466 = arith.constant 0 : i32
        %dma_start3A_467 = tpu.memref_slice %arg10[%multiple_of3A, %dma_start3A_466] : memref<10240x128xf32, #tpu.memory_space<vmem_shared>> -> memref<640x128xf32, #tpu.memory_space<vmem_shared>>
        tpu.enqueue_dma source(%dma_start3A_467 : memref<640x128xf32, #tpu.memory_space<vmem_shared>>) target(%dma_start3A_465 : memref<640x128xf32, #tpu.memory_space<hbm>>) target_semaphore(%run_scoped3A_463 : memref<!tpu.dma_semaphore, #tpu.memory_space<semaphore_mem>>)
        %dma_wait3A_468 = arith.constant 0 : i32
        %dma_wait3A_469 = tpu.memref_slice %arg6[%multiple_of3A, %dma_wait3A_468] : memref<10240x128xf32, #tpu.memory_space<hbm>> -> memref<640x128xf32, #tpu.memory_space<hbm>>
        %dma_wait3A_470 = arith.constant 0 : i32
        %dma_wait3A_471 = tpu.memref_slice %arg10[%multiple_of3A, %dma_wait3A_470] : memref<10240x128xf32, #tpu.memory_space<vmem_shared>> -> memref<640x128xf32, #tpu.memory_space<vmem_shared>>
        tpu.wait_dma2 semaphore(%run_scoped3A_463 : memref<!tpu.dma_semaphore, #tpu.memory_space<semaphore_mem>>) src(%dma_wait3A_471 : memref<640x128xf32, #tpu.memory_space<vmem_shared>>) dst(%dma_wait3A_469 : memref<640x128xf32, #tpu.memory_space<hbm>>)
        tpu.yield
      }) : () -> ()
    } else {
    }
    return
  }
}

module attributes {stable_mosaic.version = 14 : i64} {
  func.func @_tc1_body(%arg0: i32, %arg1: memref<1024x128xf32, #tpu.memory_space<vmem>>, %arg2: memref<128x128xf32, #tpu.memory_space<vmem>>, %arg3: memref<1024x1xf32, #tpu.memory_space<vmem>>, %arg4: memref<1024x1xf32, #tpu.memory_space<vmem>>, %arg5: memref<1024x128xf32, #tpu.memory_space<vmem>>) attributes {dimension_semantics = [#tpu.dimension_semantics<arbitrary>], iteration_bounds = array<i64: 10>, scalar_prefetch = 0 : i64, scratch_operands = 0 : i64, tpu.core_type = #tpu.core_type<tc>, window_params = [{transform_indices = @transform_0, window_bounds = array<i64: 1024, 128>}, {pipeline_mode = #tpu.pipeline_mode<synchronous>, transform_indices = @transform_1, window_bounds = array<i64: 128, 128>}, {transform_indices = @transform_2, window_bounds = array<i64: 1024, 1>}, {transform_indices = @transform_3, window_bounds = array<i64: 1024, 1>}, {transform_indices = @transform_4, window_bounds = array<i64: 1024, 128>}]} {
    %get3A = arith.constant 0 : index
    %get3A_0 = arith.constant 0 : index
    %get3A_1 = vector.load %arg1[%get3A, %get3A_0] : memref<1024x128xf32, #tpu.memory_space<vmem>>, vector<1024x128xf32>
    %get3A_2 = arith.constant 0 : index
    %get3A_3 = arith.constant 0 : index
    %get3A_4 = vector.load %arg2[%get3A_2, %get3A_3] : memref<128x128xf32, #tpu.memory_space<vmem>>, vector<128x128xf32>
    %dot_general3A = arith.constant dense<0.000000e+00> : vector<1024x128xf32>
    %dot_general3A_5 = tpu.matmul %get3A_1, %get3A_4, %dot_general3A {dimension_numbers = #tpu.dot_dimension_numbers<[1], [0], [0], [1], [0, 0, 1, 1], [], []>, transpose_lhs_hint = false} : vector<1024x128xf32>, vector<128x128xf32>, vector<1024x128xf32> -> vector<1024x128xf32>
    %get3A_6 = arith.constant 0 : index
    %get3A_7 = arith.constant 0 : index
    %get3A_8 = vector.load %arg3[%get3A_6, %get3A_7] : memref<1024x1xf32, #tpu.memory_space<vmem>>, vector<1024x1xf32>
    %get3A_9 = arith.constant 0 : index
    %get3A_10 = arith.constant 0 : index
    %get3A_11 = vector.load %arg4[%get3A_9, %get3A_10] : memref<1024x1xf32, #tpu.memory_space<vmem>>, vector<1024x1xf32>
    %add3A = arith.addf %get3A_8, %get3A_11 : vector<1024x1xf32>
    %add3A_12 = arith.constant 1.000000e+00 : f32
    %add3A_13 = vector.broadcast %add3A_12 : f32 to vector<1024x1xf32>
    %add3A_14 = arith.addf %add3A, %add3A_13 : vector<1024x1xf32>
    %rsqrt3A = math.rsqrt %add3A_14 : vector<1024x1xf32>
    %mul3A = vector.broadcast %rsqrt3A : vector<1024x1xf32> to vector<1024x128xf32>
    %mul3A_15 = arith.mulf %dot_general3A_5, %mul3A : vector<1024x128xf32>
    %swap3A = arith.constant 0 : index
    %swap3A_16 = arith.constant 0 : index
    %swap3A_17 = vector.load %arg5[%swap3A, %swap3A_16] : memref<1024x128xf32, #tpu.memory_space<vmem>>, vector<1024x128xf32>
    tpu.vector_store %arg5[%swap3A, %swap3A_16], %mul3A_15 {strides = array<i32>} : memref<1024x128xf32, #tpu.memory_space<vmem>>, vector<1024x128xf32>,
    return
  }
  func.func @transform_0(%arg0: i32) -> (i32, i32) {
    %c0_i32 = arith.constant 0 : i32
    %c0_i32_0 = arith.constant 0 : i32
    return %arg0, %c0_i32 : i32, i32
  }
  func.func @transform_1(%arg0: i32) -> (i32, i32) {
    %c0_i32 = arith.constant 0 : i32
    %c0_i32_0 = arith.constant 0 : i32
    %c0_i32_1 = arith.constant 0 : i32
    return %c0_i32, %c0_i32_0 : i32, i32
  }
  func.func @transform_2(%arg0: i32) -> (i32, i32) {
    %c0_i32 = arith.constant 0 : i32
    %c0_i32_0 = arith.constant 0 : i32
    return %arg0, %c0_i32 : i32, i32
  }
  func.func @transform_3(%arg0: i32) -> (i32, i32) {
    %c0_i32 = arith.constant 0 : i32
    %c0_i32_0 = arith.constant 0 : i32
    return %arg0, %c0_i32 : i32, i32
  }
  func.func @transform_4(%arg0: i32) -> (i32, i32) {
    %c0_i32 = arith.constant 0 : i32
    %c0_i32_0 = arith.constant 0 : i32
    return %arg0, %c0_i32 : i32, i32
  }
}

module attributes {stable_mosaic.version = 14 : i64} {
  func.func @_tc2_body(%arg0: i32, %arg1: memref<1024x128xf32, #tpu.memory_space<vmem>>, %arg2: memref<1024x128xf32, #tpu.memory_space<vmem>>, %arg3: memref<1024x128xf32, #tpu.memory_space<vmem>>, %arg4: memref<1024x1xf32, #tpu.memory_space<vmem>>, %arg5: memref<1024x1xf32, #tpu.memory_space<vmem>>, %arg6: memref<1x128xf32, #tpu.memory_space<vmem>>, %arg7: memref<128x128xf32, #tpu.memory_space<vmem>>, %arg8: memref<1024x128xf32, #tpu.memory_space<vmem>>) attributes {dimension_semantics = [#tpu.dimension_semantics<arbitrary>], iteration_bounds = array<i64: 10>, scalar_prefetch = 0 : i64, scratch_operands = 0 : i64, tpu.core_type = #tpu.core_type<tc>, window_params = [{transform_indices = @transform_0, window_bounds = array<i64: 1024, 128>}, {transform_indices = @transform_1, window_bounds = array<i64: 1024, 128>}, {transform_indices = @transform_2, window_bounds = array<i64: 1024, 128>}, {transform_indices = @transform_3, window_bounds = array<i64: 1024, 1>}, {transform_indices = @transform_4, window_bounds = array<i64: 1024, 1>}, {pipeline_mode = #tpu.pipeline_mode<synchronous>, transform_indices = @transform_5, window_bounds = array<i64: 1, 128>}, {pipeline_mode = #tpu.pipeline_mode<synchronous>, transform_indices = @transform_6, window_bounds = array<i64: 128, 128>}, {transform_indices = @transform_7, window_bounds = array<i64: 1024, 128>}]} {
    %get3A = arith.constant 0 : index
    %get3A_0 = arith.constant 0 : index
    %get3A_1 = vector.load %arg4[%get3A, %get3A_0] : memref<1024x1xf32, #tpu.memory_space<vmem>>, vector<1024x1xf32>
    %get3A_2 = arith.constant 0 : index
    %get3A_3 = arith.constant 0 : index
    %get3A_4 = vector.load %arg5[%get3A_2, %get3A_3] : memref<1024x1xf32, #tpu.memory_space<vmem>>, vector<1024x1xf32>
    %add3A = arith.addf %get3A_1, %get3A_4 : vector<1024x1xf32>
    %add3A_5 = arith.constant 1.000000e+00 : f32
    %add3A_6 = vector.broadcast %add3A_5 : f32 to vector<1024x1xf32>
    %add3A_7 = arith.addf %add3A, %add3A_6 : vector<1024x1xf32>
    %rsqrt3A = math.rsqrt %add3A_7 : vector<1024x1xf32>
    %get3A_8 = arith.constant 0 : index
    %get3A_9 = arith.constant 0 : index
    %get3A_10 = vector.load %arg1[%get3A_8, %get3A_9] : memref<1024x128xf32, #tpu.memory_space<vmem>>, vector<1024x128xf32>
    %get3A_11 = arith.constant 0 : index
    %get3A_12 = arith.constant 0 : index
    %get3A_13 = vector.load %arg2[%get3A_11, %get3A_12] : memref<1024x128xf32, #tpu.memory_space<vmem>>, vector<1024x128xf32>
    %add3A_14 = arith.addf %get3A_10, %get3A_13 : vector<1024x128xf32>
    %get3A_15 = arith.constant 0 : index
    %get3A_16 = arith.constant 0 : index
    %get3A_17 = vector.load %arg3[%get3A_15, %get3A_16] : memref<1024x128xf32, #tpu.memory_space<vmem>>, vector<1024x128xf32>
    %sub3A = arith.subf %add3A_14, %get3A_17 : vector<1024x128xf32>
    %mul3A = vector.broadcast %rsqrt3A : vector<1024x1xf32> to vector<1024x128xf32>
    %mul3A_18 = arith.mulf %mul3A, %sub3A : vector<1024x128xf32>
    %get3A_19 = arith.constant 0 : index
    %get3A_20 = arith.constant 0 : index
    %get3A_21 = vector.load %arg6[%get3A_19, %get3A_20] : memref<1x128xf32, #tpu.memory_space<vmem>>, vector<1x128xf32>
    %add3A_22 = vector.broadcast %get3A_21 : vector<1x128xf32> to vector<1024x128xf32>
    %add3A_23 = arith.addf %mul3A_18, %add3A_22 : vector<1024x128xf32>
    %max3A = arith.constant 0.000000e+00 : f32
    %max3A_24 = vector.broadcast %max3A : f32 to vector<1024x128xf32>
    %max3A_25 = arith.maximumf %add3A_23, %max3A_24 : vector<1024x128xf32>
    %get3A_26 = arith.constant 0 : index
    %get3A_27 = arith.constant 0 : index
    %get3A_28 = vector.load %arg7[%get3A_26, %get3A_27] : memref<128x128xf32, #tpu.memory_space<vmem>>, vector<128x128xf32>
    %dot_general3A = arith.constant dense<0.000000e+00> : vector<1024x128xf32>
    %dot_general3A_29 = tpu.matmul %max3A_25, %get3A_28, %dot_general3A {dimension_numbers = #tpu.dot_dimension_numbers<[1], [0], [0], [1], [0, 0, 1, 1], [], []>, transpose_lhs_hint = false} : vector<1024x128xf32>, vector<128x128xf32>, vector<1024x128xf32> -> vector<1024x128xf32>
    %mul3A_30 = vector.broadcast %rsqrt3A : vector<1024x1xf32> to vector<1024x128xf32>
    %mul3A_31 = arith.mulf %dot_general3A_29, %mul3A_30 : vector<1024x128xf32>
    %swap3A = arith.constant 0 : index
    %swap3A_32 = arith.constant 0 : index
    %swap3A_33 = vector.load %arg8[%swap3A, %swap3A_32] : memref<1024x128xf32, #tpu.memory_space<vmem>>, vector<1024x128xf32>
    tpu.vector_store %arg8[%swap3A, %swap3A_32], %mul3A_31 {strides = array<i32>} : memref<1024x128xf32, #tpu.memory_space<vmem>>, vector<1024x128xf32>,
    return
  }
  func.func @transform_0(%arg0: i32) -> (i32, i32) {
    %c0_i32 = arith.constant 0 : i32
    %c0_i32_0 = arith.constant 0 : i32
    return %arg0, %c0_i32 : i32, i32
  }
  func.func @transform_1(%arg0: i32) -> (i32, i32) {
    %c0_i32 = arith.constant 0 : i32
    %c0_i32_0 = arith.constant 0 : i32
    return %arg0, %c0_i32 : i32, i32
  }
  func.func @transform_2(%arg0: i32) -> (i32, i32) {
    %c0_i32 = arith.constant 0 : i32
    %c0_i32_0 = arith.constant 0 : i32
    return %arg0, %c0_i32 : i32, i32
  }
  func.func @transform_3(%arg0: i32) -> (i32, i32) {
    %c0_i32 = arith.constant 0 : i32
    %c0_i32_0 = arith.constant 0 : i32
    return %arg0, %c0_i32 : i32, i32
  }
  func.func @transform_4(%arg0: i32) -> (i32, i32) {
    %c0_i32 = arith.constant 0 : i32
    %c0_i32_0 = arith.constant 0 : i32
    return %arg0, %c0_i32 : i32, i32
  }
  func.func @transform_5(%arg0: i32) -> (i32, i32) {
    %c0_i32 = arith.constant 0 : i32
    %c0_i32_0 = arith.constant 0 : i32
    %c0_i32_1 = arith.constant 0 : i32
    return %c0_i32, %c0_i32_0 : i32, i32
  }
  func.func @transform_6(%arg0: i32) -> (i32, i32) {
    %c0_i32 = arith.constant 0 : i32
    %c0_i32_0 = arith.constant 0 : i32
    %c0_i32_1 = arith.constant 0 : i32
    return %c0_i32, %c0_i32_0 : i32, i32
  }
  func.func @transform_7(%arg0: i32) -> (i32, i32) {
    %c0_i32 = arith.constant 0 : i32
    %c0_i32_0 = arith.constant 0 : i32
    return %arg0, %c0_i32 : i32, i32
  }
}

module attributes {stable_mosaic.version = 14 : i64} {
  func.func @_tc3_body(%arg0: i32, %arg1: memref<1024x128xf32, #tpu.memory_space<vmem>>, %arg2: memref<1024x128xf32, #tpu.memory_space<vmem>>, %arg3: memref<1024x128xf32, #tpu.memory_space<vmem>>, %arg4: memref<1024x1xf32, #tpu.memory_space<vmem>>, %arg5: memref<1024x1xf32, #tpu.memory_space<vmem>>, %arg6: memref<1x128xf32, #tpu.memory_space<vmem>>, %arg7: memref<128x128xf32, #tpu.memory_space<vmem>>, %arg8: memref<1x128xf32, #tpu.memory_space<vmem>>, %arg9: memref<128x128xf32, #tpu.memory_space<vmem>>, %arg10: memref<1x128xf32, #tpu.memory_space<vmem>>, %arg11: memref<1024x128xf32, #tpu.memory_space<vmem>>) attributes {dimension_semantics = [#tpu.dimension_semantics<arbitrary>], iteration_bounds = array<i64: 10>, scalar_prefetch = 0 : i64, scratch_operands = 0 : i64, tpu.core_type = #tpu.core_type<tc>, window_params = [{transform_indices = @transform_0, window_bounds = array<i64: 1024, 128>}, {transform_indices = @transform_1, window_bounds = array<i64: 1024, 128>}, {transform_indices = @transform_2, window_bounds = array<i64: 1024, 128>}, {transform_indices = @transform_3, window_bounds = array<i64: 1024, 1>}, {transform_indices = @transform_4, window_bounds = array<i64: 1024, 1>}, {pipeline_mode = #tpu.pipeline_mode<synchronous>, transform_indices = @transform_5, window_bounds = array<i64: 1, 128>}, {pipeline_mode = #tpu.pipeline_mode<synchronous>, transform_indices = @transform_6, window_bounds = array<i64: 128, 128>}, {pipeline_mode = #tpu.pipeline_mode<synchronous>, transform_indices = @transform_7, window_bounds = array<i64: 1, 128>}, {pipeline_mode = #tpu.pipeline_mode<synchronous>, transform_indices = @transform_8, window_bounds = array<i64: 128, 128>}, {pipeline_mode = #tpu.pipeline_mode<synchronous>, transform_indices = @transform_9, window_bounds = array<i64: 1, 128>}, {transform_indices = @transform_10, window_bounds = array<i64: 1024, 128>}]} {
    %get3A = arith.constant 0 : index
    %get3A_0 = arith.constant 0 : index
    %get3A_1 = vector.load %arg4[%get3A, %get3A_0] : memref<1024x1xf32, #tpu.memory_space<vmem>>, vector<1024x1xf32>
    %get3A_2 = arith.constant 0 : index
    %get3A_3 = arith.constant 0 : index
    %get3A_4 = vector.load %arg5[%get3A_2, %get3A_3] : memref<1024x1xf32, #tpu.memory_space<vmem>>, vector<1024x1xf32>
    %add3A = arith.addf %get3A_1, %get3A_4 : vector<1024x1xf32>
    %add3A_5 = arith.constant 1.000000e+00 : f32
    %add3A_6 = vector.broadcast %add3A_5 : f32 to vector<1024x1xf32>
    %add3A_7 = arith.addf %add3A, %add3A_6 : vector<1024x1xf32>
    %rsqrt3A = math.rsqrt %add3A_7 : vector<1024x1xf32>
    %get3A_8 = arith.constant 0 : index
    %get3A_9 = arith.constant 0 : index
    %get3A_10 = vector.load %arg1[%get3A_8, %get3A_9] : memref<1024x128xf32, #tpu.memory_space<vmem>>, vector<1024x128xf32>
    %get3A_11 = arith.constant 0 : index
    %get3A_12 = arith.constant 0 : index
    %get3A_13 = vector.load %arg2[%get3A_11, %get3A_12] : memref<1024x128xf32, #tpu.memory_space<vmem>>, vector<1024x128xf32>
    %add3A_14 = arith.addf %get3A_10, %get3A_13 : vector<1024x128xf32>
    %get3A_15 = arith.constant 0 : index
    %get3A_16 = arith.constant 0 : index
    %get3A_17 = vector.load %arg3[%get3A_15, %get3A_16] : memref<1024x128xf32, #tpu.memory_space<vmem>>, vector<1024x128xf32>
    %sub3A = arith.subf %add3A_14, %get3A_17 : vector<1024x128xf32>
    %mul3A = vector.broadcast %rsqrt3A : vector<1024x1xf32> to vector<1024x128xf32>
    %mul3A_18 = arith.mulf %mul3A, %sub3A : vector<1024x128xf32>
    %get3A_19 = arith.constant 0 : index
    %get3A_20 = arith.constant 0 : index
    %get3A_21 = vector.load %arg6[%get3A_19, %get3A_20] : memref<1x128xf32, #tpu.memory_space<vmem>>, vector<1x128xf32>
    %add3A_22 = vector.broadcast %get3A_21 : vector<1x128xf32> to vector<1024x128xf32>
    %add3A_23 = arith.addf %mul3A_18, %add3A_22 : vector<1024x128xf32>
    %get3A_24 = arith.constant 0 : index
    %get3A_25 = arith.constant 0 : index
    %get3A_26 = vector.load %arg7[%get3A_24, %get3A_25] : memref<128x128xf32, #tpu.memory_space<vmem>>, vector<128x128xf32>
    %dot_general3A = arith.constant dense<0.000000e+00> : vector<1024x128xf32>
    %dot_general3A_27 = tpu.matmul %add3A_23, %get3A_26, %dot_general3A {dimension_numbers = #tpu.dot_dimension_numbers<[1], [0], [0], [1], [0, 0, 1, 1], [], []>, transpose_lhs_hint = false} : vector<1024x128xf32>, vector<128x128xf32>, vector<1024x128xf32> -> vector<1024x128xf32>
    %get3A_28 = arith.constant 0 : index
    %get3A_29 = arith.constant 0 : index
    %get3A_30 = vector.load %arg8[%get3A_28, %get3A_29] : memref<1x128xf32, #tpu.memory_space<vmem>>, vector<1x128xf32>
    %add3A_31 = vector.broadcast %get3A_30 : vector<1x128xf32> to vector<1024x128xf32>
    %add3A_32 = arith.addf %dot_general3A_27, %add3A_31 : vector<1024x128xf32>
    %max3A = arith.constant 0.000000e+00 : f32
    %max3A_33 = vector.broadcast %max3A : f32 to vector<1024x128xf32>
    %max3A_34 = arith.maximumf %add3A_32, %max3A_33 : vector<1024x128xf32>
    %get3A_35 = arith.constant 0 : index
    %get3A_36 = arith.constant 0 : index
    %get3A_37 = vector.load %arg9[%get3A_35, %get3A_36] : memref<128x128xf32, #tpu.memory_space<vmem>>, vector<128x128xf32>
    %dot_general3A_38 = arith.constant dense<0.000000e+00> : vector<1024x128xf32>
    %dot_general3A_39 = tpu.matmul %max3A_34, %get3A_37, %dot_general3A_38 {dimension_numbers = #tpu.dot_dimension_numbers<[1], [0], [0], [1], [0, 0, 1, 1], [], []>, transpose_lhs_hint = false} : vector<1024x128xf32>, vector<128x128xf32>, vector<1024x128xf32> -> vector<1024x128xf32>
    %get3A_40 = arith.constant 0 : index
    %get3A_41 = arith.constant 0 : index
    %get3A_42 = vector.load %arg10[%get3A_40, %get3A_41] : memref<1x128xf32, #tpu.memory_space<vmem>>, vector<1x128xf32>
    %add3A_43 = vector.broadcast %get3A_42 : vector<1x128xf32> to vector<1024x128xf32>
    %add3A_44 = arith.addf %dot_general3A_39, %add3A_43 : vector<1024x128xf32>
    %swap3A = arith.constant 0 : index
    %swap3A_45 = arith.constant 0 : index
    %swap3A_46 = vector.load %arg11[%swap3A, %swap3A_45] : memref<1024x128xf32, #tpu.memory_space<vmem>>, vector<1024x128xf32>
    tpu.vector_store %arg11[%swap3A, %swap3A_45], %add3A_44 {strides = array<i32>} : memref<1024x128xf32, #tpu.memory_space<vmem>>, vector<1024x128xf32>,
    return
  }
  func.func @transform_0(%arg0: i32) -> (i32, i32) {
    %c0_i32 = arith.constant 0 : i32
    %c0_i32_0 = arith.constant 0 : i32
    return %arg0, %c0_i32 : i32, i32
  }
  func.func @transform_1(%arg0: i32) -> (i32, i32) {
    %c0_i32 = arith.constant 0 : i32
    %c0_i32_0 = arith.constant 0 : i32
    return %arg0, %c0_i32 : i32, i32
  }
  func.func @transform_2(%arg0: i32) -> (i32, i32) {
    %c0_i32 = arith.constant 0 : i32
    %c0_i32_0 = arith.constant 0 : i32
    return %arg0, %c0_i32 : i32, i32
  }
  func.func @transform_3(%arg0: i32) -> (i32, i32) {
    %c0_i32 = arith.constant 0 : i32
    %c0_i32_0 = arith.constant 0 : i32
    return %arg0, %c0_i32 : i32, i32
  }
  func.func @transform_4(%arg0: i32) -> (i32, i32) {
    %c0_i32 = arith.constant 0 : i32
    %c0_i32_0 = arith.constant 0 : i32
    return %arg0, %c0_i32 : i32, i32
  }
  func.func @transform_5(%arg0: i32) -> (i32, i32) {
    %c0_i32 = arith.constant 0 : i32
    %c0_i32_0 = arith.constant 0 : i32
    %c0_i32_1 = arith.constant 0 : i32
    return %c0_i32, %c0_i32_0 : i32, i32
  }
  func.func @transform_6(%arg0: i32) -> (i32, i32) {
    %c0_i32 = arith.constant 0 : i32
    %c0_i32_0 = arith.constant 0 : i32
    %c0_i32_1 = arith.constant 0 : i32
    return %c0_i32, %c0_i32_0 : i32, i32
  }
  func.func @transform_7(%arg0: i32) -> (i32, i32) {
    %c0_i32 = arith.constant 0 : i32
    %c0_i32_0 = arith.constant 0 : i32
    %c0_i32_1 = arith.constant 0 : i32
    return %c0_i32, %c0_i32_0 : i32, i32
  }
  func.func @transform_8(%arg0: i32) -> (i32, i32) {
    %c0_i32 = arith.constant 0 : i32
    %c0_i32_0 = arith.constant 0 : i32
    %c0_i32_1 = arith.constant 0 : i32
    return %c0_i32, %c0_i32_0 : i32, i32
  }
  func.func @transform_9(%arg0: i32) -> (i32, i32) {
    %c0_i32 = arith.constant 0 : i32
    %c0_i32_0 = arith.constant 0 : i32
    %c0_i32_1 = arith.constant 0 : i32
    return %c0_i32, %c0_i32_0 : i32, i32
  }
  func.func @transform_10(%arg0: i32) -> (i32, i32) {
    %c0_i32 = arith.constant 0 : i32
    %c0_i32_0 = arith.constant 0 : i32
    return %arg0, %c0_i32 : i32, i32
  }
}

</mosaic_0001>

<sc_bundles>
// kernel: kernel.11.cloned.1.call-start
scs
__scs_entry_jumppad:
0x0: {  	(pc) =	sbr.rel $0x88, $3  }
0x1: {  	(tag) =	ssettag $0x0;
	lr =	simm.s32 $0x1  }
0x2: {  	[smem:$0x3F97] =	sst lr;
	_ =	strace $0xD0000000  }
0x3: {  	_ = 	snop  }
0x4: {  	_ = 	snop  }
0x5: {  	_ = 	snop  }
0x6: {  	_ = 	snop  }
0x7: {  	_ = 	snop  }
__scs_overlays_trampoline_lowered:
0x8: {  	[smem:$0x3FA6] =	sst s0  }
0x9: {  	[smem:$0x3FA7] =	sst s1  }
0xa: {  	[smem:$0x3FA8] =	sst s2  }
0xb: {  	[smem:$0x3FA9] =	sst s3  }
0xc: {  	[smem:$0x3FAA] =	sst s4  }
0xd: {  	[smem:$0x3FAB] =	sst s5  }
0xe: {  	[smem:$0x3FAC] =	sst s6  }
0xf: {  	[smem:$0x3FAD] =	sst s7  }
0x10: {  	[smem:$0x3FAE] =	sst s8  }
0x11: {  	[smem:$0x3FAF] =	sst s9;
	s0 =	simm.s32 @!p0 $0x0  }
0x12: {  	s1 =	sld [smem:$0x3F95];
	s0 =	simm.s32 @p0 $0x1  }
0x13: {  	[smem:$0x3FB0] =	sst s0;
	s0 =	simm.s32 @!p1 $0x0  }
0x14: {  	s2 =	sld [smem:$0x3F94];
	s0 =	simm.s32 @p1 $0x1  }
0x15: {  	[smem:$0x3FB1] =	sst s0;
	s0 =	simm.s32 @!p2 $0x0  }
0x16: {  	s3 =	sld [smem:$0x3FDB];
	s0 =	simm.s32 @p2 $0x1  }
0x17: {  	s4 =	simm.s32 $0x1BF5;
	[smem:$0x3FB3] =	sst s0  }
0x18: {  	s0 =	sld [smem:$0x3F96];
	_ =	swait.ge [sflag:s4], $0x0  }
0x19: {  	s7 =	sld [smem:$0x3F97]  }
0x1a: {  	s8 =	sadd.s32 $0xFFFFE003, lr  }
0x1b: {  	s9 =	sadd.s32 $0xFFFFFEF7, lr;
	s5 =	simm.s32 $0xFFFFFFFF;
	p2 =	slt.u32 s8, $0xFFFFF086  }
0x1c: {  	p1 =	slt.u32 s9, $0xF7A;
	s5 =	simm.s32 @!p2 $0x0  }
0x1d: {  	s5 =	simm.s32 @p1 $0x1;
	p0 =	seq.s32 s7, s2  }
0x1e: {  	s7 =	smul.u32 @!p0 $0xF7A, s2;
	p2 =	seq.s32 @!p0 s5, $0x0  }
0x1f: {  	s9 =	smul.u32 $0xF7A, s1;
	s8 =	simm.s32 @!p0 $0x1BF5;
	p2 =	por !p2, p0  }
0x20: {  	[sflag:s8] =	ssyncset.s32 @!p0 $0xFFFFF086;
	s6 =	sadd.s32 @!p0 s3, s7;
	s7 =	simm.s32 @!p0 $0x108  }
0x21: {  	s3 =	sadd.s32 s3, s9;
	s6 =	sadd.s32 @!p0 $0x88, s6;
	s7 =	simm.s32 @p2 $0x1082  }
0x22: {  	[simem:s7], [sflag:s8] =	dma.local @!p0 [hbm:s6], $0xF7A  }
0x23: {  	s9 =	sor.u32 $0xD0000000, s2;
	s6 =	simm.s32 $0x108;
	_ =	swait.ge @!p0 [sflag:s8], $0x0  }
0x24: {  	s3 =	sadd.s32 $0x88, s3;
	s6 =	simm.s32 @!p1 $0x1082;
	[sflag:s4] =	ssyncset.s32 $0xFFFFF086  }
0x25: {  	[simem:s6], [sflag:s4] =	dma.local [hbm:s3], $0xF7A  }
0x26: {  	[smem:$0x3F97] =	sst s1;
	(tag) =	ssettag s2;
	_ =	strace s9  }
0x27: {  	s1 =	sld [smem:$0x3FA7]  }
0x28: {  	s2 =	sld [smem:$0x3FA8]  }
0x29: {  	s4 =	sld [smem:$0x3FAA]  }
0x2a: {  	p0 =	seq.s32 s5, $0x0;
	s5 =	sld [smem:$0x3FAB]  }
0x2b: {  	s6 =	sld [smem:$0x3FAC]  }
0x2c: {  	s7 =	sld [smem:$0x3FAD]  }
0x2d: {  	s3 =	simm.s32 $0x108;
	s8 =	sld [smem:$0x3FAE]  }
0x2e: {  	s3 =	simm.s32 @!p0 $0x1082;
	s9 =	sld [smem:$0x3FAF]  }
0x2f: {  	lr =	sadd.s32 s0, s3;
	s0 =	sld [smem:$0x3FA6]  }
0x30: {  	s3 =	sld [smem:$0x3FA9]  }
0x31: {  	[smem:$0x3FB2] =	sst s10  }
0x32: {  	s10 =	sld [smem:$0x3FB0];
	_ =	sdelay $0x3  }
0x33: {  	p0 =	seq.s32 s10, $0x1;
	s10 =	sld [smem:$0x3FB2];
	_ =	sdelay $0x3  }
0x34: {  	[smem:$0x3FB2] =	sst s10  }
0x35: {  	s10 =	sld [smem:$0x3FB1];
	_ =	sdelay $0x3  }
0x36: {  	p1 =	seq.s32 s10, $0x1;
	s10 =	sld [smem:$0x3FB2];
	_ =	sdelay $0x3  }
0x37: {  	[smem:$0x3FB2] =	sst s10  }
0x38: {  	s10 =	sld [smem:$0x3FB3]  }
0x39: {  	_ = 	snop;
	(pc) =	sbr.ind lr, $3  }
0x3a: {  	_ = 	snop  }
0x3b: {  	_ = 	snop  }
0x3c: {  	p2 =	seq.s32 s10, $0x1;
	s10 =	sld [smem:$0x3FB2]  }
0x3d: {  	_ =	shalt  }
0x3e: {  	_ =	shalt  }
0x3f: {  	_ =	shalt  }
0x40: {  	_ =	shalt  }
0x41: {  	_ =	shalt  }
0x42: {  	_ =	shalt  }
0x43: {  	_ =	shalt  }
0x44: {  	_ =	shalt  }
0x45: {  	_ =	shalt  }
0x46: {  	_ =	shalt  }
0x47: {  	_ =	shalt  }
0x48: {  	_ =	shalt  }
0x49: {  	_ =	shalt  }
0x4a: {  	_ =	shalt  }
0x4b: {  	_ =	shalt  }
0x4c: {  	_ =	shalt  }
0x4d: {  	_ =	shalt  }
0x4e: {  	_ =	shalt  }
0x4f: {  	_ =	shalt  }
0x50: {  	_ =	shalt  }
0x51: {  	_ =	shalt  }
0x52: {  	_ =	shalt  }
0x53: {  	_ =	shalt  }
0x54: {  	_ =	shalt  }
0x55: {  	_ =	shalt  }
0x56: {  	_ =	shalt  }
0x57: {  	_ =	shalt  }
0x58: {  	_ =	shalt  }
0x59: {  	_ =	shalt  }
0x5a: {  	_ =	shalt  }
0x5b: {  	_ =	shalt  }
0x5c: {  	_ =	shalt  }
0x5d: {  	_ =	shalt  }
0x5e: {  	_ =	shalt  }
0x5f: {  	_ =	shalt  }
0x60: {  	_ =	shalt  }
0x61: {  	_ =	shalt  }
0x62: {  	_ =	shalt  }
0x63: {  	_ =	shalt  }
0x64: {  	_ =	shalt  }
0x65: {  	_ =	shalt  }
0x66: {  	_ =	shalt  }
0x67: {  	_ =	shalt  }
0x68: {  	_ =	shalt  }
0x69: {  	_ =	shalt  }
0x6a: {  	_ =	shalt  }
0x6b: {  	_ =	shalt  }
0x6c: {  	_ =	shalt  }
0x6d: {  	_ =	shalt  }
0x6e: {  	_ =	shalt  }
0x6f: {  	_ =	shalt  }
0x70: {  	_ =	shalt  }
0x71: {  	_ =	shalt  }
0x72: {  	_ =	shalt  }
0x73: {  	_ =	shalt  }
0x74: {  	_ =	shalt  }
0x75: {  	_ =	shalt  }
0x76: {  	_ =	shalt  }
0x77: {  	_ =	shalt  }
0x78: {  	_ =	shalt  }
0x79: {  	_ =	shalt  }
0x7a: {  	_ =	shalt  }
0x7b: {  	_ =	shalt  }
0x7c: {  	_ =	shalt  }
0x7d: {  	_ =	shalt  }
0x7e: {  	_ =	shalt  }
0x7f: {  	_ =	shalt  }
0x80: {  	_ =	shalt  }
0x81: {  	_ =	shalt  }
0x82: {  	_ =	shalt  }
0x83: {  	_ =	shalt  }
0x84: {  	_ =	shalt  }
0x85: {  	_ =	shalt  }
0x86: {  	_ =	shalt  }
0x87: {  	_ =	shalt  }
.Lfunc_end0:
.L_simem_size_0:
called_computation.1_lowered:
.L_overlay_start_0:
0x88: {  	s2 =	sld [smem:$0x3FD9]  }
0x89: {  	s3 =	sld [smem:$0x3FFE];
	_ =	sdelay $0x1  }
0x8a: {  	s1 =	srdreg.scid  }
0x8b: {  	s0 =	sand.u32 $0x1, s1  }
0x8c: {  	s17 =	sshll.u32 s0, $0xA;
	s2 =	sadd.s32 s3, s2  }
0x8d: {  	s2 =	sadd.s32 s2, s17  }
0x8e: {  	[smem:$0x3FBE] =	sst s2  }
0x8f: {  	_ = 	snop  }
0x90: {  	s2 =	sld [smem:$0x3FD0];
	(tm) =	ssettm $0x1  }
0x91: {  	s18 =	sld [smem:$0x3FFB];
	_ =	sdelay $0x3  }
0x92: {  	_ =	strace s18  }
0x93: {  	s3 =	sld [smem:$0x3FFC];
	_ =	sdelay $0x3  }
0x94: {  	_ =	strace s3  }
0x95: {  	s3 =	sld [smem:$0x3FFD];
	_ =	sdelay $0x3  }
0x96: {  	_ =	strace s3  }
0x97: {  	_ =	strace $0x8FFFFFFF  }
0x98: {  	s19 =	sld [smem:$0x3FDB];
	_ =	sdelay $0x1  }
0x99: {  	s4 =	simm.s32 $_scs_section_size  }
0x9a: {  	s5 =	simm.s32 $_size__tile_overlayer_lowered;
	s6 =	simm.s32 $_tile_overlayer_lowered  }
0x9b: {  	s22 =	simm.s32 $0x1BFF;
	s21 =	sshll.u32 s6, $0x1;
	s3 =	sadd.s32 s4, s19  }
0x9c: {  	s7 =	simm.s32 $0x0;
	s20 =	sshll.u32 s5, $0x1;
	s5 =	sadd.s32 s21, s3  }
0x9d: {  	[timem:s7], [sflag:s22] =	dma.local [hbm:s5], s20  }
0x9e: {  	_ =	swait.ge [sflag:s22], s20  }
0x9f: {  	s4 =	ssub.s32 $0x0, s20;
	[sflag:s22] =	ssyncset.done $0x0  }
0xa0: {  	[sflag:s22] =	ssyncadd.s32 s4;
	_ =	sdelay $0x1  }
0xa1: {  	s23 =	simm.s32 $0x1B8B  }
0xa2: {  	_ =	swait.ge [sflag:s23], $0x1  }
0xa3: {  	[sflag:s23] =	ssyncset.done $0x0  }
0xa4: {  	s25 =	simm.s32 $0x1B8E;
	s24 =	sld [smem:$0x3FFE];
	[sflag:s23] =	ssyncadd.s32 $0xFFFFFFFF  }
0xa5: {  	s26 =	simm.s32 $execute0_lowered;
	[smem:$0x3FD2] =	sst s25  }
0xa6: {  	s5 =	sshll.u32 s26, $0x1;
	_ =	strace $0x80000049;
	[dreg:$0x1] =	wrdreg $0xFFFFFFFF  }
0xa7: {  	s28 =	simm.s32 $_size_execute0_lowered;
	s3 =	sadd.s32 s3, s5;
	[dreg:$0x0] =	wrdreg $0x0  }
0xa8: {  	s5 =	sshll.u32 s28, $0x1;
	[dreg:$0x2] =	wrdreg s3  }
0xa9: {  	[dreg:$0x3] =	wrdreg s5  }
0xaa: {  	[dreg:$0x4] =	wrdreg $0xC0  }
0xab: {  	_ =	task [dreg:s7], $0x5FFFF  }
0xac: {  	[dreg:$0x1] =	wrdreg $0xFFFFFFFF  }
0xad: {  	[dreg:$0x0] =	wrdreg $0x60  }
0xae: {  	[dreg:$0x2] =	wrdreg s24  }
0xaf: {  	[dreg:$0x3] =	wrdreg s2  }
0xb0: {  	[dreg:$0x4] =	wrdreg $0xB8000  }
0xb1: {  	[dreg:$0x5] =	wrdreg $0x9  }
0xb2: {  	_ =	task.clear_ibuf [dreg:s7], $0x6FFFF;
	_ =	strace $0x90000049  }
0xb3: {  	s29 =	simm.s32 $0x9;
	_ =	strace $0x8000004B  }
0xb4: {  	_ =	swait.ge [sflag:s29], $0x1  }
0xb5: {  	[sflag:s29] =	ssyncadd.s32 $0xFFFFFFFF  }
0xb6: {  	_ =	strace $0x9000004B  }
0xb7: {  	_ =	sfence  }
0xb8: {  	s30 =	sld [smem:$0x0];
	_ =	sdelay $0x2  }
0xb9: {  	s31 =	sshll.u32 s1, $0xD;
	s1 =	sshrl.u32 s1, $0x2  }
0xba: {  	s3 =	sand.u32 $0x4000, s31;
	s1 =	sadd.s32 s1, s30  }
0xbb: {  	s0 =	sor.u32 s3, s0;
	s1 =	sshll.u32 s1, $0x11  }
0xbc: {  	s0 =	sor.u32 s1, s0  }
0xbd: {  	s0 =	sadd.s32 $0x8F2B, s0  }
0xbe: {  	[sflag:s0] =	ssyncadd.remote.s32 $0x1  }
0xbf: {  	_ =	sfence.sel $0xFFFF  }
0xc0: {  	[dreg:$0x0] =	wrdreg $0xFFFFFFFF;
	(pc) =	sbr.abs _section_cstart, $3  }
0xc1: {  	[dreg:$0x1] =	wrdreg $0xFFFFFFFF  }
0xc2: {  	_ =	task.clear_ibuf [dreg:s7], $0x2FFFF;
	_ =	strace $0x9FFFFFFF  }
0xc3: {  	(tm) =	ssettm $0x7FFFFFFF  }
tec
execute0_lowered:
.L_overlay_start_1:
0x0: {  	(tag) =	ssettag $0x1  }
0x1: {  	s0 =	rddreg [dreg:$0x0]  }
0x2: {  	s2 =	rddreg [dreg:$0x1]  }
0x3: {  	s1 =	rddreg [dreg:$0x2]  }
0x4: {  	s3 =	simm.s32 $0x0;
	s4 =	srdreg.scid;
	s10 =	stileid.u32  }
0x5: {  	s16 =	simm.s32 $0x7;
	s17 =	simm.s32 $0x1400;
	s18 =	simm.s32 $0x60  }
0x6: {  	s19 =	simm.s32 $0x2800;
	s20 =	simm.s32 $0x80;
	s21 =	simm.s32 $0x5800  }
0x7: {  	s28 =	simm.s32 $0x4;
	s29 =	simm.s32 $0x3;
	s30 =	simm.s32 $0x5  }
0x8: {  	s31 =	simm.s32 $0x6;
	[smem:$0x7FF] =	sst s3;
	s6 =	smul.u32 $0x50000, s10  }
0x9: {  	s5 =	sand.u32 $0x1, s4;
	s4 =	sadd.s32 $0x64400, s0;
	s14 =	smul.u32 $0x2800, s10  }
0xa: {  	s11 =	sadd.s32 $0x5400, s0;
	s23 =	sshll.u32 s10, $0x6;
	_ =	strace $0x8000004A  }
0xb: {  	s7 =	sshll.u32 s5, $0x4;
	s8 =	ssub.s32 $0x2, s5;
	p0 =	seq.s32 s5, $0x1  }
0xc: {  	s5 =	simm.s32 $0xB4400;
	s7 =	sor.u32 s10, s7;
	s9 =	sshrl.u32 s8, $0x1  }
0xd: {  	s6 =	sshrl.u32 s6, $0x2;
	s22 =	sadd.s32 s4, s14;
	s5 =	simm.s32 @!p0 $0x8C400  }
0xe: {  	s7 =	smul.u32 $0x3C00, s7;
	s13 =	ssub.s32 s8, s9;
	s15 =	sadd.s32 s6, s1  }
0xf: {  	[dreg:$0x4] =	wrdreg s22;
	s6 =	sor.u32 $0x1C07, s23;
	s0 =	sadd.s32 s5, s0  }
0x10: {  	s22 =	simm.s32 $0x1;
	s23 =	simm.s32 $0x100;
	s13 =	smax.u32 s13, $0x1  }
0x11: {  	s14 =	sadd.s32 s0, s14;
	s15 =	sshrl.u32 s15, $0x3;
	s7 =	sshrl.u32 s7, $0x3  }
0x12: {  	s0 =	simm.s32 $0x2580;
	s24 =	sadd.s32 s11, s7;
	s25 =	sadd.s32 s2, s7  }
0x13: {  	s26 =	sadd.s32 $0x280, s7;
	s7 =	sadd.s32 $0x500, s7;
	[dreg:$0x5] =	wrdreg s24  }
0x14: {  	[dreg:$0x6] =	wrdreg s25;
	s9 =	sadd.s32 s11, s26;
	s10 =	sadd.s32 s2, s26  }
0x15: {  	s11 =	sadd.s32 s11, s7;
	s12 =	sadd.s32 s2, s7;
	s24 =	simm.s32 $0x8800  }
0x16: {  	s25 =	simm.s32 $0x2;
	s26 =	simm.s32 $0x1480;
	s2 =	simm.s32 $0x0  }
.LBB2_1:
0x17: {  	s5 =	rddreg [dreg:$0x4]  }
0x18: {  	[spmem:s15], [sflag:s6] =	dma.local [hbm:s5], $0x2800  }
0x19: {  	_ =	swait.ge [sflag:s16], $0x2800  }
0x1a: {  	[sflag:s16] =	ssyncset.done $0x0  }
0x1b: {  	[sflag:s16] =	ssyncadd.s32 $0xFFFFD800  }
0x1c: {  	[bflag:$0x0] =	sbarrier.arrive $0xFFFF  }
0x1d: {  	s8 =	rddreg [dreg:$0x5]  }
0x1e: {  	[tilespmem:s3], [sflag:$0x7] =	stream.linear.gather [hbm4b:s8+s3], $0x1200, $0x38;
	[tilespmem:$0x1F800] =	vst v63  }
0x1f: {  	_ =	swait.ge [sflag:s16], $0x1200  }
0x20: {  	[sflag:s16] =	ssyncset.done $0x0  }
0x21: {  	s7 =	rddreg [dreg:$0x6];
	[sflag:s16] =	ssyncadd.s32 $0xFFFFEE00  }
0x22: {  	[tilespmem:s17], [sflag:$0x7] =	stream.linear.gather [hbm4b:s7+s3], $0x1200, $0x38;
	[tilespmem:$0x1F800] =	vst v63  }
0x23: {  	_ =	swait.ge [sflag:s16], $0x1200  }
0x24: {  	[sflag:s16] =	ssyncset.done $0x0  }
0x25: {  	[sflag:s16] =	ssyncadd.s32 $0xFFFFEE00  }
0x26: {  	[tilespmem:s19], [sflag:$0x1] =	stream.indirect.gather [hbm4b:s4+s18], $0x80, s3, s18, $0xb8;
	[tilespmem:$0x1F800] =	vst v63  }
0x27: {  	_ = 	snop  }
0x28: {  	[tilespmem:s21], [sflag:$0x2] =	stream.indirect.gather [hbm4b:s4+s18], $0x80, s20, s18, $0xb8;
	[tilespmem:$0x1F800] =	vst v63  }
0x29: {  	_ =	swait.ge [sflag:s22], $0x3000  }
0x2a: {  	[sflag:s22] =	ssyncset.done $0x0  }
0x2b: {  	[sflag:s22] =	ssyncadd.s32 $0xFFFFD000  }
0x2c: {  	[spmem:s1] =	stream.indirect.scatter.add.f32 [tilespmem:s19], [sflag:$0x4], $0x80, s17, s18, $0xb8;
	[tilespmem:$0x1F800] =	vst v63  }
0x2d: {  	_ = 	snop  }
0x2e: {  	[tilespmem:s24], [sflag:$0x3] =	stream.indirect.gather [hbm4b:s4+s18], $0x80, s23, s18, $0xb8;
	[tilespmem:$0x1F800] =	vst v63  }
0x2f: {  	_ =	swait.ge [sflag:s25], $0x3000  }
0x30: {  	[sflag:s25] =	ssyncset.done $0x0  }
0x31: {  	[sflag:s25] =	ssyncadd.s32 $0xFFFFD000  }
0x32: {  	[spmem:s1] =	stream.indirect.scatter.add.f32 [tilespmem:s21], [sflag:$0x5], $0x80, s26, s18, $0xb8;
	[tilespmem:$0x1F800] =	vst v63  }
0x33: {  	_ =	swait.ge [sflag:s28], $0x3000  }
0x34: {  	[sflag:s28] =	ssyncset.done $0x0  }
0x35: {  	s8 =	simm.s32 $0x180;
	[sflag:s28] =	ssyncadd.s32 $0xFFFFD000  }
0x36: {  	[tilespmem:s19], [sflag:$0x1] =	stream.indirect.gather [hbm4b:s4+s18], $0x80, s8, s18, $0xb8;
	[tilespmem:$0x1F800] =	vst v63  }
0x37: {  	_ =	swait.ge [sflag:s29], $0x3000  }
0x38: {  	[sflag:s29] =	ssyncset.done $0x0  }
0x39: {  	s7 =	simm.s32 $0x1500;
	[sflag:s29] =	ssyncadd.s32 $0xFFFFD000  }
0x3a: {  	[spmem:s1] =	stream.indirect.scatter.add.f32 [tilespmem:s24], [sflag:$0x6], $0x80, s7, s18, $0xb8;
	[tilespmem:$0x1F800] =	vst v63  }
0x3b: {  	_ =	swait.ge [sflag:s30], $0x3000  }
0x3c: {  	[sflag:s30] =	ssyncset.done $0x0  }
0x3d: {  	s8 =	simm.s32 $0x200;
	[sflag:s30] =	ssyncadd.s32 $0xFFFFD000  }
0x3e: {  	[tilespmem:s21], [sflag:$0x2] =	stream.indirect.gather [hbm4b:s4+s18], $0x80, s8, s18, $0xb8;
	[tilespmem:$0x1F800] =	vst v63  }
0x3f: {  	_ =	swait.ge [sflag:s22], $0x3000  }
0x40: {  	[sflag:s22] =	ssyncset.done $0x0  }
0x41: {  	s7 =	simm.s32 $0x1580;
	[sflag:s22] =	ssyncadd.s32 $0xFFFFD000  }
0x42: {  	[spmem:s1] =	stream.indirect.scatter.add.f32 [tilespmem:s19], [sflag:$0x4], $0x80, s7, s18, $0xb8;
	[tilespmem:$0x1F800] =	vst v63  }
0x43: {  	_ =	swait.ge [sflag:s31], $0x3000  }
0x44: {  	[sflag:s31] =	ssyncset.done $0x0  }
0x45: {  	s8 =	simm.s32 $0x280;
	[sflag:s31] =	ssyncadd.s32 $0xFFFFD000  }
0x46: {  	[tilespmem:s24], [sflag:$0x3] =	stream.indirect.gather [hbm4b:s4+s18], $0x80, s8, s18, $0xb8;
	[tilespmem:$0x1F800] =	vst v63  }
0x47: {  	_ =	swait.ge [sflag:s25], $0x3000  }
0x48: {  	[sflag:s25] =	ssyncset.done $0x0  }
0x49: {  	s5 =	simm.s32 $0x600;
	s7 =	simm.s32 $0x1600;
	[sflag:s25] =	ssyncadd.s32 $0xFFFFD000  }
.LBB2_2:
0x4a: {  	[spmem:s1] =	stream.indirect.scatter.add.f32 [tilespmem:s21], [sflag:$0x5], $0x80, s7, s18, $0xb8;
	[tilespmem:$0x1F800] =	vst v63  }
0x4b: {  	s7 =	smov.u32 s5  }
0x4c: {  	p0 =	sne.s32 s5, $0x3C00;
	s5 =	sadd.s32 $0x600, s5;
	_ =	swait.ge [sflag:s28], $0x3000  }
0x4d: {  	s7 =	sshra.s32 s7, $0x2;
	[sflag:s28] =	ssyncset.done $0x0  }
0x4e: {  	s8 =	sadd.s32 $0x180, s7;
	[sflag:s28] =	ssyncadd.s32 $0xFFFFD000  }
0x4f: {  	[tilespmem:s19], [sflag:$0x1] =	stream.indirect.gather [hbm4b:s4+s18], $0x80, s8, s18, $0xb8;
	[tilespmem:$0x1F800] =	vst v63  }
0x50: {  	_ =	swait.ge [sflag:s29], $0x3000  }
0x51: {  	[sflag:s29] =	ssyncset.done $0x0  }
0x52: {  	s8 =	sadd.s32 $0x1500, s7;
	[sflag:s29] =	ssyncadd.s32 $0xFFFFD000  }
0x53: {  	[spmem:s1] =	stream.indirect.scatter.add.f32 [tilespmem:s24], [sflag:$0x6], $0x80, s8, s18, $0xb8;
	[tilespmem:$0x1F800] =	vst v63  }
0x54: {  	_ =	swait.ge [sflag:s30], $0x3000  }
0x55: {  	[sflag:s30] =	ssyncset.done $0x0  }
0x56: {  	s8 =	sadd.s32 $0x200, s7;
	[sflag:s30] =	ssyncadd.s32 $0xFFFFD000  }
0x57: {  	[tilespmem:s21], [sflag:$0x2] =	stream.indirect.gather [hbm4b:s4+s18], $0x80, s8, s18, $0xb8;
	[tilespmem:$0x1F800] =	vst v63  }
0x58: {  	_ =	swait.ge [sflag:s22], $0x3000  }
0x59: {  	[sflag:s22] =	ssyncset.done $0x0  }
0x5a: {  	s8 =	sadd.s32 $0x1580, s7;
	[sflag:s22] =	ssyncadd.s32 $0xFFFFD000  }
0x5b: {  	[spmem:s1] =	stream.indirect.scatter.add.f32 [tilespmem:s19], [sflag:$0x4], $0x80, s8, s18, $0xb8;
	[tilespmem:$0x1F800] =	vst v63  }
0x5c: {  	_ =	swait.ge [sflag:s31], $0x3000  }
0x5d: {  	[sflag:s31] =	ssyncset.done $0x0  }
.Ltmp0:
0x5e: {  	s8 =	sadd.s32 $0x280, s7;
	[sflag:s31] =	ssyncadd.s32 $0xFFFFD000;
	(pc) =	sbr.rel @p0 .LBB2_2-.Ltmp0, $4  }
0x5f: {  	[tilespmem:s24], [sflag:$0x3] =	stream.indirect.gather [hbm4b:s4+s18], $0x80, s8, s18, $0xb8;
	[tilespmem:$0x1F800] =	vst v63  }
0x60: {  	_ =	swait.ge [sflag:s25], $0x3000  }
0x61: {  	[sflag:s25] =	ssyncset.done $0x0  }
0x62: {  	s7 =	sadd.s32 $0x1600, s7;
	[sflag:s25] =	ssyncadd.s32 $0xFFFFD000  }
0x63: {  	[spmem:s1] =	stream.indirect.scatter.add.f32 [tilespmem:s21], [sflag:$0x5], $0x80, s7, s18, $0xb8;
	[tilespmem:$0x1F800] =	vst v63  }
0x64: {  	_ =	swait.ge [sflag:s29], $0x3000  }
0x65: {  	[sflag:s29] =	ssyncset.done $0x0  }
0x66: {  	[sflag:s29] =	ssyncadd.s32 $0xFFFFD000  }
0x67: {  	[spmem:s1] =	stream.indirect.scatter.add.f32 [tilespmem:s24], [sflag:$0x6], $0x80, s0, s18, $0xb8;
	[tilespmem:$0x1F800] =	vst v63  }
0x68: {  	_ =	swait.ge [sflag:s28], $0x3000  }
0x69: {  	[sflag:s28] =	ssyncset.done $0x0  }
0x6a: {  	[sflag:s28] =	ssyncadd.s32 $0xFFFFD000  }
0x6b: {  	_ =	swait.ge [sflag:s30], $0x3000  }
0x6c: {  	[sflag:s30] =	ssyncset.done $0x0  }
0x6d: {  	[sflag:s30] =	ssyncadd.s32 $0xFFFFD000  }
0x6e: {  	_ =	swait.ge [sflag:s31], $0x3000  }
0x6f: {  	[sflag:s31] =	ssyncset.done $0x0  }
0x70: {  	s5 =	simm.s32 $0x0;
	[sflag:s31] =	ssyncadd.s32 $0xFFFFD000  }
0x71: {  	[tilespmem:s5], [sflag:$0x7] =	stream.linear.gather [hbm4b:s9+s5], $0x1200, $0x38;
	[tilespmem:$0x1F800] =	vst v63  }
0x72: {  	_ =	swait.ge [sflag:s16], $0x1200  }
0x73: {  	[sflag:s16] =	ssyncset.done $0x0  }
0x74: {  	[sflag:s16] =	ssyncadd.s32 $0xFFFFEE00  }
0x75: {  	[tilespmem:s17], [sflag:$0x7] =	stream.linear.gather [hbm4b:s10+s5], $0x1200, $0x38;
	[tilespmem:$0x1F800] =	vst v63  }
0x76: {  	_ =	swait.ge [sflag:s16], $0x1200  }
0x77: {  	[sflag:s16] =	ssyncset.done $0x0  }
0x78: {  	[sflag:s16] =	ssyncadd.s32 $0xFFFFEE00  }
0x79: {  	[tilespmem:s19], [sflag:$0x1] =	stream.indirect.gather [hbm4b:s4+s18], $0x80, s5, s18, $0xb8;
	[tilespmem:$0x1F800] =	vst v63  }
0x7a: {  	_ = 	snop  }
0x7b: {  	[tilespmem:s21], [sflag:$0x2] =	stream.indirect.gather [hbm4b:s4+s18], $0x80, s20, s18, $0xb8;
	[tilespmem:$0x1F800] =	vst v63  }
0x7c: {  	_ =	swait.ge [sflag:s22], $0x3000  }
0x7d: {  	[sflag:s22] =	ssyncset.done $0x0  }
0x7e: {  	[sflag:s22] =	ssyncadd.s32 $0xFFFFD000  }
0x7f: {  	[spmem:s1] =	stream.indirect.scatter.add.f32 [tilespmem:s19], [sflag:$0x4], $0x80, s17, s18, $0xb8;
	[tilespmem:$0x1F800] =	vst v63  }
0x80: {  	_ = 	snop  }
0x81: {  	[tilespmem:s24], [sflag:$0x3] =	stream.indirect.gather [hbm4b:s4+s18], $0x80, s23, s18, $0xb8;
	[tilespmem:$0x1F800] =	vst v63  }
0x82: {  	_ =	swait.ge [sflag:s25], $0x3000  }
0x83: {  	[sflag:s25] =	ssyncset.done $0x0  }
0x84: {  	[sflag:s25] =	ssyncadd.s32 $0xFFFFD000  }
0x85: {  	[spmem:s1] =	stream.indirect.scatter.add.f32 [tilespmem:s21], [sflag:$0x5], $0x80, s26, s18, $0xb8;
	[tilespmem:$0x1F800] =	vst v63  }
0x86: {  	_ =	swait.ge [sflag:s28], $0x3000  }
0x87: {  	[sflag:s28] =	ssyncset.done $0x0  }
0x88: {  	s8 =	simm.s32 $0x180;
	[sflag:s28] =	ssyncadd.s32 $0xFFFFD000  }
0x89: {  	[tilespmem:s19], [sflag:$0x1] =	stream.indirect.gather [hbm4b:s4+s18], $0x80, s8, s18, $0xb8;
	[tilespmem:$0x1F800] =	vst v63  }
0x8a: {  	_ =	swait.ge [sflag:s29], $0x3000  }
0x8b: {  	[sflag:s29] =	ssyncset.done $0x0  }
0x8c: {  	s7 =	simm.s32 $0x1500;
	[sflag:s29] =	ssyncadd.s32 $0xFFFFD000  }
0x8d: {  	[spmem:s1] =	stream.indirect.scatter.add.f32 [tilespmem:s24], [sflag:$0x6], $0x80, s7, s18, $0xb8;
	[tilespmem:$0x1F800] =	vst v63  }
0x8e: {  	_ =	swait.ge [sflag:s30], $0x3000  }
0x8f: {  	[sflag:s30] =	ssyncset.done $0x0  }
0x90: {  	s8 =	simm.s32 $0x200;
	[sflag:s30] =	ssyncadd.s32 $0xFFFFD000  }
0x91: {  	[tilespmem:s21], [sflag:$0x2] =	stream.indirect.gather [hbm4b:s4+s18], $0x80, s8, s18, $0xb8;
	[tilespmem:$0x1F800] =	vst v63  }
0x92: {  	_ =	swait.ge [sflag:s22], $0x3000  }
0x93: {  	[sflag:s22] =	ssyncset.done $0x0  }
0x94: {  	s7 =	simm.s32 $0x1580;
	[sflag:s22] =	ssyncadd.s32 $0xFFFFD000  }
0x95: {  	[spmem:s1] =	stream.indirect.scatter.add.f32 [tilespmem:s19], [sflag:$0x4], $0x80, s7, s18, $0xb8;
	[tilespmem:$0x1F800] =	vst v63  }
0x96: {  	_ =	swait.ge [sflag:s31], $0x3000  }
0x97: {  	[sflag:s31] =	ssyncset.done $0x0  }
0x98: {  	s8 =	simm.s32 $0x280;
	[sflag:s31] =	ssyncadd.s32 $0xFFFFD000  }
0x99: {  	[tilespmem:s24], [sflag:$0x3] =	stream.indirect.gather [hbm4b:s4+s18], $0x80, s8, s18, $0xb8;
	[tilespmem:$0x1F800] =	vst v63  }
0x9a: {  	_ =	swait.ge [sflag:s25], $0x3000  }
0x9b: {  	[sflag:s25] =	ssyncset.done $0x0  }
0x9c: {  	s5 =	simm.s32 $0x600;
	s7 =	simm.s32 $0x1600;
	[sflag:s25] =	ssyncadd.s32 $0xFFFFD000  }
.LBB2_4:
0x9d: {  	[spmem:s1] =	stream.indirect.scatter.add.f32 [tilespmem:s21], [sflag:$0x5], $0x80, s7, s18, $0xb8;
	[tilespmem:$0x1F800] =	vst v63  }
0x9e: {  	s7 =	smov.u32 s5  }
0x9f: {  	p0 =	sne.s32 s5, $0x3C00;
	s5 =	sadd.s32 $0x600, s5;
	_ =	swait.ge [sflag:s28], $0x3000  }
0xa0: {  	s7 =	sshra.s32 s7, $0x2;
	[sflag:s28] =	ssyncset.done $0x0  }
0xa1: {  	s8 =	sadd.s32 $0x180, s7;
	[sflag:s28] =	ssyncadd.s32 $0xFFFFD000  }
0xa2: {  	[tilespmem:s19], [sflag:$0x1] =	stream.indirect.gather [hbm4b:s4+s18], $0x80, s8, s18, $0xb8;
	[tilespmem:$0x1F800] =	vst v63  }
0xa3: {  	_ =	swait.ge [sflag:s29], $0x3000  }
0xa4: {  	[sflag:s29] =	ssyncset.done $0x0  }
0xa5: {  	s8 =	sadd.s32 $0x1500, s7;
	[sflag:s29] =	ssyncadd.s32 $0xFFFFD000  }
0xa6: {  	[spmem:s1] =	stream.indirect.scatter.add.f32 [tilespmem:s24], [sflag:$0x6], $0x80, s8, s18, $0xb8;
	[tilespmem:$0x1F800] =	vst v63  }
0xa7: {  	_ =	swait.ge [sflag:s30], $0x3000  }
0xa8: {  	[sflag:s30] =	ssyncset.done $0x0  }
0xa9: {  	s8 =	sadd.s32 $0x200, s7;
	[sflag:s30] =	ssyncadd.s32 $0xFFFFD000  }
0xaa: {  	[tilespmem:s21], [sflag:$0x2] =	stream.indirect.gather [hbm4b:s4+s18], $0x80, s8, s18, $0xb8;
	[tilespmem:$0x1F800] =	vst v63  }
0xab: {  	_ =	swait.ge [sflag:s22], $0x3000  }
0xac: {  	[sflag:s22] =	ssyncset.done $0x0  }
0xad: {  	s8 =	sadd.s32 $0x1580, s7;
	[sflag:s22] =	ssyncadd.s32 $0xFFFFD000  }
0xae: {  	[spmem:s1] =	stream.indirect.scatter.add.f32 [tilespmem:s19], [sflag:$0x4], $0x80, s8, s18, $0xb8;
	[tilespmem:$0x1F800] =	vst v63  }
0xaf: {  	_ =	swait.ge [sflag:s31], $0x3000  }
0xb0: {  	[sflag:s31] =	ssyncset.done $0x0  }
.Ltmp1:
0xb1: {  	s8 =	sadd.s32 $0x280, s7;
	[sflag:s31] =	ssyncadd.s32 $0xFFFFD000;
	(pc) =	sbr.rel @p0 .LBB2_4-.Ltmp1, $4  }
0xb2: {  	[tilespmem:s24], [sflag:$0x3] =	stream.indirect.gather [hbm4b:s4+s18], $0x80, s8, s18, $0xb8;
	[tilespmem:$0x1F800] =	vst v63  }
0xb3: {  	_ =	swait.ge [sflag:s25], $0x3000  }
0xb4: {  	[sflag:s25] =	ssyncset.done $0x0  }
0xb5: {  	s7 =	sadd.s32 $0x1600, s7;
	[sflag:s25] =	ssyncadd.s32 $0xFFFFD000  }
0xb6: {  	[spmem:s1] =	stream.indirect.scatter.add.f32 [tilespmem:s21], [sflag:$0x5], $0x80, s7, s18, $0xb8;
	[tilespmem:$0x1F800] =	vst v63  }
0xb7: {  	_ =	swait.ge [sflag:s29], $0x3000  }
0xb8: {  	[sflag:s29] =	ssyncset.done $0x0  }
0xb9: {  	[sflag:s29] =	ssyncadd.s32 $0xFFFFD000  }
0xba: {  	[spmem:s1] =	stream.indirect.scatter.add.f32 [tilespmem:s24], [sflag:$0x6], $0x80, s0, s18, $0xb8;
	[tilespmem:$0x1F800] =	vst v63  }
0xbb: {  	_ =	swait.ge [sflag:s28], $0x3000  }
0xbc: {  	[sflag:s28] =	ssyncset.done $0x0  }
0xbd: {  	[sflag:s28] =	ssyncadd.s32 $0xFFFFD000  }
0xbe: {  	_ =	swait.ge [sflag:s30], $0x3000  }
0xbf: {  	[sflag:s30] =	ssyncset.done $0x0  }
0xc0: {  	[sflag:s30] =	ssyncadd.s32 $0xFFFFD000  }
0xc1: {  	_ =	swait.ge [sflag:s31], $0x3000  }
0xc2: {  	[sflag:s31] =	ssyncset.done $0x0  }
0xc3: {  	s5 =	simm.s32 $0x0;
	[sflag:s31] =	ssyncadd.s32 $0xFFFFD000  }
0xc4: {  	[tilespmem:s5], [sflag:$0x7] =	stream.linear.gather [hbm4b:s11+s5], $0x1200, $0x38;
	[tilespmem:$0x1F800] =	vst v63  }
0xc5: {  	_ =	swait.ge [sflag:s16], $0x1200  }
0xc6: {  	[sflag:s16] =	ssyncset.done $0x0  }
0xc7: {  	[sflag:s16] =	ssyncadd.s32 $0xFFFFEE00  }
0xc8: {  	[tilespmem:s17], [sflag:$0x7] =	stream.linear.gather [hbm4b:s12+s5], $0x1200, $0x38;
	[tilespmem:$0x1F800] =	vst v63  }
0xc9: {  	_ =	swait.ge [sflag:s16], $0x1200  }
0xca: {  	[sflag:s16] =	ssyncset.done $0x0  }
0xcb: {  	[sflag:s16] =	ssyncadd.s32 $0xFFFFEE00  }
0xcc: {  	[tilespmem:s19], [sflag:$0x1] =	stream.indirect.gather [hbm4b:s4+s18], $0x80, s5, s18, $0xb8;
	[tilespmem:$0x1F800] =	vst v63  }
0xcd: {  	_ = 	snop  }
0xce: {  	[tilespmem:s21], [sflag:$0x2] =	stream.indirect.gather [hbm4b:s4+s18], $0x80, s20, s18, $0xb8;
	[tilespmem:$0x1F800] =	vst v63  }
0xcf: {  	_ =	swait.ge [sflag:s22], $0x3000  }
0xd0: {  	[sflag:s22] =	ssyncset.done $0x0  }
0xd1: {  	[sflag:s22] =	ssyncadd.s32 $0xFFFFD000  }
0xd2: {  	[spmem:s1] =	stream.indirect.scatter.add.f32 [tilespmem:s19], [sflag:$0x4], $0x80, s17, s18, $0xb8;
	[tilespmem:$0x1F800] =	vst v63  }
0xd3: {  	_ = 	snop  }
0xd4: {  	[tilespmem:s24], [sflag:$0x3] =	stream.indirect.gather [hbm4b:s4+s18], $0x80, s23, s18, $0xb8;
	[tilespmem:$0x1F800] =	vst v63  }
0xd5: {  	_ =	swait.ge [sflag:s25], $0x3000  }
0xd6: {  	[sflag:s25] =	ssyncset.done $0x0  }
0xd7: {  	[sflag:s25] =	ssyncadd.s32 $0xFFFFD000  }
0xd8: {  	[spmem:s1] =	stream.indirect.scatter.add.f32 [tilespmem:s21], [sflag:$0x5], $0x80, s26, s18, $0xb8;
	[tilespmem:$0x1F800] =	vst v63  }
0xd9: {  	_ =	swait.ge [sflag:s28], $0x3000  }
0xda: {  	[sflag:s28] =	ssyncset.done $0x0  }
0xdb: {  	s8 =	simm.s32 $0x180;
	[sflag:s28] =	ssyncadd.s32 $0xFFFFD000  }
0xdc: {  	[tilespmem:s19], [sflag:$0x1] =	stream.indirect.gather [hbm4b:s4+s18], $0x80, s8, s18, $0xb8;
	[tilespmem:$0x1F800] =	vst v63  }
0xdd: {  	_ =	swait.ge [sflag:s29], $0x3000  }
0xde: {  	[sflag:s29] =	ssyncset.done $0x0  }
0xdf: {  	s7 =	simm.s32 $0x1500;
	[sflag:s29] =	ssyncadd.s32 $0xFFFFD000  }
0xe0: {  	[spmem:s1] =	stream.indirect.scatter.add.f32 [tilespmem:s24], [sflag:$0x6], $0x80, s7, s18, $0xb8;
	[tilespmem:$0x1F800] =	vst v63  }
0xe1: {  	_ =	swait.ge [sflag:s30], $0x3000  }
0xe2: {  	[sflag:s30] =	ssyncset.done $0x0  }
0xe3: {  	s8 =	simm.s32 $0x200;
	[sflag:s30] =	ssyncadd.s32 $0xFFFFD000  }
0xe4: {  	[tilespmem:s21], [sflag:$0x2] =	stream.indirect.gather [hbm4b:s4+s18], $0x80, s8, s18, $0xb8;
	[tilespmem:$0x1F800] =	vst v63  }
0xe5: {  	_ =	swait.ge [sflag:s22], $0x3000  }
0xe6: {  	[sflag:s22] =	ssyncset.done $0x0  }
0xe7: {  	s7 =	simm.s32 $0x1580;
	[sflag:s22] =	ssyncadd.s32 $0xFFFFD000  }
0xe8: {  	[spmem:s1] =	stream.indirect.scatter.add.f32 [tilespmem:s19], [sflag:$0x4], $0x80, s7, s18, $0xb8;
	[tilespmem:$0x1F800] =	vst v63  }
0xe9: {  	_ =	swait.ge [sflag:s31], $0x3000  }
0xea: {  	[sflag:s31] =	ssyncset.done $0x0  }
0xeb: {  	s8 =	simm.s32 $0x280;
	[sflag:s31] =	ssyncadd.s32 $0xFFFFD000  }
0xec: {  	[tilespmem:s24], [sflag:$0x3] =	stream.indirect.gather [hbm4b:s4+s18], $0x80, s8, s18, $0xb8;
	[tilespmem:$0x1F800] =	vst v63  }
0xed: {  	_ =	swait.ge [sflag:s25], $0x3000  }
0xee: {  	[sflag:s25] =	ssyncset.done $0x0  }
0xef: {  	s5 =	simm.s32 $0x600;
	s7 =	simm.s32 $0x1600;
	[sflag:s25] =	ssyncadd.s32 $0xFFFFD000  }
.LBB2_6:
0xf0: {  	[spmem:s1] =	stream.indirect.scatter.add.f32 [tilespmem:s21], [sflag:$0x5], $0x80, s7, s18, $0xb8;
	[tilespmem:$0x1F800] =	vst v63  }
0xf1: {  	s7 =	smov.u32 s5  }
0xf2: {  	p0 =	sne.s32 s5, $0x3C00;
	s5 =	sadd.s32 $0x600, s5;
	_ =	swait.ge [sflag:s28], $0x3000  }
0xf3: {  	s7 =	sshra.s32 s7, $0x2;
	[sflag:s28] =	ssyncset.done $0x0  }
0xf4: {  	s8 =	sadd.s32 $0x180, s7;
	[sflag:s28] =	ssyncadd.s32 $0xFFFFD000  }
0xf5: {  	[tilespmem:s19], [sflag:$0x1] =	stream.indirect.gather [hbm4b:s4+s18], $0x80, s8, s18, $0xb8;
	[tilespmem:$0x1F800] =	vst v63  }
0xf6: {  	_ =	swait.ge [sflag:s29], $0x3000  }
0xf7: {  	[sflag:s29] =	ssyncset.done $0x0  }
0xf8: {  	s8 =	sadd.s32 $0x1500, s7;
	[sflag:s29] =	ssyncadd.s32 $0xFFFFD000  }
0xf9: {  	[spmem:s1] =	stream.indirect.scatter.add.f32 [tilespmem:s24], [sflag:$0x6], $0x80, s8, s18, $0xb8;
	[tilespmem:$0x1F800] =	vst v63  }
0xfa: {  	_ =	swait.ge [sflag:s30], $0x3000  }
0xfb: {  	[sflag:s30] =	ssyncset.done $0x0  }
0xfc: {  	s8 =	sadd.s32 $0x200, s7;
	[sflag:s30] =	ssyncadd.s32 $0xFFFFD000  }
0xfd: {  	[tilespmem:s21], [sflag:$0x2] =	stream.indirect.gather [hbm4b:s4+s18], $0x80, s8, s18, $0xb8;
	[tilespmem:$0x1F800] =	vst v63  }
0xfe: {  	_ =	swait.ge [sflag:s22], $0x3000  }
0xff: {  	[sflag:s22] =	ssyncset.done $0x0  }
0x100: {  	s8 =	sadd.s32 $0x1580, s7;
	[sflag:s22] =	ssyncadd.s32 $0xFFFFD000  }
0x101: {  	[spmem:s1] =	stream.indirect.scatter.add.f32 [tilespmem:s19], [sflag:$0x4], $0x80, s8, s18, $0xb8;
	[tilespmem:$0x1F800] =	vst v63  }
0x102: {  	_ =	swait.ge [sflag:s31], $0x3000  }
0x103: {  	[sflag:s31] =	ssyncset.done $0x0  }
.Ltmp2:
0x104: {  	s8 =	sadd.s32 $0x280, s7;
	[sflag:s31] =	ssyncadd.s32 $0xFFFFD000;
	(pc) =	sbr.rel @p0 .LBB2_6-.Ltmp2, $4  }
0x105: {  	[tilespmem:s24], [sflag:$0x3] =	stream.indirect.gather [hbm4b:s4+s18], $0x80, s8, s18, $0xb8;
	[tilespmem:$0x1F800] =	vst v63  }
0x106: {  	_ =	swait.ge [sflag:s25], $0x3000  }
0x107: {  	[sflag:s25] =	ssyncset.done $0x0  }
0x108: {  	s7 =	sadd.s32 $0x1600, s7;
	[sflag:s25] =	ssyncadd.s32 $0xFFFFD000  }
0x109: {  	[spmem:s1] =	stream.indirect.scatter.add.f32 [tilespmem:s21], [sflag:$0x5], $0x80, s7, s18, $0xb8;
	[tilespmem:$0x1F800] =	vst v63  }
0x10a: {  	_ =	swait.ge [sflag:s29], $0x3000  }
0x10b: {  	[sflag:s29] =	ssyncset.done $0x0  }
0x10c: {  	[sflag:s29] =	ssyncadd.s32 $0xFFFFD000  }
0x10d: {  	[spmem:s1] =	stream.indirect.scatter.add.f32 [tilespmem:s24], [sflag:$0x6], $0x80, s0, s18, $0xb8;
	[tilespmem:$0x1F800] =	vst v63  }
0x10e: {  	_ =	swait.ge [sflag:s28], $0x3000  }
0x10f: {  	[sflag:s28] =	ssyncset.done $0x0  }
0x110: {  	[sflag:s28] =	ssyncadd.s32 $0xFFFFD000  }
0x111: {  	_ =	swait.ge [sflag:s30], $0x3000  }
0x112: {  	[sflag:s30] =	ssyncset.done $0x0  }
0x113: {  	[sflag:s30] =	ssyncadd.s32 $0xFFFFD000  }
0x114: {  	_ =	swait.ge [sflag:s31], $0x3000  }
0x115: {  	s2 =	sadd.s32 $0x1, s2;
	[sflag:s31] =	ssyncset.done $0x0  }
0x116: {  	p0 =	sne.s32 s2, s13;
	[sflag:s31] =	ssyncadd.s32 $0xFFFFD000  }
.Ltmp3:
0x117: {  	[bflag:$0x0] =	sbarrier.arrive $0xFFFF;
	(pc) =	sbr.rel @p0 .LBB2_1-.Ltmp3, $4  }
0x118: {  	[hbm:s14], [sflag:s6] =	dma.local [spmem:s15], $0x2800  }
0x119: {  	_ =	swait.ge [sflag:s16], $0x2800  }
0x11a: {  	[sflag:s16] =	ssyncset.done $0x0  }
0x11b: {  	[sflag:s16] =	ssyncadd.s32 $0xFFFFD800  }
0x11c: {  	_ =	sfence.sel $0x180000  }
0x11d: {  	[bflag:$0x0] =	sbarrier.arrive $0xFFFF  }
0x11e: {  	_ =	strace $0x9000004A  }
0x11f: {  	s0 =	stileid.u32;
	[bflag:$0x2] =	sbarrier.arrive $0xFFFF  }
0x120: {  	p0 =	sne.s32 s0, $0x0;
	s0 =	rddreg [dreg:$0x3]  }
0x121: {  	s0 =	sadd.s32 @!p0 $0x100000, s0  }
0x122: {  	[sflag:s0] =	ssyncadd.tile.s32 @!p0 $0x1;
	_ =	shalt  }
.Lfunc_end2:
_tile_overlayer_lowered:
.L_overlay_start_2:
0x123: {  	(tag) =	ssettag $0x2  }
0x124: {  	s0 =	rddreg [dreg:$0x0];
	s2 =	stileid.u32  }
0x125: {  	s1 =	rddreg [dreg:$0x1];
	p0 =	sne.s32 s2, $0x0  }
0x126: {  	s3 =	rddreg [dreg:$0x2];
	[bflag:$0x3] =	sbarrier.arrive $0xFFFF;
	s2 =	simm.s32 @!p0 $0x1C07  }
0x127: {  	[timem:s3], [sflag:s2] =	dma.local @!p0 [hbm:s0], s1  }
0x128: {  	s0 =	simm.s32 @!p0 $0x7  }
0x129: {  	_ =	swait.ge @!p0 [sflag:s0], s1  }
0x12a: {  	s1 =	ssub.s32 @!p0 $0x0, s1;
	[sflag:s0] =	ssyncset.done @!p0 $0x0  }
0x12b: {  	[sflag:s0] =	ssyncadd.s32 @!p0 s1  }
0x12c: {  	[bflag:$0x3] =	sbarrier.arrive $0xFFFF  }
0x12d: {  	_ =	shalt  }

// kernel: kernel.14.cloned.1.call-start
scs
__scs_entry_jumppad:
0x0: {  	(pc) =	sbr.rel $0x88, $3  }
0x1: {  	(tag) =	ssettag $0x0;
	lr =	simm.s32 $0x1  }
0x2: {  	[smem:$0x3F97] =	sst lr;
	_ =	strace $0xD0000000  }
0x3: {  	_ = 	snop  }
0x4: {  	_ = 	snop  }
0x5: {  	_ = 	snop  }
0x6: {  	_ = 	snop  }
0x7: {  	_ = 	snop  }
__scs_overlays_trampoline_lowered:
0x8: {  	[smem:$0x3FA6] =	sst s0  }
0x9: {  	[smem:$0x3FA7] =	sst s1  }
0xa: {  	[smem:$0x3FA8] =	sst s2  }
0xb: {  	[smem:$0x3FA9] =	sst s3  }
0xc: {  	[smem:$0x3FAA] =	sst s4  }
0xd: {  	[smem:$0x3FAB] =	sst s5  }
0xe: {  	[smem:$0x3FAC] =	sst s6  }
0xf: {  	[smem:$0x3FAD] =	sst s7  }
0x10: {  	[smem:$0x3FAE] =	sst s8  }
0x11: {  	[smem:$0x3FAF] =	sst s9;
	s0 =	simm.s32 @!p0 $0x0  }
0x12: {  	s1 =	sld [smem:$0x3F95];
	s0 =	simm.s32 @p0 $0x1  }
0x13: {  	[smem:$0x3FB0] =	sst s0;
	s0 =	simm.s32 @!p1 $0x0  }
0x14: {  	s2 =	sld [smem:$0x3F94];
	s0 =	simm.s32 @p1 $0x1  }
0x15: {  	[smem:$0x3FB1] =	sst s0;
	s0 =	simm.s32 @!p2 $0x0  }
0x16: {  	s3 =	sld [smem:$0x3FDB];
	s0 =	simm.s32 @p2 $0x1  }
0x17: {  	s4 =	simm.s32 $0x1BF5;
	[smem:$0x3FB3] =	sst s0  }
0x18: {  	s0 =	sld [smem:$0x3F96];
	_ =	swait.ge [sflag:s4], $0x0  }
0x19: {  	s7 =	sld [smem:$0x3F97]  }
0x1a: {  	s8 =	sadd.s32 $0xFFFFE003, lr  }
0x1b: {  	s9 =	sadd.s32 $0xFFFFFEF7, lr;
	s5 =	simm.s32 $0xFFFFFFFF;
	p2 =	slt.u32 s8, $0xFFFFF086  }
0x1c: {  	p1 =	slt.u32 s9, $0xF7A;
	s5 =	simm.s32 @!p2 $0x0  }
0x1d: {  	s5 =	simm.s32 @p1 $0x1;
	p0 =	seq.s32 s7, s2  }
0x1e: {  	s7 =	smul.u32 @!p0 $0xF7A, s2;
	p2 =	seq.s32 @!p0 s5, $0x0  }
0x1f: {  	s9 =	smul.u32 $0xF7A, s1;
	s8 =	simm.s32 @!p0 $0x1BF5;
	p2 =	por !p2, p0  }
0x20: {  	[sflag:s8] =	ssyncset.s32 @!p0 $0xFFFFF086;
	s6 =	sadd.s32 @!p0 s3, s7;
	s7 =	simm.s32 @!p0 $0x108  }
0x21: {  	s3 =	sadd.s32 s3, s9;
	s6 =	sadd.s32 @!p0 $0x88, s6;
	s7 =	simm.s32 @p2 $0x1082  }
0x22: {  	[simem:s7], [sflag:s8] =	dma.local @!p0 [hbm:s6], $0xF7A  }
0x23: {  	s9 =	sor.u32 $0xD0000000, s2;
	s6 =	simm.s32 $0x108;
	_ =	swait.ge @!p0 [sflag:s8], $0x0  }
0x24: {  	s3 =	sadd.s32 $0x88, s3;
	s6 =	simm.s32 @!p1 $0x1082;
	[sflag:s4] =	ssyncset.s32 $0xFFFFF086  }
0x25: {  	[simem:s6], [sflag:s4] =	dma.local [hbm:s3], $0xF7A  }
0x26: {  	[smem:$0x3F97] =	sst s1;
	(tag) =	ssettag s2;
	_ =	strace s9  }
0x27: {  	s1 =	sld [smem:$0x3FA7]  }
0x28: {  	s2 =	sld [smem:$0x3FA8]  }
0x29: {  	s4 =	sld [smem:$0x3FAA]  }
0x2a: {  	p0 =	seq.s32 s5, $0x0;
	s5 =	sld [smem:$0x3FAB]  }
0x2b: {  	s6 =	sld [smem:$0x3FAC]  }
0x2c: {  	s7 =	sld [smem:$0x3FAD]  }
0x2d: {  	s3 =	simm.s32 $0x108;
	s8 =	sld [smem:$0x3FAE]  }
0x2e: {  	s3 =	simm.s32 @!p0 $0x1082;
	s9 =	sld [smem:$0x3FAF]  }
0x2f: {  	lr =	sadd.s32 s0, s3;
	s0 =	sld [smem:$0x3FA6]  }
0x30: {  	s3 =	sld [smem:$0x3FA9]  }
0x31: {  	[smem:$0x3FB2] =	sst s10  }
0x32: {  	s10 =	sld [smem:$0x3FB0];
	_ =	sdelay $0x3  }
0x33: {  	p0 =	seq.s32 s10, $0x1;
	s10 =	sld [smem:$0x3FB2];
	_ =	sdelay $0x3  }
0x34: {  	[smem:$0x3FB2] =	sst s10  }
0x35: {  	s10 =	sld [smem:$0x3FB1];
	_ =	sdelay $0x3  }
0x36: {  	p1 =	seq.s32 s10, $0x1;
	s10 =	sld [smem:$0x3FB2];
	_ =	sdelay $0x3  }
0x37: {  	[smem:$0x3FB2] =	sst s10  }
0x38: {  	s10 =	sld [smem:$0x3FB3]  }
0x39: {  	_ = 	snop;
	(pc) =	sbr.ind lr, $3  }
0x3a: {  	_ = 	snop  }
0x3b: {  	_ = 	snop  }
0x3c: {  	p2 =	seq.s32 s10, $0x1;
	s10 =	sld [smem:$0x3FB2]  }
0x3d: {  	_ =	shalt  }
0x3e: {  	_ =	shalt  }
0x3f: {  	_ =	shalt  }
0x40: {  	_ =	shalt  }
0x41: {  	_ =	shalt  }
0x42: {  	_ =	shalt  }
0x43: {  	_ =	shalt  }
0x44: {  	_ =	shalt  }
0x45: {  	_ =	shalt  }
0x46: {  	_ =	shalt  }
0x47: {  	_ =	shalt  }
0x48: {  	_ =	shalt  }
0x49: {  	_ =	shalt  }
0x4a: {  	_ =	shalt  }
0x4b: {  	_ =	shalt  }
0x4c: {  	_ =	shalt  }
0x4d: {  	_ =	shalt  }
0x4e: {  	_ =	shalt  }
0x4f: {  	_ =	shalt  }
0x50: {  	_ =	shalt  }
0x51: {  	_ =	shalt  }
0x52: {  	_ =	shalt  }
0x53: {  	_ =	shalt  }
0x54: {  	_ =	shalt  }
0x55: {  	_ =	shalt  }
0x56: {  	_ =	shalt  }
0x57: {  	_ =	shalt  }
0x58: {  	_ =	shalt  }
0x59: {  	_ =	shalt  }
0x5a: {  	_ =	shalt  }
0x5b: {  	_ =	shalt  }
0x5c: {  	_ =	shalt  }
0x5d: {  	_ =	shalt  }
0x5e: {  	_ =	shalt  }
0x5f: {  	_ =	shalt  }
0x60: {  	_ =	shalt  }
0x61: {  	_ =	shalt  }
0x62: {  	_ =	shalt  }
0x63: {  	_ =	shalt  }
0x64: {  	_ =	shalt  }
0x65: {  	_ =	shalt  }
0x66: {  	_ =	shalt  }
0x67: {  	_ =	shalt  }
0x68: {  	_ =	shalt  }
0x69: {  	_ =	shalt  }
0x6a: {  	_ =	shalt  }
0x6b: {  	_ =	shalt  }
0x6c: {  	_ =	shalt  }
0x6d: {  	_ =	shalt  }
0x6e: {  	_ =	shalt  }
0x6f: {  	_ =	shalt  }
0x70: {  	_ =	shalt  }
0x71: {  	_ =	shalt  }
0x72: {  	_ =	shalt  }
0x73: {  	_ =	shalt  }
0x74: {  	_ =	shalt  }
0x75: {  	_ =	shalt  }
0x76: {  	_ =	shalt  }
0x77: {  	_ =	shalt  }
0x78: {  	_ =	shalt  }
0x79: {  	_ =	shalt  }
0x7a: {  	_ =	shalt  }
0x7b: {  	_ =	shalt  }
0x7c: {  	_ =	shalt  }
0x7d: {  	_ =	shalt  }
0x7e: {  	_ =	shalt  }
0x7f: {  	_ =	shalt  }
0x80: {  	_ =	shalt  }
0x81: {  	_ =	shalt  }
0x82: {  	_ =	shalt  }
0x83: {  	_ =	shalt  }
0x84: {  	_ =	shalt  }
0x85: {  	_ =	shalt  }
0x86: {  	_ =	shalt  }
0x87: {  	_ =	shalt  }
.Lfunc_end0:
.L_simem_size_0:
called_computation.2_lowered:
.L_overlay_start_0:
0x88: {  	s2 =	sld [smem:$0x3FD9]  }
0x89: {  	s3 =	sld [smem:$0x3FFE];
	_ =	sdelay $0x1  }
0x8a: {  	s1 =	srdreg.scid  }
0x8b: {  	s0 =	sand.u32 $0x1, s1  }
0x8c: {  	s17 =	sshll.u32 s0, $0xA;
	s2 =	sadd.s32 s3, s2  }
0x8d: {  	s2 =	sadd.s32 s2, s17  }
0x8e: {  	[smem:$0x3FBE] =	sst s2  }
0x8f: {  	_ = 	snop  }
0x90: {  	s2 =	sld [smem:$0x3FD0];
	(tm) =	ssettm $0x1  }
0x91: {  	s18 =	sld [smem:$0x3FFB];
	_ =	sdelay $0x3  }
0x92: {  	_ =	strace s18  }
0x93: {  	s3 =	sld [smem:$0x3FFC];
	_ =	sdelay $0x3  }
0x94: {  	_ =	strace s3  }
0x95: {  	s3 =	sld [smem:$0x3FFD];
	_ =	sdelay $0x3  }
0x96: {  	_ =	strace s3  }
0x97: {  	_ =	strace $0x8FFFFFFF  }
0x98: {  	s19 =	sld [smem:$0x3FDB];
	_ =	sdelay $0x1  }
0x99: {  	s4 =	simm.s32 $_scs_section_size  }
0x9a: {  	s5 =	simm.s32 $_size__tile_overlayer_lowered;
	s6 =	simm.s32 $_tile_overlayer_lowered  }
0x9b: {  	s22 =	simm.s32 $0x1BFF;
	s21 =	sshll.u32 s6, $0x1;
	s3 =	sadd.s32 s4, s19  }
0x9c: {  	s7 =	simm.s32 $0x0;
	s20 =	sshll.u32 s5, $0x1;
	s5 =	sadd.s32 s21, s3  }
0x9d: {  	[timem:s7], [sflag:s22] =	dma.local [hbm:s5], s20  }
0x9e: {  	_ =	swait.ge [sflag:s22], s20  }
0x9f: {  	s4 =	ssub.s32 $0x0, s20;
	[sflag:s22] =	ssyncset.done $0x0  }
0xa0: {  	[sflag:s22] =	ssyncadd.s32 s4;
	_ =	sdelay $0x1  }
0xa1: {  	s23 =	simm.s32 $0x1B8B  }
0xa2: {  	_ =	swait.ge [sflag:s23], $0x1  }
0xa3: {  	[sflag:s23] =	ssyncset.done $0x0  }
0xa4: {  	s25 =	simm.s32 $0x1B8E;
	s24 =	sld [smem:$0x3FFE];
	[sflag:s23] =	ssyncadd.s32 $0xFFFFFFFF  }
0xa5: {  	s26 =	simm.s32 $execute0_lowered;
	[smem:$0x3FD2] =	sst s25  }
0xa6: {  	s5 =	sshll.u32 s26, $0x1;
	_ =	strace $0x8000004C;
	[dreg:$0x1] =	wrdreg $0xFFFFFFFF  }
0xa7: {  	s28 =	simm.s32 $_size_execute0_lowered;
	s3 =	sadd.s32 s3, s5;
	[dreg:$0x0] =	wrdreg $0x0  }
0xa8: {  	s5 =	sshll.u32 s28, $0x1;
	[dreg:$0x2] =	wrdreg s3  }
0xa9: {  	[dreg:$0x3] =	wrdreg s5  }
0xaa: {  	[dreg:$0x4] =	wrdreg $0xC0  }
0xab: {  	_ =	task [dreg:s7], $0x5FFFF  }
0xac: {  	[dreg:$0x1] =	wrdreg $0xFFFFFFFF  }
0xad: {  	[dreg:$0x0] =	wrdreg $0x60  }
0xae: {  	[dreg:$0x2] =	wrdreg s24  }
0xaf: {  	[dreg:$0x3] =	wrdreg s2  }
0xb0: {  	[dreg:$0x4] =	wrdreg $0xB8000  }
0xb1: {  	[dreg:$0x5] =	wrdreg $0x9  }
0xb2: {  	_ =	task.clear_ibuf [dreg:s7], $0x6FFFF;
	_ =	strace $0x9000004C  }
0xb3: {  	s29 =	simm.s32 $0x9;
	_ =	strace $0x8000004E  }
0xb4: {  	_ =	swait.ge [sflag:s29], $0x1  }
0xb5: {  	[sflag:s29] =	ssyncadd.s32 $0xFFFFFFFF  }
0xb6: {  	_ =	strace $0x9000004E  }
0xb7: {  	_ =	sfence  }
0xb8: {  	s30 =	sld [smem:$0x0];
	_ =	sdelay $0x2  }
0xb9: {  	s31 =	sshll.u32 s1, $0xD;
	s1 =	sshrl.u32 s1, $0x2  }
0xba: {  	s3 =	sand.u32 $0x4000, s31;
	s1 =	sadd.s32 s1, s30  }
0xbb: {  	s0 =	sor.u32 s3, s0;
	s1 =	sshll.u32 s1, $0x11  }
0xbc: {  	s0 =	sor.u32 s1, s0  }
0xbd: {  	s0 =	sadd.s32 $0x8F2B, s0  }
0xbe: {  	[sflag:s0] =	ssyncadd.remote.s32 $0x1  }
0xbf: {  	_ =	sfence.sel $0xFFFF  }
0xc0: {  	[dreg:$0x0] =	wrdreg $0xFFFFFFFF;
	(pc) =	sbr.abs _section_cstart, $3  }
0xc1: {  	[dreg:$0x1] =	wrdreg $0xFFFFFFFF  }
0xc2: {  	_ =	task.clear_ibuf [dreg:s7], $0x2FFFF;
	_ =	strace $0x9FFFFFFF  }
0xc3: {  	(tm) =	ssettm $0x7FFFFFFF  }
tec
execute0_lowered:
.L_overlay_start_1:
0x0: {  	(tag) =	ssettag $0x1  }
0x1: {  	s0 =	rddreg [dreg:$0x0]  }
0x2: {  	s2 =	rddreg [dreg:$0x1]  }
0x3: {  	s1 =	rddreg [dreg:$0x2]  }
0x4: {  	s3 =	simm.s32 $0x0;
	s4 =	srdreg.scid;
	s10 =	stileid.u32  }
0x5: {  	s16 =	simm.s32 $0x7;
	s17 =	simm.s32 $0x1400;
	s18 =	simm.s32 $0x60  }
0x6: {  	s19 =	simm.s32 $0x2800;
	s20 =	simm.s32 $0x80;
	s21 =	simm.s32 $0x5800  }
0x7: {  	s28 =	simm.s32 $0x4;
	s29 =	simm.s32 $0x3;
	s30 =	simm.s32 $0x5  }
0x8: {  	s31 =	simm.s32 $0x6;
	[smem:$0x7FF] =	sst s3;
	s6 =	smul.u32 $0x50000, s10  }
0x9: {  	s5 =	sand.u32 $0x1, s4;
	s4 =	sadd.s32 $0x64400, s0;
	s14 =	smul.u32 $0x2800, s10  }
0xa: {  	s11 =	sadd.s32 $0x5400, s0;
	s23 =	sshll.u32 s10, $0x6;
	_ =	strace $0x8000004D  }
0xb: {  	s7 =	sshll.u32 s5, $0x4;
	s8 =	ssub.s32 $0x2, s5;
	p0 =	seq.s32 s5, $0x1  }
0xc: {  	s5 =	simm.s32 $0xB4400;
	s7 =	sor.u32 s10, s7;
	s9 =	sshrl.u32 s8, $0x1  }
0xd: {  	s6 =	sshrl.u32 s6, $0x2;
	s22 =	sadd.s32 s4, s14;
	s5 =	simm.s32 @!p0 $0x8C400  }
0xe: {  	s7 =	smul.u32 $0x3C00, s7;
	s13 =	ssub.s32 s8, s9;
	s15 =	sadd.s32 s6, s1  }
0xf: {  	[dreg:$0x4] =	wrdreg s22;
	s6 =	sor.u32 $0x1C07, s23;
	s0 =	sadd.s32 s5, s0  }
0x10: {  	s22 =	simm.s32 $0x1;
	s23 =	simm.s32 $0x100;
	s13 =	smax.u32 s13, $0x1  }
0x11: {  	s14 =	sadd.s32 s0, s14;
	s15 =	sshrl.u32 s15, $0x3;
	s7 =	sshrl.u32 s7, $0x3  }
0x12: {  	s0 =	simm.s32 $0x2580;
	s24 =	sadd.s32 s11, s7;
	s25 =	sadd.s32 s2, s7  }
0x13: {  	s26 =	sadd.s32 $0x280, s7;
	s7 =	sadd.s32 $0x500, s7;
	[dreg:$0x5] =	wrdreg s24  }
0x14: {  	[dreg:$0x6] =	wrdreg s25;
	s9 =	sadd.s32 s11, s26;
	s10 =	sadd.s32 s2, s26  }
0x15: {  	s11 =	sadd.s32 s11, s7;
	s12 =	sadd.s32 s2, s7;
	s24 =	simm.s32 $0x8800  }
0x16: {  	s25 =	simm.s32 $0x2;
	s26 =	simm.s32 $0x1480;
	s2 =	simm.s32 $0x0  }
.LBB2_1:
0x17: {  	s5 =	rddreg [dreg:$0x4]  }
0x18: {  	[spmem:s15], [sflag:s6] =	dma.local [hbm:s5], $0x2800  }
0x19: {  	_ =	swait.ge [sflag:s16], $0x2800  }
0x1a: {  	[sflag:s16] =	ssyncset.done $0x0  }
0x1b: {  	[sflag:s16] =	ssyncadd.s32 $0xFFFFD800  }
0x1c: {  	[bflag:$0x0] =	sbarrier.arrive $0xFFFF  }
0x1d: {  	s8 =	rddreg [dreg:$0x5]  }
0x1e: {  	[tilespmem:s3], [sflag:$0x7] =	stream.linear.gather [hbm4b:s8+s3], $0x1200, $0x38;
	[tilespmem:$0x1F800] =	vst v63  }
0x1f: {  	_ =	swait.ge [sflag:s16], $0x1200  }
0x20: {  	[sflag:s16] =	ssyncset.done $0x0  }
0x21: {  	s7 =	rddreg [dreg:$0x6];
	[sflag:s16] =	ssyncadd.s32 $0xFFFFEE00  }
0x22: {  	[tilespmem:s17], [sflag:$0x7] =	stream.linear.gather [hbm4b:s7+s3], $0x1200, $0x38;
	[tilespmem:$0x1F800] =	vst v63  }
0x23: {  	_ =	swait.ge [sflag:s16], $0x1200  }
0x24: {  	[sflag:s16] =	ssyncset.done $0x0  }
0x25: {  	[sflag:s16] =	ssyncadd.s32 $0xFFFFEE00  }
0x26: {  	[tilespmem:s19], [sflag:$0x1] =	stream.indirect.gather [hbm4b:s4+s18], $0x80, s3, s18, $0xb8;
	[tilespmem:$0x1F800] =	vst v63  }
0x27: {  	_ = 	snop  }
0x28: {  	[tilespmem:s21], [sflag:$0x2] =	stream.indirect.gather [hbm4b:s4+s18], $0x80, s20, s18, $0xb8;
	[tilespmem:$0x1F800] =	vst v63  }
0x29: {  	_ =	swait.ge [sflag:s22], $0x3000  }
0x2a: {  	[sflag:s22] =	ssyncset.done $0x0  }
0x2b: {  	[sflag:s22] =	ssyncadd.s32 $0xFFFFD000  }
0x2c: {  	[spmem:s1] =	stream.indirect.scatter.add.f32 [tilespmem:s19], [sflag:$0x4], $0x80, s17, s18, $0xb8;
	[tilespmem:$0x1F800] =	vst v63  }
0x2d: {  	_ = 	snop  }
0x2e: {  	[tilespmem:s24], [sflag:$0x3] =	stream.indirect.gather [hbm4b:s4+s18], $0x80, s23, s18, $0xb8;
	[tilespmem:$0x1F800] =	vst v63  }
0x2f: {  	_ =	swait.ge [sflag:s25], $0x3000  }
0x30: {  	[sflag:s25] =	ssyncset.done $0x0  }
0x31: {  	[sflag:s25] =	ssyncadd.s32 $0xFFFFD000  }
0x32: {  	[spmem:s1] =	stream.indirect.scatter.add.f32 [tilespmem:s21], [sflag:$0x5], $0x80, s26, s18, $0xb8;
	[tilespmem:$0x1F800] =	vst v63  }
0x33: {  	_ =	swait.ge [sflag:s28], $0x3000  }
0x34: {  	[sflag:s28] =	ssyncset.done $0x0  }
0x35: {  	s8 =	simm.s32 $0x180;
	[sflag:s28] =	ssyncadd.s32 $0xFFFFD000  }
0x36: {  	[tilespmem:s19], [sflag:$0x1] =	stream.indirect.gather [hbm4b:s4+s18], $0x80, s8, s18, $0xb8;
	[tilespmem:$0x1F800] =	vst v63  }
0x37: {  	_ =	swait.ge [sflag:s29], $0x3000  }
0x38: {  	[sflag:s29] =	ssyncset.done $0x0  }
0x39: {  	s7 =	simm.s32 $0x1500;
	[sflag:s29] =	ssyncadd.s32 $0xFFFFD000  }
0x3a: {  	[spmem:s1] =	stream.indirect.scatter.add.f32 [tilespmem:s24], [sflag:$0x6], $0x80, s7, s18, $0xb8;
	[tilespmem:$0x1F800] =	vst v63  }
0x3b: {  	_ =	swait.ge [sflag:s30], $0x3000  }
0x3c: {  	[sflag:s30] =	ssyncset.done $0x0  }
0x3d: {  	s8 =	simm.s32 $0x200;
	[sflag:s30] =	ssyncadd.s32 $0xFFFFD000  }
0x3e: {  	[tilespmem:s21], [sflag:$0x2] =	stream.indirect.gather [hbm4b:s4+s18], $0x80, s8, s18, $0xb8;
	[tilespmem:$0x1F800] =	vst v63  }
0x3f: {  	_ =	swait.ge [sflag:s22], $0x3000  }
0x40: {  	[sflag:s22] =	ssyncset.done $0x0  }
0x41: {  	s7 =	simm.s32 $0x1580;
	[sflag:s22] =	ssyncadd.s32 $0xFFFFD000  }
0x42: {  	[spmem:s1] =	stream.indirect.scatter.add.f32 [tilespmem:s19], [sflag:$0x4], $0x80, s7, s18, $0xb8;
	[tilespmem:$0x1F800] =	vst v63  }
0x43: {  	_ =	swait.ge [sflag:s31], $0x3000  }
0x44: {  	[sflag:s31] =	ssyncset.done $0x0  }
0x45: {  	s8 =	simm.s32 $0x280;
	[sflag:s31] =	ssyncadd.s32 $0xFFFFD000  }
0x46: {  	[tilespmem:s24], [sflag:$0x3] =	stream.indirect.gather [hbm4b:s4+s18], $0x80, s8, s18, $0xb8;
	[tilespmem:$0x1F800] =	vst v63  }
0x47: {  	_ =	swait.ge [sflag:s25], $0x3000  }
0x48: {  	[sflag:s25] =	ssyncset.done $0x0  }
0x49: {  	s5 =	simm.s32 $0x600;
	s7 =	simm.s32 $0x1600;
	[sflag:s25] =	ssyncadd.s32 $0xFFFFD000  }
.LBB2_2:
0x4a: {  	[spmem:s1] =	stream.indirect.scatter.add.f32 [tilespmem:s21], [sflag:$0x5], $0x80, s7, s18, $0xb8;
	[tilespmem:$0x1F800] =	vst v63  }
0x4b: {  	s7 =	smov.u32 s5  }
0x4c: {  	p0 =	sne.s32 s5, $0x3C00;
	s5 =	sadd.s32 $0x600, s5;
	_ =	swait.ge [sflag:s28], $0x3000  }
0x4d: {  	s7 =	sshra.s32 s7, $0x2;
	[sflag:s28] =	ssyncset.done $0x0  }
0x4e: {  	s8 =	sadd.s32 $0x180, s7;
	[sflag:s28] =	ssyncadd.s32 $0xFFFFD000  }
0x4f: {  	[tilespmem:s19], [sflag:$0x1] =	stream.indirect.gather [hbm4b:s4+s18], $0x80, s8, s18, $0xb8;
	[tilespmem:$0x1F800] =	vst v63  }
0x50: {  	_ =	swait.ge [sflag:s29], $0x3000  }
0x51: {  	[sflag:s29] =	ssyncset.done $0x0  }
0x52: {  	s8 =	sadd.s32 $0x1500, s7;
	[sflag:s29] =	ssyncadd.s32 $0xFFFFD000  }
0x53: {  	[spmem:s1] =	stream.indirect.scatter.add.f32 [tilespmem:s24], [sflag:$0x6], $0x80, s8, s18, $0xb8;
	[tilespmem:$0x1F800] =	vst v63  }
0x54: {  	_ =	swait.ge [sflag:s30], $0x3000  }
0x55: {  	[sflag:s30] =	ssyncset.done $0x0  }
0x56: {  	s8 =	sadd.s32 $0x200, s7;
	[sflag:s30] =	ssyncadd.s32 $0xFFFFD000  }
0x57: {  	[tilespmem:s21], [sflag:$0x2] =	stream.indirect.gather [hbm4b:s4+s18], $0x80, s8, s18, $0xb8;
	[tilespmem:$0x1F800] =	vst v63  }
0x58: {  	_ =	swait.ge [sflag:s22], $0x3000  }
0x59: {  	[sflag:s22] =	ssyncset.done $0x0  }
0x5a: {  	s8 =	sadd.s32 $0x1580, s7;
	[sflag:s22] =	ssyncadd.s32 $0xFFFFD000  }
0x5b: {  	[spmem:s1] =	stream.indirect.scatter.add.f32 [tilespmem:s19], [sflag:$0x4], $0x80, s8, s18, $0xb8;
	[tilespmem:$0x1F800] =	vst v63  }
0x5c: {  	_ =	swait.ge [sflag:s31], $0x3000  }
0x5d: {  	[sflag:s31] =	ssyncset.done $0x0  }
.Ltmp0:
0x5e: {  	s8 =	sadd.s32 $0x280, s7;
	[sflag:s31] =	ssyncadd.s32 $0xFFFFD000;
	(pc) =	sbr.rel @p0 .LBB2_2-.Ltmp0, $4  }
0x5f: {  	[tilespmem:s24], [sflag:$0x3] =	stream.indirect.gather [hbm4b:s4+s18], $0x80, s8, s18, $0xb8;
	[tilespmem:$0x1F800] =	vst v63  }
0x60: {  	_ =	swait.ge [sflag:s25], $0x3000  }
0x61: {  	[sflag:s25] =	ssyncset.done $0x0  }
0x62: {  	s7 =	sadd.s32 $0x1600, s7;
	[sflag:s25] =	ssyncadd.s32 $0xFFFFD000  }
0x63: {  	[spmem:s1] =	stream.indirect.scatter.add.f32 [tilespmem:s21], [sflag:$0x5], $0x80, s7, s18, $0xb8;
	[tilespmem:$0x1F800] =	vst v63  }
0x64: {  	_ =	swait.ge [sflag:s29], $0x3000  }
0x65: {  	[sflag:s29] =	ssyncset.done $0x0  }
0x66: {  	[sflag:s29] =	ssyncadd.s32 $0xFFFFD000  }
0x67: {  	[spmem:s1] =	stream.indirect.scatter.add.f32 [tilespmem:s24], [sflag:$0x6], $0x80, s0, s18, $0xb8;
	[tilespmem:$0x1F800] =	vst v63  }
0x68: {  	_ =	swait.ge [sflag:s28], $0x3000  }
0x69: {  	[sflag:s28] =	ssyncset.done $0x0  }
0x6a: {  	[sflag:s28] =	ssyncadd.s32 $0xFFFFD000  }
0x6b: {  	_ =	swait.ge [sflag:s30], $0x3000  }
0x6c: {  	[sflag:s30] =	ssyncset.done $0x0  }
0x6d: {  	[sflag:s30] =	ssyncadd.s32 $0xFFFFD000  }
0x6e: {  	_ =	swait.ge [sflag:s31], $0x3000  }
0x6f: {  	[sflag:s31] =	ssyncset.done $0x0  }
0x70: {  	s5 =	simm.s32 $0x0;
	[sflag:s31] =	ssyncadd.s32 $0xFFFFD000  }
0x71: {  	[tilespmem:s5], [sflag:$0x7] =	stream.linear.gather [hbm4b:s9+s5], $0x1200, $0x38;
	[tilespmem:$0x1F800] =	vst v63  }
0x72: {  	_ =	swait.ge [sflag:s16], $0x1200  }
0x73: {  	[sflag:s16] =	ssyncset.done $0x0  }
0x74: {  	[sflag:s16] =	ssyncadd.s32 $0xFFFFEE00  }
0x75: {  	[tilespmem:s17], [sflag:$0x7] =	stream.linear.gather [hbm4b:s10+s5], $0x1200, $0x38;
	[tilespmem:$0x1F800] =	vst v63  }
0x76: {  	_ =	swait.ge [sflag:s16], $0x1200  }
0x77: {  	[sflag:s16] =	ssyncset.done $0x0  }
0x78: {  	[sflag:s16] =	ssyncadd.s32 $0xFFFFEE00  }
0x79: {  	[tilespmem:s19], [sflag:$0x1] =	stream.indirect.gather [hbm4b:s4+s18], $0x80, s5, s18, $0xb8;
	[tilespmem:$0x1F800] =	vst v63  }
0x7a: {  	_ = 	snop  }
0x7b: {  	[tilespmem:s21], [sflag:$0x2] =	stream.indirect.gather [hbm4b:s4+s18], $0x80, s20, s18, $0xb8;
	[tilespmem:$0x1F800] =	vst v63  }
0x7c: {  	_ =	swait.ge [sflag:s22], $0x3000  }
0x7d: {  	[sflag:s22] =	ssyncset.done $0x0  }
0x7e: {  	[sflag:s22] =	ssyncadd.s32 $0xFFFFD000  }
0x7f: {  	[spmem:s1] =	stream.indirect.scatter.add.f32 [tilespmem:s19], [sflag:$0x4], $0x80, s17, s18, $0xb8;
	[tilespmem:$0x1F800] =	vst v63  }
0x80: {  	_ = 	snop  }
0x81: {  	[tilespmem:s24], [sflag:$0x3] =	stream.indirect.gather [hbm4b:s4+s18], $0x80, s23, s18, $0xb8;
	[tilespmem:$0x1F800] =	vst v63  }
0x82: {  	_ =	swait.ge [sflag:s25], $0x3000  }
0x83: {  	[sflag:s25] =	ssyncset.done $0x0  }
0x84: {  	[sflag:s25] =	ssyncadd.s32 $0xFFFFD000  }
0x85: {  	[spmem:s1] =	stream.indirect.scatter.add.f32 [tilespmem:s21], [sflag:$0x5], $0x80, s26, s18, $0xb8;
	[tilespmem:$0x1F800] =	vst v63  }
0x86: {  	_ =	swait.ge [sflag:s28], $0x3000  }
0x87: {  	[sflag:s28] =	ssyncset.done $0x0  }
0x88: {  	s8 =	simm.s32 $0x180;
	[sflag:s28] =	ssyncadd.s32 $0xFFFFD000  }
0x89: {  	[tilespmem:s19], [sflag:$0x1] =	stream.indirect.gather [hbm4b:s4+s18], $0x80, s8, s18, $0xb8;
	[tilespmem:$0x1F800] =	vst v63  }
0x8a: {  	_ =	swait.ge [sflag:s29], $0x3000  }
0x8b: {  	[sflag:s29] =	ssyncset.done $0x0  }
0x8c: {  	s7 =	simm.s32 $0x1500;
	[sflag:s29] =	ssyncadd.s32 $0xFFFFD000  }
0x8d: {  	[spmem:s1] =	stream.indirect.scatter.add.f32 [tilespmem:s24], [sflag:$0x6], $0x80, s7, s18, $0xb8;
	[tilespmem:$0x1F800] =	vst v63  }
0x8e: {  	_ =	swait.ge [sflag:s30], $0x3000  }
0x8f: {  	[sflag:s30] =	ssyncset.done $0x0  }
0x90: {  	s8 =	simm.s32 $0x200;
	[sflag:s30] =	ssyncadd.s32 $0xFFFFD000  }
0x91: {  	[tilespmem:s21], [sflag:$0x2] =	stream.indirect.gather [hbm4b:s4+s18], $0x80, s8, s18, $0xb8;
	[tilespmem:$0x1F800] =	vst v63  }
0x92: {  	_ =	swait.ge [sflag:s22], $0x3000  }
0x93: {  	[sflag:s22] =	ssyncset.done $0x0  }
0x94: {  	s7 =	simm.s32 $0x1580;
	[sflag:s22] =	ssyncadd.s32 $0xFFFFD000  }
0x95: {  	[spmem:s1] =	stream.indirect.scatter.add.f32 [tilespmem:s19], [sflag:$0x4], $0x80, s7, s18, $0xb8;
	[tilespmem:$0x1F800] =	vst v63  }
0x96: {  	_ =	swait.ge [sflag:s31], $0x3000  }
0x97: {  	[sflag:s31] =	ssyncset.done $0x0  }
0x98: {  	s8 =	simm.s32 $0x280;
	[sflag:s31] =	ssyncadd.s32 $0xFFFFD000  }
0x99: {  	[tilespmem:s24], [sflag:$0x3] =	stream.indirect.gather [hbm4b:s4+s18], $0x80, s8, s18, $0xb8;
	[tilespmem:$0x1F800] =	vst v63  }
0x9a: {  	_ =	swait.ge [sflag:s25], $0x3000  }
0x9b: {  	[sflag:s25] =	ssyncset.done $0x0  }
0x9c: {  	s5 =	simm.s32 $0x600;
	s7 =	simm.s32 $0x1600;
	[sflag:s25] =	ssyncadd.s32 $0xFFFFD000  }
.LBB2_4:
0x9d: {  	[spmem:s1] =	stream.indirect.scatter.add.f32 [tilespmem:s21], [sflag:$0x5], $0x80, s7, s18, $0xb8;
	[tilespmem:$0x1F800] =	vst v63  }
0x9e: {  	s7 =	smov.u32 s5  }
0x9f: {  	p0 =	sne.s32 s5, $0x3C00;
	s5 =	sadd.s32 $0x600, s5;
	_ =	swait.ge [sflag:s28], $0x3000  }
0xa0: {  	s7 =	sshra.s32 s7, $0x2;
	[sflag:s28] =	ssyncset.done $0x0  }
0xa1: {  	s8 =	sadd.s32 $0x180, s7;
	[sflag:s28] =	ssyncadd.s32 $0xFFFFD000  }
0xa2: {  	[tilespmem:s19], [sflag:$0x1] =	stream.indirect.gather [hbm4b:s4+s18], $0x80, s8, s18, $0xb8;
	[tilespmem:$0x1F800] =	vst v63  }
0xa3: {  	_ =	swait.ge [sflag:s29], $0x3000  }
0xa4: {  	[sflag:s29] =	ssyncset.done $0x0  }
0xa5: {  	s8 =	sadd.s32 $0x1500, s7;
	[sflag:s29] =	ssyncadd.s32 $0xFFFFD000  }
0xa6: {  	[spmem:s1] =	stream.indirect.scatter.add.f32 [tilespmem:s24], [sflag:$0x6], $0x80, s8, s18, $0xb8;
	[tilespmem:$0x1F800] =	vst v63  }
0xa7: {  	_ =	swait.ge [sflag:s30], $0x3000  }
0xa8: {  	[sflag:s30] =	ssyncset.done $0x0  }
0xa9: {  	s8 =	sadd.s32 $0x200, s7;
	[sflag:s30] =	ssyncadd.s32 $0xFFFFD000  }
0xaa: {  	[tilespmem:s21], [sflag:$0x2] =	stream.indirect.gather [hbm4b:s4+s18], $0x80, s8, s18, $0xb8;
	[tilespmem:$0x1F800] =	vst v63  }
0xab: {  	_ =	swait.ge [sflag:s22], $0x3000  }
0xac: {  	[sflag:s22] =	ssyncset.done $0x0  }
0xad: {  	s8 =	sadd.s32 $0x1580, s7;
	[sflag:s22] =	ssyncadd.s32 $0xFFFFD000  }
0xae: {  	[spmem:s1] =	stream.indirect.scatter.add.f32 [tilespmem:s19], [sflag:$0x4], $0x80, s8, s18, $0xb8;
	[tilespmem:$0x1F800] =	vst v63  }
0xaf: {  	_ =	swait.ge [sflag:s31], $0x3000  }
0xb0: {  	[sflag:s31] =	ssyncset.done $0x0  }
.Ltmp1:
0xb1: {  	s8 =	sadd.s32 $0x280, s7;
	[sflag:s31] =	ssyncadd.s32 $0xFFFFD000;
	(pc) =	sbr.rel @p0 .LBB2_4-.Ltmp1, $4  }
0xb2: {  	[tilespmem:s24], [sflag:$0x3] =	stream.indirect.gather [hbm4b:s4+s18], $0x80, s8, s18, $0xb8;
	[tilespmem:$0x1F800] =	vst v63  }
0xb3: {  	_ =	swait.ge [sflag:s25], $0x3000  }
0xb4: {  	[sflag:s25] =	ssyncset.done $0x0  }
0xb5: {  	s7 =	sadd.s32 $0x1600, s7;
	[sflag:s25] =	ssyncadd.s32 $0xFFFFD000  }
0xb6: {  	[spmem:s1] =	stream.indirect.scatter.add.f32 [tilespmem:s21], [sflag:$0x5], $0x80, s7, s18, $0xb8;
	[tilespmem:$0x1F800] =	vst v63  }
0xb7: {  	_ =	swait.ge [sflag:s29], $0x3000  }
0xb8: {  	[sflag:s29] =	ssyncset.done $0x0  }
0xb9: {  	[sflag:s29] =	ssyncadd.s32 $0xFFFFD000  }
0xba: {  	[spmem:s1] =	stream.indirect.scatter.add.f32 [tilespmem:s24], [sflag:$0x6], $0x80, s0, s18, $0xb8;
	[tilespmem:$0x1F800] =	vst v63  }
0xbb: {  	_ =	swait.ge [sflag:s28], $0x3000  }
0xbc: {  	[sflag:s28] =	ssyncset.done $0x0  }
0xbd: {  	[sflag:s28] =	ssyncadd.s32 $0xFFFFD000  }
0xbe: {  	_ =	swait.ge [sflag:s30], $0x3000  }
0xbf: {  	[sflag:s30] =	ssyncset.done $0x0  }
0xc0: {  	[sflag:s30] =	ssyncadd.s32 $0xFFFFD000  }
0xc1: {  	_ =	swait.ge [sflag:s31], $0x3000  }
0xc2: {  	[sflag:s31] =	ssyncset.done $0x0  }
0xc3: {  	s5 =	simm.s32 $0x0;
	[sflag:s31] =	ssyncadd.s32 $0xFFFFD000  }
0xc4: {  	[tilespmem:s5], [sflag:$0x7] =	stream.linear.gather [hbm4b:s11+s5], $0x1200, $0x38;
	[tilespmem:$0x1F800] =	vst v63  }
0xc5: {  	_ =	swait.ge [sflag:s16], $0x1200  }
0xc6: {  	[sflag:s16] =	ssyncset.done $0x0  }
0xc7: {  	[sflag:s16] =	ssyncadd.s32 $0xFFFFEE00  }
0xc8: {  	[tilespmem:s17], [sflag:$0x7] =	stream.linear.gather [hbm4b:s12+s5], $0x1200, $0x38;
	[tilespmem:$0x1F800] =	vst v63  }
0xc9: {  	_ =	swait.ge [sflag:s16], $0x1200  }
0xca: {  	[sflag:s16] =	ssyncset.done $0x0  }
0xcb: {  	[sflag:s16] =	ssyncadd.s32 $0xFFFFEE00  }
0xcc: {  	[tilespmem:s19], [sflag:$0x1] =	stream.indirect.gather [hbm4b:s4+s18], $0x80, s5, s18, $0xb8;
	[tilespmem:$0x1F800] =	vst v63  }
0xcd: {  	_ = 	snop  }
0xce: {  	[tilespmem:s21], [sflag:$0x2] =	stream.indirect.gather [hbm4b:s4+s18], $0x80, s20, s18, $0xb8;
	[tilespmem:$0x1F800] =	vst v63  }
0xcf: {  	_ =	swait.ge [sflag:s22], $0x3000  }
0xd0: {  	[sflag:s22] =	ssyncset.done $0x0  }
0xd1: {  	[sflag:s22] =	ssyncadd.s32 $0xFFFFD000  }
0xd2: {  	[spmem:s1] =	stream.indirect.scatter.add.f32 [tilespmem:s19], [sflag:$0x4], $0x80, s17, s18, $0xb8;
	[tilespmem:$0x1F800] =	vst v63  }
0xd3: {  	_ = 	snop  }
0xd4: {  	[tilespmem:s24], [sflag:$0x3] =	stream.indirect.gather [hbm4b:s4+s18], $0x80, s23, s18, $0xb8;
	[tilespmem:$0x1F800] =	vst v63  }
0xd5: {  	_ =	swait.ge [sflag:s25], $0x3000  }
0xd6: {  	[sflag:s25] =	ssyncset.done $0x0  }
0xd7: {  	[sflag:s25] =	ssyncadd.s32 $0xFFFFD000  }
0xd8: {  	[spmem:s1] =	stream.indirect.scatter.add.f32 [tilespmem:s21], [sflag:$0x5], $0x80, s26, s18, $0xb8;
	[tilespmem:$0x1F800] =	vst v63  }
0xd9: {  	_ =	swait.ge [sflag:s28], $0x3000  }
0xda: {  	[sflag:s28] =	ssyncset.done $0x0  }
0xdb: {  	s8 =	simm.s32 $0x180;
	[sflag:s28] =	ssyncadd.s32 $0xFFFFD000  }
0xdc: {  	[tilespmem:s19], [sflag:$0x1] =	stream.indirect.gather [hbm4b:s4+s18], $0x80, s8, s18, $0xb8;
	[tilespmem:$0x1F800] =	vst v63  }
0xdd: {  	_ =	swait.ge [sflag:s29], $0x3000  }
0xde: {  	[sflag:s29] =	ssyncset.done $0x0  }
0xdf: {  	s7 =	simm.s32 $0x1500;
	[sflag:s29] =	ssyncadd.s32 $0xFFFFD000  }
0xe0: {  	[spmem:s1] =	stream.indirect.scatter.add.f32 [tilespmem:s24], [sflag:$0x6], $0x80, s7, s18, $0xb8;
	[tilespmem:$0x1F800] =	vst v63  }
0xe1: {  	_ =	swait.ge [sflag:s30], $0x3000  }
0xe2: {  	[sflag:s30] =	ssyncset.done $0x0  }
0xe3: {  	s8 =	simm.s32 $0x200;
	[sflag:s30] =	ssyncadd.s32 $0xFFFFD000  }
0xe4: {  	[tilespmem:s21], [sflag:$0x2] =	stream.indirect.gather [hbm4b:s4+s18], $0x80, s8, s18, $0xb8;
	[tilespmem:$0x1F800] =	vst v63  }
0xe5: {  	_ =	swait.ge [sflag:s22], $0x3000  }
0xe6: {  	[sflag:s22] =	ssyncset.done $0x0  }
0xe7: {  	s7 =	simm.s32 $0x1580;
	[sflag:s22] =	ssyncadd.s32 $0xFFFFD000  }
0xe8: {  	[spmem:s1] =	stream.indirect.scatter.add.f32 [tilespmem:s19], [sflag:$0x4], $0x80, s7, s18, $0xb8;
	[tilespmem:$0x1F800] =	vst v63  }
0xe9: {  	_ =	swait.ge [sflag:s31], $0x3000  }
0xea: {  	[sflag:s31] =	ssyncset.done $0x0  }
0xeb: {  	s8 =	simm.s32 $0x280;
	[sflag:s31] =	ssyncadd.s32 $0xFFFFD000  }
0xec: {  	[tilespmem:s24], [sflag:$0x3] =	stream.indirect.gather [hbm4b:s4+s18], $0x80, s8, s18, $0xb8;
	[tilespmem:$0x1F800] =	vst v63  }
0xed: {  	_ =	swait.ge [sflag:s25], $0x3000  }
0xee: {  	[sflag:s25] =	ssyncset.done $0x0  }
0xef: {  	s5 =	simm.s32 $0x600;
	s7 =	simm.s32 $0x1600;
	[sflag:s25] =	ssyncadd.s32 $0xFFFFD000  }
.LBB2_6:
0xf0: {  	[spmem:s1] =	stream.indirect.scatter.add.f32 [tilespmem:s21], [sflag:$0x5], $0x80, s7, s18, $0xb8;
	[tilespmem:$0x1F800] =	vst v63  }
0xf1: {  	s7 =	smov.u32 s5  }
0xf2: {  	p0 =	sne.s32 s5, $0x3C00;
	s5 =	sadd.s32 $0x600, s5;
	_ =	swait.ge [sflag:s28], $0x3000  }
0xf3: {  	s7 =	sshra.s32 s7, $0x2;
	[sflag:s28] =	ssyncset.done $0x0  }
0xf4: {  	s8 =	sadd.s32 $0x180, s7;
	[sflag:s28] =	ssyncadd.s32 $0xFFFFD000  }
0xf5: {  	[tilespmem:s19], [sflag:$0x1] =	stream.indirect.gather [hbm4b:s4+s18], $0x80, s8, s18, $0xb8;
	[tilespmem:$0x1F800] =	vst v63  }
0xf6: {  	_ =	swait.ge [sflag:s29], $0x3000  }
0xf7: {  	[sflag:s29] =	ssyncset.done $0x0  }
0xf8: {  	s8 =	sadd.s32 $0x1500, s7;
	[sflag:s29] =	ssyncadd.s32 $0xFFFFD000  }
0xf9: {  	[spmem:s1] =	stream.indirect.scatter.add.f32 [tilespmem:s24], [sflag:$0x6], $0x80, s8, s18, $0xb8;
	[tilespmem:$0x1F800] =	vst v63  }
0xfa: {  	_ =	swait.ge [sflag:s30], $0x3000  }
0xfb: {  	[sflag:s30] =	ssyncset.done $0x0  }
0xfc: {  	s8 =	sadd.s32 $0x200, s7;
	[sflag:s30] =	ssyncadd.s32 $0xFFFFD000  }
0xfd: {  	[tilespmem:s21], [sflag:$0x2] =	stream.indirect.gather [hbm4b:s4+s18], $0x80, s8, s18, $0xb8;
	[tilespmem:$0x1F800] =	vst v63  }
0xfe: {  	_ =	swait.ge [sflag:s22], $0x3000  }
0xff: {  	[sflag:s22] =	ssyncset.done $0x0  }
0x100: {  	s8 =	sadd.s32 $0x1580, s7;
	[sflag:s22] =	ssyncadd.s32 $0xFFFFD000  }
0x101: {  	[spmem:s1] =	stream.indirect.scatter.add.f32 [tilespmem:s19], [sflag:$0x4], $0x80, s8, s18, $0xb8;
	[tilespmem:$0x1F800] =	vst v63  }
0x102: {  	_ =	swait.ge [sflag:s31], $0x3000  }
0x103: {  	[sflag:s31] =	ssyncset.done $0x0  }
.Ltmp2:
0x104: {  	s8 =	sadd.s32 $0x280, s7;
	[sflag:s31] =	ssyncadd.s32 $0xFFFFD000;
	(pc) =	sbr.rel @p0 .LBB2_6-.Ltmp2, $4  }
0x105: {  	[tilespmem:s24], [sflag:$0x3] =	stream.indirect.gather [hbm4b:s4+s18], $0x80, s8, s18, $0xb8;
	[tilespmem:$0x1F800] =	vst v63  }
0x106: {  	_ =	swait.ge [sflag:s25], $0x3000  }
0x107: {  	[sflag:s25] =	ssyncset.done $0x0  }
0x108: {  	s7 =	sadd.s32 $0x1600, s7;
	[sflag:s25] =	ssyncadd.s32 $0xFFFFD000  }
0x109: {  	[spmem:s1] =	stream.indirect.scatter.add.f32 [tilespmem:s21], [sflag:$0x5], $0x80, s7, s18, $0xb8;
	[tilespmem:$0x1F800] =	vst v63  }
0x10a: {  	_ =	swait.ge [sflag:s29], $0x3000  }
0x10b: {  	[sflag:s29] =	ssyncset.done $0x0  }
0x10c: {  	[sflag:s29] =	ssyncadd.s32 $0xFFFFD000  }
0x10d: {  	[spmem:s1] =	stream.indirect.scatter.add.f32 [tilespmem:s24], [sflag:$0x6], $0x80, s0, s18, $0xb8;
	[tilespmem:$0x1F800] =	vst v63  }
0x10e: {  	_ =	swait.ge [sflag:s28], $0x3000  }
0x10f: {  	[sflag:s28] =	ssyncset.done $0x0  }
0x110: {  	[sflag:s28] =	ssyncadd.s32 $0xFFFFD000  }
0x111: {  	_ =	swait.ge [sflag:s30], $0x3000  }
0x112: {  	[sflag:s30] =	ssyncset.done $0x0  }
0x113: {  	[sflag:s30] =	ssyncadd.s32 $0xFFFFD000  }
0x114: {  	_ =	swait.ge [sflag:s31], $0x3000  }
0x115: {  	s2 =	sadd.s32 $0x1, s2;
	[sflag:s31] =	ssyncset.done $0x0  }
0x116: {  	p0 =	sne.s32 s2, s13;
	[sflag:s31] =	ssyncadd.s32 $0xFFFFD000  }
.Ltmp3:
0x117: {  	[bflag:$0x0] =	sbarrier.arrive $0xFFFF;
	(pc) =	sbr.rel @p0 .LBB2_1-.Ltmp3, $4  }
0x118: {  	[hbm:s14], [sflag:s6] =	dma.local [spmem:s15], $0x2800  }
0x119: {  	_ =	swait.ge [sflag:s16], $0x2800  }
0x11a: {  	[sflag:s16] =	ssyncset.done $0x0  }
0x11b: {  	[sflag:s16] =	ssyncadd.s32 $0xFFFFD800  }
0x11c: {  	_ =	sfence.sel $0x180000  }
0x11d: {  	[bflag:$0x0] =	sbarrier.arrive $0xFFFF  }
0x11e: {  	_ =	strace $0x9000004D  }
0x11f: {  	s0 =	stileid.u32;
	[bflag:$0x2] =	sbarrier.arrive $0xFFFF  }
0x120: {  	p0 =	sne.s32 s0, $0x0;
	s0 =	rddreg [dreg:$0x3]  }
0x121: {  	s0 =	sadd.s32 @!p0 $0x100000, s0  }
0x122: {  	[sflag:s0] =	ssyncadd.tile.s32 @!p0 $0x1;
	_ =	shalt  }
.Lfunc_end2:
_tile_overlayer_lowered:
.L_overlay_start_2:
0x123: {  	(tag) =	ssettag $0x2  }
0x124: {  	s0 =	rddreg [dreg:$0x0];
	s2 =	stileid.u32  }
0x125: {  	s1 =	rddreg [dreg:$0x1];
	p0 =	sne.s32 s2, $0x0  }
0x126: {  	s3 =	rddreg [dreg:$0x2];
	[bflag:$0x3] =	sbarrier.arrive $0xFFFF;
	s2 =	simm.s32 @!p0 $0x1C07  }
0x127: {  	[timem:s3], [sflag:s2] =	dma.local @!p0 [hbm:s0], s1  }
0x128: {  	s0 =	simm.s32 @!p0 $0x7  }
0x129: {  	_ =	swait.ge @!p0 [sflag:s0], s1  }
0x12a: {  	s1 =	ssub.s32 @!p0 $0x0, s1;
	[sflag:s0] =	ssyncset.done @!p0 $0x0  }
0x12b: {  	[sflag:s0] =	ssyncadd.s32 @!p0 s1  }
0x12c: {  	[bflag:$0x3] =	sbarrier.arrive $0xFFFF  }
0x12d: {  	_ =	shalt  }

// kernel: kernel.8.cloned.1.call-start
scs
__scs_entry_jumppad:
0x0: {  	(pc) =	sbr.rel $0x88, $3  }
0x1: {  	(tag) =	ssettag $0x0;
	lr =	simm.s32 $0x1  }
0x2: {  	[smem:$0x3F97] =	sst lr;
	_ =	strace $0xD0000000  }
0x3: {  	_ = 	snop  }
0x4: {  	_ = 	snop  }
0x5: {  	_ = 	snop  }
0x6: {  	_ = 	snop  }
0x7: {  	_ = 	snop  }
__scs_overlays_trampoline_lowered:
0x8: {  	[smem:$0x3FA6] =	sst s0  }
0x9: {  	[smem:$0x3FA7] =	sst s1  }
0xa: {  	[smem:$0x3FA8] =	sst s2  }
0xb: {  	[smem:$0x3FA9] =	sst s3  }
0xc: {  	[smem:$0x3FAA] =	sst s4  }
0xd: {  	[smem:$0x3FAB] =	sst s5  }
0xe: {  	[smem:$0x3FAC] =	sst s6  }
0xf: {  	[smem:$0x3FAD] =	sst s7  }
0x10: {  	[smem:$0x3FAE] =	sst s8  }
0x11: {  	[smem:$0x3FAF] =	sst s9;
	s0 =	simm.s32 @!p0 $0x0  }
0x12: {  	s1 =	sld [smem:$0x3F95];
	s0 =	simm.s32 @p0 $0x1  }
0x13: {  	[smem:$0x3FB0] =	sst s0;
	s0 =	simm.s32 @!p1 $0x0  }
0x14: {  	s2 =	sld [smem:$0x3F94];
	s0 =	simm.s32 @p1 $0x1  }
0x15: {  	[smem:$0x3FB1] =	sst s0;
	s0 =	simm.s32 @!p2 $0x0  }
0x16: {  	s3 =	sld [smem:$0x3FDB];
	s0 =	simm.s32 @p2 $0x1  }
0x17: {  	s4 =	simm.s32 $0x1BF5;
	[smem:$0x3FB3] =	sst s0  }
0x18: {  	s0 =	sld [smem:$0x3F96];
	_ =	swait.ge [sflag:s4], $0x0  }
0x19: {  	s7 =	sld [smem:$0x3F97]  }
0x1a: {  	s8 =	sadd.s32 $0xFFFFE003, lr  }
0x1b: {  	s9 =	sadd.s32 $0xFFFFFEF7, lr;
	s5 =	simm.s32 $0xFFFFFFFF;
	p2 =	slt.u32 s8, $0xFFFFF086  }
0x1c: {  	p1 =	slt.u32 s9, $0xF7A;
	s5 =	simm.s32 @!p2 $0x0  }
0x1d: {  	s5 =	simm.s32 @p1 $0x1;
	p0 =	seq.s32 s7, s2  }
0x1e: {  	s7 =	smul.u32 @!p0 $0xF7A, s2;
	p2 =	seq.s32 @!p0 s5, $0x0  }
0x1f: {  	s9 =	smul.u32 $0xF7A, s1;
	s8 =	simm.s32 @!p0 $0x1BF5;
	p2 =	por !p2, p0  }
0x20: {  	[sflag:s8] =	ssyncset.s32 @!p0 $0xFFFFF086;
	s6 =	sadd.s32 @!p0 s3, s7;
	s7 =	simm.s32 @!p0 $0x108  }
0x21: {  	s3 =	sadd.s32 s3, s9;
	s6 =	sadd.s32 @!p0 $0x88, s6;
	s7 =	simm.s32 @p2 $0x1082  }
0x22: {  	[simem:s7], [sflag:s8] =	dma.local @!p0 [hbm:s6], $0xF7A  }
0x23: {  	s9 =	sor.u32 $0xD0000000, s2;
	s6 =	simm.s32 $0x108;
	_ =	swait.ge @!p0 [sflag:s8], $0x0  }
0x24: {  	s3 =	sadd.s32 $0x88, s3;
	s6 =	simm.s32 @!p1 $0x1082;
	[sflag:s4] =	ssyncset.s32 $0xFFFFF086  }
0x25: {  	[simem:s6], [sflag:s4] =	dma.local [hbm:s3], $0xF7A  }
0x26: {  	[smem:$0x3F97] =	sst s1;
	(tag) =	ssettag s2;
	_ =	strace s9  }
0x27: {  	s1 =	sld [smem:$0x3FA7]  }
0x28: {  	s2 =	sld [smem:$0x3FA8]  }
0x29: {  	s4 =	sld [smem:$0x3FAA]  }
0x2a: {  	p0 =	seq.s32 s5, $0x0;
	s5 =	sld [smem:$0x3FAB]  }
0x2b: {  	s6 =	sld [smem:$0x3FAC]  }
0x2c: {  	s7 =	sld [smem:$0x3FAD]  }
0x2d: {  	s3 =	simm.s32 $0x108;
	s8 =	sld [smem:$0x3FAE]  }
0x2e: {  	s3 =	simm.s32 @!p0 $0x1082;
	s9 =	sld [smem:$0x3FAF]  }
0x2f: {  	lr =	sadd.s32 s0, s3;
	s0 =	sld [smem:$0x3FA6]  }
0x30: {  	s3 =	sld [smem:$0x3FA9]  }
0x31: {  	[smem:$0x3FB2] =	sst s10  }
0x32: {  	s10 =	sld [smem:$0x3FB0];
	_ =	sdelay $0x3  }
0x33: {  	p0 =	seq.s32 s10, $0x1;
	s10 =	sld [smem:$0x3FB2];
	_ =	sdelay $0x3  }
0x34: {  	[smem:$0x3FB2] =	sst s10  }
0x35: {  	s10 =	sld [smem:$0x3FB1];
	_ =	sdelay $0x3  }
0x36: {  	p1 =	seq.s32 s10, $0x1;
	s10 =	sld [smem:$0x3FB2];
	_ =	sdelay $0x3  }
0x37: {  	[smem:$0x3FB2] =	sst s10  }
0x38: {  	s10 =	sld [smem:$0x3FB3]  }
0x39: {  	_ = 	snop;
	(pc) =	sbr.ind lr, $3  }
0x3a: {  	_ = 	snop  }
0x3b: {  	_ = 	snop  }
0x3c: {  	p2 =	seq.s32 s10, $0x1;
	s10 =	sld [smem:$0x3FB2]  }
0x3d: {  	_ =	shalt  }
0x3e: {  	_ =	shalt  }
0x3f: {  	_ =	shalt  }
0x40: {  	_ =	shalt  }
0x41: {  	_ =	shalt  }
0x42: {  	_ =	shalt  }
0x43: {  	_ =	shalt  }
0x44: {  	_ =	shalt  }
0x45: {  	_ =	shalt  }
0x46: {  	_ =	shalt  }
0x47: {  	_ =	shalt  }
0x48: {  	_ =	shalt  }
0x49: {  	_ =	shalt  }
0x4a: {  	_ =	shalt  }
0x4b: {  	_ =	shalt  }
0x4c: {  	_ =	shalt  }
0x4d: {  	_ =	shalt  }
0x4e: {  	_ =	shalt  }
0x4f: {  	_ =	shalt  }
0x50: {  	_ =	shalt  }
0x51: {  	_ =	shalt  }
0x52: {  	_ =	shalt  }
0x53: {  	_ =	shalt  }
0x54: {  	_ =	shalt  }
0x55: {  	_ =	shalt  }
0x56: {  	_ =	shalt  }
0x57: {  	_ =	shalt  }
0x58: {  	_ =	shalt  }
0x59: {  	_ =	shalt  }
0x5a: {  	_ =	shalt  }
0x5b: {  	_ =	shalt  }
0x5c: {  	_ =	shalt  }
0x5d: {  	_ =	shalt  }
0x5e: {  	_ =	shalt  }
0x5f: {  	_ =	shalt  }
0x60: {  	_ =	shalt  }
0x61: {  	_ =	shalt  }
0x62: {  	_ =	shalt  }
0x63: {  	_ =	shalt  }
0x64: {  	_ =	shalt  }
0x65: {  	_ =	shalt  }
0x66: {  	_ =	shalt  }
0x67: {  	_ =	shalt  }
0x68: {  	_ =	shalt  }
0x69: {  	_ =	shalt  }
0x6a: {  	_ =	shalt  }
0x6b: {  	_ =	shalt  }
0x6c: {  	_ =	shalt  }
0x6d: {  	_ =	shalt  }
0x6e: {  	_ =	shalt  }
0x6f: {  	_ =	shalt  }
0x70: {  	_ =	shalt  }
0x71: {  	_ =	shalt  }
0x72: {  	_ =	shalt  }
0x73: {  	_ =	shalt  }
0x74: {  	_ =	shalt  }
0x75: {  	_ =	shalt  }
0x76: {  	_ =	shalt  }
0x77: {  	_ =	shalt  }
0x78: {  	_ =	shalt  }
0x79: {  	_ =	shalt  }
0x7a: {  	_ =	shalt  }
0x7b: {  	_ =	shalt  }
0x7c: {  	_ =	shalt  }
0x7d: {  	_ =	shalt  }
0x7e: {  	_ =	shalt  }
0x7f: {  	_ =	shalt  }
0x80: {  	_ =	shalt  }
0x81: {  	_ =	shalt  }
0x82: {  	_ =	shalt  }
0x83: {  	_ =	shalt  }
0x84: {  	_ =	shalt  }
0x85: {  	_ =	shalt  }
0x86: {  	_ =	shalt  }
0x87: {  	_ =	shalt  }
.Lfunc_end0:
.L_simem_size_0:
called_computation_lowered:
.L_overlay_start_0:
0x88: {  	s2 =	sld [smem:$0x3FD9]  }
0x89: {  	s3 =	sld [smem:$0x3FFE];
	_ =	sdelay $0x1  }
0x8a: {  	s1 =	srdreg.scid  }
0x8b: {  	s0 =	sand.u32 $0x1, s1  }
0x8c: {  	s17 =	sshll.u32 s0, $0xA;
	s2 =	sadd.s32 s3, s2  }
0x8d: {  	s2 =	sadd.s32 s2, s17  }
0x8e: {  	[smem:$0x3FBE] =	sst s2  }
0x8f: {  	_ = 	snop  }
0x90: {  	s2 =	sld [smem:$0x3FD0];
	(tm) =	ssettm $0x1  }
0x91: {  	s18 =	sld [smem:$0x3FFB];
	_ =	sdelay $0x3  }
0x92: {  	_ =	strace s18  }
0x93: {  	s3 =	sld [smem:$0x3FFC];
	_ =	sdelay $0x3  }
0x94: {  	_ =	strace s3  }
0x95: {  	s3 =	sld [smem:$0x3FFD];
	_ =	sdelay $0x3  }
0x96: {  	_ =	strace s3  }
0x97: {  	_ =	strace $0x8FFFFFFF  }
0x98: {  	s19 =	sld [smem:$0x3FDB];
	_ =	sdelay $0x1  }
0x99: {  	s4 =	simm.s32 $_scs_section_size  }
0x9a: {  	s5 =	simm.s32 $_size__tile_overlayer_lowered;
	s6 =	simm.s32 $_tile_overlayer_lowered  }
0x9b: {  	s22 =	simm.s32 $0x1BFF;
	s21 =	sshll.u32 s6, $0x1;
	s3 =	sadd.s32 s4, s19  }
0x9c: {  	s7 =	simm.s32 $0x0;
	s20 =	sshll.u32 s5, $0x1;
	s5 =	sadd.s32 s21, s3  }
0x9d: {  	[timem:s7], [sflag:s22] =	dma.local [hbm:s5], s20  }
0x9e: {  	_ =	swait.ge [sflag:s22], s20  }
0x9f: {  	s4 =	ssub.s32 $0x0, s20;
	[sflag:s22] =	ssyncset.done $0x0  }
0xa0: {  	[sflag:s22] =	ssyncadd.s32 s4;
	_ =	sdelay $0x1  }
0xa1: {  	s23 =	simm.s32 $0x1B8B  }
0xa2: {  	_ =	swait.ge [sflag:s23], $0x1  }
0xa3: {  	[sflag:s23] =	ssyncset.done $0x0  }
0xa4: {  	s25 =	simm.s32 $0x1B8E;
	s24 =	sld [smem:$0x3FFE];
	[sflag:s23] =	ssyncadd.s32 $0xFFFFFFFF  }
0xa5: {  	s26 =	simm.s32 $execute0_lowered;
	[smem:$0x3FD2] =	sst s25  }
0xa6: {  	s5 =	sshll.u32 s26, $0x1;
	_ =	strace $0x80000046;
	[dreg:$0x1] =	wrdreg $0xFFFFFFFF  }
0xa7: {  	s28 =	simm.s32 $_size_execute0_lowered;
	s3 =	sadd.s32 s3, s5;
	[dreg:$0x0] =	wrdreg $0x0  }
0xa8: {  	s5 =	sshll.u32 s28, $0x1;
	[dreg:$0x2] =	wrdreg s3  }
0xa9: {  	[dreg:$0x3] =	wrdreg s5  }
0xaa: {  	[dreg:$0x4] =	wrdreg $0xC0  }
0xab: {  	_ =	task [dreg:s7], $0x5FFFF  }
0xac: {  	[dreg:$0x1] =	wrdreg $0xFFFFFFFF  }
0xad: {  	[dreg:$0x0] =	wrdreg $0x60  }
0xae: {  	[dreg:$0x2] =	wrdreg s2  }
0xaf: {  	[dreg:$0x3] =	wrdreg s24  }
0xb0: {  	[dreg:$0x4] =	wrdreg $0x17000  }
0xb1: {  	[dreg:$0x5] =	wrdreg $0x9  }
0xb2: {  	_ =	task.clear_ibuf [dreg:s7], $0x6FFFF;
	_ =	strace $0x90000046  }
0xb3: {  	s29 =	simm.s32 $0x9;
	_ =	strace $0x80000048  }
0xb4: {  	_ =	swait.ge [sflag:s29], $0x1  }
0xb5: {  	[sflag:s29] =	ssyncadd.s32 $0xFFFFFFFF  }
0xb6: {  	_ =	strace $0x90000048  }
0xb7: {  	_ =	sfence  }
0xb8: {  	s30 =	sld [smem:$0x0];
	_ =	sdelay $0x2  }
0xb9: {  	s31 =	sshll.u32 s1, $0xD;
	s1 =	sshrl.u32 s1, $0x2  }
0xba: {  	s3 =	sand.u32 $0x4000, s31;
	s1 =	sadd.s32 s1, s30  }
0xbb: {  	s0 =	sor.u32 s3, s0;
	s1 =	sshll.u32 s1, $0x11  }
0xbc: {  	s0 =	sor.u32 s1, s0  }
0xbd: {  	s0 =	sadd.s32 $0x8F2B, s0  }
0xbe: {  	[sflag:s0] =	ssyncadd.remote.s32 $0x1  }
0xbf: {  	_ =	sfence.sel $0xFFFF  }
0xc0: {  	[dreg:$0x0] =	wrdreg $0xFFFFFFFF;
	(pc) =	sbr.abs _section_cstart, $3  }
0xc1: {  	[dreg:$0x1] =	wrdreg $0xFFFFFFFF  }
0xc2: {  	_ =	task.clear_ibuf [dreg:s7], $0x2FFFF;
	_ =	strace $0x9FFFFFFF  }
0xc3: {  	(tm) =	ssettm $0x7FFFFFFF  }
tec
execute0_lowered:
.L_overlay_start_1:
0x0: {  	(tag) =	ssettag $0x1  }
0x1: {  	s4 =	rddreg [dreg:$0x0]  }
0x2: {  	s0 =	srdreg.scid;
	s8 =	rddreg [dreg:$0x1]  }
0x3: {  	s2 =	rddreg [dreg:$0x2];
	s1 =	stileid.u32;
	s3 =	simm.s32 $0x0  }
0x4: {  	s11 =	simm.s32 $0x4800;
	s12 =	simm.s32 $0x60;
	s13 =	simm.s32 $0x1400  }
0x5: {  	s14 =	simm.s32 $0x80;
	s15 =	simm.s32 $0x1;
	s16 =	simm.s32 $0x2  }
0x6: {  	s18 =	simm.s32 $0x0;
	s5 =	sand.u32 $0x1, s0;
	s0 =	rddreg [dreg:$0x3]  }
0x7: {  	[smem:$0x7FF] =	sst s3;
	s10 =	smul.u32 $0x280, s1;
	s17 =	sshll.u32 s1, $0x6  }
0x8: {  	s6 =	sshll.u32 s5, $0x4;
	s7 =	ssub.s32 $0x2, s5;
	_ =	strace $0x80000047  }
0x9: {  	p0 =	seq.s32 s5, $0x1;
	s17 =	sor.u32 $0x1C03, s17;
	s6 =	sor.u32 s1, s6  }
0xa: {  	s9 =	sshrl.u32 s7, $0x1;
	s5 =	sadd.s32 s10, s2;
	s6 =	smul.u32 $0x3C00, s6  }
0xb: {  	s11 =	simm.s32 @!p0 $0x4E00;
	s10 =	sshrl.u32 s10, $0x3;
	s9 =	ssub.s32 s7, s9  }
0xc: {  	s11 =	sadd.s32 s11, s8;
	s8 =	smax.u32 s9, $0x1;
	s6 =	sshrl.u32 s6, $0x3  }
0xd: {  	s9 =	sadd.s32 s11, s10;
	s10 =	simm.s32 $0x1480;
	s4 =	sadd.s32 s4, s6  }
0xe: {  	v0 =	vimm.f32 $0.0e+00;
	v1 =	vimm.f32 $1.000000000e+00;
	s11 =	simm.s32 $0x3;
	s6 =	sadd.s32 $0x280, s4;
	s7 =	sadd.s32 $0x500, s4  }
.LBB2_1:
0xf: {  	[tilespmem:$0x1480] =	vst v0  }
0x10: {  	[tilespmem:$0x1490] =	vst v0  }
0x11: {  	[tilespmem:$0x14A0] =	vst v0  }
0x12: {  	[tilespmem:$0x14B0] =	vst v0  }
0x13: {  	[tilespmem:$0x14C0] =	vst v0  }
0x14: {  	[tilespmem:$0x14D0] =	vst v0  }
0x15: {  	[tilespmem:$0x14E0] =	vst v0  }
0x16: {  	[tilespmem:$0x14F0] =	vst v0  }
0x17: {  	[tilespmem:$0x1500] =	vst v0  }
0x18: {  	[tilespmem:$0x1510] =	vst v0  }
0x19: {  	[tilespmem:$0x1520] =	vst v0  }
0x1a: {  	[tilespmem:$0x1530] =	vst v0  }
0x1b: {  	[tilespmem:$0x1540] =	vst v0  }
0x1c: {  	[tilespmem:$0x1550] =	vst v0  }
0x1d: {  	[tilespmem:$0x1560] =	vst v0  }
0x1e: {  	[tilespmem:$0x1570] =	vst v0  }
0x1f: {  	[tilespmem:$0x1580] =	vst v0  }
0x20: {  	[tilespmem:$0x1590] =	vst v0  }
0x21: {  	[tilespmem:$0x15A0] =	vst v0  }
0x22: {  	[tilespmem:$0x15B0] =	vst v0  }
0x23: {  	[tilespmem:$0x15C0] =	vst v0  }
0x24: {  	[tilespmem:$0x15D0] =	vst v0  }
0x25: {  	[tilespmem:$0x15E0] =	vst v0  }
0x26: {  	[tilespmem:$0x15F0] =	vst v0  }
0x27: {  	[tilespmem:$0x1600] =	vst v0  }
0x28: {  	[tilespmem:$0x1610] =	vst v0  }
0x29: {  	[tilespmem:$0x1620] =	vst v0  }
0x2a: {  	[tilespmem:$0x1630] =	vst v0  }
0x2b: {  	[tilespmem:$0x1640] =	vst v0  }
0x2c: {  	[tilespmem:$0x1650] =	vst v0  }
0x2d: {  	[tilespmem:$0x1660] =	vst v0  }
0x2e: {  	[tilespmem:$0x1670] =	vst v0  }
0x2f: {  	[tilespmem:$0x1680] =	vst v0  }
0x30: {  	[tilespmem:$0x1690] =	vst v0  }
0x31: {  	[tilespmem:$0x16A0] =	vst v0  }
0x32: {  	[tilespmem:$0x16B0] =	vst v0  }
0x33: {  	[tilespmem:$0x16C0] =	vst v0  }
0x34: {  	[tilespmem:$0x16D0] =	vst v0  }
0x35: {  	[tilespmem:$0x16E0] =	vst v0  }
0x36: {  	[tilespmem:$0x16F0] =	vst v0  }
0x37: {  	[tilespmem:$0x1400] =	vst v1  }
0x38: {  	[tilespmem:$0x1410] =	vst v1  }
0x39: {  	[tilespmem:$0x1420] =	vst v1  }
0x3a: {  	[tilespmem:$0x1430] =	vst v1  }
0x3b: {  	[tilespmem:$0x1440] =	vst v1  }
0x3c: {  	[tilespmem:$0x1450] =	vst v1  }
0x3d: {  	[spmem:s5] =	stream.linear.scatter [tilespmem:s10], [sflag:$0x3], $0x280, $0x38;
	[tilespmem:$0x1980] =	vst v63  }
0x3e: {  	_ =	swait.ge [sflag:s11], $0x280  }
0x3f: {  	[sflag:s11] =	ssyncset.done $0x0  }
0x40: {  	[sflag:s11] =	ssyncadd.s32 $0xFFFFFD80  }
0x41: {  	[bflag:$0x0] =	sbarrier.arrive $0xFFFF  }
0x42: {  	[tilespmem:s3], [sflag:$0x3] =	stream.linear.gather [hbm4b:s4+s3], $0x1200, $0x38;
	[tilespmem:$0x1980] =	vst v63  }
0x43: {  	_ =	swait.ge [sflag:s11], $0x1200  }
0x44: {  	[sflag:s11] =	ssyncset.done $0x0  }
0x45: {  	[sflag:s11] =	ssyncadd.s32 $0xFFFFEE00  }
0x46: {  	[spmem:s2] =	stream.indirect.scatter.add.f32 [tilespmem:s13], [sflag:$0x1], $0x1, s3, s12, $0xb8;
	[tilespmem:$0x1980] =	vst v63  }
0x47: {  	_ = 	snop  }
0x48: {  	[spmem:s2] =	stream.indirect.scatter.add.f32 [tilespmem:s13], [sflag:$0x2], $0x1, s14, s12, $0xb8;
	[tilespmem:$0x1980] =	vst v63  }
0x49: {  	_ =	swait.ge [sflag:s15], $0x60  }
0x4a: {  	[sflag:s15] =	ssyncset.done $0x0  }
0x4b: {  	s19 =	simm.s32 $0x100;
	[sflag:s15] =	ssyncadd.s32 $0xFFFFFFA0  }
0x4c: {  	[spmem:s2] =	stream.indirect.scatter.add.f32 [tilespmem:s13], [sflag:$0x1], $0x1, s19, s12, $0xb8;
	[tilespmem:$0x1980] =	vst v63  }
0x4d: {  	_ =	swait.ge [sflag:s16], $0x60  }
0x4e: {  	[sflag:s16] =	ssyncset.done $0x0  }
0x4f: {  	s20 =	simm.s32 $0x180;
	s19 =	simm.s32 $0xFFFFC000;
	[sflag:s16] =	ssyncadd.s32 $0xFFFFFFA0  }
.LBB2_2:
0x50: {  	[spmem:s2] =	stream.indirect.scatter.add.f32 [tilespmem:s13], [sflag:$0x2], $0x1, s20, s12, $0xb8;
	[tilespmem:$0x1980] =	vst v63  }
0x51: {  	s20 =	smov.u32 s19  }
0x52: {  	p0 =	sne.s32 s19, $0xFFFFFC00;
	s19 =	sadd.s32 $0x400, s19;
	_ =	swait.ge [sflag:s15], $0x60  }
0x53: {  	s20 =	sshra.s32 s20, $0x2;
	[sflag:s15] =	ssyncset.done $0x0  }
.Ltmp0:
0x54: {  	s21 =	sadd.s32 $0x1200, s20;
	[sflag:s15] =	ssyncadd.s32 $0xFFFFFFA0;
	(pc) =	sbr.rel @p0 .LBB2_2-.Ltmp0, $4  }
0x55: {  	[spmem:s2] =	stream.indirect.scatter.add.f32 [tilespmem:s13], [sflag:$0x1], $0x1, s21, s12, $0xb8;
	[tilespmem:$0x1980] =	vst v63  }
0x56: {  	_ =	swait.ge [sflag:s16], $0x60  }
0x57: {  	[sflag:s16] =	ssyncset.done $0x0  }
0x58: {  	s20 =	sadd.s32 $0x1280, s20;
	[sflag:s16] =	ssyncadd.s32 $0xFFFFFFA0  }
0x59: {  	[spmem:s2] =	stream.indirect.scatter.add.f32 [tilespmem:s13], [sflag:$0x2], $0x1, s20, s12, $0xb8;
	[tilespmem:$0x1980] =	vst v63  }
0x5a: {  	_ =	swait.ge [sflag:s15], $0x60  }
0x5b: {  	[sflag:s15] =	ssyncset.done $0x0  }
0x5c: {  	[sflag:s15] =	ssyncadd.s32 $0xFFFFFFA0  }
0x5d: {  	_ =	swait.ge [sflag:s16], $0x60  }
0x5e: {  	[sflag:s16] =	ssyncset.done $0x0  }
0x5f: {  	[sflag:s16] =	ssyncadd.s32 $0xFFFFFFA0  }
0x60: {  	[tilespmem:s3], [sflag:$0x3] =	stream.linear.gather [hbm4b:s6+s3], $0x1200, $0x38;
	[tilespmem:$0x1980] =	vst v63  }
0x61: {  	_ =	swait.ge [sflag:s11], $0x1200  }
0x62: {  	[sflag:s11] =	ssyncset.done $0x0  }
0x63: {  	[sflag:s11] =	ssyncadd.s32 $0xFFFFEE00  }
0x64: {  	[spmem:s2] =	stream.indirect.scatter.add.f32 [tilespmem:s13], [sflag:$0x1], $0x1, s3, s12, $0xb8;
	[tilespmem:$0x1980] =	vst v63  }
0x65: {  	_ = 	snop  }
0x66: {  	[spmem:s2] =	stream.indirect.scatter.add.f32 [tilespmem:s13], [sflag:$0x2], $0x1, s14, s12, $0xb8;
	[tilespmem:$0x1980] =	vst v63  }
0x67: {  	_ =	swait.ge [sflag:s15], $0x60  }
0x68: {  	[sflag:s15] =	ssyncset.done $0x0  }
0x69: {  	s19 =	simm.s32 $0x100;
	[sflag:s15] =	ssyncadd.s32 $0xFFFFFFA0  }
0x6a: {  	[spmem:s2] =	stream.indirect.scatter.add.f32 [tilespmem:s13], [sflag:$0x1], $0x1, s19, s12, $0xb8;
	[tilespmem:$0x1980] =	vst v63  }
0x6b: {  	_ =	swait.ge [sflag:s16], $0x60  }
0x6c: {  	[sflag:s16] =	ssyncset.done $0x0  }
0x6d: {  	s20 =	simm.s32 $0x180;
	s19 =	simm.s32 $0xFFFFC000;
	[sflag:s16] =	ssyncadd.s32 $0xFFFFFFA0  }
.LBB2_4:
0x6e: {  	[spmem:s2] =	stream.indirect.scatter.add.f32 [tilespmem:s13], [sflag:$0x2], $0x1, s20, s12, $0xb8;
	[tilespmem:$0x1980] =	vst v63  }
0x6f: {  	s20 =	smov.u32 s19  }
0x70: {  	p0 =	sne.s32 s19, $0xFFFFFC00;
	s19 =	sadd.s32 $0x400, s19;
	_ =	swait.ge [sflag:s15], $0x60  }
0x71: {  	s20 =	sshra.s32 s20, $0x2;
	[sflag:s15] =	ssyncset.done $0x0  }
.Ltmp1:
0x72: {  	s21 =	sadd.s32 $0x1200, s20;
	[sflag:s15] =	ssyncadd.s32 $0xFFFFFFA0;
	(pc) =	sbr.rel @p0 .LBB2_4-.Ltmp1, $4  }
0x73: {  	[spmem:s2] =	stream.indirect.scatter.add.f32 [tilespmem:s13], [sflag:$0x1], $0x1, s21, s12, $0xb8;
	[tilespmem:$0x1980] =	vst v63  }
0x74: {  	_ =	swait.ge [sflag:s16], $0x60  }
0x75: {  	[sflag:s16] =	ssyncset.done $0x0  }
0x76: {  	s20 =	sadd.s32 $0x1280, s20;
	[sflag:s16] =	ssyncadd.s32 $0xFFFFFFA0  }
0x77: {  	[spmem:s2] =	stream.indirect.scatter.add.f32 [tilespmem:s13], [sflag:$0x2], $0x1, s20, s12, $0xb8;
	[tilespmem:$0x1980] =	vst v63  }
0x78: {  	_ =	swait.ge [sflag:s15], $0x60  }
0x79: {  	[sflag:s15] =	ssyncset.done $0x0  }
0x7a: {  	[sflag:s15] =	ssyncadd.s32 $0xFFFFFFA0  }
0x7b: {  	_ =	swait.ge [sflag:s16], $0x60  }
0x7c: {  	[sflag:s16] =	ssyncset.done $0x0  }
0x7d: {  	[sflag:s16] =	ssyncadd.s32 $0xFFFFFFA0  }
0x7e: {  	[tilespmem:s3], [sflag:$0x3] =	stream.linear.gather [hbm4b:s7+s3], $0x1200, $0x38;
	[tilespmem:$0x1980] =	vst v63  }
0x7f: {  	_ =	swait.ge [sflag:s11], $0x1200  }
0x80: {  	[sflag:s11] =	ssyncset.done $0x0  }
0x81: {  	[sflag:s11] =	ssyncadd.s32 $0xFFFFEE00  }
0x82: {  	[spmem:s2] =	stream.indirect.scatter.add.f32 [tilespmem:s13], [sflag:$0x1], $0x1, s3, s12, $0xb8;
	[tilespmem:$0x1980] =	vst v63  }
0x83: {  	_ = 	snop  }
0x84: {  	[spmem:s2] =	stream.indirect.scatter.add.f32 [tilespmem:s13], [sflag:$0x2], $0x1, s14, s12, $0xb8;
	[tilespmem:$0x1980] =	vst v63  }
0x85: {  	_ =	swait.ge [sflag:s15], $0x60  }
0x86: {  	[sflag:s15] =	ssyncset.done $0x0  }
0x87: {  	s19 =	simm.s32 $0x100;
	[sflag:s15] =	ssyncadd.s32 $0xFFFFFFA0  }
0x88: {  	[spmem:s2] =	stream.indirect.scatter.add.f32 [tilespmem:s13], [sflag:$0x1], $0x1, s19, s12, $0xb8;
	[tilespmem:$0x1980] =	vst v63  }
0x89: {  	_ =	swait.ge [sflag:s16], $0x60  }
0x8a: {  	[sflag:s16] =	ssyncset.done $0x0  }
0x8b: {  	s20 =	simm.s32 $0x180;
	s19 =	simm.s32 $0xFFFFC000;
	[sflag:s16] =	ssyncadd.s32 $0xFFFFFFA0  }
.LBB2_6:
0x8c: {  	[spmem:s2] =	stream.indirect.scatter.add.f32 [tilespmem:s13], [sflag:$0x2], $0x1, s20, s12, $0xb8;
	[tilespmem:$0x1980] =	vst v63  }
0x8d: {  	s20 =	smov.u32 s19  }
0x8e: {  	p0 =	sne.s32 s19, $0xFFFFFC00;
	s19 =	sadd.s32 $0x400, s19;
	_ =	swait.ge [sflag:s15], $0x60  }
0x8f: {  	s20 =	sshra.s32 s20, $0x2;
	[sflag:s15] =	ssyncset.done $0x0  }
.Ltmp2:
0x90: {  	s21 =	sadd.s32 $0x1200, s20;
	[sflag:s15] =	ssyncadd.s32 $0xFFFFFFA0;
	(pc) =	sbr.rel @p0 .LBB2_6-.Ltmp2, $4  }
0x91: {  	[spmem:s2] =	stream.indirect.scatter.add.f32 [tilespmem:s13], [sflag:$0x1], $0x1, s21, s12, $0xb8;
	[tilespmem:$0x1980] =	vst v63  }
0x92: {  	_ =	swait.ge [sflag:s16], $0x60  }
0x93: {  	[sflag:s16] =	ssyncset.done $0x0  }
0x94: {  	s20 =	sadd.s32 $0x1280, s20;
	[sflag:s16] =	ssyncadd.s32 $0xFFFFFFA0  }
0x95: {  	[spmem:s2] =	stream.indirect.scatter.add.f32 [tilespmem:s13], [sflag:$0x2], $0x1, s20, s12, $0xb8;
	[tilespmem:$0x1980] =	vst v63  }
0x96: {  	_ =	swait.ge [sflag:s15], $0x60  }
0x97: {  	[sflag:s15] =	ssyncset.done $0x0  }
0x98: {  	[sflag:s15] =	ssyncadd.s32 $0xFFFFFFA0  }
0x99: {  	_ =	swait.ge [sflag:s16], $0x60  }
0x9a: {  	s18 =	sadd.s32 $0x1, s18;
	[sflag:s16] =	ssyncset.done $0x0  }
0x9b: {  	p0 =	sne.s32 s18, s8;
	[sflag:s16] =	ssyncadd.s32 $0xFFFFFFA0  }
.Ltmp3:
0x9c: {  	s19 =	sshrl.u32 s5, $0x3;
	[bflag:$0x0] =	sbarrier.arrive $0xFFFF;
	(pc) =	sbr.rel @p0 .LBB2_1-.Ltmp3, $4  }
0x9d: {  	[hbm:s9], [sflag:s17] =	dma.local [spmem:s19], $0x50  }
0x9e: {  	_ =	swait.ge [sflag:s11], $0x50  }
0x9f: {  	[sflag:s11] =	ssyncset.done $0x0  }
0xa0: {  	[sflag:s11] =	ssyncadd.s32 $0xFFFFFFB0  }
0xa1: {  	_ =	sfence.sel $0x180000  }
0xa2: {  	[bflag:$0x0] =	sbarrier.arrive $0xFFFF  }
0xa3: {  	p0 =	sne.s32 s1, $0x0;
	_ =	strace $0x90000047  }
0xa4: {  	s0 =	sadd.s32 @!p0 $0x100000, s0;
	[bflag:$0x2] =	sbarrier.arrive $0xFFFF  }
0xa5: {  	[sflag:s0] =	ssyncadd.tile.s32 @!p0 $0x1;
	_ =	shalt  }
.Lfunc_end2:
_tile_overlayer_lowered:
.L_overlay_start_2:
0xa6: {  	(tag) =	ssettag $0x2  }
0xa7: {  	s0 =	rddreg [dreg:$0x0];
	s2 =	stileid.u32  }
0xa8: {  	s1 =	rddreg [dreg:$0x1];
	p0 =	sne.s32 s2, $0x0  }
0xa9: {  	s3 =	rddreg [dreg:$0x2];
	[bflag:$0x3] =	sbarrier.arrive $0xFFFF;
	s2 =	simm.s32 @!p0 $0x1C03  }
0xaa: {  	[timem:s3], [sflag:s2] =	dma.local @!p0 [hbm:s0], s1  }
0xab: {  	s0 =	simm.s32 @!p0 $0x3  }
0xac: {  	_ =	swait.ge @!p0 [sflag:s0], s1  }
0xad: {  	s1 =	ssub.s32 @!p0 $0x0, s1;
	[sflag:s0] =	ssyncset.done @!p0 $0x0  }
0xae: {  	[sflag:s0] =	ssyncadd.s32 @!p0 s1  }
0xaf: {  	[bflag:$0x3] =	sbarrier.arrive $0xFFFF  }
0xb0: {  	_ =	shalt  }

</sc_bundles>
